<compile_context>
chip_gen: v7x
topology: tpu7x:2x2x1
jax: 0.10.2.dev20260603
libtpu: 0.0.44.dev20260713+nightly
codegen_flags: <defaults>
</compile_context>

<pallas_src>
import jax
import jax.numpy as jnp
from jax import lax
from jax.experimental import pallas as pl
from jax.experimental.pallas import tpu as pltpu
from jax.experimental.pallas import tpu_sc as plsc

N = 500000
NCAT = 1000
D = 64
DP = 128
TP = 512
H = 32

NC = 2
NS = 16
NW = NC * NS
L = 16

NPAD = 524288
NPAD2 = NPAD // 2
CPW = NPAD2 // NW
BS_SC = 128
NIT = CPW // BS_SC
NB = 2

BT = 16384
GRID_A = NPAD2 // BT
GRID_B = (N + BT - 1) // BT - GRID_A


def _prep_body(embe_ref, embo_ref, wcaT_ref, wcbT_ref, wcb_ref, w2_ref,
               b2_ref, bc_ref, t2_ref, mT_ref):
    wcaT = wcaT_ref[...]
    const = jnp.dot(b2_ref[...], wcbT_ref[...], preferred_element_type=jnp.float32)
    const = const + bc_ref[...]
    left = jnp.dot(embe_ref[...], wcaT, preferred_element_type=jnp.float32) + const
    right = jnp.dot(embo_ref[...], wcaT, preferred_element_type=jnp.float32) + const
    paired = jnp.concatenate([left, right], axis=1)
    t2_ref[...] = jnp.concatenate(
        [paired, jnp.zeros((TP - NCAT // 2, DP), jnp.float32)], axis=0)
    mT_ref[...] = jnp.dot(wcb_ref[...], w2_ref[...],
                          preferred_element_type=jnp.float32)


def _sc_gather_body(idx_hbm, table_hbm, out_hbm, t2v, idx_v0, idx_v1,
                    ob0, ob1, sem_i0, sem_i1, sem_o0, sem_o1):
    wid = lax.axis_index("s") * NC + lax.axis_index("c")
    base = wid * CPW
    idx_v = [idx_v0, idx_v1]
    ob = [ob0, ob1]
    sem_i = [sem_i0, sem_i1]
    sem_o = [sem_o0, sem_o1]

    pltpu.sync_copy(table_hbm, t2v)

    for b in range(NB):
        pltpu.async_copy(idx_hbm.at[pl.ds(base + b * BS_SC, BS_SC)],
                         idx_v[b], sem_i[b])

    lane = lax.iota(jnp.int32, L)

    def body(jo, carry):
        for b in range(NB):
            j = jo * NB + b
            off = base + j * BS_SC
            pltpu.make_async_copy(idx_hbm.at[pl.ds(off, BS_SC)],
                                  idx_v[b], sem_i[b]).wait()
            @pl.when(j >= NB)
            def _wait_prev():
                pltpu.make_async_copy(
                    ob[b],
                    out_hbm.at[:, pl.ds(off - NB * BS_SC, BS_SC)],
                    sem_o[b]).wait()
            obb = ob[b]
            idxb = idx_v[b]

            def tbody(t, c):
                cat = idxb[pl.ds(t * L, L)]
                prow = lax.shift_right_logical(cat, 1)
                pbase = lax.shift_left(lax.bitwise_and(cat, 1), 6)
                srow = t * L + lane
                for c0 in range(0, D, 4):
                    xrows = [lax.bitwise_xor(lane, c0 + i) for i in range(4)]
                    vs = [plsc.load_gather(t2v, [prow, pbase + xrows[i]])
                          for i in range(4)]
                    for i in range(4):
                        plsc.store_scatter(obb, [xrows[i], srow], vs[i])
                return c

            lax.fori_loop(0, BS_SC // L, tbody, 0)
            @pl.when(j + NB < NIT)
            def _prefetch():
                pltpu.async_copy(idx_hbm.at[pl.ds(off + NB * BS_SC, BS_SC)],
                                 idx_v[b], sem_i[b])
            pltpu.async_copy(ob[b], out_hbm.at[:, pl.ds(off, BS_SC)], sem_o[b])
        return carry

    lax.fori_loop(0, NIT // NB, body, 0)

    for b in range(NB):
        off = base + (NIT - NB + b) * BS_SC
        pltpu.make_async_copy(ob[b], out_hbm.at[:, pl.ds(off, BS_SC)],
                              sem_o[b]).wait()


def _combine_body(g_ref, s_ref, w15_ref, mT_ref, o_ref):
    h = jnp.dot(w15_ref[...], s_ref[...], preferred_element_type=jnp.float32)
    h = jnp.maximum(h, 0.0)
    p = jnp.dot(mT_ref[...], h, preferred_element_type=jnp.float32)
    o_ref[...] = g_ref[...] + p


def _combine_body_b(prev_ref, g_ref, s_ref, w15_ref, mT_ref, o_ref):
    del prev_ref
    h = jnp.dot(w15_ref[...], s_ref[...], preferred_element_type=jnp.float32)
    h = jnp.maximum(h, 0.0)
    p = jnp.dot(mT_ref[...], h, preferred_element_type=jnp.float32)
    o_ref[...] = g_ref[...] + p


def kernel(categories, popularity, cluster_ids, temporal_scores,
           geographic_scores, emb_table, W1, b1, W2, b2, Wc, bc):
    cats = categories.astype(jnp.int32)
    cats_pad = jnp.concatenate([cats, jnp.zeros((NPAD - N,), jnp.int32)])
    ones = jnp.ones((N,), jnp.float32)
    stats5 = jnp.stack([popularity, cluster_ids, temporal_scores,
                        geographic_scores, ones], axis=0)

    wcaT = Wc[:, :H].T
    wcbT = Wc[:, H:].T
    wcb = Wc[:, H:]
    b2r = b2.reshape(1, H)
    bcr = bc.reshape(1, D)
    w15 = jnp.concatenate([W1, b1.reshape(H, 1)], axis=1)

    t2p, mT = pl.pallas_call(
        _prep_body,
        out_shape=(
            jax.ShapeDtypeStruct((TP, DP), jnp.float32),
            jax.ShapeDtypeStruct((D, H), jnp.float32),
        ),
    )(emb_table[0::2], emb_table[1::2], wcaT, wcbT, wcb, W2, b2r, bcr)

    mesh = plsc.VectorSubcoreMesh(core_axis_name="c", subcore_axis_name="s")
    sc_kwargs = dict(
        mesh=mesh,
        out_type=jax.ShapeDtypeStruct((D, NPAD2), jnp.float32),
        scratch_types=[
            pltpu.VMEM((TP, DP), jnp.float32),
            pltpu.VMEM((BS_SC,), jnp.int32),
            pltpu.VMEM((BS_SC,), jnp.int32),
            pltpu.VMEM((D, BS_SC), jnp.float32),
            pltpu.VMEM((D, BS_SC), jnp.float32),
            pltpu.SemaphoreType.DMA,
            pltpu.SemaphoreType.DMA,
            pltpu.SemaphoreType.DMA,
            pltpu.SemaphoreType.DMA,
        ],
        compiler_params=pltpu.CompilerParams(use_tc_tiling_on_sc=True,
                                             needs_layout_passes=False),
    )
    g_ta = pl.kernel(_sc_gather_body, **sc_kwargs)(cats_pad[:NPAD2], t2p)
    g_tb = pl.kernel(_sc_gather_body, **sc_kwargs)(cats_pad[NPAD2:], t2p)

    out_a = pl.pallas_call(
        _combine_body,
        grid=(GRID_A,),
        in_specs=[
            pl.BlockSpec((D, BT), lambda i: (0, i)),
            pl.BlockSpec((5, BT), lambda i: (0, i)),
            pl.BlockSpec((H, 5), lambda i: (0, 0)),
            pl.BlockSpec((D, H), lambda i: (0, 0)),
        ],
        out_specs=pl.BlockSpec((D, BT), lambda i: (0, i)),
        out_shape=jax.ShapeDtypeStruct((D, N), jnp.float32),
    )(g_ta, stats5, w15, mT)

    out_t = pl.pallas_call(
        _combine_body_b,
        grid=(GRID_B,),
        in_specs=[
            pl.BlockSpec(memory_space=pl.ANY),
            pl.BlockSpec((D, BT), lambda i: (0, i)),
            pl.BlockSpec((5, BT), lambda i: (0, i + GRID_A)),
            pl.BlockSpec((H, 5), lambda i: (0, 0)),
            pl.BlockSpec((D, H), lambda i: (0, 0)),
        ],
        out_specs=pl.BlockSpec((D, BT), lambda i: (0, i + GRID_A)),
        out_shape=jax.ShapeDtypeStruct((D, N), jnp.float32),
        input_output_aliases={0: 0},
    )(out_a, g_tb, stats5, w15, mT)
    return out_t.T

# --- scband reference (transcript-rebuilt; emitter-appended) ---
"""Pipeline reference for scband-poicharacteristics-34806414967143 (READ-ONLY COPY).

The authoritative reference and input builder live on the scoring server;
editing this copy changes nothing except your own understanding.
"""

import jax, jax.numpy as jnp
import numpy as np

NUM_POIS = 500000
NUM_CATEGORIES = 1000
EMBED_DIM = 64
HALF = EMBED_DIM // 2


def setup_inputs(seed: int = 0) -> dict:
    key = jax.random.key(seed)
    ks = jax.random.split(key, 12)
    categories = jax.random.randint(ks[0], (NUM_POIS,), 0, NUM_CATEGORIES, dtype=jnp.int64 if jax.config.jax_enable_x64 else jnp.int32)
    popularity = jax.random.uniform(ks[1], (NUM_POIS,), dtype=jnp.float32)
    cluster_ids = jax.random.uniform(ks[2], (NUM_POIS,), dtype=jnp.float32)
    temporal_scores = jax.random.uniform(ks[3], (NUM_POIS,), dtype=jnp.float32)
    geographic_scores = jax.random.uniform(ks[4], (NUM_POIS,), dtype=jnp.float32)
    # learned parameters
    emb_table = jax.random.normal(ks[5], (NUM_CATEGORIES, HALF), dtype=jnp.float32)
    W1 = jax.random.normal(ks[6], (HALF, 4), dtype=jnp.float32) * (1.0 / np.sqrt(4))
    b1 = jnp.zeros((HALF,), dtype=jnp.float32)
    W2 = jax.random.normal(ks[7], (HALF, HALF), dtype=jnp.float32) * (1.0 / np.sqrt(HALF))
    b2 = jnp.zeros((HALF,), dtype=jnp.float32)
    Wc = jax.random.normal(ks[8], (EMBED_DIM, EMBED_DIM), dtype=jnp.float32) * (1.0 / np.sqrt(EMBED_DIM))
    bc = jnp.zeros((EMBED_DIM,), dtype=jnp.float32)
    return {
        "categories": categories,
        "popularity": popularity,
        "cluster_ids": cluster_ids,
        "temporal_scores": temporal_scores,
        "geographic_scores": geographic_scores,
        "emb_table": emb_table,
        "W1": W1, "b1": b1, "W2": W2, "b2": b2, "Wc": Wc, "bc": bc,
    }


def reference(categories, popularity, cluster_ids, temporal_scores, geographic_scores,
              emb_table, W1, b1, W2, b2, Wc, bc):
    # embedding lookup (gather)
    cat_emb = jnp.take(emb_table, categories, axis=0)  # [N, 32]
    # stack scalar POI stats -> [N, 4]
    poi_stats = jnp.concatenate([
        popularity[:, None], cluster_ids[:, None],
        temporal_scores[:, None], geographic_scores[:, None]], axis=-1)
    # poi_encoder: Linear(4,32) -> ReLU -> Linear(32,32)
    h = jax.nn.relu(poi_stats @ W1.T + b1)
    poi_emb = h @ W2.T + b2  # [N, 32]
    combined = jnp.concatenate([cat_emb, poi_emb], axis=-1)  # [N, 64]
    return combined @ Wc.T + bc  # [N, 64]

if __name__ == "__main__":
    import jax
    _d = setup_inputs()
    print(jax.jit(kernel)(*tuple(_d.values())))

</pallas_src>

<mosaic_0001>
#map = affine_map<(d0, d1) -> (0)>
#map1 = affine_map<(d0, d1) -> (0, 0)>
module attributes {stable_mosaic.version = 14 : i64} {
  func.func @_sc_gather_body(%arg0: i32, %arg1: i32, %arg2: memref<262144xi32, #tpu.memory_space<hbm>>, %arg3: memref<512x128xf32, #tpu.memory_space<hbm>>, %arg4: memref<64x262144xf32, #tpu.memory_space<hbm>>, %arg5: memref<512x128xf32, #tpu.memory_space<vmem>>, %arg6: memref<128xi32, #tpu.memory_space<vmem>>, %arg7: memref<128xi32, #tpu.memory_space<vmem>>, %arg8: memref<64x128xf32, #tpu.memory_space<vmem>>, %arg9: memref<64x128xf32, #tpu.memory_space<vmem>>, %arg10: memref<!tpu.dma_semaphore, #tpu.memory_space<semaphore_mem>>, %arg11: memref<!tpu.dma_semaphore, #tpu.memory_space<semaphore_mem>>, %arg12: memref<!tpu.dma_semaphore, #tpu.memory_space<semaphore_mem>>, %arg13: memref<!tpu.dma_semaphore, #tpu.memory_space<semaphore_mem>>) attributes {dimension_semantics = [#tpu.dimension_semantics<core_parallel>, #tpu.dimension_semantics<subcore_parallel>], iteration_bounds = array<i64: 2, 16>, scalar_prefetch = 0 : i64, scratch_operands = 9 : i64, tpu.core_type = #tpu.core_type<sc_vector_subcore>, window_params = [{transform_indices = #map}, {transform_indices = #map1}, {transform_indices = #map1}]} {
    %mul3A = arith.constant 2 : i32
    %mul3A_0 = arith.muli %arg1, %mul3A : i32
    %add3A = arith.addi %mul3A_0, %arg0 : i32
    %mul3A_1 = arith.constant 8192 : i32
    %mul3A_2 = arith.muli %add3A, %mul3A_1 : i32
    "tpu.region"() ({
      %run_scoped3A = tpu.sem_alloc : memref<!tpu.dma_semaphore, #tpu.memory_space<semaphore_mem>>
      tpu.enqueue_dma source(%arg3 : memref<512x128xf32, #tpu.memory_space<hbm>>) target(%arg5 : memref<512x128xf32, #tpu.memory_space<vmem>>) target_semaphore(%run_scoped3A : memref<!tpu.dma_semaphore, #tpu.memory_space<semaphore_mem>>)
      tpu.wait_dma2 semaphore(%run_scoped3A : memref<!tpu.dma_semaphore, #tpu.memory_space<semaphore_mem>>) src(%arg3 : memref<512x128xf32, #tpu.memory_space<hbm>>) dst(%arg5 : memref<512x128xf32, #tpu.memory_space<vmem>>)
      tpu.yield
    }) : () -> ()
    %add3A_3 = arith.constant 0 : i32
    %add3A_4 = arith.addi %mul3A_2, %add3A_3 : i32
    %dma_start3A = tpu.memref_slice %arg2[%add3A_4] : memref<262144xi32, #tpu.memory_space<hbm>> -> memref<128xi32, #tpu.memory_space<hbm>>
    %dma_start3A_5 = tpu.memref_slice %arg2[%add3A_4] : memref<262144xi32, #tpu.memory_space<hbm>> -> memref<128xi32, #tpu.memory_space<hbm>>
    tpu.enqueue_dma source(%dma_start3A_5 : memref<128xi32, #tpu.memory_space<hbm>>) target(%arg6 : memref<128xi32, #tpu.memory_space<vmem>>) target_semaphore(%arg10 : memref<!tpu.dma_semaphore, #tpu.memory_space<semaphore_mem>>)
    %add3A_6 = arith.constant 128 : i32
    %add3A_7 = arith.addi %mul3A_2, %add3A_6 : i32
    %dma_start3A_8 = tpu.memref_slice %arg2[%add3A_7] : memref<262144xi32, #tpu.memory_space<hbm>> -> memref<128xi32, #tpu.memory_space<hbm>>
    %dma_start3A_9 = tpu.memref_slice %arg2[%add3A_7] : memref<262144xi32, #tpu.memory_space<hbm>> -> memref<128xi32, #tpu.memory_space<hbm>>
    tpu.enqueue_dma source(%dma_start3A_9 : memref<128xi32, #tpu.memory_space<hbm>>) target(%arg7 : memref<128xi32, #tpu.memory_space<vmem>>) target_semaphore(%arg11 : memref<!tpu.dma_semaphore, #tpu.memory_space<semaphore_mem>>)
    %iota3A = tpu.iota {dimensions = array<i32: 0>} : vector<16xi32>
    %scan3A = arith.constant 0 : i32
    %scan3A_10 = arith.constant 0 : i32
    %scan3A_11 = arith.constant 32 : i32
    %scan3A_12 = arith.addi %scan3A_10, %scan3A_11 : i32
    %scan3A_13 = arith.constant 1 : i32
    scf.for %scan3A_26 = %scan3A_10 to %scan3A_12 step %scan3A_13  : i32 {
      %mul3A_27 = arith.constant 2 : i32
      %mul3A_28 = arith.muli %scan3A_26, %mul3A_27 : i32
      %add3A_29 = arith.constant 0 : i32
      %add3A_30 = arith.addi %mul3A_28, %add3A_29 : i32
      %mul3A_31 = arith.constant 128 : i32
      %mul3A_32 = arith.muli %add3A_30, %mul3A_31 : i32
      %add3A_33 = arith.addi %mul3A_2, %mul3A_32 : i32
      %dma_wait3A_34 = tpu.memref_slice %arg2[%add3A_33] : memref<262144xi32, #tpu.memory_space<hbm>> -> memref<128xi32, #tpu.memory_space<hbm>>
      %dma_wait3A_35 = tpu.memref_slice %arg2[%add3A_33] : memref<262144xi32, #tpu.memory_space<hbm>> -> memref<128xi32, #tpu.memory_space<hbm>>
      tpu.wait_dma2 semaphore(%arg10 : memref<!tpu.dma_semaphore, #tpu.memory_space<semaphore_mem>>) src(%dma_wait3A_35 : memref<128xi32, #tpu.memory_space<hbm>>) dst(%arg6 : memref<128xi32, #tpu.memory_space<vmem>>)
      %ge3A = arith.constant 2 : i32
      %ge3A_36 = arith.cmpi sge, %add3A_30, %ge3A : i32
      %convert_element_type3A = arith.extui %ge3A_36 : i1 to i32
      %cond3A = arith.constant 0 : i32
      %cond3A_37 = arith.cmpi ne, %convert_element_type3A, %cond3A : i32
      scf.if %cond3A_37 {
        %sub3A = arith.constant 256 : i32
        %sub3A_85 = arith.subi %add3A_33, %sub3A : i32
        %dma_wait3A_86 = arith.constant 0 : i32
        %dma_wait3A_87 = tpu.memref_slice %arg4[%dma_wait3A_86, %sub3A_85] : memref<64x262144xf32, #tpu.memory_space<hbm>> -> memref<64x128xf32, #tpu.memory_space<hbm>>
        %dma_wait3A_88 = arith.constant 0 : i32
        %dma_wait3A_89 = tpu.memref_slice %arg4[%dma_wait3A_88, %sub3A_85] : memref<64x262144xf32, #tpu.memory_space<hbm>> -> memref<64x128xf32, #tpu.memory_space<hbm>>
        tpu.wait_dma2 semaphore(%arg12 : memref<!tpu.dma_semaphore, #tpu.memory_space<semaphore_mem>>) src(%arg8 : memref<64x128xf32, #tpu.memory_space<vmem>>) dst(%dma_wait3A_89 : memref<64x128xf32, #tpu.memory_space<hbm>>)
      } else {
      }
      %scan3A_38 = arith.constant 0 : i32
      %scan3A_39 = arith.constant 0 : i32
      %scan3A_40 = arith.constant 8 : i32
      %scan3A_41 = arith.addi %scan3A_39, %scan3A_40 : i32
      %scan3A_42 = arith.constant 1 : i32
      scf.for %scan3A_85 = %scan3A_39 to %scan3A_41 step %scan3A_42  : i32 {
        %mul3A_86 = arith.constant 16 : i32
        %mul3A_87 = arith.muli %scan3A_85, %mul3A_86 : i32
        %get3A = arith.index_cast %mul3A_87 : i32 to index
        %get3A_88 = tpu.vector_load %arg6[%get3A] {strides = array<i32>} : memref<128xi32, #tpu.memory_space<vmem>>, vector<16xi32>,
        %shift_right_logical3A = arith.constant 1 : i32
        %shift_right_logical3A_89 = vector.broadcast %shift_right_logical3A : i32 to vector<16xi32>
        %shift_right_logical3A_90 = arith.shrui %get3A_88, %shift_right_logical3A_89 : vector<16xi32>
        %and3A = arith.constant 1 : i32
        %and3A_91 = vector.broadcast %and3A : i32 to vector<16xi32>
        %and3A_92 = arith.andi %get3A_88, %and3A_91 : vector<16xi32>
        %shift_left3A = arith.constant 6 : i32
        %shift_left3A_93 = vector.broadcast %shift_left3A : i32 to vector<16xi32>
        %shift_left3A_94 = arith.shli %and3A_92, %shift_left3A_93 : vector<16xi32>
        %mul3A_95 = arith.constant 16 : i32
        %mul3A_96 = arith.muli %scan3A_85, %mul3A_95 : i32
        %add3A_97 = vector.broadcast %mul3A_96 : i32 to vector<16xi32>
        %add3A_98 = arith.addi %add3A_97, %iota3A : vector<16xi32>
        %xor3A = arith.constant 0 : i32
        %xor3A_99 = vector.broadcast %xor3A : i32 to vector<16xi32>
        %xor3A_100 = arith.xori %iota3A, %xor3A_99 : vector<16xi32>
        %xor3A_101 = arith.constant 1 : i32
        %xor3A_102 = vector.broadcast %xor3A_101 : i32 to vector<16xi32>
        %xor3A_103 = arith.xori %iota3A, %xor3A_102 : vector<16xi32>
        %xor3A_104 = arith.constant 2 : i32
        %xor3A_105 = vector.broadcast %xor3A_104 : i32 to vector<16xi32>
        %xor3A_106 = arith.xori %iota3A, %xor3A_105 : vector<16xi32>
        %xor3A_107 = arith.constant 3 : i32
        %xor3A_108 = vector.broadcast %xor3A_107 : i32 to vector<16xi32>
        %xor3A_109 = arith.xori %iota3A, %xor3A_108 : vector<16xi32>
        %add3A_110 = arith.addi %shift_left3A_94, %xor3A_100 : vector<16xi32>
        %gather3A = tpu.vector_load_idx %arg5[%shift_right_logical3A_90, %add3A_110] : memref<512x128xf32, #tpu.memory_space<vmem>>[vector<16xi32>, vector<16xi32>], vector<16xf32>,
        %add3A_111 = arith.addi %shift_left3A_94, %xor3A_103 : vector<16xi32>
        %gather3A_112 = tpu.vector_load_idx %arg5[%shift_right_logical3A_90, %add3A_111] : memref<512x128xf32, #tpu.memory_space<vmem>>[vector<16xi32>, vector<16xi32>], vector<16xf32>,
        %add3A_113 = arith.addi %shift_left3A_94, %xor3A_106 : vector<16xi32>
        %gather3A_114 = tpu.vector_load_idx %arg5[%shift_right_logical3A_90, %add3A_113] : memref<512x128xf32, #tpu.memory_space<vmem>>[vector<16xi32>, vector<16xi32>], vector<16xf32>,
        %add3A_115 = arith.addi %shift_left3A_94, %xor3A_109 : vector<16xi32>
        %gather3A_116 = tpu.vector_load_idx %arg5[%shift_right_logical3A_90, %add3A_115] : memref<512x128xf32, #tpu.memory_space<vmem>>[vector<16xi32>, vector<16xi32>], vector<16xf32>,
        tpu.vector_store_idx %arg8[%xor3A_100, %add3A_98], %gather3A : memref<64x128xf32, #tpu.memory_space<vmem>>[vector<16xi32>, vector<16xi32>], vector<16xf32>,
        tpu.vector_store_idx %arg8[%xor3A_103, %add3A_98], %gather3A_112 : memref<64x128xf32, #tpu.memory_space<vmem>>[vector<16xi32>, vector<16xi32>], vector<16xf32>,
        tpu.vector_store_idx %arg8[%xor3A_106, %add3A_98], %gather3A_114 : memref<64x128xf32, #tpu.memory_space<vmem>>[vector<16xi32>, vector<16xi32>], vector<16xf32>,
        tpu.vector_store_idx %arg8[%xor3A_109, %add3A_98], %gather3A_116 : memref<64x128xf32, #tpu.memory_space<vmem>>[vector<16xi32>, vector<16xi32>], vector<16xf32>,
        %xor3A_117 = arith.constant 4 : i32
        %xor3A_118 = vector.broadcast %xor3A_117 : i32 to vector<16xi32>
        %xor3A_119 = arith.xori %iota3A, %xor3A_118 : vector<16xi32>
        %xor3A_120 = arith.constant 5 : i32
        %xor3A_121 = vector.broadcast %xor3A_120 : i32 to vector<16xi32>
        %xor3A_122 = arith.xori %iota3A, %xor3A_121 : vector<16xi32>
        %xor3A_123 = arith.constant 6 : i32
        %xor3A_124 = vector.broadcast %xor3A_123 : i32 to vector<16xi32>
        %xor3A_125 = arith.xori %iota3A, %xor3A_124 : vector<16xi32>
        %xor3A_126 = arith.constant 7 : i32
        %xor3A_127 = vector.broadcast %xor3A_126 : i32 to vector<16xi32>
        %xor3A_128 = arith.xori %iota3A, %xor3A_127 : vector<16xi32>
        %add3A_129 = arith.addi %shift_left3A_94, %xor3A_119 : vector<16xi32>
        %gather3A_130 = tpu.vector_load_idx %arg5[%shift_right_logical3A_90, %add3A_129] : memref<512x128xf32, #tpu.memory_space<vmem>>[vector<16xi32>, vector<16xi32>], vector<16xf32>,
        %add3A_131 = arith.addi %shift_left3A_94, %xor3A_122 : vector<16xi32>
        %gather3A_132 = tpu.vector_load_idx %arg5[%shift_right_logical3A_90, %add3A_131] : memref<512x128xf32, #tpu.memory_space<vmem>>[vector<16xi32>, vector<16xi32>], vector<16xf32>,
        %add3A_133 = arith.addi %shift_left3A_94, %xor3A_125 : vector<16xi32>
        %gather3A_134 = tpu.vector_load_idx %arg5[%shift_right_logical3A_90, %add3A_133] : memref<512x128xf32, #tpu.memory_space<vmem>>[vector<16xi32>, vector<16xi32>], vector<16xf32>,
        %add3A_135 = arith.addi %shift_left3A_94, %xor3A_128 : vector<16xi32>
        %gather3A_136 = tpu.vector_load_idx %arg5[%shift_right_logical3A_90, %add3A_135] : memref<512x128xf32, #tpu.memory_space<vmem>>[vector<16xi32>, vector<16xi32>], vector<16xf32>,
        tpu.vector_store_idx %arg8[%xor3A_119, %add3A_98], %gather3A_130 : memref<64x128xf32, #tpu.memory_space<vmem>>[vector<16xi32>, vector<16xi32>], vector<16xf32>,
        tpu.vector_store_idx %arg8[%xor3A_122, %add3A_98], %gather3A_132 : memref<64x128xf32, #tpu.memory_space<vmem>>[vector<16xi32>, vector<16xi32>], vector<16xf32>,
        tpu.vector_store_idx %arg8[%xor3A_125, %add3A_98], %gather3A_134 : memref<64x128xf32, #tpu.memory_space<vmem>>[vector<16xi32>, vector<16xi32>], vector<16xf32>,
        tpu.vector_store_idx %arg8[%xor3A_128, %add3A_98], %gather3A_136 : memref<64x128xf32, #tpu.memory_space<vmem>>[vector<16xi32>, vector<16xi32>], vector<16xf32>,
        %xor3A_137 = arith.constant 8 : i32
        %xor3A_138 = vector.broadcast %xor3A_137 : i32 to vector<16xi32>
        %xor3A_139 = arith.xori %iota3A, %xor3A_138 : vector<16xi32>
        %xor3A_140 = arith.constant 9 : i32
        %xor3A_141 = vector.broadcast %xor3A_140 : i32 to vector<16xi32>
        %xor3A_142 = arith.xori %iota3A, %xor3A_141 : vector<16xi32>
        %xor3A_143 = arith.constant 10 : i32
        %xor3A_144 = vector.broadcast %xor3A_143 : i32 to vector<16xi32>
        %xor3A_145 = arith.xori %iota3A, %xor3A_144 : vector<16xi32>
        %xor3A_146 = arith.constant 11 : i32
        %xor3A_147 = vector.broadcast %xor3A_146 : i32 to vector<16xi32>
        %xor3A_148 = arith.xori %iota3A, %xor3A_147 : vector<16xi32>
        %add3A_149 = arith.addi %shift_left3A_94, %xor3A_139 : vector<16xi32>
        %gather3A_150 = tpu.vector_load_idx %arg5[%shift_right_logical3A_90, %add3A_149] : memref<512x128xf32, #tpu.memory_space<vmem>>[vector<16xi32>, vector<16xi32>], vector<16xf32>,
        %add3A_151 = arith.addi %shift_left3A_94, %xor3A_142 : vector<16xi32>
        %gather3A_152 = tpu.vector_load_idx %arg5[%shift_right_logical3A_90, %add3A_151] : memref<512x128xf32, #tpu.memory_space<vmem>>[vector<16xi32>, vector<16xi32>], vector<16xf32>,
        %add3A_153 = arith.addi %shift_left3A_94, %xor3A_145 : vector<16xi32>
        %gather3A_154 = tpu.vector_load_idx %arg5[%shift_right_logical3A_90, %add3A_153] : memref<512x128xf32, #tpu.memory_space<vmem>>[vector<16xi32>, vector<16xi32>], vector<16xf32>,
        %add3A_155 = arith.addi %shift_left3A_94, %xor3A_148 : vector<16xi32>
        %gather3A_156 = tpu.vector_load_idx %arg5[%shift_right_logical3A_90, %add3A_155] : memref<512x128xf32, #tpu.memory_space<vmem>>[vector<16xi32>, vector<16xi32>], vector<16xf32>,
        tpu.vector_store_idx %arg8[%xor3A_139, %add3A_98], %gather3A_150 : memref<64x128xf32, #tpu.memory_space<vmem>>[vector<16xi32>, vector<16xi32>], vector<16xf32>,
        tpu.vector_store_idx %arg8[%xor3A_142, %add3A_98], %gather3A_152 : memref<64x128xf32, #tpu.memory_space<vmem>>[vector<16xi32>, vector<16xi32>], vector<16xf32>,
        tpu.vector_store_idx %arg8[%xor3A_145, %add3A_98], %gather3A_154 : memref<64x128xf32, #tpu.memory_space<vmem>>[vector<16xi32>, vector<16xi32>], vector<16xf32>,
        tpu.vector_store_idx %arg8[%xor3A_148, %add3A_98], %gather3A_156 : memref<64x128xf32, #tpu.memory_space<vmem>>[vector<16xi32>, vector<16xi32>], vector<16xf32>,
        %xor3A_157 = arith.constant 12 : i32
        %xor3A_158 = vector.broadcast %xor3A_157 : i32 to vector<16xi32>
        %xor3A_159 = arith.xori %iota3A, %xor3A_158 : vector<16xi32>
        %xor3A_160 = arith.constant 13 : i32
        %xor3A_161 = vector.broadcast %xor3A_160 : i32 to vector<16xi32>
        %xor3A_162 = arith.xori %iota3A, %xor3A_161 : vector<16xi32>
        %xor3A_163 = arith.constant 14 : i32
        %xor3A_164 = vector.broadcast %xor3A_163 : i32 to vector<16xi32>
        %xor3A_165 = arith.xori %iota3A, %xor3A_164 : vector<16xi32>
        %xor3A_166 = arith.constant 15 : i32
        %xor3A_167 = vector.broadcast %xor3A_166 : i32 to vector<16xi32>
        %xor3A_168 = arith.xori %iota3A, %xor3A_167 : vector<16xi32>
        %add3A_169 = arith.addi %shift_left3A_94, %xor3A_159 : vector<16xi32>
        %gather3A_170 = tpu.vector_load_idx %arg5[%shift_right_logical3A_90, %add3A_169] : memref<512x128xf32, #tpu.memory_space<vmem>>[vector<16xi32>, vector<16xi32>], vector<16xf32>,
        %add3A_171 = arith.addi %shift_left3A_94, %xor3A_162 : vector<16xi32>
        %gather3A_172 = tpu.vector_load_idx %arg5[%shift_right_logical3A_90, %add3A_171] : memref<512x128xf32, #tpu.memory_space<vmem>>[vector<16xi32>, vector<16xi32>], vector<16xf32>,
        %add3A_173 = arith.addi %shift_left3A_94, %xor3A_165 : vector<16xi32>
        %gather3A_174 = tpu.vector_load_idx %arg5[%shift_right_logical3A_90, %add3A_173] : memref<512x128xf32, #tpu.memory_space<vmem>>[vector<16xi32>, vector<16xi32>], vector<16xf32>,
        %add3A_175 = arith.addi %shift_left3A_94, %xor3A_168 : vector<16xi32>
        %gather3A_176 = tpu.vector_load_idx %arg5[%shift_right_logical3A_90, %add3A_175] : memref<512x128xf32, #tpu.memory_space<vmem>>[vector<16xi32>, vector<16xi32>], vector<16xf32>,
        tpu.vector_store_idx %arg8[%xor3A_159, %add3A_98], %gather3A_170 : memref<64x128xf32, #tpu.memory_space<vmem>>[vector<16xi32>, vector<16xi32>], vector<16xf32>,
        tpu.vector_store_idx %arg8[%xor3A_162, %add3A_98], %gather3A_172 : memref<64x128xf32, #tpu.memory_space<vmem>>[vector<16xi32>, vector<16xi32>], vector<16xf32>,
        tpu.vector_store_idx %arg8[%xor3A_165, %add3A_98], %gather3A_174 : memref<64x128xf32, #tpu.memory_space<vmem>>[vector<16xi32>, vector<16xi32>], vector<16xf32>,
        tpu.vector_store_idx %arg8[%xor3A_168, %add3A_98], %gather3A_176 : memref<64x128xf32, #tpu.memory_space<vmem>>[vector<16xi32>, vector<16xi32>], vector<16xf32>,
        %xor3A_177 = arith.constant 16 : i32
        %xor3A_178 = vector.broadcast %xor3A_177 : i32 to vector<16xi32>
        %xor3A_179 = arith.xori %iota3A, %xor3A_178 : vector<16xi32>
        %xor3A_180 = arith.constant 17 : i32
        %xor3A_181 = vector.broadcast %xor3A_180 : i32 to vector<16xi32>
        %xor3A_182 = arith.xori %iota3A, %xor3A_181 : vector<16xi32>
        %xor3A_183 = arith.constant 18 : i32
        %xor3A_184 = vector.broadcast %xor3A_183 : i32 to vector<16xi32>
        %xor3A_185 = arith.xori %iota3A, %xor3A_184 : vector<16xi32>
        %xor3A_186 = arith.constant 19 : i32
        %xor3A_187 = vector.broadcast %xor3A_186 : i32 to vector<16xi32>
        %xor3A_188 = arith.xori %iota3A, %xor3A_187 : vector<16xi32>
        %add3A_189 = arith.addi %shift_left3A_94, %xor3A_179 : vector<16xi32>
        %gather3A_190 = tpu.vector_load_idx %arg5[%shift_right_logical3A_90, %add3A_189] : memref<512x128xf32, #tpu.memory_space<vmem>>[vector<16xi32>, vector<16xi32>], vector<16xf32>,
        %add3A_191 = arith.addi %shift_left3A_94, %xor3A_182 : vector<16xi32>
        %gather3A_192 = tpu.vector_load_idx %arg5[%shift_right_logical3A_90, %add3A_191] : memref<512x128xf32, #tpu.memory_space<vmem>>[vector<16xi32>, vector<16xi32>], vector<16xf32>,
        %add3A_193 = arith.addi %shift_left3A_94, %xor3A_185 : vector<16xi32>
        %gather3A_194 = tpu.vector_load_idx %arg5[%shift_right_logical3A_90, %add3A_193] : memref<512x128xf32, #tpu.memory_space<vmem>>[vector<16xi32>, vector<16xi32>], vector<16xf32>,
        %add3A_195 = arith.addi %shift_left3A_94, %xor3A_188 : vector<16xi32>
        %gather3A_196 = tpu.vector_load_idx %arg5[%shift_right_logical3A_90, %add3A_195] : memref<512x128xf32, #tpu.memory_space<vmem>>[vector<16xi32>, vector<16xi32>], vector<16xf32>,
        tpu.vector_store_idx %arg8[%xor3A_179, %add3A_98], %gather3A_190 : memref<64x128xf32, #tpu.memory_space<vmem>>[vector<16xi32>, vector<16xi32>], vector<16xf32>,
        tpu.vector_store_idx %arg8[%xor3A_182, %add3A_98], %gather3A_192 : memref<64x128xf32, #tpu.memory_space<vmem>>[vector<16xi32>, vector<16xi32>], vector<16xf32>,
        tpu.vector_store_idx %arg8[%xor3A_185, %add3A_98], %gather3A_194 : memref<64x128xf32, #tpu.memory_space<vmem>>[vector<16xi32>, vector<16xi32>], vector<16xf32>,
        tpu.vector_store_idx %arg8[%xor3A_188, %add3A_98], %gather3A_196 : memref<64x128xf32, #tpu.memory_space<vmem>>[vector<16xi32>, vector<16xi32>], vector<16xf32>,
        %xor3A_197 = arith.constant 20 : i32
        %xor3A_198 = vector.broadcast %xor3A_197 : i32 to vector<16xi32>
        %xor3A_199 = arith.xori %iota3A, %xor3A_198 : vector<16xi32>
        %xor3A_200 = arith.constant 21 : i32
        %xor3A_201 = vector.broadcast %xor3A_200 : i32 to vector<16xi32>
        %xor3A_202 = arith.xori %iota3A, %xor3A_201 : vector<16xi32>
        %xor3A_203 = arith.constant 22 : i32
        %xor3A_204 = vector.broadcast %xor3A_203 : i32 to vector<16xi32>
        %xor3A_205 = arith.xori %iota3A, %xor3A_204 : vector<16xi32>
        %xor3A_206 = arith.constant 23 : i32
        %xor3A_207 = vector.broadcast %xor3A_206 : i32 to vector<16xi32>
        %xor3A_208 = arith.xori %iota3A, %xor3A_207 : vector<16xi32>
        %add3A_209 = arith.addi %shift_left3A_94, %xor3A_199 : vector<16xi32>
        %gather3A_210 = tpu.vector_load_idx %arg5[%shift_right_logical3A_90, %add3A_209] : memref<512x128xf32, #tpu.memory_space<vmem>>[vector<16xi32>, vector<16xi32>], vector<16xf32>,
        %add3A_211 = arith.addi %shift_left3A_94, %xor3A_202 : vector<16xi32>
        %gather3A_212 = tpu.vector_load_idx %arg5[%shift_right_logical3A_90, %add3A_211] : memref<512x128xf32, #tpu.memory_space<vmem>>[vector<16xi32>, vector<16xi32>], vector<16xf32>,
        %add3A_213 = arith.addi %shift_left3A_94, %xor3A_205 : vector<16xi32>
        %gather3A_214 = tpu.vector_load_idx %arg5[%shift_right_logical3A_90, %add3A_213] : memref<512x128xf32, #tpu.memory_space<vmem>>[vector<16xi32>, vector<16xi32>], vector<16xf32>,
        %add3A_215 = arith.addi %shift_left3A_94, %xor3A_208 : vector<16xi32>
        %gather3A_216 = tpu.vector_load_idx %arg5[%shift_right_logical3A_90, %add3A_215] : memref<512x128xf32, #tpu.memory_space<vmem>>[vector<16xi32>, vector<16xi32>], vector<16xf32>,
        tpu.vector_store_idx %arg8[%xor3A_199, %add3A_98], %gather3A_210 : memref<64x128xf32, #tpu.memory_space<vmem>>[vector<16xi32>, vector<16xi32>], vector<16xf32>,
        tpu.vector_store_idx %arg8[%xor3A_202, %add3A_98], %gather3A_212 : memref<64x128xf32, #tpu.memory_space<vmem>>[vector<16xi32>, vector<16xi32>], vector<16xf32>,
        tpu.vector_store_idx %arg8[%xor3A_205, %add3A_98], %gather3A_214 : memref<64x128xf32, #tpu.memory_space<vmem>>[vector<16xi32>, vector<16xi32>], vector<16xf32>,
        tpu.vector_store_idx %arg8[%xor3A_208, %add3A_98], %gather3A_216 : memref<64x128xf32, #tpu.memory_space<vmem>>[vector<16xi32>, vector<16xi32>], vector<16xf32>,
        %xor3A_217 = arith.constant 24 : i32
        %xor3A_218 = vector.broadcast %xor3A_217 : i32 to vector<16xi32>
        %xor3A_219 = arith.xori %iota3A, %xor3A_218 : vector<16xi32>
        %xor3A_220 = arith.constant 25 : i32
        %xor3A_221 = vector.broadcast %xor3A_220 : i32 to vector<16xi32>
        %xor3A_222 = arith.xori %iota3A, %xor3A_221 : vector<16xi32>
        %xor3A_223 = arith.constant 26 : i32
        %xor3A_224 = vector.broadcast %xor3A_223 : i32 to vector<16xi32>
        %xor3A_225 = arith.xori %iota3A, %xor3A_224 : vector<16xi32>
        %xor3A_226 = arith.constant 27 : i32
        %xor3A_227 = vector.broadcast %xor3A_226 : i32 to vector<16xi32>
        %xor3A_228 = arith.xori %iota3A, %xor3A_227 : vector<16xi32>
        %add3A_229 = arith.addi %shift_left3A_94, %xor3A_219 : vector<16xi32>
        %gather3A_230 = tpu.vector_load_idx %arg5[%shift_right_logical3A_90, %add3A_229] : memref<512x128xf32, #tpu.memory_space<vmem>>[vector<16xi32>, vector<16xi32>], vector<16xf32>,
        %add3A_231 = arith.addi %shift_left3A_94, %xor3A_222 : vector<16xi32>
        %gather3A_232 = tpu.vector_load_idx %arg5[%shift_right_logical3A_90, %add3A_231] : memref<512x128xf32, #tpu.memory_space<vmem>>[vector<16xi32>, vector<16xi32>], vector<16xf32>,
        %add3A_233 = arith.addi %shift_left3A_94, %xor3A_225 : vector<16xi32>
        %gather3A_234 = tpu.vector_load_idx %arg5[%shift_right_logical3A_90, %add3A_233] : memref<512x128xf32, #tpu.memory_space<vmem>>[vector<16xi32>, vector<16xi32>], vector<16xf32>,
        %add3A_235 = arith.addi %shift_left3A_94, %xor3A_228 : vector<16xi32>
        %gather3A_236 = tpu.vector_load_idx %arg5[%shift_right_logical3A_90, %add3A_235] : memref<512x128xf32, #tpu.memory_space<vmem>>[vector<16xi32>, vector<16xi32>], vector<16xf32>,
        tpu.vector_store_idx %arg8[%xor3A_219, %add3A_98], %gather3A_230 : memref<64x128xf32, #tpu.memory_space<vmem>>[vector<16xi32>, vector<16xi32>], vector<16xf32>,
        tpu.vector_store_idx %arg8[%xor3A_222, %add3A_98], %gather3A_232 : memref<64x128xf32, #tpu.memory_space<vmem>>[vector<16xi32>, vector<16xi32>], vector<16xf32>,
        tpu.vector_store_idx %arg8[%xor3A_225, %add3A_98], %gather3A_234 : memref<64x128xf32, #tpu.memory_space<vmem>>[vector<16xi32>, vector<16xi32>], vector<16xf32>,
        tpu.vector_store_idx %arg8[%xor3A_228, %add3A_98], %gather3A_236 : memref<64x128xf32, #tpu.memory_space<vmem>>[vector<16xi32>, vector<16xi32>], vector<16xf32>,
        %xor3A_237 = arith.constant 28 : i32
        %xor3A_238 = vector.broadcast %xor3A_237 : i32 to vector<16xi32>
        %xor3A_239 = arith.xori %iota3A, %xor3A_238 : vector<16xi32>
        %xor3A_240 = arith.constant 29 : i32
        %xor3A_241 = vector.broadcast %xor3A_240 : i32 to vector<16xi32>
        %xor3A_242 = arith.xori %iota3A, %xor3A_241 : vector<16xi32>
        %xor3A_243 = arith.constant 30 : i32
        %xor3A_244 = vector.broadcast %xor3A_243 : i32 to vector<16xi32>
        %xor3A_245 = arith.xori %iota3A, %xor3A_244 : vector<16xi32>
        %xor3A_246 = arith.constant 31 : i32
        %xor3A_247 = vector.broadcast %xor3A_246 : i32 to vector<16xi32>
        %xor3A_248 = arith.xori %iota3A, %xor3A_247 : vector<16xi32>
        %add3A_249 = arith.addi %shift_left3A_94, %xor3A_239 : vector<16xi32>
        %gather3A_250 = tpu.vector_load_idx %arg5[%shift_right_logical3A_90, %add3A_249] : memref<512x128xf32, #tpu.memory_space<vmem>>[vector<16xi32>, vector<16xi32>], vector<16xf32>,
        %add3A_251 = arith.addi %shift_left3A_94, %xor3A_242 : vector<16xi32>
        %gather3A_252 = tpu.vector_load_idx %arg5[%shift_right_logical3A_90, %add3A_251] : memref<512x128xf32, #tpu.memory_space<vmem>>[vector<16xi32>, vector<16xi32>], vector<16xf32>,
        %add3A_253 = arith.addi %shift_left3A_94, %xor3A_245 : vector<16xi32>
        %gather3A_254 = tpu.vector_load_idx %arg5[%shift_right_logical3A_90, %add3A_253] : memref<512x128xf32, #tpu.memory_space<vmem>>[vector<16xi32>, vector<16xi32>], vector<16xf32>,
        %add3A_255 = arith.addi %shift_left3A_94, %xor3A_248 : vector<16xi32>
        %gather3A_256 = tpu.vector_load_idx %arg5[%shift_right_logical3A_90, %add3A_255] : memref<512x128xf32, #tpu.memory_space<vmem>>[vector<16xi32>, vector<16xi32>], vector<16xf32>,
        tpu.vector_store_idx %arg8[%xor3A_239, %add3A_98], %gather3A_250 : memref<64x128xf32, #tpu.memory_space<vmem>>[vector<16xi32>, vector<16xi32>], vector<16xf32>,
        tpu.vector_store_idx %arg8[%xor3A_242, %add3A_98], %gather3A_252 : memref<64x128xf32, #tpu.memory_space<vmem>>[vector<16xi32>, vector<16xi32>], vector<16xf32>,
        tpu.vector_store_idx %arg8[%xor3A_245, %add3A_98], %gather3A_254 : memref<64x128xf32, #tpu.memory_space<vmem>>[vector<16xi32>, vector<16xi32>], vector<16xf32>,
        tpu.vector_store_idx %arg8[%xor3A_248, %add3A_98], %gather3A_256 : memref<64x128xf32, #tpu.memory_space<vmem>>[vector<16xi32>, vector<16xi32>], vector<16xf32>,
        %xor3A_257 = arith.constant 32 : i32
        %xor3A_258 = vector.broadcast %xor3A_257 : i32 to vector<16xi32>
        %xor3A_259 = arith.xori %iota3A, %xor3A_258 : vector<16xi32>
        %xor3A_260 = arith.constant 33 : i32
        %xor3A_261 = vector.broadcast %xor3A_260 : i32 to vector<16xi32>
        %xor3A_262 = arith.xori %iota3A, %xor3A_261 : vector<16xi32>
        %xor3A_263 = arith.constant 34 : i32
        %xor3A_264 = vector.broadcast %xor3A_263 : i32 to vector<16xi32>
        %xor3A_265 = arith.xori %iota3A, %xor3A_264 : vector<16xi32>
        %xor3A_266 = arith.constant 35 : i32
        %xor3A_267 = vector.broadcast %xor3A_266 : i32 to vector<16xi32>
        %xor3A_268 = arith.xori %iota3A, %xor3A_267 : vector<16xi32>
        %add3A_269 = arith.addi %shift_left3A_94, %xor3A_259 : vector<16xi32>
        %gather3A_270 = tpu.vector_load_idx %arg5[%shift_right_logical3A_90, %add3A_269] : memref<512x128xf32, #tpu.memory_space<vmem>>[vector<16xi32>, vector<16xi32>], vector<16xf32>,
        %add3A_271 = arith.addi %shift_left3A_94, %xor3A_262 : vector<16xi32>
        %gather3A_272 = tpu.vector_load_idx %arg5[%shift_right_logical3A_90, %add3A_271] : memref<512x128xf32, #tpu.memory_space<vmem>>[vector<16xi32>, vector<16xi32>], vector<16xf32>,
        %add3A_273 = arith.addi %shift_left3A_94, %xor3A_265 : vector<16xi32>
        %gather3A_274 = tpu.vector_load_idx %arg5[%shift_right_logical3A_90, %add3A_273] : memref<512x128xf32, #tpu.memory_space<vmem>>[vector<16xi32>, vector<16xi32>], vector<16xf32>,
        %add3A_275 = arith.addi %shift_left3A_94, %xor3A_268 : vector<16xi32>
        %gather3A_276 = tpu.vector_load_idx %arg5[%shift_right_logical3A_90, %add3A_275] : memref<512x128xf32, #tpu.memory_space<vmem>>[vector<16xi32>, vector<16xi32>], vector<16xf32>,
        tpu.vector_store_idx %arg8[%xor3A_259, %add3A_98], %gather3A_270 : memref<64x128xf32, #tpu.memory_space<vmem>>[vector<16xi32>, vector<16xi32>], vector<16xf32>,
        tpu.vector_store_idx %arg8[%xor3A_262, %add3A_98], %gather3A_272 : memref<64x128xf32, #tpu.memory_space<vmem>>[vector<16xi32>, vector<16xi32>], vector<16xf32>,
        tpu.vector_store_idx %arg8[%xor3A_265, %add3A_98], %gather3A_274 : memref<64x128xf32, #tpu.memory_space<vmem>>[vector<16xi32>, vector<16xi32>], vector<16xf32>,
        tpu.vector_store_idx %arg8[%xor3A_268, %add3A_98], %gather3A_276 : memref<64x128xf32, #tpu.memory_space<vmem>>[vector<16xi32>, vector<16xi32>], vector<16xf32>,
        %xor3A_277 = arith.constant 36 : i32
        %xor3A_278 = vector.broadcast %xor3A_277 : i32 to vector<16xi32>
        %xor3A_279 = arith.xori %iota3A, %xor3A_278 : vector<16xi32>
        %xor3A_280 = arith.constant 37 : i32
        %xor3A_281 = vector.broadcast %xor3A_280 : i32 to vector<16xi32>
        %xor3A_282 = arith.xori %iota3A, %xor3A_281 : vector<16xi32>
        %xor3A_283 = arith.constant 38 : i32
        %xor3A_284 = vector.broadcast %xor3A_283 : i32 to vector<16xi32>
        %xor3A_285 = arith.xori %iota3A, %xor3A_284 : vector<16xi32>
        %xor3A_286 = arith.constant 39 : i32
        %xor3A_287 = vector.broadcast %xor3A_286 : i32 to vector<16xi32>
        %xor3A_288 = arith.xori %iota3A, %xor3A_287 : vector<16xi32>
        %add3A_289 = arith.addi %shift_left3A_94, %xor3A_279 : vector<16xi32>
        %gather3A_290 = tpu.vector_load_idx %arg5[%shift_right_logical3A_90, %add3A_289] : memref<512x128xf32, #tpu.memory_space<vmem>>[vector<16xi32>, vector<16xi32>], vector<16xf32>,
        %add3A_291 = arith.addi %shift_left3A_94, %xor3A_282 : vector<16xi32>
        %gather3A_292 = tpu.vector_load_idx %arg5[%shift_right_logical3A_90, %add3A_291] : memref<512x128xf32, #tpu.memory_space<vmem>>[vector<16xi32>, vector<16xi32>], vector<16xf32>,
        %add3A_293 = arith.addi %shift_left3A_94, %xor3A_285 : vector<16xi32>
        %gather3A_294 = tpu.vector_load_idx %arg5[%shift_right_logical3A_90, %add3A_293] : memref<512x128xf32, #tpu.memory_space<vmem>>[vector<16xi32>, vector<16xi32>], vector<16xf32>,
        %add3A_295 = arith.addi %shift_left3A_94, %xor3A_288 : vector<16xi32>
        %gather3A_296 = tpu.vector_load_idx %arg5[%shift_right_logical3A_90, %add3A_295] : memref<512x128xf32, #tpu.memory_space<vmem>>[vector<16xi32>, vector<16xi32>], vector<16xf32>,
        tpu.vector_store_idx %arg8[%xor3A_279, %add3A_98], %gather3A_290 : memref<64x128xf32, #tpu.memory_space<vmem>>[vector<16xi32>, vector<16xi32>], vector<16xf32>,
        tpu.vector_store_idx %arg8[%xor3A_282, %add3A_98], %gather3A_292 : memref<64x128xf32, #tpu.memory_space<vmem>>[vector<16xi32>, vector<16xi32>], vector<16xf32>,
        tpu.vector_store_idx %arg8[%xor3A_285, %add3A_98], %gather3A_294 : memref<64x128xf32, #tpu.memory_space<vmem>>[vector<16xi32>, vector<16xi32>], vector<16xf32>,
        tpu.vector_store_idx %arg8[%xor3A_288, %add3A_98], %gather3A_296 : memref<64x128xf32, #tpu.memory_space<vmem>>[vector<16xi32>, vector<16xi32>], vector<16xf32>,
        %xor3A_297 = arith.constant 40 : i32
        %xor3A_298 = vector.broadcast %xor3A_297 : i32 to vector<16xi32>
        %xor3A_299 = arith.xori %iota3A, %xor3A_298 : vector<16xi32>
        %xor3A_300 = arith.constant 41 : i32
        %xor3A_301 = vector.broadcast %xor3A_300 : i32 to vector<16xi32>
        %xor3A_302 = arith.xori %iota3A, %xor3A_301 : vector<16xi32>
        %xor3A_303 = arith.constant 42 : i32
        %xor3A_304 = vector.broadcast %xor3A_303 : i32 to vector<16xi32>
        %xor3A_305 = arith.xori %iota3A, %xor3A_304 : vector<16xi32>
        %xor3A_306 = arith.constant 43 : i32
        %xor3A_307 = vector.broadcast %xor3A_306 : i32 to vector<16xi32>
        %xor3A_308 = arith.xori %iota3A, %xor3A_307 : vector<16xi32>
        %add3A_309 = arith.addi %shift_left3A_94, %xor3A_299 : vector<16xi32>
        %gather3A_310 = tpu.vector_load_idx %arg5[%shift_right_logical3A_90, %add3A_309] : memref<512x128xf32, #tpu.memory_space<vmem>>[vector<16xi32>, vector<16xi32>], vector<16xf32>,
        %add3A_311 = arith.addi %shift_left3A_94, %xor3A_302 : vector<16xi32>
        %gather3A_312 = tpu.vector_load_idx %arg5[%shift_right_logical3A_90, %add3A_311] : memref<512x128xf32, #tpu.memory_space<vmem>>[vector<16xi32>, vector<16xi32>], vector<16xf32>,
        %add3A_313 = arith.addi %shift_left3A_94, %xor3A_305 : vector<16xi32>
        %gather3A_314 = tpu.vector_load_idx %arg5[%shift_right_logical3A_90, %add3A_313] : memref<512x128xf32, #tpu.memory_space<vmem>>[vector<16xi32>, vector<16xi32>], vector<16xf32>,
        %add3A_315 = arith.addi %shift_left3A_94, %xor3A_308 : vector<16xi32>
        %gather3A_316 = tpu.vector_load_idx %arg5[%shift_right_logical3A_90, %add3A_315] : memref<512x128xf32, #tpu.memory_space<vmem>>[vector<16xi32>, vector<16xi32>], vector<16xf32>,
        tpu.vector_store_idx %arg8[%xor3A_299, %add3A_98], %gather3A_310 : memref<64x128xf32, #tpu.memory_space<vmem>>[vector<16xi32>, vector<16xi32>], vector<16xf32>,
        tpu.vector_store_idx %arg8[%xor3A_302, %add3A_98], %gather3A_312 : memref<64x128xf32, #tpu.memory_space<vmem>>[vector<16xi32>, vector<16xi32>], vector<16xf32>,
        tpu.vector_store_idx %arg8[%xor3A_305, %add3A_98], %gather3A_314 : memref<64x128xf32, #tpu.memory_space<vmem>>[vector<16xi32>, vector<16xi32>], vector<16xf32>,
        tpu.vector_store_idx %arg8[%xor3A_308, %add3A_98], %gather3A_316 : memref<64x128xf32, #tpu.memory_space<vmem>>[vector<16xi32>, vector<16xi32>], vector<16xf32>,
        %xor3A_317 = arith.constant 44 : i32
        %xor3A_318 = vector.broadcast %xor3A_317 : i32 to vector<16xi32>
        %xor3A_319 = arith.xori %iota3A, %xor3A_318 : vector<16xi32>
        %xor3A_320 = arith.constant 45 : i32
        %xor3A_321 = vector.broadcast %xor3A_320 : i32 to vector<16xi32>
        %xor3A_322 = arith.xori %iota3A, %xor3A_321 : vector<16xi32>
        %xor3A_323 = arith.constant 46 : i32
        %xor3A_324 = vector.broadcast %xor3A_323 : i32 to vector<16xi32>
        %xor3A_325 = arith.xori %iota3A, %xor3A_324 : vector<16xi32>
        %xor3A_326 = arith.constant 47 : i32
        %xor3A_327 = vector.broadcast %xor3A_326 : i32 to vector<16xi32>
        %xor3A_328 = arith.xori %iota3A, %xor3A_327 : vector<16xi32>
        %add3A_329 = arith.addi %shift_left3A_94, %xor3A_319 : vector<16xi32>
        %gather3A_330 = tpu.vector_load_idx %arg5[%shift_right_logical3A_90, %add3A_329] : memref<512x128xf32, #tpu.memory_space<vmem>>[vector<16xi32>, vector<16xi32>], vector<16xf32>,
        %add3A_331 = arith.addi %shift_left3A_94, %xor3A_322 : vector<16xi32>
        %gather3A_332 = tpu.vector_load_idx %arg5[%shift_right_logical3A_90, %add3A_331] : memref<512x128xf32, #tpu.memory_space<vmem>>[vector<16xi32>, vector<16xi32>], vector<16xf32>,
        %add3A_333 = arith.addi %shift_left3A_94, %xor3A_325 : vector<16xi32>
        %gather3A_334 = tpu.vector_load_idx %arg5[%shift_right_logical3A_90, %add3A_333] : memref<512x128xf32, #tpu.memory_space<vmem>>[vector<16xi32>, vector<16xi32>], vector<16xf32>,
        %add3A_335 = arith.addi %shift_left3A_94, %xor3A_328 : vector<16xi32>
        %gather3A_336 = tpu.vector_load_idx %arg5[%shift_right_logical3A_90, %add3A_335] : memref<512x128xf32, #tpu.memory_space<vmem>>[vector<16xi32>, vector<16xi32>], vector<16xf32>,
        tpu.vector_store_idx %arg8[%xor3A_319, %add3A_98], %gather3A_330 : memref<64x128xf32, #tpu.memory_space<vmem>>[vector<16xi32>, vector<16xi32>], vector<16xf32>,
        tpu.vector_store_idx %arg8[%xor3A_322, %add3A_98], %gather3A_332 : memref<64x128xf32, #tpu.memory_space<vmem>>[vector<16xi32>, vector<16xi32>], vector<16xf32>,
        tpu.vector_store_idx %arg8[%xor3A_325, %add3A_98], %gather3A_334 : memref<64x128xf32, #tpu.memory_space<vmem>>[vector<16xi32>, vector<16xi32>], vector<16xf32>,
        tpu.vector_store_idx %arg8[%xor3A_328, %add3A_98], %gather3A_336 : memref<64x128xf32, #tpu.memory_space<vmem>>[vector<16xi32>, vector<16xi32>], vector<16xf32>,
        %xor3A_337 = arith.constant 48 : i32
        %xor3A_338 = vector.broadcast %xor3A_337 : i32 to vector<16xi32>
        %xor3A_339 = arith.xori %iota3A, %xor3A_338 : vector<16xi32>
        %xor3A_340 = arith.constant 49 : i32
        %xor3A_341 = vector.broadcast %xor3A_340 : i32 to vector<16xi32>
        %xor3A_342 = arith.xori %iota3A, %xor3A_341 : vector<16xi32>
        %xor3A_343 = arith.constant 50 : i32
        %xor3A_344 = vector.broadcast %xor3A_343 : i32 to vector<16xi32>
        %xor3A_345 = arith.xori %iota3A, %xor3A_344 : vector<16xi32>
        %xor3A_346 = arith.constant 51 : i32
        %xor3A_347 = vector.broadcast %xor3A_346 : i32 to vector<16xi32>
        %xor3A_348 = arith.xori %iota3A, %xor3A_347 : vector<16xi32>
        %add3A_349 = arith.addi %shift_left3A_94, %xor3A_339 : vector<16xi32>
        %gather3A_350 = tpu.vector_load_idx %arg5[%shift_right_logical3A_90, %add3A_349] : memref<512x128xf32, #tpu.memory_space<vmem>>[vector<16xi32>, vector<16xi32>], vector<16xf32>,
        %add3A_351 = arith.addi %shift_left3A_94, %xor3A_342 : vector<16xi32>
        %gather3A_352 = tpu.vector_load_idx %arg5[%shift_right_logical3A_90, %add3A_351] : memref<512x128xf32, #tpu.memory_space<vmem>>[vector<16xi32>, vector<16xi32>], vector<16xf32>,
        %add3A_353 = arith.addi %shift_left3A_94, %xor3A_345 : vector<16xi32>
        %gather3A_354 = tpu.vector_load_idx %arg5[%shift_right_logical3A_90, %add3A_353] : memref<512x128xf32, #tpu.memory_space<vmem>>[vector<16xi32>, vector<16xi32>], vector<16xf32>,
        %add3A_355 = arith.addi %shift_left3A_94, %xor3A_348 : vector<16xi32>
        %gather3A_356 = tpu.vector_load_idx %arg5[%shift_right_logical3A_90, %add3A_355] : memref<512x128xf32, #tpu.memory_space<vmem>>[vector<16xi32>, vector<16xi32>], vector<16xf32>,
        tpu.vector_store_idx %arg8[%xor3A_339, %add3A_98], %gather3A_350 : memref<64x128xf32, #tpu.memory_space<vmem>>[vector<16xi32>, vector<16xi32>], vector<16xf32>,
        tpu.vector_store_idx %arg8[%xor3A_342, %add3A_98], %gather3A_352 : memref<64x128xf32, #tpu.memory_space<vmem>>[vector<16xi32>, vector<16xi32>], vector<16xf32>,
        tpu.vector_store_idx %arg8[%xor3A_345, %add3A_98], %gather3A_354 : memref<64x128xf32, #tpu.memory_space<vmem>>[vector<16xi32>, vector<16xi32>], vector<16xf32>,
        tpu.vector_store_idx %arg8[%xor3A_348, %add3A_98], %gather3A_356 : memref<64x128xf32, #tpu.memory_space<vmem>>[vector<16xi32>, vector<16xi32>], vector<16xf32>,
        %xor3A_357 = arith.constant 52 : i32
        %xor3A_358 = vector.broadcast %xor3A_357 : i32 to vector<16xi32>
        %xor3A_359 = arith.xori %iota3A, %xor3A_358 : vector<16xi32>
        %xor3A_360 = arith.constant 53 : i32
        %xor3A_361 = vector.broadcast %xor3A_360 : i32 to vector<16xi32>
        %xor3A_362 = arith.xori %iota3A, %xor3A_361 : vector<16xi32>
        %xor3A_363 = arith.constant 54 : i32
        %xor3A_364 = vector.broadcast %xor3A_363 : i32 to vector<16xi32>
        %xor3A_365 = arith.xori %iota3A, %xor3A_364 : vector<16xi32>
        %xor3A_366 = arith.constant 55 : i32
        %xor3A_367 = vector.broadcast %xor3A_366 : i32 to vector<16xi32>
        %xor3A_368 = arith.xori %iota3A, %xor3A_367 : vector<16xi32>
        %add3A_369 = arith.addi %shift_left3A_94, %xor3A_359 : vector<16xi32>
        %gather3A_370 = tpu.vector_load_idx %arg5[%shift_right_logical3A_90, %add3A_369] : memref<512x128xf32, #tpu.memory_space<vmem>>[vector<16xi32>, vector<16xi32>], vector<16xf32>,
        %add3A_371 = arith.addi %shift_left3A_94, %xor3A_362 : vector<16xi32>
        %gather3A_372 = tpu.vector_load_idx %arg5[%shift_right_logical3A_90, %add3A_371] : memref<512x128xf32, #tpu.memory_space<vmem>>[vector<16xi32>, vector<16xi32>], vector<16xf32>,
        %add3A_373 = arith.addi %shift_left3A_94, %xor3A_365 : vector<16xi32>
        %gather3A_374 = tpu.vector_load_idx %arg5[%shift_right_logical3A_90, %add3A_373] : memref<512x128xf32, #tpu.memory_space<vmem>>[vector<16xi32>, vector<16xi32>], vector<16xf32>,
        %add3A_375 = arith.addi %shift_left3A_94, %xor3A_368 : vector<16xi32>
        %gather3A_376 = tpu.vector_load_idx %arg5[%shift_right_logical3A_90, %add3A_375] : memref<512x128xf32, #tpu.memory_space<vmem>>[vector<16xi32>, vector<16xi32>], vector<16xf32>,
        tpu.vector_store_idx %arg8[%xor3A_359, %add3A_98], %gather3A_370 : memref<64x128xf32, #tpu.memory_space<vmem>>[vector<16xi32>, vector<16xi32>], vector<16xf32>,
        tpu.vector_store_idx %arg8[%xor3A_362, %add3A_98], %gather3A_372 : memref<64x128xf32, #tpu.memory_space<vmem>>[vector<16xi32>, vector<16xi32>], vector<16xf32>,
        tpu.vector_store_idx %arg8[%xor3A_365, %add3A_98], %gather3A_374 : memref<64x128xf32, #tpu.memory_space<vmem>>[vector<16xi32>, vector<16xi32>], vector<16xf32>,
        tpu.vector_store_idx %arg8[%xor3A_368, %add3A_98], %gather3A_376 : memref<64x128xf32, #tpu.memory_space<vmem>>[vector<16xi32>, vector<16xi32>], vector<16xf32>,
        %xor3A_377 = arith.constant 56 : i32
        %xor3A_378 = vector.broadcast %xor3A_377 : i32 to vector<16xi32>
        %xor3A_379 = arith.xori %iota3A, %xor3A_378 : vector<16xi32>
        %xor3A_380 = arith.constant 57 : i32
        %xor3A_381 = vector.broadcast %xor3A_380 : i32 to vector<16xi32>
        %xor3A_382 = arith.xori %iota3A, %xor3A_381 : vector<16xi32>
        %xor3A_383 = arith.constant 58 : i32
        %xor3A_384 = vector.broadcast %xor3A_383 : i32 to vector<16xi32>
        %xor3A_385 = arith.xori %iota3A, %xor3A_384 : vector<16xi32>
        %xor3A_386 = arith.constant 59 : i32
        %xor3A_387 = vector.broadcast %xor3A_386 : i32 to vector<16xi32>
        %xor3A_388 = arith.xori %iota3A, %xor3A_387 : vector<16xi32>
        %add3A_389 = arith.addi %shift_left3A_94, %xor3A_379 : vector<16xi32>
        %gather3A_390 = tpu.vector_load_idx %arg5[%shift_right_logical3A_90, %add3A_389] : memref<512x128xf32, #tpu.memory_space<vmem>>[vector<16xi32>, vector<16xi32>], vector<16xf32>,
        %add3A_391 = arith.addi %shift_left3A_94, %xor3A_382 : vector<16xi32>
        %gather3A_392 = tpu.vector_load_idx %arg5[%shift_right_logical3A_90, %add3A_391] : memref<512x128xf32, #tpu.memory_space<vmem>>[vector<16xi32>, vector<16xi32>], vector<16xf32>,
        %add3A_393 = arith.addi %shift_left3A_94, %xor3A_385 : vector<16xi32>
        %gather3A_394 = tpu.vector_load_idx %arg5[%shift_right_logical3A_90, %add3A_393] : memref<512x128xf32, #tpu.memory_space<vmem>>[vector<16xi32>, vector<16xi32>], vector<16xf32>,
        %add3A_395 = arith.addi %shift_left3A_94, %xor3A_388 : vector<16xi32>
        %gather3A_396 = tpu.vector_load_idx %arg5[%shift_right_logical3A_90, %add3A_395] : memref<512x128xf32, #tpu.memory_space<vmem>>[vector<16xi32>, vector<16xi32>], vector<16xf32>,
        tpu.vector_store_idx %arg8[%xor3A_379, %add3A_98], %gather3A_390 : memref<64x128xf32, #tpu.memory_space<vmem>>[vector<16xi32>, vector<16xi32>], vector<16xf32>,
        tpu.vector_store_idx %arg8[%xor3A_382, %add3A_98], %gather3A_392 : memref<64x128xf32, #tpu.memory_space<vmem>>[vector<16xi32>, vector<16xi32>], vector<16xf32>,
        tpu.vector_store_idx %arg8[%xor3A_385, %add3A_98], %gather3A_394 : memref<64x128xf32, #tpu.memory_space<vmem>>[vector<16xi32>, vector<16xi32>], vector<16xf32>,
        tpu.vector_store_idx %arg8[%xor3A_388, %add3A_98], %gather3A_396 : memref<64x128xf32, #tpu.memory_space<vmem>>[vector<16xi32>, vector<16xi32>], vector<16xf32>,
        %xor3A_397 = arith.constant 60 : i32
        %xor3A_398 = vector.broadcast %xor3A_397 : i32 to vector<16xi32>
        %xor3A_399 = arith.xori %iota3A, %xor3A_398 : vector<16xi32>
        %xor3A_400 = arith.constant 61 : i32
        %xor3A_401 = vector.broadcast %xor3A_400 : i32 to vector<16xi32>
        %xor3A_402 = arith.xori %iota3A, %xor3A_401 : vector<16xi32>
        %xor3A_403 = arith.constant 62 : i32
        %xor3A_404 = vector.broadcast %xor3A_403 : i32 to vector<16xi32>
        %xor3A_405 = arith.xori %iota3A, %xor3A_404 : vector<16xi32>
        %xor3A_406 = arith.constant 63 : i32
        %xor3A_407 = vector.broadcast %xor3A_406 : i32 to vector<16xi32>
        %xor3A_408 = arith.xori %iota3A, %xor3A_407 : vector<16xi32>
        %add3A_409 = arith.addi %shift_left3A_94, %xor3A_399 : vector<16xi32>
        %gather3A_410 = tpu.vector_load_idx %arg5[%shift_right_logical3A_90, %add3A_409] : memref<512x128xf32, #tpu.memory_space<vmem>>[vector<16xi32>, vector<16xi32>], vector<16xf32>,
        %add3A_411 = arith.addi %shift_left3A_94, %xor3A_402 : vector<16xi32>
        %gather3A_412 = tpu.vector_load_idx %arg5[%shift_right_logical3A_90, %add3A_411] : memref<512x128xf32, #tpu.memory_space<vmem>>[vector<16xi32>, vector<16xi32>], vector<16xf32>,
        %add3A_413 = arith.addi %shift_left3A_94, %xor3A_405 : vector<16xi32>
        %gather3A_414 = tpu.vector_load_idx %arg5[%shift_right_logical3A_90, %add3A_413] : memref<512x128xf32, #tpu.memory_space<vmem>>[vector<16xi32>, vector<16xi32>], vector<16xf32>,
        %add3A_415 = arith.addi %shift_left3A_94, %xor3A_408 : vector<16xi32>
        %gather3A_416 = tpu.vector_load_idx %arg5[%shift_right_logical3A_90, %add3A_415] : memref<512x128xf32, #tpu.memory_space<vmem>>[vector<16xi32>, vector<16xi32>], vector<16xf32>,
        tpu.vector_store_idx %arg8[%xor3A_399, %add3A_98], %gather3A_410 : memref<64x128xf32, #tpu.memory_space<vmem>>[vector<16xi32>, vector<16xi32>], vector<16xf32>,
        tpu.vector_store_idx %arg8[%xor3A_402, %add3A_98], %gather3A_412 : memref<64x128xf32, #tpu.memory_space<vmem>>[vector<16xi32>, vector<16xi32>], vector<16xf32>,
        tpu.vector_store_idx %arg8[%xor3A_405, %add3A_98], %gather3A_414 : memref<64x128xf32, #tpu.memory_space<vmem>>[vector<16xi32>, vector<16xi32>], vector<16xf32>,
        tpu.vector_store_idx %arg8[%xor3A_408, %add3A_98], %gather3A_416 : memref<64x128xf32, #tpu.memory_space<vmem>>[vector<16xi32>, vector<16xi32>], vector<16xf32>,
      }
      %scan3A_43 = arith.constant 8 : i32
      %add3A_44 = arith.constant 2 : i32
      %add3A_45 = arith.addi %add3A_30, %add3A_44 : i32
      %lt3A = arith.constant 64 : i32
      %lt3A_46 = arith.cmpi slt, %add3A_45, %lt3A : i32
      %convert_element_type3A_47 = arith.extui %lt3A_46 : i1 to i32
      %cond3A_48 = arith.constant 0 : i32
      %cond3A_49 = arith.cmpi ne, %convert_element_type3A_47, %cond3A_48 : i32
      scf.if %cond3A_49 {
        %add3A_85 = arith.constant 256 : i32
        %add3A_86 = arith.addi %add3A_33, %add3A_85 : i32
        %dma_start3A_87 = tpu.memref_slice %arg2[%add3A_86] : memref<262144xi32, #tpu.memory_space<hbm>> -> memref<128xi32, #tpu.memory_space<hbm>>
        %dma_start3A_88 = tpu.memref_slice %arg2[%add3A_86] : memref<262144xi32, #tpu.memory_space<hbm>> -> memref<128xi32, #tpu.memory_space<hbm>>
        tpu.enqueue_dma source(%dma_start3A_88 : memref<128xi32, #tpu.memory_space<hbm>>) target(%arg6 : memref<128xi32, #tpu.memory_space<vmem>>) target_semaphore(%arg10 : memref<!tpu.dma_semaphore, #tpu.memory_space<semaphore_mem>>)
      } else {
      }
      %dma_start3A_50 = arith.constant 0 : i32
      %dma_start3A_51 = tpu.memref_slice %arg4[%dma_start3A_50, %add3A_33] : memref<64x262144xf32, #tpu.memory_space<hbm>> -> memref<64x128xf32, #tpu.memory_space<hbm>>
      %dma_start3A_52 = arith.constant 0 : i32
      %dma_start3A_53 = tpu.memref_slice %arg4[%dma_start3A_52, %add3A_33] : memref<64x262144xf32, #tpu.memory_space<hbm>> -> memref<64x128xf32, #tpu.memory_space<hbm>>
      tpu.enqueue_dma source(%arg8 : memref<64x128xf32, #tpu.memory_space<vmem>>) target(%dma_start3A_53 : memref<64x128xf32, #tpu.memory_space<hbm>>) target_semaphore(%arg12 : memref<!tpu.dma_semaphore, #tpu.memory_space<semaphore_mem>>)
      %mul3A_54 = arith.constant 2 : i32
      %mul3A_55 = arith.muli %scan3A_26, %mul3A_54 : i32
      %add3A_56 = arith.constant 1 : i32
      %add3A_57 = arith.addi %mul3A_55, %add3A_56 : i32
      %mul3A_58 = arith.constant 128 : i32
      %mul3A_59 = arith.muli %add3A_57, %mul3A_58 : i32
      %add3A_60 = arith.addi %mul3A_2, %mul3A_59 : i32
      %dma_wait3A_61 = tpu.memref_slice %arg2[%add3A_60] : memref<262144xi32, #tpu.memory_space<hbm>> -> memref<128xi32, #tpu.memory_space<hbm>>
      %dma_wait3A_62 = tpu.memref_slice %arg2[%add3A_60] : memref<262144xi32, #tpu.memory_space<hbm>> -> memref<128xi32, #tpu.memory_space<hbm>>
      tpu.wait_dma2 semaphore(%arg11 : memref<!tpu.dma_semaphore, #tpu.memory_space<semaphore_mem>>) src(%dma_wait3A_62 : memref<128xi32, #tpu.memory_space<hbm>>) dst(%arg7 : memref<128xi32, #tpu.memory_space<vmem>>)
      %ge3A_63 = arith.constant 2 : i32
      %ge3A_64 = arith.cmpi sge, %add3A_57, %ge3A_63 : i32
      %convert_element_type3A_65 = arith.extui %ge3A_64 : i1 to i32
      %cond3A_66 = arith.constant 0 : i32
      %cond3A_67 = arith.cmpi ne, %convert_element_type3A_65, %cond3A_66 : i32
      scf.if %cond3A_67 {
        %sub3A = arith.constant 256 : i32
        %sub3A_85 = arith.subi %add3A_60, %sub3A : i32
        %dma_wait3A_86 = arith.constant 0 : i32
        %dma_wait3A_87 = tpu.memref_slice %arg4[%dma_wait3A_86, %sub3A_85] : memref<64x262144xf32, #tpu.memory_space<hbm>> -> memref<64x128xf32, #tpu.memory_space<hbm>>
        %dma_wait3A_88 = arith.constant 0 : i32
        %dma_wait3A_89 = tpu.memref_slice %arg4[%dma_wait3A_88, %sub3A_85] : memref<64x262144xf32, #tpu.memory_space<hbm>> -> memref<64x128xf32, #tpu.memory_space<hbm>>
        tpu.wait_dma2 semaphore(%arg13 : memref<!tpu.dma_semaphore, #tpu.memory_space<semaphore_mem>>) src(%arg9 : memref<64x128xf32, #tpu.memory_space<vmem>>) dst(%dma_wait3A_89 : memref<64x128xf32, #tpu.memory_space<hbm>>)
      } else {
      }
      %scan3A_68 = arith.constant 0 : i32
      %scan3A_69 = arith.constant 0 : i32
      %scan3A_70 = arith.constant 8 : i32
      %scan3A_71 = arith.addi %scan3A_69, %scan3A_70 : i32
      %scan3A_72 = arith.constant 1 : i32
      scf.for %scan3A_85 = %scan3A_69 to %scan3A_71 step %scan3A_72  : i32 {
        %mul3A_86 = arith.constant 16 : i32
        %mul3A_87 = arith.muli %scan3A_85, %mul3A_86 : i32
        %get3A = arith.index_cast %mul3A_87 : i32 to index
        %get3A_88 = tpu.vector_load %arg7[%get3A] {strides = array<i32>} : memref<128xi32, #tpu.memory_space<vmem>>, vector<16xi32>,
        %shift_right_logical3A = arith.constant 1 : i32
        %shift_right_logical3A_89 = vector.broadcast %shift_right_logical3A : i32 to vector<16xi32>
        %shift_right_logical3A_90 = arith.shrui %get3A_88, %shift_right_logical3A_89 : vector<16xi32>
        %and3A = arith.constant 1 : i32
        %and3A_91 = vector.broadcast %and3A : i32 to vector<16xi32>
        %and3A_92 = arith.andi %get3A_88, %and3A_91 : vector<16xi32>
        %shift_left3A = arith.constant 6 : i32
        %shift_left3A_93 = vector.broadcast %shift_left3A : i32 to vector<16xi32>
        %shift_left3A_94 = arith.shli %and3A_92, %shift_left3A_93 : vector<16xi32>
        %mul3A_95 = arith.constant 16 : i32
        %mul3A_96 = arith.muli %scan3A_85, %mul3A_95 : i32
        %add3A_97 = vector.broadcast %mul3A_96 : i32 to vector<16xi32>
        %add3A_98 = arith.addi %add3A_97, %iota3A : vector<16xi32>
        %xor3A = arith.constant 0 : i32
        %xor3A_99 = vector.broadcast %xor3A : i32 to vector<16xi32>
        %xor3A_100 = arith.xori %iota3A, %xor3A_99 : vector<16xi32>
        %xor3A_101 = arith.constant 1 : i32
        %xor3A_102 = vector.broadcast %xor3A_101 : i32 to vector<16xi32>
        %xor3A_103 = arith.xori %iota3A, %xor3A_102 : vector<16xi32>
        %xor3A_104 = arith.constant 2 : i32
        %xor3A_105 = vector.broadcast %xor3A_104 : i32 to vector<16xi32>
        %xor3A_106 = arith.xori %iota3A, %xor3A_105 : vector<16xi32>
        %xor3A_107 = arith.constant 3 : i32
        %xor3A_108 = vector.broadcast %xor3A_107 : i32 to vector<16xi32>
        %xor3A_109 = arith.xori %iota3A, %xor3A_108 : vector<16xi32>
        %add3A_110 = arith.addi %shift_left3A_94, %xor3A_100 : vector<16xi32>
        %gather3A = tpu.vector_load_idx %arg5[%shift_right_logical3A_90, %add3A_110] : memref<512x128xf32, #tpu.memory_space<vmem>>[vector<16xi32>, vector<16xi32>], vector<16xf32>,
        %add3A_111 = arith.addi %shift_left3A_94, %xor3A_103 : vector<16xi32>
        %gather3A_112 = tpu.vector_load_idx %arg5[%shift_right_logical3A_90, %add3A_111] : memref<512x128xf32, #tpu.memory_space<vmem>>[vector<16xi32>, vector<16xi32>], vector<16xf32>,
        %add3A_113 = arith.addi %shift_left3A_94, %xor3A_106 : vector<16xi32>
        %gather3A_114 = tpu.vector_load_idx %arg5[%shift_right_logical3A_90, %add3A_113] : memref<512x128xf32, #tpu.memory_space<vmem>>[vector<16xi32>, vector<16xi32>], vector<16xf32>,
        %add3A_115 = arith.addi %shift_left3A_94, %xor3A_109 : vector<16xi32>
        %gather3A_116 = tpu.vector_load_idx %arg5[%shift_right_logical3A_90, %add3A_115] : memref<512x128xf32, #tpu.memory_space<vmem>>[vector<16xi32>, vector<16xi32>], vector<16xf32>,
        tpu.vector_store_idx %arg9[%xor3A_100, %add3A_98], %gather3A : memref<64x128xf32, #tpu.memory_space<vmem>>[vector<16xi32>, vector<16xi32>], vector<16xf32>,
        tpu.vector_store_idx %arg9[%xor3A_103, %add3A_98], %gather3A_112 : memref<64x128xf32, #tpu.memory_space<vmem>>[vector<16xi32>, vector<16xi32>], vector<16xf32>,
        tpu.vector_store_idx %arg9[%xor3A_106, %add3A_98], %gather3A_114 : memref<64x128xf32, #tpu.memory_space<vmem>>[vector<16xi32>, vector<16xi32>], vector<16xf32>,
        tpu.vector_store_idx %arg9[%xor3A_109, %add3A_98], %gather3A_116 : memref<64x128xf32, #tpu.memory_space<vmem>>[vector<16xi32>, vector<16xi32>], vector<16xf32>,
        %xor3A_117 = arith.constant 4 : i32
        %xor3A_118 = vector.broadcast %xor3A_117 : i32 to vector<16xi32>
        %xor3A_119 = arith.xori %iota3A, %xor3A_118 : vector<16xi32>
        %xor3A_120 = arith.constant 5 : i32
        %xor3A_121 = vector.broadcast %xor3A_120 : i32 to vector<16xi32>
        %xor3A_122 = arith.xori %iota3A, %xor3A_121 : vector<16xi32>
        %xor3A_123 = arith.constant 6 : i32
        %xor3A_124 = vector.broadcast %xor3A_123 : i32 to vector<16xi32>
        %xor3A_125 = arith.xori %iota3A, %xor3A_124 : vector<16xi32>
        %xor3A_126 = arith.constant 7 : i32
        %xor3A_127 = vector.broadcast %xor3A_126 : i32 to vector<16xi32>
        %xor3A_128 = arith.xori %iota3A, %xor3A_127 : vector<16xi32>
        %add3A_129 = arith.addi %shift_left3A_94, %xor3A_119 : vector<16xi32>
        %gather3A_130 = tpu.vector_load_idx %arg5[%shift_right_logical3A_90, %add3A_129] : memref<512x128xf32, #tpu.memory_space<vmem>>[vector<16xi32>, vector<16xi32>], vector<16xf32>,
        %add3A_131 = arith.addi %shift_left3A_94, %xor3A_122 : vector<16xi32>
        %gather3A_132 = tpu.vector_load_idx %arg5[%shift_right_logical3A_90, %add3A_131] : memref<512x128xf32, #tpu.memory_space<vmem>>[vector<16xi32>, vector<16xi32>], vector<16xf32>,
        %add3A_133 = arith.addi %shift_left3A_94, %xor3A_125 : vector<16xi32>
        %gather3A_134 = tpu.vector_load_idx %arg5[%shift_right_logical3A_90, %add3A_133] : memref<512x128xf32, #tpu.memory_space<vmem>>[vector<16xi32>, vector<16xi32>], vector<16xf32>,
        %add3A_135 = arith.addi %shift_left3A_94, %xor3A_128 : vector<16xi32>
        %gather3A_136 = tpu.vector_load_idx %arg5[%shift_right_logical3A_90, %add3A_135] : memref<512x128xf32, #tpu.memory_space<vmem>>[vector<16xi32>, vector<16xi32>], vector<16xf32>,
        tpu.vector_store_idx %arg9[%xor3A_119, %add3A_98], %gather3A_130 : memref<64x128xf32, #tpu.memory_space<vmem>>[vector<16xi32>, vector<16xi32>], vector<16xf32>,
        tpu.vector_store_idx %arg9[%xor3A_122, %add3A_98], %gather3A_132 : memref<64x128xf32, #tpu.memory_space<vmem>>[vector<16xi32>, vector<16xi32>], vector<16xf32>,
        tpu.vector_store_idx %arg9[%xor3A_125, %add3A_98], %gather3A_134 : memref<64x128xf32, #tpu.memory_space<vmem>>[vector<16xi32>, vector<16xi32>], vector<16xf32>,
        tpu.vector_store_idx %arg9[%xor3A_128, %add3A_98], %gather3A_136 : memref<64x128xf32, #tpu.memory_space<vmem>>[vector<16xi32>, vector<16xi32>], vector<16xf32>,
        %xor3A_137 = arith.constant 8 : i32
        %xor3A_138 = vector.broadcast %xor3A_137 : i32 to vector<16xi32>
        %xor3A_139 = arith.xori %iota3A, %xor3A_138 : vector<16xi32>
        %xor3A_140 = arith.constant 9 : i32
        %xor3A_141 = vector.broadcast %xor3A_140 : i32 to vector<16xi32>
        %xor3A_142 = arith.xori %iota3A, %xor3A_141 : vector<16xi32>
        %xor3A_143 = arith.constant 10 : i32
        %xor3A_144 = vector.broadcast %xor3A_143 : i32 to vector<16xi32>
        %xor3A_145 = arith.xori %iota3A, %xor3A_144 : vector<16xi32>
        %xor3A_146 = arith.constant 11 : i32
        %xor3A_147 = vector.broadcast %xor3A_146 : i32 to vector<16xi32>
        %xor3A_148 = arith.xori %iota3A, %xor3A_147 : vector<16xi32>
        %add3A_149 = arith.addi %shift_left3A_94, %xor3A_139 : vector<16xi32>
        %gather3A_150 = tpu.vector_load_idx %arg5[%shift_right_logical3A_90, %add3A_149] : memref<512x128xf32, #tpu.memory_space<vmem>>[vector<16xi32>, vector<16xi32>], vector<16xf32>,
        %add3A_151 = arith.addi %shift_left3A_94, %xor3A_142 : vector<16xi32>
        %gather3A_152 = tpu.vector_load_idx %arg5[%shift_right_logical3A_90, %add3A_151] : memref<512x128xf32, #tpu.memory_space<vmem>>[vector<16xi32>, vector<16xi32>], vector<16xf32>,
        %add3A_153 = arith.addi %shift_left3A_94, %xor3A_145 : vector<16xi32>
        %gather3A_154 = tpu.vector_load_idx %arg5[%shift_right_logical3A_90, %add3A_153] : memref<512x128xf32, #tpu.memory_space<vmem>>[vector<16xi32>, vector<16xi32>], vector<16xf32>,
        %add3A_155 = arith.addi %shift_left3A_94, %xor3A_148 : vector<16xi32>
        %gather3A_156 = tpu.vector_load_idx %arg5[%shift_right_logical3A_90, %add3A_155] : memref<512x128xf32, #tpu.memory_space<vmem>>[vector<16xi32>, vector<16xi32>], vector<16xf32>,
        tpu.vector_store_idx %arg9[%xor3A_139, %add3A_98], %gather3A_150 : memref<64x128xf32, #tpu.memory_space<vmem>>[vector<16xi32>, vector<16xi32>], vector<16xf32>,
        tpu.vector_store_idx %arg9[%xor3A_142, %add3A_98], %gather3A_152 : memref<64x128xf32, #tpu.memory_space<vmem>>[vector<16xi32>, vector<16xi32>], vector<16xf32>,
        tpu.vector_store_idx %arg9[%xor3A_145, %add3A_98], %gather3A_154 : memref<64x128xf32, #tpu.memory_space<vmem>>[vector<16xi32>, vector<16xi32>], vector<16xf32>,
        tpu.vector_store_idx %arg9[%xor3A_148, %add3A_98], %gather3A_156 : memref<64x128xf32, #tpu.memory_space<vmem>>[vector<16xi32>, vector<16xi32>], vector<16xf32>,
        %xor3A_157 = arith.constant 12 : i32
        %xor3A_158 = vector.broadcast %xor3A_157 : i32 to vector<16xi32>
        %xor3A_159 = arith.xori %iota3A, %xor3A_158 : vector<16xi32>
        %xor3A_160 = arith.constant 13 : i32
        %xor3A_161 = vector.broadcast %xor3A_160 : i32 to vector<16xi32>
        %xor3A_162 = arith.xori %iota3A, %xor3A_161 : vector<16xi32>
        %xor3A_163 = arith.constant 14 : i32
        %xor3A_164 = vector.broadcast %xor3A_163 : i32 to vector<16xi32>
        %xor3A_165 = arith.xori %iota3A, %xor3A_164 : vector<16xi32>
        %xor3A_166 = arith.constant 15 : i32
        %xor3A_167 = vector.broadcast %xor3A_166 : i32 to vector<16xi32>
        %xor3A_168 = arith.xori %iota3A, %xor3A_167 : vector<16xi32>
        %add3A_169 = arith.addi %shift_left3A_94, %xor3A_159 : vector<16xi32>
        %gather3A_170 = tpu.vector_load_idx %arg5[%shift_right_logical3A_90, %add3A_169] : memref<512x128xf32, #tpu.memory_space<vmem>>[vector<16xi32>, vector<16xi32>], vector<16xf32>,
        %add3A_171 = arith.addi %shift_left3A_94, %xor3A_162 : vector<16xi32>
        %gather3A_172 = tpu.vector_load_idx %arg5[%shift_right_logical3A_90, %add3A_171] : memref<512x128xf32, #tpu.memory_space<vmem>>[vector<16xi32>, vector<16xi32>], vector<16xf32>,
        %add3A_173 = arith.addi %shift_left3A_94, %xor3A_165 : vector<16xi32>
        %gather3A_174 = tpu.vector_load_idx %arg5[%shift_right_logical3A_90, %add3A_173] : memref<512x128xf32, #tpu.memory_space<vmem>>[vector<16xi32>, vector<16xi32>], vector<16xf32>,
        %add3A_175 = arith.addi %shift_left3A_94, %xor3A_168 : vector<16xi32>
        %gather3A_176 = tpu.vector_load_idx %arg5[%shift_right_logical3A_90, %add3A_175] : memref<512x128xf32, #tpu.memory_space<vmem>>[vector<16xi32>, vector<16xi32>], vector<16xf32>,
        tpu.vector_store_idx %arg9[%xor3A_159, %add3A_98], %gather3A_170 : memref<64x128xf32, #tpu.memory_space<vmem>>[vector<16xi32>, vector<16xi32>], vector<16xf32>,
        tpu.vector_store_idx %arg9[%xor3A_162, %add3A_98], %gather3A_172 : memref<64x128xf32, #tpu.memory_space<vmem>>[vector<16xi32>, vector<16xi32>], vector<16xf32>,
        tpu.vector_store_idx %arg9[%xor3A_165, %add3A_98], %gather3A_174 : memref<64x128xf32, #tpu.memory_space<vmem>>[vector<16xi32>, vector<16xi32>], vector<16xf32>,
        tpu.vector_store_idx %arg9[%xor3A_168, %add3A_98], %gather3A_176 : memref<64x128xf32, #tpu.memory_space<vmem>>[vector<16xi32>, vector<16xi32>], vector<16xf32>,
        %xor3A_177 = arith.constant 16 : i32
        %xor3A_178 = vector.broadcast %xor3A_177 : i32 to vector<16xi32>
        %xor3A_179 = arith.xori %iota3A, %xor3A_178 : vector<16xi32>
        %xor3A_180 = arith.constant 17 : i32
        %xor3A_181 = vector.broadcast %xor3A_180 : i32 to vector<16xi32>
        %xor3A_182 = arith.xori %iota3A, %xor3A_181 : vector<16xi32>
        %xor3A_183 = arith.constant 18 : i32
        %xor3A_184 = vector.broadcast %xor3A_183 : i32 to vector<16xi32>
        %xor3A_185 = arith.xori %iota3A, %xor3A_184 : vector<16xi32>
        %xor3A_186 = arith.constant 19 : i32
        %xor3A_187 = vector.broadcast %xor3A_186 : i32 to vector<16xi32>
        %xor3A_188 = arith.xori %iota3A, %xor3A_187 : vector<16xi32>
        %add3A_189 = arith.addi %shift_left3A_94, %xor3A_179 : vector<16xi32>
        %gather3A_190 = tpu.vector_load_idx %arg5[%shift_right_logical3A_90, %add3A_189] : memref<512x128xf32, #tpu.memory_space<vmem>>[vector<16xi32>, vector<16xi32>], vector<16xf32>,
        %add3A_191 = arith.addi %shift_left3A_94, %xor3A_182 : vector<16xi32>
        %gather3A_192 = tpu.vector_load_idx %arg5[%shift_right_logical3A_90, %add3A_191] : memref<512x128xf32, #tpu.memory_space<vmem>>[vector<16xi32>, vector<16xi32>], vector<16xf32>,
        %add3A_193 = arith.addi %shift_left3A_94, %xor3A_185 : vector<16xi32>
        %gather3A_194 = tpu.vector_load_idx %arg5[%shift_right_logical3A_90, %add3A_193] : memref<512x128xf32, #tpu.memory_space<vmem>>[vector<16xi32>, vector<16xi32>], vector<16xf32>,
        %add3A_195 = arith.addi %shift_left3A_94, %xor3A_188 : vector<16xi32>
        %gather3A_196 = tpu.vector_load_idx %arg5[%shift_right_logical3A_90, %add3A_195] : memref<512x128xf32, #tpu.memory_space<vmem>>[vector<16xi32>, vector<16xi32>], vector<16xf32>,
        tpu.vector_store_idx %arg9[%xor3A_179, %add3A_98], %gather3A_190 : memref<64x128xf32, #tpu.memory_space<vmem>>[vector<16xi32>, vector<16xi32>], vector<16xf32>,
        tpu.vector_store_idx %arg9[%xor3A_182, %add3A_98], %gather3A_192 : memref<64x128xf32, #tpu.memory_space<vmem>>[vector<16xi32>, vector<16xi32>], vector<16xf32>,
        tpu.vector_store_idx %arg9[%xor3A_185, %add3A_98], %gather3A_194 : memref<64x128xf32, #tpu.memory_space<vmem>>[vector<16xi32>, vector<16xi32>], vector<16xf32>,
        tpu.vector_store_idx %arg9[%xor3A_188, %add3A_98], %gather3A_196 : memref<64x128xf32, #tpu.memory_space<vmem>>[vector<16xi32>, vector<16xi32>], vector<16xf32>,
        %xor3A_197 = arith.constant 20 : i32
        %xor3A_198 = vector.broadcast %xor3A_197 : i32 to vector<16xi32>
        %xor3A_199 = arith.xori %iota3A, %xor3A_198 : vector<16xi32>
        %xor3A_200 = arith.constant 21 : i32
        %xor3A_201 = vector.broadcast %xor3A_200 : i32 to vector<16xi32>
        %xor3A_202 = arith.xori %iota3A, %xor3A_201 : vector<16xi32>
        %xor3A_203 = arith.constant 22 : i32
        %xor3A_204 = vector.broadcast %xor3A_203 : i32 to vector<16xi32>
        %xor3A_205 = arith.xori %iota3A, %xor3A_204 : vector<16xi32>
        %xor3A_206 = arith.constant 23 : i32
        %xor3A_207 = vector.broadcast %xor3A_206 : i32 to vector<16xi32>
        %xor3A_208 = arith.xori %iota3A, %xor3A_207 : vector<16xi32>
        %add3A_209 = arith.addi %shift_left3A_94, %xor3A_199 : vector<16xi32>
        %gather3A_210 = tpu.vector_load_idx %arg5[%shift_right_logical3A_90, %add3A_209] : memref<512x128xf32, #tpu.memory_space<vmem>>[vector<16xi32>, vector<16xi32>], vector<16xf32>,
        %add3A_211 = arith.addi %shift_left3A_94, %xor3A_202 : vector<16xi32>
        %gather3A_212 = tpu.vector_load_idx %arg5[%shift_right_logical3A_90, %add3A_211] : memref<512x128xf32, #tpu.memory_space<vmem>>[vector<16xi32>, vector<16xi32>], vector<16xf32>,
        %add3A_213 = arith.addi %shift_left3A_94, %xor3A_205 : vector<16xi32>
        %gather3A_214 = tpu.vector_load_idx %arg5[%shift_right_logical3A_90, %add3A_213] : memref<512x128xf32, #tpu.memory_space<vmem>>[vector<16xi32>, vector<16xi32>], vector<16xf32>,
        %add3A_215 = arith.addi %shift_left3A_94, %xor3A_208 : vector<16xi32>
        %gather3A_216 = tpu.vector_load_idx %arg5[%shift_right_logical3A_90, %add3A_215] : memref<512x128xf32, #tpu.memory_space<vmem>>[vector<16xi32>, vector<16xi32>], vector<16xf32>,
        tpu.vector_store_idx %arg9[%xor3A_199, %add3A_98], %gather3A_210 : memref<64x128xf32, #tpu.memory_space<vmem>>[vector<16xi32>, vector<16xi32>], vector<16xf32>,
        tpu.vector_store_idx %arg9[%xor3A_202, %add3A_98], %gather3A_212 : memref<64x128xf32, #tpu.memory_space<vmem>>[vector<16xi32>, vector<16xi32>], vector<16xf32>,
        tpu.vector_store_idx %arg9[%xor3A_205, %add3A_98], %gather3A_214 : memref<64x128xf32, #tpu.memory_space<vmem>>[vector<16xi32>, vector<16xi32>], vector<16xf32>,
        tpu.vector_store_idx %arg9[%xor3A_208, %add3A_98], %gather3A_216 : memref<64x128xf32, #tpu.memory_space<vmem>>[vector<16xi32>, vector<16xi32>], vector<16xf32>,
        %xor3A_217 = arith.constant 24 : i32
        %xor3A_218 = vector.broadcast %xor3A_217 : i32 to vector<16xi32>
        %xor3A_219 = arith.xori %iota3A, %xor3A_218 : vector<16xi32>
        %xor3A_220 = arith.constant 25 : i32
        %xor3A_221 = vector.broadcast %xor3A_220 : i32 to vector<16xi32>
        %xor3A_222 = arith.xori %iota3A, %xor3A_221 : vector<16xi32>
        %xor3A_223 = arith.constant 26 : i32
        %xor3A_224 = vector.broadcast %xor3A_223 : i32 to vector<16xi32>
        %xor3A_225 = arith.xori %iota3A, %xor3A_224 : vector<16xi32>
        %xor3A_226 = arith.constant 27 : i32
        %xor3A_227 = vector.broadcast %xor3A_226 : i32 to vector<16xi32>
        %xor3A_228 = arith.xori %iota3A, %xor3A_227 : vector<16xi32>
        %add3A_229 = arith.addi %shift_left3A_94, %xor3A_219 : vector<16xi32>
        %gather3A_230 = tpu.vector_load_idx %arg5[%shift_right_logical3A_90, %add3A_229] : memref<512x128xf32, #tpu.memory_space<vmem>>[vector<16xi32>, vector<16xi32>], vector<16xf32>,
        %add3A_231 = arith.addi %shift_left3A_94, %xor3A_222 : vector<16xi32>
        %gather3A_232 = tpu.vector_load_idx %arg5[%shift_right_logical3A_90, %add3A_231] : memref<512x128xf32, #tpu.memory_space<vmem>>[vector<16xi32>, vector<16xi32>], vector<16xf32>,
        %add3A_233 = arith.addi %shift_left3A_94, %xor3A_225 : vector<16xi32>
        %gather3A_234 = tpu.vector_load_idx %arg5[%shift_right_logical3A_90, %add3A_233] : memref<512x128xf32, #tpu.memory_space<vmem>>[vector<16xi32>, vector<16xi32>], vector<16xf32>,
        %add3A_235 = arith.addi %shift_left3A_94, %xor3A_228 : vector<16xi32>
        %gather3A_236 = tpu.vector_load_idx %arg5[%shift_right_logical3A_90, %add3A_235] : memref<512x128xf32, #tpu.memory_space<vmem>>[vector<16xi32>, vector<16xi32>], vector<16xf32>,
        tpu.vector_store_idx %arg9[%xor3A_219, %add3A_98], %gather3A_230 : memref<64x128xf32, #tpu.memory_space<vmem>>[vector<16xi32>, vector<16xi32>], vector<16xf32>,
        tpu.vector_store_idx %arg9[%xor3A_222, %add3A_98], %gather3A_232 : memref<64x128xf32, #tpu.memory_space<vmem>>[vector<16xi32>, vector<16xi32>], vector<16xf32>,
        tpu.vector_store_idx %arg9[%xor3A_225, %add3A_98], %gather3A_234 : memref<64x128xf32, #tpu.memory_space<vmem>>[vector<16xi32>, vector<16xi32>], vector<16xf32>,
        tpu.vector_store_idx %arg9[%xor3A_228, %add3A_98], %gather3A_236 : memref<64x128xf32, #tpu.memory_space<vmem>>[vector<16xi32>, vector<16xi32>], vector<16xf32>,
        %xor3A_237 = arith.constant 28 : i32
        %xor3A_238 = vector.broadcast %xor3A_237 : i32 to vector<16xi32>
        %xor3A_239 = arith.xori %iota3A, %xor3A_238 : vector<16xi32>
        %xor3A_240 = arith.constant 29 : i32
        %xor3A_241 = vector.broadcast %xor3A_240 : i32 to vector<16xi32>
        %xor3A_242 = arith.xori %iota3A, %xor3A_241 : vector<16xi32>
        %xor3A_243 = arith.constant 30 : i32
        %xor3A_244 = vector.broadcast %xor3A_243 : i32 to vector<16xi32>
        %xor3A_245 = arith.xori %iota3A, %xor3A_244 : vector<16xi32>
        %xor3A_246 = arith.constant 31 : i32
        %xor3A_247 = vector.broadcast %xor3A_246 : i32 to vector<16xi32>
        %xor3A_248 = arith.xori %iota3A, %xor3A_247 : vector<16xi32>
        %add3A_249 = arith.addi %shift_left3A_94, %xor3A_239 : vector<16xi32>
        %gather3A_250 = tpu.vector_load_idx %arg5[%shift_right_logical3A_90, %add3A_249] : memref<512x128xf32, #tpu.memory_space<vmem>>[vector<16xi32>, vector<16xi32>], vector<16xf32>,
        %add3A_251 = arith.addi %shift_left3A_94, %xor3A_242 : vector<16xi32>
        %gather3A_252 = tpu.vector_load_idx %arg5[%shift_right_logical3A_90, %add3A_251] : memref<512x128xf32, #tpu.memory_space<vmem>>[vector<16xi32>, vector<16xi32>], vector<16xf32>,
        %add3A_253 = arith.addi %shift_left3A_94, %xor3A_245 : vector<16xi32>
        %gather3A_254 = tpu.vector_load_idx %arg5[%shift_right_logical3A_90, %add3A_253] : memref<512x128xf32, #tpu.memory_space<vmem>>[vector<16xi32>, vector<16xi32>], vector<16xf32>,
        %add3A_255 = arith.addi %shift_left3A_94, %xor3A_248 : vector<16xi32>
        %gather3A_256 = tpu.vector_load_idx %arg5[%shift_right_logical3A_90, %add3A_255] : memref<512x128xf32, #tpu.memory_space<vmem>>[vector<16xi32>, vector<16xi32>], vector<16xf32>,
        tpu.vector_store_idx %arg9[%xor3A_239, %add3A_98], %gather3A_250 : memref<64x128xf32, #tpu.memory_space<vmem>>[vector<16xi32>, vector<16xi32>], vector<16xf32>,
        tpu.vector_store_idx %arg9[%xor3A_242, %add3A_98], %gather3A_252 : memref<64x128xf32, #tpu.memory_space<vmem>>[vector<16xi32>, vector<16xi32>], vector<16xf32>,
        tpu.vector_store_idx %arg9[%xor3A_245, %add3A_98], %gather3A_254 : memref<64x128xf32, #tpu.memory_space<vmem>>[vector<16xi32>, vector<16xi32>], vector<16xf32>,
        tpu.vector_store_idx %arg9[%xor3A_248, %add3A_98], %gather3A_256 : memref<64x128xf32, #tpu.memory_space<vmem>>[vector<16xi32>, vector<16xi32>], vector<16xf32>,
        %xor3A_257 = arith.constant 32 : i32
        %xor3A_258 = vector.broadcast %xor3A_257 : i32 to vector<16xi32>
        %xor3A_259 = arith.xori %iota3A, %xor3A_258 : vector<16xi32>
        %xor3A_260 = arith.constant 33 : i32
        %xor3A_261 = vector.broadcast %xor3A_260 : i32 to vector<16xi32>
        %xor3A_262 = arith.xori %iota3A, %xor3A_261 : vector<16xi32>
        %xor3A_263 = arith.constant 34 : i32
        %xor3A_264 = vector.broadcast %xor3A_263 : i32 to vector<16xi32>
        %xor3A_265 = arith.xori %iota3A, %xor3A_264 : vector<16xi32>
        %xor3A_266 = arith.constant 35 : i32
        %xor3A_267 = vector.broadcast %xor3A_266 : i32 to vector<16xi32>
        %xor3A_268 = arith.xori %iota3A, %xor3A_267 : vector<16xi32>
        %add3A_269 = arith.addi %shift_left3A_94, %xor3A_259 : vector<16xi32>
        %gather3A_270 = tpu.vector_load_idx %arg5[%shift_right_logical3A_90, %add3A_269] : memref<512x128xf32, #tpu.memory_space<vmem>>[vector<16xi32>, vector<16xi32>], vector<16xf32>,
        %add3A_271 = arith.addi %shift_left3A_94, %xor3A_262 : vector<16xi32>
        %gather3A_272 = tpu.vector_load_idx %arg5[%shift_right_logical3A_90, %add3A_271] : memref<512x128xf32, #tpu.memory_space<vmem>>[vector<16xi32>, vector<16xi32>], vector<16xf32>,
        %add3A_273 = arith.addi %shift_left3A_94, %xor3A_265 : vector<16xi32>
        %gather3A_274 = tpu.vector_load_idx %arg5[%shift_right_logical3A_90, %add3A_273] : memref<512x128xf32, #tpu.memory_space<vmem>>[vector<16xi32>, vector<16xi32>], vector<16xf32>,
        %add3A_275 = arith.addi %shift_left3A_94, %xor3A_268 : vector<16xi32>
        %gather3A_276 = tpu.vector_load_idx %arg5[%shift_right_logical3A_90, %add3A_275] : memref<512x128xf32, #tpu.memory_space<vmem>>[vector<16xi32>, vector<16xi32>], vector<16xf32>,
        tpu.vector_store_idx %arg9[%xor3A_259, %add3A_98], %gather3A_270 : memref<64x128xf32, #tpu.memory_space<vmem>>[vector<16xi32>, vector<16xi32>], vector<16xf32>,
        tpu.vector_store_idx %arg9[%xor3A_262, %add3A_98], %gather3A_272 : memref<64x128xf32, #tpu.memory_space<vmem>>[vector<16xi32>, vector<16xi32>], vector<16xf32>,
        tpu.vector_store_idx %arg9[%xor3A_265, %add3A_98], %gather3A_274 : memref<64x128xf32, #tpu.memory_space<vmem>>[vector<16xi32>, vector<16xi32>], vector<16xf32>,
        tpu.vector_store_idx %arg9[%xor3A_268, %add3A_98], %gather3A_276 : memref<64x128xf32, #tpu.memory_space<vmem>>[vector<16xi32>, vector<16xi32>], vector<16xf32>,
        %xor3A_277 = arith.constant 36 : i32
        %xor3A_278 = vector.broadcast %xor3A_277 : i32 to vector<16xi32>
        %xor3A_279 = arith.xori %iota3A, %xor3A_278 : vector<16xi32>
        %xor3A_280 = arith.constant 37 : i32
        %xor3A_281 = vector.broadcast %xor3A_280 : i32 to vector<16xi32>
        %xor3A_282 = arith.xori %iota3A, %xor3A_281 : vector<16xi32>
        %xor3A_283 = arith.constant 38 : i32
        %xor3A_284 = vector.broadcast %xor3A_283 : i32 to vector<16xi32>
        %xor3A_285 = arith.xori %iota3A, %xor3A_284 : vector<16xi32>
        %xor3A_286 = arith.constant 39 : i32
        %xor3A_287 = vector.broadcast %xor3A_286 : i32 to vector<16xi32>
        %xor3A_288 = arith.xori %iota3A, %xor3A_287 : vector<16xi32>
        %add3A_289 = arith.addi %shift_left3A_94, %xor3A_279 : vector<16xi32>
        %gather3A_290 = tpu.vector_load_idx %arg5[%shift_right_logical3A_90, %add3A_289] : memref<512x128xf32, #tpu.memory_space<vmem>>[vector<16xi32>, vector<16xi32>], vector<16xf32>,
        %add3A_291 = arith.addi %shift_left3A_94, %xor3A_282 : vector<16xi32>
        %gather3A_292 = tpu.vector_load_idx %arg5[%shift_right_logical3A_90, %add3A_291] : memref<512x128xf32, #tpu.memory_space<vmem>>[vector<16xi32>, vector<16xi32>], vector<16xf32>,
        %add3A_293 = arith.addi %shift_left3A_94, %xor3A_285 : vector<16xi32>
        %gather3A_294 = tpu.vector_load_idx %arg5[%shift_right_logical3A_90, %add3A_293] : memref<512x128xf32, #tpu.memory_space<vmem>>[vector<16xi32>, vector<16xi32>], vector<16xf32>,
        %add3A_295 = arith.addi %shift_left3A_94, %xor3A_288 : vector<16xi32>
        %gather3A_296 = tpu.vector_load_idx %arg5[%shift_right_logical3A_90, %add3A_295] : memref<512x128xf32, #tpu.memory_space<vmem>>[vector<16xi32>, vector<16xi32>], vector<16xf32>,
        tpu.vector_store_idx %arg9[%xor3A_279, %add3A_98], %gather3A_290 : memref<64x128xf32, #tpu.memory_space<vmem>>[vector<16xi32>, vector<16xi32>], vector<16xf32>,
        tpu.vector_store_idx %arg9[%xor3A_282, %add3A_98], %gather3A_292 : memref<64x128xf32, #tpu.memory_space<vmem>>[vector<16xi32>, vector<16xi32>], vector<16xf32>,
        tpu.vector_store_idx %arg9[%xor3A_285, %add3A_98], %gather3A_294 : memref<64x128xf32, #tpu.memory_space<vmem>>[vector<16xi32>, vector<16xi32>], vector<16xf32>,
        tpu.vector_store_idx %arg9[%xor3A_288, %add3A_98], %gather3A_296 : memref<64x128xf32, #tpu.memory_space<vmem>>[vector<16xi32>, vector<16xi32>], vector<16xf32>,
        %xor3A_297 = arith.constant 40 : i32
        %xor3A_298 = vector.broadcast %xor3A_297 : i32 to vector<16xi32>
        %xor3A_299 = arith.xori %iota3A, %xor3A_298 : vector<16xi32>
        %xor3A_300 = arith.constant 41 : i32
        %xor3A_301 = vector.broadcast %xor3A_300 : i32 to vector<16xi32>
        %xor3A_302 = arith.xori %iota3A, %xor3A_301 : vector<16xi32>
        %xor3A_303 = arith.constant 42 : i32
        %xor3A_304 = vector.broadcast %xor3A_303 : i32 to vector<16xi32>
        %xor3A_305 = arith.xori %iota3A, %xor3A_304 : vector<16xi32>
        %xor3A_306 = arith.constant 43 : i32
        %xor3A_307 = vector.broadcast %xor3A_306 : i32 to vector<16xi32>
        %xor3A_308 = arith.xori %iota3A, %xor3A_307 : vector<16xi32>
        %add3A_309 = arith.addi %shift_left3A_94, %xor3A_299 : vector<16xi32>
        %gather3A_310 = tpu.vector_load_idx %arg5[%shift_right_logical3A_90, %add3A_309] : memref<512x128xf32, #tpu.memory_space<vmem>>[vector<16xi32>, vector<16xi32>], vector<16xf32>,
        %add3A_311 = arith.addi %shift_left3A_94, %xor3A_302 : vector<16xi32>
        %gather3A_312 = tpu.vector_load_idx %arg5[%shift_right_logical3A_90, %add3A_311] : memref<512x128xf32, #tpu.memory_space<vmem>>[vector<16xi32>, vector<16xi32>], vector<16xf32>,
        %add3A_313 = arith.addi %shift_left3A_94, %xor3A_305 : vector<16xi32>
        %gather3A_314 = tpu.vector_load_idx %arg5[%shift_right_logical3A_90, %add3A_313] : memref<512x128xf32, #tpu.memory_space<vmem>>[vector<16xi32>, vector<16xi32>], vector<16xf32>,
        %add3A_315 = arith.addi %shift_left3A_94, %xor3A_308 : vector<16xi32>
        %gather3A_316 = tpu.vector_load_idx %arg5[%shift_right_logical3A_90, %add3A_315] : memref<512x128xf32, #tpu.memory_space<vmem>>[vector<16xi32>, vector<16xi32>], vector<16xf32>,
        tpu.vector_store_idx %arg9[%xor3A_299, %add3A_98], %gather3A_310 : memref<64x128xf32, #tpu.memory_space<vmem>>[vector<16xi32>, vector<16xi32>], vector<16xf32>,
        tpu.vector_store_idx %arg9[%xor3A_302, %add3A_98], %gather3A_312 : memref<64x128xf32, #tpu.memory_space<vmem>>[vector<16xi32>, vector<16xi32>], vector<16xf32>,
        tpu.vector_store_idx %arg9[%xor3A_305, %add3A_98], %gather3A_314 : memref<64x128xf32, #tpu.memory_space<vmem>>[vector<16xi32>, vector<16xi32>], vector<16xf32>,
        tpu.vector_store_idx %arg9[%xor3A_308, %add3A_98], %gather3A_316 : memref<64x128xf32, #tpu.memory_space<vmem>>[vector<16xi32>, vector<16xi32>], vector<16xf32>,
        %xor3A_317 = arith.constant 44 : i32
        %xor3A_318 = vector.broadcast %xor3A_317 : i32 to vector<16xi32>
        %xor3A_319 = arith.xori %iota3A, %xor3A_318 : vector<16xi32>
        %xor3A_320 = arith.constant 45 : i32
        %xor3A_321 = vector.broadcast %xor3A_320 : i32 to vector<16xi32>
        %xor3A_322 = arith.xori %iota3A, %xor3A_321 : vector<16xi32>
        %xor3A_323 = arith.constant 46 : i32
        %xor3A_324 = vector.broadcast %xor3A_323 : i32 to vector<16xi32>
        %xor3A_325 = arith.xori %iota3A, %xor3A_324 : vector<16xi32>
        %xor3A_326 = arith.constant 47 : i32
        %xor3A_327 = vector.broadcast %xor3A_326 : i32 to vector<16xi32>
        %xor3A_328 = arith.xori %iota3A, %xor3A_327 : vector<16xi32>
        %add3A_329 = arith.addi %shift_left3A_94, %xor3A_319 : vector<16xi32>
        %gather3A_330 = tpu.vector_load_idx %arg5[%shift_right_logical3A_90, %add3A_329] : memref<512x128xf32, #tpu.memory_space<vmem>>[vector<16xi32>, vector<16xi32>], vector<16xf32>,
        %add3A_331 = arith.addi %shift_left3A_94, %xor3A_322 : vector<16xi32>
        %gather3A_332 = tpu.vector_load_idx %arg5[%shift_right_logical3A_90, %add3A_331] : memref<512x128xf32, #tpu.memory_space<vmem>>[vector<16xi32>, vector<16xi32>], vector<16xf32>,
        %add3A_333 = arith.addi %shift_left3A_94, %xor3A_325 : vector<16xi32>
        %gather3A_334 = tpu.vector_load_idx %arg5[%shift_right_logical3A_90, %add3A_333] : memref<512x128xf32, #tpu.memory_space<vmem>>[vector<16xi32>, vector<16xi32>], vector<16xf32>,
        %add3A_335 = arith.addi %shift_left3A_94, %xor3A_328 : vector<16xi32>
        %gather3A_336 = tpu.vector_load_idx %arg5[%shift_right_logical3A_90, %add3A_335] : memref<512x128xf32, #tpu.memory_space<vmem>>[vector<16xi32>, vector<16xi32>], vector<16xf32>,
        tpu.vector_store_idx %arg9[%xor3A_319, %add3A_98], %gather3A_330 : memref<64x128xf32, #tpu.memory_space<vmem>>[vector<16xi32>, vector<16xi32>], vector<16xf32>,
        tpu.vector_store_idx %arg9[%xor3A_322, %add3A_98], %gather3A_332 : memref<64x128xf32, #tpu.memory_space<vmem>>[vector<16xi32>, vector<16xi32>], vector<16xf32>,
        tpu.vector_store_idx %arg9[%xor3A_325, %add3A_98], %gather3A_334 : memref<64x128xf32, #tpu.memory_space<vmem>>[vector<16xi32>, vector<16xi32>], vector<16xf32>,
        tpu.vector_store_idx %arg9[%xor3A_328, %add3A_98], %gather3A_336 : memref<64x128xf32, #tpu.memory_space<vmem>>[vector<16xi32>, vector<16xi32>], vector<16xf32>,
        %xor3A_337 = arith.constant 48 : i32
        %xor3A_338 = vector.broadcast %xor3A_337 : i32 to vector<16xi32>
        %xor3A_339 = arith.xori %iota3A, %xor3A_338 : vector<16xi32>
        %xor3A_340 = arith.constant 49 : i32
        %xor3A_341 = vector.broadcast %xor3A_340 : i32 to vector<16xi32>
        %xor3A_342 = arith.xori %iota3A, %xor3A_341 : vector<16xi32>
        %xor3A_343 = arith.constant 50 : i32
        %xor3A_344 = vector.broadcast %xor3A_343 : i32 to vector<16xi32>
        %xor3A_345 = arith.xori %iota3A, %xor3A_344 : vector<16xi32>
        %xor3A_346 = arith.constant 51 : i32
        %xor3A_347 = vector.broadcast %xor3A_346 : i32 to vector<16xi32>
        %xor3A_348 = arith.xori %iota3A, %xor3A_347 : vector<16xi32>
        %add3A_349 = arith.addi %shift_left3A_94, %xor3A_339 : vector<16xi32>
        %gather3A_350 = tpu.vector_load_idx %arg5[%shift_right_logical3A_90, %add3A_349] : memref<512x128xf32, #tpu.memory_space<vmem>>[vector<16xi32>, vector<16xi32>], vector<16xf32>,
        %add3A_351 = arith.addi %shift_left3A_94, %xor3A_342 : vector<16xi32>
        %gather3A_352 = tpu.vector_load_idx %arg5[%shift_right_logical3A_90, %add3A_351] : memref<512x128xf32, #tpu.memory_space<vmem>>[vector<16xi32>, vector<16xi32>], vector<16xf32>,
        %add3A_353 = arith.addi %shift_left3A_94, %xor3A_345 : vector<16xi32>
        %gather3A_354 = tpu.vector_load_idx %arg5[%shift_right_logical3A_90, %add3A_353] : memref<512x128xf32, #tpu.memory_space<vmem>>[vector<16xi32>, vector<16xi32>], vector<16xf32>,
        %add3A_355 = arith.addi %shift_left3A_94, %xor3A_348 : vector<16xi32>
        %gather3A_356 = tpu.vector_load_idx %arg5[%shift_right_logical3A_90, %add3A_355] : memref<512x128xf32, #tpu.memory_space<vmem>>[vector<16xi32>, vector<16xi32>], vector<16xf32>,
        tpu.vector_store_idx %arg9[%xor3A_339, %add3A_98], %gather3A_350 : memref<64x128xf32, #tpu.memory_space<vmem>>[vector<16xi32>, vector<16xi32>], vector<16xf32>,
        tpu.vector_store_idx %arg9[%xor3A_342, %add3A_98], %gather3A_352 : memref<64x128xf32, #tpu.memory_space<vmem>>[vector<16xi32>, vector<16xi32>], vector<16xf32>,
        tpu.vector_store_idx %arg9[%xor3A_345, %add3A_98], %gather3A_354 : memref<64x128xf32, #tpu.memory_space<vmem>>[vector<16xi32>, vector<16xi32>], vector<16xf32>,
        tpu.vector_store_idx %arg9[%xor3A_348, %add3A_98], %gather3A_356 : memref<64x128xf32, #tpu.memory_space<vmem>>[vector<16xi32>, vector<16xi32>], vector<16xf32>,
        %xor3A_357 = arith.constant 52 : i32
        %xor3A_358 = vector.broadcast %xor3A_357 : i32 to vector<16xi32>
        %xor3A_359 = arith.xori %iota3A, %xor3A_358 : vector<16xi32>
        %xor3A_360 = arith.constant 53 : i32
        %xor3A_361 = vector.broadcast %xor3A_360 : i32 to vector<16xi32>
        %xor3A_362 = arith.xori %iota3A, %xor3A_361 : vector<16xi32>
        %xor3A_363 = arith.constant 54 : i32
        %xor3A_364 = vector.broadcast %xor3A_363 : i32 to vector<16xi32>
        %xor3A_365 = arith.xori %iota3A, %xor3A_364 : vector<16xi32>
        %xor3A_366 = arith.constant 55 : i32
        %xor3A_367 = vector.broadcast %xor3A_366 : i32 to vector<16xi32>
        %xor3A_368 = arith.xori %iota3A, %xor3A_367 : vector<16xi32>
        %add3A_369 = arith.addi %shift_left3A_94, %xor3A_359 : vector<16xi32>
        %gather3A_370 = tpu.vector_load_idx %arg5[%shift_right_logical3A_90, %add3A_369] : memref<512x128xf32, #tpu.memory_space<vmem>>[vector<16xi32>, vector<16xi32>], vector<16xf32>,
        %add3A_371 = arith.addi %shift_left3A_94, %xor3A_362 : vector<16xi32>
        %gather3A_372 = tpu.vector_load_idx %arg5[%shift_right_logical3A_90, %add3A_371] : memref<512x128xf32, #tpu.memory_space<vmem>>[vector<16xi32>, vector<16xi32>], vector<16xf32>,
        %add3A_373 = arith.addi %shift_left3A_94, %xor3A_365 : vector<16xi32>
        %gather3A_374 = tpu.vector_load_idx %arg5[%shift_right_logical3A_90, %add3A_373] : memref<512x128xf32, #tpu.memory_space<vmem>>[vector<16xi32>, vector<16xi32>], vector<16xf32>,
        %add3A_375 = arith.addi %shift_left3A_94, %xor3A_368 : vector<16xi32>
        %gather3A_376 = tpu.vector_load_idx %arg5[%shift_right_logical3A_90, %add3A_375] : memref<512x128xf32, #tpu.memory_space<vmem>>[vector<16xi32>, vector<16xi32>], vector<16xf32>,
        tpu.vector_store_idx %arg9[%xor3A_359, %add3A_98], %gather3A_370 : memref<64x128xf32, #tpu.memory_space<vmem>>[vector<16xi32>, vector<16xi32>], vector<16xf32>,
        tpu.vector_store_idx %arg9[%xor3A_362, %add3A_98], %gather3A_372 : memref<64x128xf32, #tpu.memory_space<vmem>>[vector<16xi32>, vector<16xi32>], vector<16xf32>,
        tpu.vector_store_idx %arg9[%xor3A_365, %add3A_98], %gather3A_374 : memref<64x128xf32, #tpu.memory_space<vmem>>[vector<16xi32>, vector<16xi32>], vector<16xf32>,
        tpu.vector_store_idx %arg9[%xor3A_368, %add3A_98], %gather3A_376 : memref<64x128xf32, #tpu.memory_space<vmem>>[vector<16xi32>, vector<16xi32>], vector<16xf32>,
        %xor3A_377 = arith.constant 56 : i32
        %xor3A_378 = vector.broadcast %xor3A_377 : i32 to vector<16xi32>
        %xor3A_379 = arith.xori %iota3A, %xor3A_378 : vector<16xi32>
        %xor3A_380 = arith.constant 57 : i32
        %xor3A_381 = vector.broadcast %xor3A_380 : i32 to vector<16xi32>
        %xor3A_382 = arith.xori %iota3A, %xor3A_381 : vector<16xi32>
        %xor3A_383 = arith.constant 58 : i32
        %xor3A_384 = vector.broadcast %xor3A_383 : i32 to vector<16xi32>
        %xor3A_385 = arith.xori %iota3A, %xor3A_384 : vector<16xi32>
        %xor3A_386 = arith.constant 59 : i32
        %xor3A_387 = vector.broadcast %xor3A_386 : i32 to vector<16xi32>
        %xor3A_388 = arith.xori %iota3A, %xor3A_387 : vector<16xi32>
        %add3A_389 = arith.addi %shift_left3A_94, %xor3A_379 : vector<16xi32>
        %gather3A_390 = tpu.vector_load_idx %arg5[%shift_right_logical3A_90, %add3A_389] : memref<512x128xf32, #tpu.memory_space<vmem>>[vector<16xi32>, vector<16xi32>], vector<16xf32>,
        %add3A_391 = arith.addi %shift_left3A_94, %xor3A_382 : vector<16xi32>
        %gather3A_392 = tpu.vector_load_idx %arg5[%shift_right_logical3A_90, %add3A_391] : memref<512x128xf32, #tpu.memory_space<vmem>>[vector<16xi32>, vector<16xi32>], vector<16xf32>,
        %add3A_393 = arith.addi %shift_left3A_94, %xor3A_385 : vector<16xi32>
        %gather3A_394 = tpu.vector_load_idx %arg5[%shift_right_logical3A_90, %add3A_393] : memref<512x128xf32, #tpu.memory_space<vmem>>[vector<16xi32>, vector<16xi32>], vector<16xf32>,
        %add3A_395 = arith.addi %shift_left3A_94, %xor3A_388 : vector<16xi32>
        %gather3A_396 = tpu.vector_load_idx %arg5[%shift_right_logical3A_90, %add3A_395] : memref<512x128xf32, #tpu.memory_space<vmem>>[vector<16xi32>, vector<16xi32>], vector<16xf32>,
        tpu.vector_store_idx %arg9[%xor3A_379, %add3A_98], %gather3A_390 : memref<64x128xf32, #tpu.memory_space<vmem>>[vector<16xi32>, vector<16xi32>], vector<16xf32>,
        tpu.vector_store_idx %arg9[%xor3A_382, %add3A_98], %gather3A_392 : memref<64x128xf32, #tpu.memory_space<vmem>>[vector<16xi32>, vector<16xi32>], vector<16xf32>,
        tpu.vector_store_idx %arg9[%xor3A_385, %add3A_98], %gather3A_394 : memref<64x128xf32, #tpu.memory_space<vmem>>[vector<16xi32>, vector<16xi32>], vector<16xf32>,
        tpu.vector_store_idx %arg9[%xor3A_388, %add3A_98], %gather3A_396 : memref<64x128xf32, #tpu.memory_space<vmem>>[vector<16xi32>, vector<16xi32>], vector<16xf32>,
        %xor3A_397 = arith.constant 60 : i32
        %xor3A_398 = vector.broadcast %xor3A_397 : i32 to vector<16xi32>
        %xor3A_399 = arith.xori %iota3A, %xor3A_398 : vector<16xi32>
        %xor3A_400 = arith.constant 61 : i32
        %xor3A_401 = vector.broadcast %xor3A_400 : i32 to vector<16xi32>
        %xor3A_402 = arith.xori %iota3A, %xor3A_401 : vector<16xi32>
        %xor3A_403 = arith.constant 62 : i32
        %xor3A_404 = vector.broadcast %xor3A_403 : i32 to vector<16xi32>
        %xor3A_405 = arith.xori %iota3A, %xor3A_404 : vector<16xi32>
        %xor3A_406 = arith.constant 63 : i32
        %xor3A_407 = vector.broadcast %xor3A_406 : i32 to vector<16xi32>
        %xor3A_408 = arith.xori %iota3A, %xor3A_407 : vector<16xi32>
        %add3A_409 = arith.addi %shift_left3A_94, %xor3A_399 : vector<16xi32>
        %gather3A_410 = tpu.vector_load_idx %arg5[%shift_right_logical3A_90, %add3A_409] : memref<512x128xf32, #tpu.memory_space<vmem>>[vector<16xi32>, vector<16xi32>], vector<16xf32>,
        %add3A_411 = arith.addi %shift_left3A_94, %xor3A_402 : vector<16xi32>
        %gather3A_412 = tpu.vector_load_idx %arg5[%shift_right_logical3A_90, %add3A_411] : memref<512x128xf32, #tpu.memory_space<vmem>>[vector<16xi32>, vector<16xi32>], vector<16xf32>,
        %add3A_413 = arith.addi %shift_left3A_94, %xor3A_405 : vector<16xi32>
        %gather3A_414 = tpu.vector_load_idx %arg5[%shift_right_logical3A_90, %add3A_413] : memref<512x128xf32, #tpu.memory_space<vmem>>[vector<16xi32>, vector<16xi32>], vector<16xf32>,
        %add3A_415 = arith.addi %shift_left3A_94, %xor3A_408 : vector<16xi32>
        %gather3A_416 = tpu.vector_load_idx %arg5[%shift_right_logical3A_90, %add3A_415] : memref<512x128xf32, #tpu.memory_space<vmem>>[vector<16xi32>, vector<16xi32>], vector<16xf32>,
        tpu.vector_store_idx %arg9[%xor3A_399, %add3A_98], %gather3A_410 : memref<64x128xf32, #tpu.memory_space<vmem>>[vector<16xi32>, vector<16xi32>], vector<16xf32>,
        tpu.vector_store_idx %arg9[%xor3A_402, %add3A_98], %gather3A_412 : memref<64x128xf32, #tpu.memory_space<vmem>>[vector<16xi32>, vector<16xi32>], vector<16xf32>,
        tpu.vector_store_idx %arg9[%xor3A_405, %add3A_98], %gather3A_414 : memref<64x128xf32, #tpu.memory_space<vmem>>[vector<16xi32>, vector<16xi32>], vector<16xf32>,
        tpu.vector_store_idx %arg9[%xor3A_408, %add3A_98], %gather3A_416 : memref<64x128xf32, #tpu.memory_space<vmem>>[vector<16xi32>, vector<16xi32>], vector<16xf32>,
      }
      %scan3A_73 = arith.constant 8 : i32
      %add3A_74 = arith.constant 2 : i32
      %add3A_75 = arith.addi %add3A_57, %add3A_74 : i32
      %lt3A_76 = arith.constant 64 : i32
      %lt3A_77 = arith.cmpi slt, %add3A_75, %lt3A_76 : i32
      %convert_element_type3A_78 = arith.extui %lt3A_77 : i1 to i32
      %cond3A_79 = arith.constant 0 : i32
      %cond3A_80 = arith.cmpi ne, %convert_element_type3A_78, %cond3A_79 : i32
      scf.if %cond3A_80 {
        %add3A_85 = arith.constant 256 : i32
        %add3A_86 = arith.addi %add3A_60, %add3A_85 : i32
        %dma_start3A_87 = tpu.memref_slice %arg2[%add3A_86] : memref<262144xi32, #tpu.memory_space<hbm>> -> memref<128xi32, #tpu.memory_space<hbm>>
        %dma_start3A_88 = tpu.memref_slice %arg2[%add3A_86] : memref<262144xi32, #tpu.memory_space<hbm>> -> memref<128xi32, #tpu.memory_space<hbm>>
        tpu.enqueue_dma source(%dma_start3A_88 : memref<128xi32, #tpu.memory_space<hbm>>) target(%arg7 : memref<128xi32, #tpu.memory_space<vmem>>) target_semaphore(%arg11 : memref<!tpu.dma_semaphore, #tpu.memory_space<semaphore_mem>>)
      } else {
      }
      %dma_start3A_81 = arith.constant 0 : i32
      %dma_start3A_82 = tpu.memref_slice %arg4[%dma_start3A_81, %add3A_60] : memref<64x262144xf32, #tpu.memory_space<hbm>> -> memref<64x128xf32, #tpu.memory_space<hbm>>
      %dma_start3A_83 = arith.constant 0 : i32
      %dma_start3A_84 = tpu.memref_slice %arg4[%dma_start3A_83, %add3A_60] : memref<64x262144xf32, #tpu.memory_space<hbm>> -> memref<64x128xf32, #tpu.memory_space<hbm>>
      tpu.enqueue_dma source(%arg9 : memref<64x128xf32, #tpu.memory_space<vmem>>) target(%dma_start3A_84 : memref<64x128xf32, #tpu.memory_space<hbm>>) target_semaphore(%arg13 : memref<!tpu.dma_semaphore, #tpu.memory_space<semaphore_mem>>)
    }
    %scan3A_14 = arith.constant 32 : i32
    %add3A_15 = arith.constant 7936 : i32
    %add3A_16 = arith.addi %mul3A_2, %add3A_15 : i32
    %dma_wait3A = arith.constant 0 : i32
    %dma_wait3A_17 = tpu.memref_slice %arg4[%dma_wait3A, %add3A_16] : memref<64x262144xf32, #tpu.memory_space<hbm>> -> memref<64x128xf32, #tpu.memory_space<hbm>>
    %dma_wait3A_18 = arith.constant 0 : i32
    %dma_wait3A_19 = tpu.memref_slice %arg4[%dma_wait3A_18, %add3A_16] : memref<64x262144xf32, #tpu.memory_space<hbm>> -> memref<64x128xf32, #tpu.memory_space<hbm>>
    tpu.wait_dma2 semaphore(%arg12 : memref<!tpu.dma_semaphore, #tpu.memory_space<semaphore_mem>>) src(%arg8 : memref<64x128xf32, #tpu.memory_space<vmem>>) dst(%dma_wait3A_19 : memref<64x128xf32, #tpu.memory_space<hbm>>)
    %add3A_20 = arith.constant 8064 : i32
    %add3A_21 = arith.addi %mul3A_2, %add3A_20 : i32
    %dma_wait3A_22 = arith.constant 0 : i32
    %dma_wait3A_23 = tpu.memref_slice %arg4[%dma_wait3A_22, %add3A_21] : memref<64x262144xf32, #tpu.memory_space<hbm>> -> memref<64x128xf32, #tpu.memory_space<hbm>>
    %dma_wait3A_24 = arith.constant 0 : i32
    %dma_wait3A_25 = tpu.memref_slice %arg4[%dma_wait3A_24, %add3A_21] : memref<64x262144xf32, #tpu.memory_space<hbm>> -> memref<64x128xf32, #tpu.memory_space<hbm>>
    tpu.wait_dma2 semaphore(%arg13 : memref<!tpu.dma_semaphore, #tpu.memory_space<semaphore_mem>>) src(%arg9 : memref<64x128xf32, #tpu.memory_space<vmem>>) dst(%dma_wait3A_25 : memref<64x128xf32, #tpu.memory_space<hbm>>)
    return
  }
}

#map = affine_map<(d0, d1) -> (0)>
#map1 = affine_map<(d0, d1) -> (0, 0)>
module attributes {stable_mosaic.version = 14 : i64} {
  func.func @_sc_gather_body(%arg0: i32, %arg1: i32, %arg2: memref<262144xi32, #tpu.memory_space<hbm>>, %arg3: memref<512x128xf32, #tpu.memory_space<hbm>>, %arg4: memref<64x262144xf32, #tpu.memory_space<hbm>>, %arg5: memref<512x128xf32, #tpu.memory_space<vmem>>, %arg6: memref<128xi32, #tpu.memory_space<vmem>>, %arg7: memref<128xi32, #tpu.memory_space<vmem>>, %arg8: memref<64x128xf32, #tpu.memory_space<vmem>>, %arg9: memref<64x128xf32, #tpu.memory_space<vmem>>, %arg10: memref<!tpu.dma_semaphore, #tpu.memory_space<semaphore_mem>>, %arg11: memref<!tpu.dma_semaphore, #tpu.memory_space<semaphore_mem>>, %arg12: memref<!tpu.dma_semaphore, #tpu.memory_space<semaphore_mem>>, %arg13: memref<!tpu.dma_semaphore, #tpu.memory_space<semaphore_mem>>) attributes {dimension_semantics = [#tpu.dimension_semantics<core_parallel>, #tpu.dimension_semantics<subcore_parallel>], iteration_bounds = array<i64: 2, 16>, scalar_prefetch = 0 : i64, scratch_operands = 9 : i64, tpu.core_type = #tpu.core_type<sc_vector_subcore>, window_params = [{transform_indices = #map}, {transform_indices = #map1}, {transform_indices = #map1}]} {
    %mul3A = arith.constant 2 : i32
    %mul3A_0 = arith.muli %arg1, %mul3A : i32
    %add3A = arith.addi %mul3A_0, %arg0 : i32
    %mul3A_1 = arith.constant 8192 : i32
    %mul3A_2 = arith.muli %add3A, %mul3A_1 : i32
    "tpu.region"() ({
      %run_scoped3A = tpu.sem_alloc : memref<!tpu.dma_semaphore, #tpu.memory_space<semaphore_mem>>
      tpu.enqueue_dma source(%arg3 : memref<512x128xf32, #tpu.memory_space<hbm>>) target(%arg5 : memref<512x128xf32, #tpu.memory_space<vmem>>) target_semaphore(%run_scoped3A : memref<!tpu.dma_semaphore, #tpu.memory_space<semaphore_mem>>)
      tpu.wait_dma2 semaphore(%run_scoped3A : memref<!tpu.dma_semaphore, #tpu.memory_space<semaphore_mem>>) src(%arg3 : memref<512x128xf32, #tpu.memory_space<hbm>>) dst(%arg5 : memref<512x128xf32, #tpu.memory_space<vmem>>)
      tpu.yield
    }) : () -> ()
    %add3A_3 = arith.constant 0 : i32
    %add3A_4 = arith.addi %mul3A_2, %add3A_3 : i32
    %dma_start3A = tpu.memref_slice %arg2[%add3A_4] : memref<262144xi32, #tpu.memory_space<hbm>> -> memref<128xi32, #tpu.memory_space<hbm>>
    %dma_start3A_5 = tpu.memref_slice %arg2[%add3A_4] : memref<262144xi32, #tpu.memory_space<hbm>> -> memref<128xi32, #tpu.memory_space<hbm>>
    tpu.enqueue_dma source(%dma_start3A_5 : memref<128xi32, #tpu.memory_space<hbm>>) target(%arg6 : memref<128xi32, #tpu.memory_space<vmem>>) target_semaphore(%arg10 : memref<!tpu.dma_semaphore, #tpu.memory_space<semaphore_mem>>)
    %add3A_6 = arith.constant 128 : i32
    %add3A_7 = arith.addi %mul3A_2, %add3A_6 : i32
    %dma_start3A_8 = tpu.memref_slice %arg2[%add3A_7] : memref<262144xi32, #tpu.memory_space<hbm>> -> memref<128xi32, #tpu.memory_space<hbm>>
    %dma_start3A_9 = tpu.memref_slice %arg2[%add3A_7] : memref<262144xi32, #tpu.memory_space<hbm>> -> memref<128xi32, #tpu.memory_space<hbm>>
    tpu.enqueue_dma source(%dma_start3A_9 : memref<128xi32, #tpu.memory_space<hbm>>) target(%arg7 : memref<128xi32, #tpu.memory_space<vmem>>) target_semaphore(%arg11 : memref<!tpu.dma_semaphore, #tpu.memory_space<semaphore_mem>>)
    %iota3A = tpu.iota {dimensions = array<i32: 0>} : vector<16xi32>
    %scan3A = arith.constant 0 : i32
    %scan3A_10 = arith.constant 0 : i32
    %scan3A_11 = arith.constant 32 : i32
    %scan3A_12 = arith.addi %scan3A_10, %scan3A_11 : i32
    %scan3A_13 = arith.constant 1 : i32
    scf.for %scan3A_26 = %scan3A_10 to %scan3A_12 step %scan3A_13  : i32 {
      %mul3A_27 = arith.constant 2 : i32
      %mul3A_28 = arith.muli %scan3A_26, %mul3A_27 : i32
      %add3A_29 = arith.constant 0 : i32
      %add3A_30 = arith.addi %mul3A_28, %add3A_29 : i32
      %mul3A_31 = arith.constant 128 : i32
      %mul3A_32 = arith.muli %add3A_30, %mul3A_31 : i32
      %add3A_33 = arith.addi %mul3A_2, %mul3A_32 : i32
      %dma_wait3A_34 = tpu.memref_slice %arg2[%add3A_33] : memref<262144xi32, #tpu.memory_space<hbm>> -> memref<128xi32, #tpu.memory_space<hbm>>
      %dma_wait3A_35 = tpu.memref_slice %arg2[%add3A_33] : memref<262144xi32, #tpu.memory_space<hbm>> -> memref<128xi32, #tpu.memory_space<hbm>>
      tpu.wait_dma2 semaphore(%arg10 : memref<!tpu.dma_semaphore, #tpu.memory_space<semaphore_mem>>) src(%dma_wait3A_35 : memref<128xi32, #tpu.memory_space<hbm>>) dst(%arg6 : memref<128xi32, #tpu.memory_space<vmem>>)
      %ge3A = arith.constant 2 : i32
      %ge3A_36 = arith.cmpi sge, %add3A_30, %ge3A : i32
      %convert_element_type3A = arith.extui %ge3A_36 : i1 to i32
      %cond3A = arith.constant 0 : i32
      %cond3A_37 = arith.cmpi ne, %convert_element_type3A, %cond3A : i32
      scf.if %cond3A_37 {
        %sub3A = arith.constant 256 : i32
        %sub3A_85 = arith.subi %add3A_33, %sub3A : i32
        %dma_wait3A_86 = arith.constant 0 : i32
        %dma_wait3A_87 = tpu.memref_slice %arg4[%dma_wait3A_86, %sub3A_85] : memref<64x262144xf32, #tpu.memory_space<hbm>> -> memref<64x128xf32, #tpu.memory_space<hbm>>
        %dma_wait3A_88 = arith.constant 0 : i32
        %dma_wait3A_89 = tpu.memref_slice %arg4[%dma_wait3A_88, %sub3A_85] : memref<64x262144xf32, #tpu.memory_space<hbm>> -> memref<64x128xf32, #tpu.memory_space<hbm>>
        tpu.wait_dma2 semaphore(%arg12 : memref<!tpu.dma_semaphore, #tpu.memory_space<semaphore_mem>>) src(%arg8 : memref<64x128xf32, #tpu.memory_space<vmem>>) dst(%dma_wait3A_89 : memref<64x128xf32, #tpu.memory_space<hbm>>)
      } else {
      }
      %scan3A_38 = arith.constant 0 : i32
      %scan3A_39 = arith.constant 0 : i32
      %scan3A_40 = arith.constant 8 : i32
      %scan3A_41 = arith.addi %scan3A_39, %scan3A_40 : i32
      %scan3A_42 = arith.constant 1 : i32
      scf.for %scan3A_85 = %scan3A_39 to %scan3A_41 step %scan3A_42  : i32 {
        %mul3A_86 = arith.constant 16 : i32
        %mul3A_87 = arith.muli %scan3A_85, %mul3A_86 : i32
        %get3A = arith.index_cast %mul3A_87 : i32 to index
        %get3A_88 = tpu.vector_load %arg6[%get3A] {strides = array<i32>} : memref<128xi32, #tpu.memory_space<vmem>>, vector<16xi32>,
        %shift_right_logical3A = arith.constant 1 : i32
        %shift_right_logical3A_89 = vector.broadcast %shift_right_logical3A : i32 to vector<16xi32>
        %shift_right_logical3A_90 = arith.shrui %get3A_88, %shift_right_logical3A_89 : vector<16xi32>
        %and3A = arith.constant 1 : i32
        %and3A_91 = vector.broadcast %and3A : i32 to vector<16xi32>
        %and3A_92 = arith.andi %get3A_88, %and3A_91 : vector<16xi32>
        %shift_left3A = arith.constant 6 : i32
        %shift_left3A_93 = vector.broadcast %shift_left3A : i32 to vector<16xi32>
        %shift_left3A_94 = arith.shli %and3A_92, %shift_left3A_93 : vector<16xi32>
        %mul3A_95 = arith.constant 16 : i32
        %mul3A_96 = arith.muli %scan3A_85, %mul3A_95 : i32
        %add3A_97 = vector.broadcast %mul3A_96 : i32 to vector<16xi32>
        %add3A_98 = arith.addi %add3A_97, %iota3A : vector<16xi32>
        %xor3A = arith.constant 0 : i32
        %xor3A_99 = vector.broadcast %xor3A : i32 to vector<16xi32>
        %xor3A_100 = arith.xori %iota3A, %xor3A_99 : vector<16xi32>
        %xor3A_101 = arith.constant 1 : i32
        %xor3A_102 = vector.broadcast %xor3A_101 : i32 to vector<16xi32>
        %xor3A_103 = arith.xori %iota3A, %xor3A_102 : vector<16xi32>
        %xor3A_104 = arith.constant 2 : i32
        %xor3A_105 = vector.broadcast %xor3A_104 : i32 to vector<16xi32>
        %xor3A_106 = arith.xori %iota3A, %xor3A_105 : vector<16xi32>
        %xor3A_107 = arith.constant 3 : i32
        %xor3A_108 = vector.broadcast %xor3A_107 : i32 to vector<16xi32>
        %xor3A_109 = arith.xori %iota3A, %xor3A_108 : vector<16xi32>
        %add3A_110 = arith.addi %shift_left3A_94, %xor3A_100 : vector<16xi32>
        %gather3A = tpu.vector_load_idx %arg5[%shift_right_logical3A_90, %add3A_110] : memref<512x128xf32, #tpu.memory_space<vmem>>[vector<16xi32>, vector<16xi32>], vector<16xf32>,
        %add3A_111 = arith.addi %shift_left3A_94, %xor3A_103 : vector<16xi32>
        %gather3A_112 = tpu.vector_load_idx %arg5[%shift_right_logical3A_90, %add3A_111] : memref<512x128xf32, #tpu.memory_space<vmem>>[vector<16xi32>, vector<16xi32>], vector<16xf32>,
        %add3A_113 = arith.addi %shift_left3A_94, %xor3A_106 : vector<16xi32>
        %gather3A_114 = tpu.vector_load_idx %arg5[%shift_right_logical3A_90, %add3A_113] : memref<512x128xf32, #tpu.memory_space<vmem>>[vector<16xi32>, vector<16xi32>], vector<16xf32>,
        %add3A_115 = arith.addi %shift_left3A_94, %xor3A_109 : vector<16xi32>
        %gather3A_116 = tpu.vector_load_idx %arg5[%shift_right_logical3A_90, %add3A_115] : memref<512x128xf32, #tpu.memory_space<vmem>>[vector<16xi32>, vector<16xi32>], vector<16xf32>,
        tpu.vector_store_idx %arg8[%xor3A_100, %add3A_98], %gather3A : memref<64x128xf32, #tpu.memory_space<vmem>>[vector<16xi32>, vector<16xi32>], vector<16xf32>,
        tpu.vector_store_idx %arg8[%xor3A_103, %add3A_98], %gather3A_112 : memref<64x128xf32, #tpu.memory_space<vmem>>[vector<16xi32>, vector<16xi32>], vector<16xf32>,
        tpu.vector_store_idx %arg8[%xor3A_106, %add3A_98], %gather3A_114 : memref<64x128xf32, #tpu.memory_space<vmem>>[vector<16xi32>, vector<16xi32>], vector<16xf32>,
        tpu.vector_store_idx %arg8[%xor3A_109, %add3A_98], %gather3A_116 : memref<64x128xf32, #tpu.memory_space<vmem>>[vector<16xi32>, vector<16xi32>], vector<16xf32>,
        %xor3A_117 = arith.constant 4 : i32
        %xor3A_118 = vector.broadcast %xor3A_117 : i32 to vector<16xi32>
        %xor3A_119 = arith.xori %iota3A, %xor3A_118 : vector<16xi32>
        %xor3A_120 = arith.constant 5 : i32
        %xor3A_121 = vector.broadcast %xor3A_120 : i32 to vector<16xi32>
        %xor3A_122 = arith.xori %iota3A, %xor3A_121 : vector<16xi32>
        %xor3A_123 = arith.constant 6 : i32
        %xor3A_124 = vector.broadcast %xor3A_123 : i32 to vector<16xi32>
        %xor3A_125 = arith.xori %iota3A, %xor3A_124 : vector<16xi32>
        %xor3A_126 = arith.constant 7 : i32
        %xor3A_127 = vector.broadcast %xor3A_126 : i32 to vector<16xi32>
        %xor3A_128 = arith.xori %iota3A, %xor3A_127 : vector<16xi32>
        %add3A_129 = arith.addi %shift_left3A_94, %xor3A_119 : vector<16xi32>
        %gather3A_130 = tpu.vector_load_idx %arg5[%shift_right_logical3A_90, %add3A_129] : memref<512x128xf32, #tpu.memory_space<vmem>>[vector<16xi32>, vector<16xi32>], vector<16xf32>,
        %add3A_131 = arith.addi %shift_left3A_94, %xor3A_122 : vector<16xi32>
        %gather3A_132 = tpu.vector_load_idx %arg5[%shift_right_logical3A_90, %add3A_131] : memref<512x128xf32, #tpu.memory_space<vmem>>[vector<16xi32>, vector<16xi32>], vector<16xf32>,
        %add3A_133 = arith.addi %shift_left3A_94, %xor3A_125 : vector<16xi32>
        %gather3A_134 = tpu.vector_load_idx %arg5[%shift_right_logical3A_90, %add3A_133] : memref<512x128xf32, #tpu.memory_space<vmem>>[vector<16xi32>, vector<16xi32>], vector<16xf32>,
        %add3A_135 = arith.addi %shift_left3A_94, %xor3A_128 : vector<16xi32>
        %gather3A_136 = tpu.vector_load_idx %arg5[%shift_right_logical3A_90, %add3A_135] : memref<512x128xf32, #tpu.memory_space<vmem>>[vector<16xi32>, vector<16xi32>], vector<16xf32>,
        tpu.vector_store_idx %arg8[%xor3A_119, %add3A_98], %gather3A_130 : memref<64x128xf32, #tpu.memory_space<vmem>>[vector<16xi32>, vector<16xi32>], vector<16xf32>,
        tpu.vector_store_idx %arg8[%xor3A_122, %add3A_98], %gather3A_132 : memref<64x128xf32, #tpu.memory_space<vmem>>[vector<16xi32>, vector<16xi32>], vector<16xf32>,
        tpu.vector_store_idx %arg8[%xor3A_125, %add3A_98], %gather3A_134 : memref<64x128xf32, #tpu.memory_space<vmem>>[vector<16xi32>, vector<16xi32>], vector<16xf32>,
        tpu.vector_store_idx %arg8[%xor3A_128, %add3A_98], %gather3A_136 : memref<64x128xf32, #tpu.memory_space<vmem>>[vector<16xi32>, vector<16xi32>], vector<16xf32>,
        %xor3A_137 = arith.constant 8 : i32
        %xor3A_138 = vector.broadcast %xor3A_137 : i32 to vector<16xi32>
        %xor3A_139 = arith.xori %iota3A, %xor3A_138 : vector<16xi32>
        %xor3A_140 = arith.constant 9 : i32
        %xor3A_141 = vector.broadcast %xor3A_140 : i32 to vector<16xi32>
        %xor3A_142 = arith.xori %iota3A, %xor3A_141 : vector<16xi32>
        %xor3A_143 = arith.constant 10 : i32
        %xor3A_144 = vector.broadcast %xor3A_143 : i32 to vector<16xi32>
        %xor3A_145 = arith.xori %iota3A, %xor3A_144 : vector<16xi32>
        %xor3A_146 = arith.constant 11 : i32
        %xor3A_147 = vector.broadcast %xor3A_146 : i32 to vector<16xi32>
        %xor3A_148 = arith.xori %iota3A, %xor3A_147 : vector<16xi32>
        %add3A_149 = arith.addi %shift_left3A_94, %xor3A_139 : vector<16xi32>
        %gather3A_150 = tpu.vector_load_idx %arg5[%shift_right_logical3A_90, %add3A_149] : memref<512x128xf32, #tpu.memory_space<vmem>>[vector<16xi32>, vector<16xi32>], vector<16xf32>,
        %add3A_151 = arith.addi %shift_left3A_94, %xor3A_142 : vector<16xi32>
        %gather3A_152 = tpu.vector_load_idx %arg5[%shift_right_logical3A_90, %add3A_151] : memref<512x128xf32, #tpu.memory_space<vmem>>[vector<16xi32>, vector<16xi32>], vector<16xf32>,
        %add3A_153 = arith.addi %shift_left3A_94, %xor3A_145 : vector<16xi32>
        %gather3A_154 = tpu.vector_load_idx %arg5[%shift_right_logical3A_90, %add3A_153] : memref<512x128xf32, #tpu.memory_space<vmem>>[vector<16xi32>, vector<16xi32>], vector<16xf32>,
        %add3A_155 = arith.addi %shift_left3A_94, %xor3A_148 : vector<16xi32>
        %gather3A_156 = tpu.vector_load_idx %arg5[%shift_right_logical3A_90, %add3A_155] : memref<512x128xf32, #tpu.memory_space<vmem>>[vector<16xi32>, vector<16xi32>], vector<16xf32>,
        tpu.vector_store_idx %arg8[%xor3A_139, %add3A_98], %gather3A_150 : memref<64x128xf32, #tpu.memory_space<vmem>>[vector<16xi32>, vector<16xi32>], vector<16xf32>,
        tpu.vector_store_idx %arg8[%xor3A_142, %add3A_98], %gather3A_152 : memref<64x128xf32, #tpu.memory_space<vmem>>[vector<16xi32>, vector<16xi32>], vector<16xf32>,
        tpu.vector_store_idx %arg8[%xor3A_145, %add3A_98], %gather3A_154 : memref<64x128xf32, #tpu.memory_space<vmem>>[vector<16xi32>, vector<16xi32>], vector<16xf32>,
        tpu.vector_store_idx %arg8[%xor3A_148, %add3A_98], %gather3A_156 : memref<64x128xf32, #tpu.memory_space<vmem>>[vector<16xi32>, vector<16xi32>], vector<16xf32>,
        %xor3A_157 = arith.constant 12 : i32
        %xor3A_158 = vector.broadcast %xor3A_157 : i32 to vector<16xi32>
        %xor3A_159 = arith.xori %iota3A, %xor3A_158 : vector<16xi32>
        %xor3A_160 = arith.constant 13 : i32
        %xor3A_161 = vector.broadcast %xor3A_160 : i32 to vector<16xi32>
        %xor3A_162 = arith.xori %iota3A, %xor3A_161 : vector<16xi32>
        %xor3A_163 = arith.constant 14 : i32
        %xor3A_164 = vector.broadcast %xor3A_163 : i32 to vector<16xi32>
        %xor3A_165 = arith.xori %iota3A, %xor3A_164 : vector<16xi32>
        %xor3A_166 = arith.constant 15 : i32
        %xor3A_167 = vector.broadcast %xor3A_166 : i32 to vector<16xi32>
        %xor3A_168 = arith.xori %iota3A, %xor3A_167 : vector<16xi32>
        %add3A_169 = arith.addi %shift_left3A_94, %xor3A_159 : vector<16xi32>
        %gather3A_170 = tpu.vector_load_idx %arg5[%shift_right_logical3A_90, %add3A_169] : memref<512x128xf32, #tpu.memory_space<vmem>>[vector<16xi32>, vector<16xi32>], vector<16xf32>,
        %add3A_171 = arith.addi %shift_left3A_94, %xor3A_162 : vector<16xi32>
        %gather3A_172 = tpu.vector_load_idx %arg5[%shift_right_logical3A_90, %add3A_171] : memref<512x128xf32, #tpu.memory_space<vmem>>[vector<16xi32>, vector<16xi32>], vector<16xf32>,
        %add3A_173 = arith.addi %shift_left3A_94, %xor3A_165 : vector<16xi32>
        %gather3A_174 = tpu.vector_load_idx %arg5[%shift_right_logical3A_90, %add3A_173] : memref<512x128xf32, #tpu.memory_space<vmem>>[vector<16xi32>, vector<16xi32>], vector<16xf32>,
        %add3A_175 = arith.addi %shift_left3A_94, %xor3A_168 : vector<16xi32>
        %gather3A_176 = tpu.vector_load_idx %arg5[%shift_right_logical3A_90, %add3A_175] : memref<512x128xf32, #tpu.memory_space<vmem>>[vector<16xi32>, vector<16xi32>], vector<16xf32>,
        tpu.vector_store_idx %arg8[%xor3A_159, %add3A_98], %gather3A_170 : memref<64x128xf32, #tpu.memory_space<vmem>>[vector<16xi32>, vector<16xi32>], vector<16xf32>,
        tpu.vector_store_idx %arg8[%xor3A_162, %add3A_98], %gather3A_172 : memref<64x128xf32, #tpu.memory_space<vmem>>[vector<16xi32>, vector<16xi32>], vector<16xf32>,
        tpu.vector_store_idx %arg8[%xor3A_165, %add3A_98], %gather3A_174 : memref<64x128xf32, #tpu.memory_space<vmem>>[vector<16xi32>, vector<16xi32>], vector<16xf32>,
        tpu.vector_store_idx %arg8[%xor3A_168, %add3A_98], %gather3A_176 : memref<64x128xf32, #tpu.memory_space<vmem>>[vector<16xi32>, vector<16xi32>], vector<16xf32>,
        %xor3A_177 = arith.constant 16 : i32
        %xor3A_178 = vector.broadcast %xor3A_177 : i32 to vector<16xi32>
        %xor3A_179 = arith.xori %iota3A, %xor3A_178 : vector<16xi32>
        %xor3A_180 = arith.constant 17 : i32
        %xor3A_181 = vector.broadcast %xor3A_180 : i32 to vector<16xi32>
        %xor3A_182 = arith.xori %iota3A, %xor3A_181 : vector<16xi32>
        %xor3A_183 = arith.constant 18 : i32
        %xor3A_184 = vector.broadcast %xor3A_183 : i32 to vector<16xi32>
        %xor3A_185 = arith.xori %iota3A, %xor3A_184 : vector<16xi32>
        %xor3A_186 = arith.constant 19 : i32
        %xor3A_187 = vector.broadcast %xor3A_186 : i32 to vector<16xi32>
        %xor3A_188 = arith.xori %iota3A, %xor3A_187 : vector<16xi32>
        %add3A_189 = arith.addi %shift_left3A_94, %xor3A_179 : vector<16xi32>
        %gather3A_190 = tpu.vector_load_idx %arg5[%shift_right_logical3A_90, %add3A_189] : memref<512x128xf32, #tpu.memory_space<vmem>>[vector<16xi32>, vector<16xi32>], vector<16xf32>,
        %add3A_191 = arith.addi %shift_left3A_94, %xor3A_182 : vector<16xi32>
        %gather3A_192 = tpu.vector_load_idx %arg5[%shift_right_logical3A_90, %add3A_191] : memref<512x128xf32, #tpu.memory_space<vmem>>[vector<16xi32>, vector<16xi32>], vector<16xf32>,
        %add3A_193 = arith.addi %shift_left3A_94, %xor3A_185 : vector<16xi32>
        %gather3A_194 = tpu.vector_load_idx %arg5[%shift_right_logical3A_90, %add3A_193] : memref<512x128xf32, #tpu.memory_space<vmem>>[vector<16xi32>, vector<16xi32>], vector<16xf32>,
        %add3A_195 = arith.addi %shift_left3A_94, %xor3A_188 : vector<16xi32>
        %gather3A_196 = tpu.vector_load_idx %arg5[%shift_right_logical3A_90, %add3A_195] : memref<512x128xf32, #tpu.memory_space<vmem>>[vector<16xi32>, vector<16xi32>], vector<16xf32>,
        tpu.vector_store_idx %arg8[%xor3A_179, %add3A_98], %gather3A_190 : memref<64x128xf32, #tpu.memory_space<vmem>>[vector<16xi32>, vector<16xi32>], vector<16xf32>,
        tpu.vector_store_idx %arg8[%xor3A_182, %add3A_98], %gather3A_192 : memref<64x128xf32, #tpu.memory_space<vmem>>[vector<16xi32>, vector<16xi32>], vector<16xf32>,
        tpu.vector_store_idx %arg8[%xor3A_185, %add3A_98], %gather3A_194 : memref<64x128xf32, #tpu.memory_space<vmem>>[vector<16xi32>, vector<16xi32>], vector<16xf32>,
        tpu.vector_store_idx %arg8[%xor3A_188, %add3A_98], %gather3A_196 : memref<64x128xf32, #tpu.memory_space<vmem>>[vector<16xi32>, vector<16xi32>], vector<16xf32>,
        %xor3A_197 = arith.constant 20 : i32
        %xor3A_198 = vector.broadcast %xor3A_197 : i32 to vector<16xi32>
        %xor3A_199 = arith.xori %iota3A, %xor3A_198 : vector<16xi32>
        %xor3A_200 = arith.constant 21 : i32
        %xor3A_201 = vector.broadcast %xor3A_200 : i32 to vector<16xi32>
        %xor3A_202 = arith.xori %iota3A, %xor3A_201 : vector<16xi32>
        %xor3A_203 = arith.constant 22 : i32
        %xor3A_204 = vector.broadcast %xor3A_203 : i32 to vector<16xi32>
        %xor3A_205 = arith.xori %iota3A, %xor3A_204 : vector<16xi32>
        %xor3A_206 = arith.constant 23 : i32
        %xor3A_207 = vector.broadcast %xor3A_206 : i32 to vector<16xi32>
        %xor3A_208 = arith.xori %iota3A, %xor3A_207 : vector<16xi32>
        %add3A_209 = arith.addi %shift_left3A_94, %xor3A_199 : vector<16xi32>
        %gather3A_210 = tpu.vector_load_idx %arg5[%shift_right_logical3A_90, %add3A_209] : memref<512x128xf32, #tpu.memory_space<vmem>>[vector<16xi32>, vector<16xi32>], vector<16xf32>,
        %add3A_211 = arith.addi %shift_left3A_94, %xor3A_202 : vector<16xi32>
        %gather3A_212 = tpu.vector_load_idx %arg5[%shift_right_logical3A_90, %add3A_211] : memref<512x128xf32, #tpu.memory_space<vmem>>[vector<16xi32>, vector<16xi32>], vector<16xf32>,
        %add3A_213 = arith.addi %shift_left3A_94, %xor3A_205 : vector<16xi32>
        %gather3A_214 = tpu.vector_load_idx %arg5[%shift_right_logical3A_90, %add3A_213] : memref<512x128xf32, #tpu.memory_space<vmem>>[vector<16xi32>, vector<16xi32>], vector<16xf32>,
        %add3A_215 = arith.addi %shift_left3A_94, %xor3A_208 : vector<16xi32>
        %gather3A_216 = tpu.vector_load_idx %arg5[%shift_right_logical3A_90, %add3A_215] : memref<512x128xf32, #tpu.memory_space<vmem>>[vector<16xi32>, vector<16xi32>], vector<16xf32>,
        tpu.vector_store_idx %arg8[%xor3A_199, %add3A_98], %gather3A_210 : memref<64x128xf32, #tpu.memory_space<vmem>>[vector<16xi32>, vector<16xi32>], vector<16xf32>,
        tpu.vector_store_idx %arg8[%xor3A_202, %add3A_98], %gather3A_212 : memref<64x128xf32, #tpu.memory_space<vmem>>[vector<16xi32>, vector<16xi32>], vector<16xf32>,
        tpu.vector_store_idx %arg8[%xor3A_205, %add3A_98], %gather3A_214 : memref<64x128xf32, #tpu.memory_space<vmem>>[vector<16xi32>, vector<16xi32>], vector<16xf32>,
        tpu.vector_store_idx %arg8[%xor3A_208, %add3A_98], %gather3A_216 : memref<64x128xf32, #tpu.memory_space<vmem>>[vector<16xi32>, vector<16xi32>], vector<16xf32>,
        %xor3A_217 = arith.constant 24 : i32
        %xor3A_218 = vector.broadcast %xor3A_217 : i32 to vector<16xi32>
        %xor3A_219 = arith.xori %iota3A, %xor3A_218 : vector<16xi32>
        %xor3A_220 = arith.constant 25 : i32
        %xor3A_221 = vector.broadcast %xor3A_220 : i32 to vector<16xi32>
        %xor3A_222 = arith.xori %iota3A, %xor3A_221 : vector<16xi32>
        %xor3A_223 = arith.constant 26 : i32
        %xor3A_224 = vector.broadcast %xor3A_223 : i32 to vector<16xi32>
        %xor3A_225 = arith.xori %iota3A, %xor3A_224 : vector<16xi32>
        %xor3A_226 = arith.constant 27 : i32
        %xor3A_227 = vector.broadcast %xor3A_226 : i32 to vector<16xi32>
        %xor3A_228 = arith.xori %iota3A, %xor3A_227 : vector<16xi32>
        %add3A_229 = arith.addi %shift_left3A_94, %xor3A_219 : vector<16xi32>
        %gather3A_230 = tpu.vector_load_idx %arg5[%shift_right_logical3A_90, %add3A_229] : memref<512x128xf32, #tpu.memory_space<vmem>>[vector<16xi32>, vector<16xi32>], vector<16xf32>,
        %add3A_231 = arith.addi %shift_left3A_94, %xor3A_222 : vector<16xi32>
        %gather3A_232 = tpu.vector_load_idx %arg5[%shift_right_logical3A_90, %add3A_231] : memref<512x128xf32, #tpu.memory_space<vmem>>[vector<16xi32>, vector<16xi32>], vector<16xf32>,
        %add3A_233 = arith.addi %shift_left3A_94, %xor3A_225 : vector<16xi32>
        %gather3A_234 = tpu.vector_load_idx %arg5[%shift_right_logical3A_90, %add3A_233] : memref<512x128xf32, #tpu.memory_space<vmem>>[vector<16xi32>, vector<16xi32>], vector<16xf32>,
        %add3A_235 = arith.addi %shift_left3A_94, %xor3A_228 : vector<16xi32>
        %gather3A_236 = tpu.vector_load_idx %arg5[%shift_right_logical3A_90, %add3A_235] : memref<512x128xf32, #tpu.memory_space<vmem>>[vector<16xi32>, vector<16xi32>], vector<16xf32>,
        tpu.vector_store_idx %arg8[%xor3A_219, %add3A_98], %gather3A_230 : memref<64x128xf32, #tpu.memory_space<vmem>>[vector<16xi32>, vector<16xi32>], vector<16xf32>,
        tpu.vector_store_idx %arg8[%xor3A_222, %add3A_98], %gather3A_232 : memref<64x128xf32, #tpu.memory_space<vmem>>[vector<16xi32>, vector<16xi32>], vector<16xf32>,
        tpu.vector_store_idx %arg8[%xor3A_225, %add3A_98], %gather3A_234 : memref<64x128xf32, #tpu.memory_space<vmem>>[vector<16xi32>, vector<16xi32>], vector<16xf32>,
        tpu.vector_store_idx %arg8[%xor3A_228, %add3A_98], %gather3A_236 : memref<64x128xf32, #tpu.memory_space<vmem>>[vector<16xi32>, vector<16xi32>], vector<16xf32>,
        %xor3A_237 = arith.constant 28 : i32
        %xor3A_238 = vector.broadcast %xor3A_237 : i32 to vector<16xi32>
        %xor3A_239 = arith.xori %iota3A, %xor3A_238 : vector<16xi32>
        %xor3A_240 = arith.constant 29 : i32
        %xor3A_241 = vector.broadcast %xor3A_240 : i32 to vector<16xi32>
        %xor3A_242 = arith.xori %iota3A, %xor3A_241 : vector<16xi32>
        %xor3A_243 = arith.constant 30 : i32
        %xor3A_244 = vector.broadcast %xor3A_243 : i32 to vector<16xi32>
        %xor3A_245 = arith.xori %iota3A, %xor3A_244 : vector<16xi32>
        %xor3A_246 = arith.constant 31 : i32
        %xor3A_247 = vector.broadcast %xor3A_246 : i32 to vector<16xi32>
        %xor3A_248 = arith.xori %iota3A, %xor3A_247 : vector<16xi32>
        %add3A_249 = arith.addi %shift_left3A_94, %xor3A_239 : vector<16xi32>
        %gather3A_250 = tpu.vector_load_idx %arg5[%shift_right_logical3A_90, %add3A_249] : memref<512x128xf32, #tpu.memory_space<vmem>>[vector<16xi32>, vector<16xi32>], vector<16xf32>,
        %add3A_251 = arith.addi %shift_left3A_94, %xor3A_242 : vector<16xi32>
        %gather3A_252 = tpu.vector_load_idx %arg5[%shift_right_logical3A_90, %add3A_251] : memref<512x128xf32, #tpu.memory_space<vmem>>[vector<16xi32>, vector<16xi32>], vector<16xf32>,
        %add3A_253 = arith.addi %shift_left3A_94, %xor3A_245 : vector<16xi32>
        %gather3A_254 = tpu.vector_load_idx %arg5[%shift_right_logical3A_90, %add3A_253] : memref<512x128xf32, #tpu.memory_space<vmem>>[vector<16xi32>, vector<16xi32>], vector<16xf32>,
        %add3A_255 = arith.addi %shift_left3A_94, %xor3A_248 : vector<16xi32>
        %gather3A_256 = tpu.vector_load_idx %arg5[%shift_right_logical3A_90, %add3A_255] : memref<512x128xf32, #tpu.memory_space<vmem>>[vector<16xi32>, vector<16xi32>], vector<16xf32>,
        tpu.vector_store_idx %arg8[%xor3A_239, %add3A_98], %gather3A_250 : memref<64x128xf32, #tpu.memory_space<vmem>>[vector<16xi32>, vector<16xi32>], vector<16xf32>,
        tpu.vector_store_idx %arg8[%xor3A_242, %add3A_98], %gather3A_252 : memref<64x128xf32, #tpu.memory_space<vmem>>[vector<16xi32>, vector<16xi32>], vector<16xf32>,
        tpu.vector_store_idx %arg8[%xor3A_245, %add3A_98], %gather3A_254 : memref<64x128xf32, #tpu.memory_space<vmem>>[vector<16xi32>, vector<16xi32>], vector<16xf32>,
        tpu.vector_store_idx %arg8[%xor3A_248, %add3A_98], %gather3A_256 : memref<64x128xf32, #tpu.memory_space<vmem>>[vector<16xi32>, vector<16xi32>], vector<16xf32>,
        %xor3A_257 = arith.constant 32 : i32
        %xor3A_258 = vector.broadcast %xor3A_257 : i32 to vector<16xi32>
        %xor3A_259 = arith.xori %iota3A, %xor3A_258 : vector<16xi32>
        %xor3A_260 = arith.constant 33 : i32
        %xor3A_261 = vector.broadcast %xor3A_260 : i32 to vector<16xi32>
        %xor3A_262 = arith.xori %iota3A, %xor3A_261 : vector<16xi32>
        %xor3A_263 = arith.constant 34 : i32
        %xor3A_264 = vector.broadcast %xor3A_263 : i32 to vector<16xi32>
        %xor3A_265 = arith.xori %iota3A, %xor3A_264 : vector<16xi32>
        %xor3A_266 = arith.constant 35 : i32
        %xor3A_267 = vector.broadcast %xor3A_266 : i32 to vector<16xi32>
        %xor3A_268 = arith.xori %iota3A, %xor3A_267 : vector<16xi32>
        %add3A_269 = arith.addi %shift_left3A_94, %xor3A_259 : vector<16xi32>
        %gather3A_270 = tpu.vector_load_idx %arg5[%shift_right_logical3A_90, %add3A_269] : memref<512x128xf32, #tpu.memory_space<vmem>>[vector<16xi32>, vector<16xi32>], vector<16xf32>,
        %add3A_271 = arith.addi %shift_left3A_94, %xor3A_262 : vector<16xi32>
        %gather3A_272 = tpu.vector_load_idx %arg5[%shift_right_logical3A_90, %add3A_271] : memref<512x128xf32, #tpu.memory_space<vmem>>[vector<16xi32>, vector<16xi32>], vector<16xf32>,
        %add3A_273 = arith.addi %shift_left3A_94, %xor3A_265 : vector<16xi32>
        %gather3A_274 = tpu.vector_load_idx %arg5[%shift_right_logical3A_90, %add3A_273] : memref<512x128xf32, #tpu.memory_space<vmem>>[vector<16xi32>, vector<16xi32>], vector<16xf32>,
        %add3A_275 = arith.addi %shift_left3A_94, %xor3A_268 : vector<16xi32>
        %gather3A_276 = tpu.vector_load_idx %arg5[%shift_right_logical3A_90, %add3A_275] : memref<512x128xf32, #tpu.memory_space<vmem>>[vector<16xi32>, vector<16xi32>], vector<16xf32>,
        tpu.vector_store_idx %arg8[%xor3A_259, %add3A_98], %gather3A_270 : memref<64x128xf32, #tpu.memory_space<vmem>>[vector<16xi32>, vector<16xi32>], vector<16xf32>,
        tpu.vector_store_idx %arg8[%xor3A_262, %add3A_98], %gather3A_272 : memref<64x128xf32, #tpu.memory_space<vmem>>[vector<16xi32>, vector<16xi32>], vector<16xf32>,
        tpu.vector_store_idx %arg8[%xor3A_265, %add3A_98], %gather3A_274 : memref<64x128xf32, #tpu.memory_space<vmem>>[vector<16xi32>, vector<16xi32>], vector<16xf32>,
        tpu.vector_store_idx %arg8[%xor3A_268, %add3A_98], %gather3A_276 : memref<64x128xf32, #tpu.memory_space<vmem>>[vector<16xi32>, vector<16xi32>], vector<16xf32>,
        %xor3A_277 = arith.constant 36 : i32
        %xor3A_278 = vector.broadcast %xor3A_277 : i32 to vector<16xi32>
        %xor3A_279 = arith.xori %iota3A, %xor3A_278 : vector<16xi32>
        %xor3A_280 = arith.constant 37 : i32
        %xor3A_281 = vector.broadcast %xor3A_280 : i32 to vector<16xi32>
        %xor3A_282 = arith.xori %iota3A, %xor3A_281 : vector<16xi32>
        %xor3A_283 = arith.constant 38 : i32
        %xor3A_284 = vector.broadcast %xor3A_283 : i32 to vector<16xi32>
        %xor3A_285 = arith.xori %iota3A, %xor3A_284 : vector<16xi32>
        %xor3A_286 = arith.constant 39 : i32
        %xor3A_287 = vector.broadcast %xor3A_286 : i32 to vector<16xi32>
        %xor3A_288 = arith.xori %iota3A, %xor3A_287 : vector<16xi32>
        %add3A_289 = arith.addi %shift_left3A_94, %xor3A_279 : vector<16xi32>
        %gather3A_290 = tpu.vector_load_idx %arg5[%shift_right_logical3A_90, %add3A_289] : memref<512x128xf32, #tpu.memory_space<vmem>>[vector<16xi32>, vector<16xi32>], vector<16xf32>,
        %add3A_291 = arith.addi %shift_left3A_94, %xor3A_282 : vector<16xi32>
        %gather3A_292 = tpu.vector_load_idx %arg5[%shift_right_logical3A_90, %add3A_291] : memref<512x128xf32, #tpu.memory_space<vmem>>[vector<16xi32>, vector<16xi32>], vector<16xf32>,
        %add3A_293 = arith.addi %shift_left3A_94, %xor3A_285 : vector<16xi32>
        %gather3A_294 = tpu.vector_load_idx %arg5[%shift_right_logical3A_90, %add3A_293] : memref<512x128xf32, #tpu.memory_space<vmem>>[vector<16xi32>, vector<16xi32>], vector<16xf32>,
        %add3A_295 = arith.addi %shift_left3A_94, %xor3A_288 : vector<16xi32>
        %gather3A_296 = tpu.vector_load_idx %arg5[%shift_right_logical3A_90, %add3A_295] : memref<512x128xf32, #tpu.memory_space<vmem>>[vector<16xi32>, vector<16xi32>], vector<16xf32>,
        tpu.vector_store_idx %arg8[%xor3A_279, %add3A_98], %gather3A_290 : memref<64x128xf32, #tpu.memory_space<vmem>>[vector<16xi32>, vector<16xi32>], vector<16xf32>,
        tpu.vector_store_idx %arg8[%xor3A_282, %add3A_98], %gather3A_292 : memref<64x128xf32, #tpu.memory_space<vmem>>[vector<16xi32>, vector<16xi32>], vector<16xf32>,
        tpu.vector_store_idx %arg8[%xor3A_285, %add3A_98], %gather3A_294 : memref<64x128xf32, #tpu.memory_space<vmem>>[vector<16xi32>, vector<16xi32>], vector<16xf32>,
        tpu.vector_store_idx %arg8[%xor3A_288, %add3A_98], %gather3A_296 : memref<64x128xf32, #tpu.memory_space<vmem>>[vector<16xi32>, vector<16xi32>], vector<16xf32>,
        %xor3A_297 = arith.constant 40 : i32
        %xor3A_298 = vector.broadcast %xor3A_297 : i32 to vector<16xi32>
        %xor3A_299 = arith.xori %iota3A, %xor3A_298 : vector<16xi32>
        %xor3A_300 = arith.constant 41 : i32
        %xor3A_301 = vector.broadcast %xor3A_300 : i32 to vector<16xi32>
        %xor3A_302 = arith.xori %iota3A, %xor3A_301 : vector<16xi32>
        %xor3A_303 = arith.constant 42 : i32
        %xor3A_304 = vector.broadcast %xor3A_303 : i32 to vector<16xi32>
        %xor3A_305 = arith.xori %iota3A, %xor3A_304 : vector<16xi32>
        %xor3A_306 = arith.constant 43 : i32
        %xor3A_307 = vector.broadcast %xor3A_306 : i32 to vector<16xi32>
        %xor3A_308 = arith.xori %iota3A, %xor3A_307 : vector<16xi32>
        %add3A_309 = arith.addi %shift_left3A_94, %xor3A_299 : vector<16xi32>
        %gather3A_310 = tpu.vector_load_idx %arg5[%shift_right_logical3A_90, %add3A_309] : memref<512x128xf32, #tpu.memory_space<vmem>>[vector<16xi32>, vector<16xi32>], vector<16xf32>,
        %add3A_311 = arith.addi %shift_left3A_94, %xor3A_302 : vector<16xi32>
        %gather3A_312 = tpu.vector_load_idx %arg5[%shift_right_logical3A_90, %add3A_311] : memref<512x128xf32, #tpu.memory_space<vmem>>[vector<16xi32>, vector<16xi32>], vector<16xf32>,
        %add3A_313 = arith.addi %shift_left3A_94, %xor3A_305 : vector<16xi32>
        %gather3A_314 = tpu.vector_load_idx %arg5[%shift_right_logical3A_90, %add3A_313] : memref<512x128xf32, #tpu.memory_space<vmem>>[vector<16xi32>, vector<16xi32>], vector<16xf32>,
        %add3A_315 = arith.addi %shift_left3A_94, %xor3A_308 : vector<16xi32>
        %gather3A_316 = tpu.vector_load_idx %arg5[%shift_right_logical3A_90, %add3A_315] : memref<512x128xf32, #tpu.memory_space<vmem>>[vector<16xi32>, vector<16xi32>], vector<16xf32>,
        tpu.vector_store_idx %arg8[%xor3A_299, %add3A_98], %gather3A_310 : memref<64x128xf32, #tpu.memory_space<vmem>>[vector<16xi32>, vector<16xi32>], vector<16xf32>,
        tpu.vector_store_idx %arg8[%xor3A_302, %add3A_98], %gather3A_312 : memref<64x128xf32, #tpu.memory_space<vmem>>[vector<16xi32>, vector<16xi32>], vector<16xf32>,
        tpu.vector_store_idx %arg8[%xor3A_305, %add3A_98], %gather3A_314 : memref<64x128xf32, #tpu.memory_space<vmem>>[vector<16xi32>, vector<16xi32>], vector<16xf32>,
        tpu.vector_store_idx %arg8[%xor3A_308, %add3A_98], %gather3A_316 : memref<64x128xf32, #tpu.memory_space<vmem>>[vector<16xi32>, vector<16xi32>], vector<16xf32>,
        %xor3A_317 = arith.constant 44 : i32
        %xor3A_318 = vector.broadcast %xor3A_317 : i32 to vector<16xi32>
        %xor3A_319 = arith.xori %iota3A, %xor3A_318 : vector<16xi32>
        %xor3A_320 = arith.constant 45 : i32
        %xor3A_321 = vector.broadcast %xor3A_320 : i32 to vector<16xi32>
        %xor3A_322 = arith.xori %iota3A, %xor3A_321 : vector<16xi32>
        %xor3A_323 = arith.constant 46 : i32
        %xor3A_324 = vector.broadcast %xor3A_323 : i32 to vector<16xi32>
        %xor3A_325 = arith.xori %iota3A, %xor3A_324 : vector<16xi32>
        %xor3A_326 = arith.constant 47 : i32
        %xor3A_327 = vector.broadcast %xor3A_326 : i32 to vector<16xi32>
        %xor3A_328 = arith.xori %iota3A, %xor3A_327 : vector<16xi32>
        %add3A_329 = arith.addi %shift_left3A_94, %xor3A_319 : vector<16xi32>
        %gather3A_330 = tpu.vector_load_idx %arg5[%shift_right_logical3A_90, %add3A_329] : memref<512x128xf32, #tpu.memory_space<vmem>>[vector<16xi32>, vector<16xi32>], vector<16xf32>,
        %add3A_331 = arith.addi %shift_left3A_94, %xor3A_322 : vector<16xi32>
        %gather3A_332 = tpu.vector_load_idx %arg5[%shift_right_logical3A_90, %add3A_331] : memref<512x128xf32, #tpu.memory_space<vmem>>[vector<16xi32>, vector<16xi32>], vector<16xf32>,
        %add3A_333 = arith.addi %shift_left3A_94, %xor3A_325 : vector<16xi32>
        %gather3A_334 = tpu.vector_load_idx %arg5[%shift_right_logical3A_90, %add3A_333] : memref<512x128xf32, #tpu.memory_space<vmem>>[vector<16xi32>, vector<16xi32>], vector<16xf32>,
        %add3A_335 = arith.addi %shift_left3A_94, %xor3A_328 : vector<16xi32>
        %gather3A_336 = tpu.vector_load_idx %arg5[%shift_right_logical3A_90, %add3A_335] : memref<512x128xf32, #tpu.memory_space<vmem>>[vector<16xi32>, vector<16xi32>], vector<16xf32>,
        tpu.vector_store_idx %arg8[%xor3A_319, %add3A_98], %gather3A_330 : memref<64x128xf32, #tpu.memory_space<vmem>>[vector<16xi32>, vector<16xi32>], vector<16xf32>,
        tpu.vector_store_idx %arg8[%xor3A_322, %add3A_98], %gather3A_332 : memref<64x128xf32, #tpu.memory_space<vmem>>[vector<16xi32>, vector<16xi32>], vector<16xf32>,
        tpu.vector_store_idx %arg8[%xor3A_325, %add3A_98], %gather3A_334 : memref<64x128xf32, #tpu.memory_space<vmem>>[vector<16xi32>, vector<16xi32>], vector<16xf32>,
        tpu.vector_store_idx %arg8[%xor3A_328, %add3A_98], %gather3A_336 : memref<64x128xf32, #tpu.memory_space<vmem>>[vector<16xi32>, vector<16xi32>], vector<16xf32>,
        %xor3A_337 = arith.constant 48 : i32
        %xor3A_338 = vector.broadcast %xor3A_337 : i32 to vector<16xi32>
        %xor3A_339 = arith.xori %iota3A, %xor3A_338 : vector<16xi32>
        %xor3A_340 = arith.constant 49 : i32
        %xor3A_341 = vector.broadcast %xor3A_340 : i32 to vector<16xi32>
        %xor3A_342 = arith.xori %iota3A, %xor3A_341 : vector<16xi32>
        %xor3A_343 = arith.constant 50 : i32
        %xor3A_344 = vector.broadcast %xor3A_343 : i32 to vector<16xi32>
        %xor3A_345 = arith.xori %iota3A, %xor3A_344 : vector<16xi32>
        %xor3A_346 = arith.constant 51 : i32
        %xor3A_347 = vector.broadcast %xor3A_346 : i32 to vector<16xi32>
        %xor3A_348 = arith.xori %iota3A, %xor3A_347 : vector<16xi32>
        %add3A_349 = arith.addi %shift_left3A_94, %xor3A_339 : vector<16xi32>
        %gather3A_350 = tpu.vector_load_idx %arg5[%shift_right_logical3A_90, %add3A_349] : memref<512x128xf32, #tpu.memory_space<vmem>>[vector<16xi32>, vector<16xi32>], vector<16xf32>,
        %add3A_351 = arith.addi %shift_left3A_94, %xor3A_342 : vector<16xi32>
        %gather3A_352 = tpu.vector_load_idx %arg5[%shift_right_logical3A_90, %add3A_351] : memref<512x128xf32, #tpu.memory_space<vmem>>[vector<16xi32>, vector<16xi32>], vector<16xf32>,
        %add3A_353 = arith.addi %shift_left3A_94, %xor3A_345 : vector<16xi32>
        %gather3A_354 = tpu.vector_load_idx %arg5[%shift_right_logical3A_90, %add3A_353] : memref<512x128xf32, #tpu.memory_space<vmem>>[vector<16xi32>, vector<16xi32>], vector<16xf32>,
        %add3A_355 = arith.addi %shift_left3A_94, %xor3A_348 : vector<16xi32>
        %gather3A_356 = tpu.vector_load_idx %arg5[%shift_right_logical3A_90, %add3A_355] : memref<512x128xf32, #tpu.memory_space<vmem>>[vector<16xi32>, vector<16xi32>], vector<16xf32>,
        tpu.vector_store_idx %arg8[%xor3A_339, %add3A_98], %gather3A_350 : memref<64x128xf32, #tpu.memory_space<vmem>>[vector<16xi32>, vector<16xi32>], vector<16xf32>,
        tpu.vector_store_idx %arg8[%xor3A_342, %add3A_98], %gather3A_352 : memref<64x128xf32, #tpu.memory_space<vmem>>[vector<16xi32>, vector<16xi32>], vector<16xf32>,
        tpu.vector_store_idx %arg8[%xor3A_345, %add3A_98], %gather3A_354 : memref<64x128xf32, #tpu.memory_space<vmem>>[vector<16xi32>, vector<16xi32>], vector<16xf32>,
        tpu.vector_store_idx %arg8[%xor3A_348, %add3A_98], %gather3A_356 : memref<64x128xf32, #tpu.memory_space<vmem>>[vector<16xi32>, vector<16xi32>], vector<16xf32>,
        %xor3A_357 = arith.constant 52 : i32
        %xor3A_358 = vector.broadcast %xor3A_357 : i32 to vector<16xi32>
        %xor3A_359 = arith.xori %iota3A, %xor3A_358 : vector<16xi32>
        %xor3A_360 = arith.constant 53 : i32
        %xor3A_361 = vector.broadcast %xor3A_360 : i32 to vector<16xi32>
        %xor3A_362 = arith.xori %iota3A, %xor3A_361 : vector<16xi32>
        %xor3A_363 = arith.constant 54 : i32
        %xor3A_364 = vector.broadcast %xor3A_363 : i32 to vector<16xi32>
        %xor3A_365 = arith.xori %iota3A, %xor3A_364 : vector<16xi32>
        %xor3A_366 = arith.constant 55 : i32
        %xor3A_367 = vector.broadcast %xor3A_366 : i32 to vector<16xi32>
        %xor3A_368 = arith.xori %iota3A, %xor3A_367 : vector<16xi32>
        %add3A_369 = arith.addi %shift_left3A_94, %xor3A_359 : vector<16xi32>
        %gather3A_370 = tpu.vector_load_idx %arg5[%shift_right_logical3A_90, %add3A_369] : memref<512x128xf32, #tpu.memory_space<vmem>>[vector<16xi32>, vector<16xi32>], vector<16xf32>,
        %add3A_371 = arith.addi %shift_left3A_94, %xor3A_362 : vector<16xi32>
        %gather3A_372 = tpu.vector_load_idx %arg5[%shift_right_logical3A_90, %add3A_371] : memref<512x128xf32, #tpu.memory_space<vmem>>[vector<16xi32>, vector<16xi32>], vector<16xf32>,
        %add3A_373 = arith.addi %shift_left3A_94, %xor3A_365 : vector<16xi32>
        %gather3A_374 = tpu.vector_load_idx %arg5[%shift_right_logical3A_90, %add3A_373] : memref<512x128xf32, #tpu.memory_space<vmem>>[vector<16xi32>, vector<16xi32>], vector<16xf32>,
        %add3A_375 = arith.addi %shift_left3A_94, %xor3A_368 : vector<16xi32>
        %gather3A_376 = tpu.vector_load_idx %arg5[%shift_right_logical3A_90, %add3A_375] : memref<512x128xf32, #tpu.memory_space<vmem>>[vector<16xi32>, vector<16xi32>], vector<16xf32>,
        tpu.vector_store_idx %arg8[%xor3A_359, %add3A_98], %gather3A_370 : memref<64x128xf32, #tpu.memory_space<vmem>>[vector<16xi32>, vector<16xi32>], vector<16xf32>,
        tpu.vector_store_idx %arg8[%xor3A_362, %add3A_98], %gather3A_372 : memref<64x128xf32, #tpu.memory_space<vmem>>[vector<16xi32>, vector<16xi32>], vector<16xf32>,
        tpu.vector_store_idx %arg8[%xor3A_365, %add3A_98], %gather3A_374 : memref<64x128xf32, #tpu.memory_space<vmem>>[vector<16xi32>, vector<16xi32>], vector<16xf32>,
        tpu.vector_store_idx %arg8[%xor3A_368, %add3A_98], %gather3A_376 : memref<64x128xf32, #tpu.memory_space<vmem>>[vector<16xi32>, vector<16xi32>], vector<16xf32>,
        %xor3A_377 = arith.constant 56 : i32
        %xor3A_378 = vector.broadcast %xor3A_377 : i32 to vector<16xi32>
        %xor3A_379 = arith.xori %iota3A, %xor3A_378 : vector<16xi32>
        %xor3A_380 = arith.constant 57 : i32
        %xor3A_381 = vector.broadcast %xor3A_380 : i32 to vector<16xi32>
        %xor3A_382 = arith.xori %iota3A, %xor3A_381 : vector<16xi32>
        %xor3A_383 = arith.constant 58 : i32
        %xor3A_384 = vector.broadcast %xor3A_383 : i32 to vector<16xi32>
        %xor3A_385 = arith.xori %iota3A, %xor3A_384 : vector<16xi32>
        %xor3A_386 = arith.constant 59 : i32
        %xor3A_387 = vector.broadcast %xor3A_386 : i32 to vector<16xi32>
        %xor3A_388 = arith.xori %iota3A, %xor3A_387 : vector<16xi32>
        %add3A_389 = arith.addi %shift_left3A_94, %xor3A_379 : vector<16xi32>
        %gather3A_390 = tpu.vector_load_idx %arg5[%shift_right_logical3A_90, %add3A_389] : memref<512x128xf32, #tpu.memory_space<vmem>>[vector<16xi32>, vector<16xi32>], vector<16xf32>,
        %add3A_391 = arith.addi %shift_left3A_94, %xor3A_382 : vector<16xi32>
        %gather3A_392 = tpu.vector_load_idx %arg5[%shift_right_logical3A_90, %add3A_391] : memref<512x128xf32, #tpu.memory_space<vmem>>[vector<16xi32>, vector<16xi32>], vector<16xf32>,
        %add3A_393 = arith.addi %shift_left3A_94, %xor3A_385 : vector<16xi32>
        %gather3A_394 = tpu.vector_load_idx %arg5[%shift_right_logical3A_90, %add3A_393] : memref<512x128xf32, #tpu.memory_space<vmem>>[vector<16xi32>, vector<16xi32>], vector<16xf32>,
        %add3A_395 = arith.addi %shift_left3A_94, %xor3A_388 : vector<16xi32>
        %gather3A_396 = tpu.vector_load_idx %arg5[%shift_right_logical3A_90, %add3A_395] : memref<512x128xf32, #tpu.memory_space<vmem>>[vector<16xi32>, vector<16xi32>], vector<16xf32>,
        tpu.vector_store_idx %arg8[%xor3A_379, %add3A_98], %gather3A_390 : memref<64x128xf32, #tpu.memory_space<vmem>>[vector<16xi32>, vector<16xi32>], vector<16xf32>,
        tpu.vector_store_idx %arg8[%xor3A_382, %add3A_98], %gather3A_392 : memref<64x128xf32, #tpu.memory_space<vmem>>[vector<16xi32>, vector<16xi32>], vector<16xf32>,
        tpu.vector_store_idx %arg8[%xor3A_385, %add3A_98], %gather3A_394 : memref<64x128xf32, #tpu.memory_space<vmem>>[vector<16xi32>, vector<16xi32>], vector<16xf32>,
        tpu.vector_store_idx %arg8[%xor3A_388, %add3A_98], %gather3A_396 : memref<64x128xf32, #tpu.memory_space<vmem>>[vector<16xi32>, vector<16xi32>], vector<16xf32>,
        %xor3A_397 = arith.constant 60 : i32
        %xor3A_398 = vector.broadcast %xor3A_397 : i32 to vector<16xi32>
        %xor3A_399 = arith.xori %iota3A, %xor3A_398 : vector<16xi32>
        %xor3A_400 = arith.constant 61 : i32
        %xor3A_401 = vector.broadcast %xor3A_400 : i32 to vector<16xi32>
        %xor3A_402 = arith.xori %iota3A, %xor3A_401 : vector<16xi32>
        %xor3A_403 = arith.constant 62 : i32
        %xor3A_404 = vector.broadcast %xor3A_403 : i32 to vector<16xi32>
        %xor3A_405 = arith.xori %iota3A, %xor3A_404 : vector<16xi32>
        %xor3A_406 = arith.constant 63 : i32
        %xor3A_407 = vector.broadcast %xor3A_406 : i32 to vector<16xi32>
        %xor3A_408 = arith.xori %iota3A, %xor3A_407 : vector<16xi32>
        %add3A_409 = arith.addi %shift_left3A_94, %xor3A_399 : vector<16xi32>
        %gather3A_410 = tpu.vector_load_idx %arg5[%shift_right_logical3A_90, %add3A_409] : memref<512x128xf32, #tpu.memory_space<vmem>>[vector<16xi32>, vector<16xi32>], vector<16xf32>,
        %add3A_411 = arith.addi %shift_left3A_94, %xor3A_402 : vector<16xi32>
        %gather3A_412 = tpu.vector_load_idx %arg5[%shift_right_logical3A_90, %add3A_411] : memref<512x128xf32, #tpu.memory_space<vmem>>[vector<16xi32>, vector<16xi32>], vector<16xf32>,
        %add3A_413 = arith.addi %shift_left3A_94, %xor3A_405 : vector<16xi32>
        %gather3A_414 = tpu.vector_load_idx %arg5[%shift_right_logical3A_90, %add3A_413] : memref<512x128xf32, #tpu.memory_space<vmem>>[vector<16xi32>, vector<16xi32>], vector<16xf32>,
        %add3A_415 = arith.addi %shift_left3A_94, %xor3A_408 : vector<16xi32>
        %gather3A_416 = tpu.vector_load_idx %arg5[%shift_right_logical3A_90, %add3A_415] : memref<512x128xf32, #tpu.memory_space<vmem>>[vector<16xi32>, vector<16xi32>], vector<16xf32>,
        tpu.vector_store_idx %arg8[%xor3A_399, %add3A_98], %gather3A_410 : memref<64x128xf32, #tpu.memory_space<vmem>>[vector<16xi32>, vector<16xi32>], vector<16xf32>,
        tpu.vector_store_idx %arg8[%xor3A_402, %add3A_98], %gather3A_412 : memref<64x128xf32, #tpu.memory_space<vmem>>[vector<16xi32>, vector<16xi32>], vector<16xf32>,
        tpu.vector_store_idx %arg8[%xor3A_405, %add3A_98], %gather3A_414 : memref<64x128xf32, #tpu.memory_space<vmem>>[vector<16xi32>, vector<16xi32>], vector<16xf32>,
        tpu.vector_store_idx %arg8[%xor3A_408, %add3A_98], %gather3A_416 : memref<64x128xf32, #tpu.memory_space<vmem>>[vector<16xi32>, vector<16xi32>], vector<16xf32>,
      }
      %scan3A_43 = arith.constant 8 : i32
      %add3A_44 = arith.constant 2 : i32
      %add3A_45 = arith.addi %add3A_30, %add3A_44 : i32
      %lt3A = arith.constant 64 : i32
      %lt3A_46 = arith.cmpi slt, %add3A_45, %lt3A : i32
      %convert_element_type3A_47 = arith.extui %lt3A_46 : i1 to i32
      %cond3A_48 = arith.constant 0 : i32
      %cond3A_49 = arith.cmpi ne, %convert_element_type3A_47, %cond3A_48 : i32
      scf.if %cond3A_49 {
        %add3A_85 = arith.constant 256 : i32
        %add3A_86 = arith.addi %add3A_33, %add3A_85 : i32
        %dma_start3A_87 = tpu.memref_slice %arg2[%add3A_86] : memref<262144xi32, #tpu.memory_space<hbm>> -> memref<128xi32, #tpu.memory_space<hbm>>
        %dma_start3A_88 = tpu.memref_slice %arg2[%add3A_86] : memref<262144xi32, #tpu.memory_space<hbm>> -> memref<128xi32, #tpu.memory_space<hbm>>
        tpu.enqueue_dma source(%dma_start3A_88 : memref<128xi32, #tpu.memory_space<hbm>>) target(%arg6 : memref<128xi32, #tpu.memory_space<vmem>>) target_semaphore(%arg10 : memref<!tpu.dma_semaphore, #tpu.memory_space<semaphore_mem>>)
      } else {
      }
      %dma_start3A_50 = arith.constant 0 : i32
      %dma_start3A_51 = tpu.memref_slice %arg4[%dma_start3A_50, %add3A_33] : memref<64x262144xf32, #tpu.memory_space<hbm>> -> memref<64x128xf32, #tpu.memory_space<hbm>>
      %dma_start3A_52 = arith.constant 0 : i32
      %dma_start3A_53 = tpu.memref_slice %arg4[%dma_start3A_52, %add3A_33] : memref<64x262144xf32, #tpu.memory_space<hbm>> -> memref<64x128xf32, #tpu.memory_space<hbm>>
      tpu.enqueue_dma source(%arg8 : memref<64x128xf32, #tpu.memory_space<vmem>>) target(%dma_start3A_53 : memref<64x128xf32, #tpu.memory_space<hbm>>) target_semaphore(%arg12 : memref<!tpu.dma_semaphore, #tpu.memory_space<semaphore_mem>>)
      %mul3A_54 = arith.constant 2 : i32
      %mul3A_55 = arith.muli %scan3A_26, %mul3A_54 : i32
      %add3A_56 = arith.constant 1 : i32
      %add3A_57 = arith.addi %mul3A_55, %add3A_56 : i32
      %mul3A_58 = arith.constant 128 : i32
      %mul3A_59 = arith.muli %add3A_57, %mul3A_58 : i32
      %add3A_60 = arith.addi %mul3A_2, %mul3A_59 : i32
      %dma_wait3A_61 = tpu.memref_slice %arg2[%add3A_60] : memref<262144xi32, #tpu.memory_space<hbm>> -> memref<128xi32, #tpu.memory_space<hbm>>
      %dma_wait3A_62 = tpu.memref_slice %arg2[%add3A_60] : memref<262144xi32, #tpu.memory_space<hbm>> -> memref<128xi32, #tpu.memory_space<hbm>>
      tpu.wait_dma2 semaphore(%arg11 : memref<!tpu.dma_semaphore, #tpu.memory_space<semaphore_mem>>) src(%dma_wait3A_62 : memref<128xi32, #tpu.memory_space<hbm>>) dst(%arg7 : memref<128xi32, #tpu.memory_space<vmem>>)
      %ge3A_63 = arith.constant 2 : i32
      %ge3A_64 = arith.cmpi sge, %add3A_57, %ge3A_63 : i32
      %convert_element_type3A_65 = arith.extui %ge3A_64 : i1 to i32
      %cond3A_66 = arith.constant 0 : i32
      %cond3A_67 = arith.cmpi ne, %convert_element_type3A_65, %cond3A_66 : i32
      scf.if %cond3A_67 {
        %sub3A = arith.constant 256 : i32
        %sub3A_85 = arith.subi %add3A_60, %sub3A : i32
        %dma_wait3A_86 = arith.constant 0 : i32
        %dma_wait3A_87 = tpu.memref_slice %arg4[%dma_wait3A_86, %sub3A_85] : memref<64x262144xf32, #tpu.memory_space<hbm>> -> memref<64x128xf32, #tpu.memory_space<hbm>>
        %dma_wait3A_88 = arith.constant 0 : i32
        %dma_wait3A_89 = tpu.memref_slice %arg4[%dma_wait3A_88, %sub3A_85] : memref<64x262144xf32, #tpu.memory_space<hbm>> -> memref<64x128xf32, #tpu.memory_space<hbm>>
        tpu.wait_dma2 semaphore(%arg13 : memref<!tpu.dma_semaphore, #tpu.memory_space<semaphore_mem>>) src(%arg9 : memref<64x128xf32, #tpu.memory_space<vmem>>) dst(%dma_wait3A_89 : memref<64x128xf32, #tpu.memory_space<hbm>>)
      } else {
      }
      %scan3A_68 = arith.constant 0 : i32
      %scan3A_69 = arith.constant 0 : i32
      %scan3A_70 = arith.constant 8 : i32
      %scan3A_71 = arith.addi %scan3A_69, %scan3A_70 : i32
      %scan3A_72 = arith.constant 1 : i32
      scf.for %scan3A_85 = %scan3A_69 to %scan3A_71 step %scan3A_72  : i32 {
        %mul3A_86 = arith.constant 16 : i32
        %mul3A_87 = arith.muli %scan3A_85, %mul3A_86 : i32
        %get3A = arith.index_cast %mul3A_87 : i32 to index
        %get3A_88 = tpu.vector_load %arg7[%get3A] {strides = array<i32>} : memref<128xi32, #tpu.memory_space<vmem>>, vector<16xi32>,
        %shift_right_logical3A = arith.constant 1 : i32
        %shift_right_logical3A_89 = vector.broadcast %shift_right_logical3A : i32 to vector<16xi32>
        %shift_right_logical3A_90 = arith.shrui %get3A_88, %shift_right_logical3A_89 : vector<16xi32>
        %and3A = arith.constant 1 : i32
        %and3A_91 = vector.broadcast %and3A : i32 to vector<16xi32>
        %and3A_92 = arith.andi %get3A_88, %and3A_91 : vector<16xi32>
        %shift_left3A = arith.constant 6 : i32
        %shift_left3A_93 = vector.broadcast %shift_left3A : i32 to vector<16xi32>
        %shift_left3A_94 = arith.shli %and3A_92, %shift_left3A_93 : vector<16xi32>
        %mul3A_95 = arith.constant 16 : i32
        %mul3A_96 = arith.muli %scan3A_85, %mul3A_95 : i32
        %add3A_97 = vector.broadcast %mul3A_96 : i32 to vector<16xi32>
        %add3A_98 = arith.addi %add3A_97, %iota3A : vector<16xi32>
        %xor3A = arith.constant 0 : i32
        %xor3A_99 = vector.broadcast %xor3A : i32 to vector<16xi32>
        %xor3A_100 = arith.xori %iota3A, %xor3A_99 : vector<16xi32>
        %xor3A_101 = arith.constant 1 : i32
        %xor3A_102 = vector.broadcast %xor3A_101 : i32 to vector<16xi32>
        %xor3A_103 = arith.xori %iota3A, %xor3A_102 : vector<16xi32>
        %xor3A_104 = arith.constant 2 : i32
        %xor3A_105 = vector.broadcast %xor3A_104 : i32 to vector<16xi32>
        %xor3A_106 = arith.xori %iota3A, %xor3A_105 : vector<16xi32>
        %xor3A_107 = arith.constant 3 : i32
        %xor3A_108 = vector.broadcast %xor3A_107 : i32 to vector<16xi32>
        %xor3A_109 = arith.xori %iota3A, %xor3A_108 : vector<16xi32>
        %add3A_110 = arith.addi %shift_left3A_94, %xor3A_100 : vector<16xi32>
        %gather3A = tpu.vector_load_idx %arg5[%shift_right_logical3A_90, %add3A_110] : memref<512x128xf32, #tpu.memory_space<vmem>>[vector<16xi32>, vector<16xi32>], vector<16xf32>,
        %add3A_111 = arith.addi %shift_left3A_94, %xor3A_103 : vector<16xi32>
        %gather3A_112 = tpu.vector_load_idx %arg5[%shift_right_logical3A_90, %add3A_111] : memref<512x128xf32, #tpu.memory_space<vmem>>[vector<16xi32>, vector<16xi32>], vector<16xf32>,
        %add3A_113 = arith.addi %shift_left3A_94, %xor3A_106 : vector<16xi32>
        %gather3A_114 = tpu.vector_load_idx %arg5[%shift_right_logical3A_90, %add3A_113] : memref<512x128xf32, #tpu.memory_space<vmem>>[vector<16xi32>, vector<16xi32>], vector<16xf32>,
        %add3A_115 = arith.addi %shift_left3A_94, %xor3A_109 : vector<16xi32>
        %gather3A_116 = tpu.vector_load_idx %arg5[%shift_right_logical3A_90, %add3A_115] : memref<512x128xf32, #tpu.memory_space<vmem>>[vector<16xi32>, vector<16xi32>], vector<16xf32>,
        tpu.vector_store_idx %arg9[%xor3A_100, %add3A_98], %gather3A : memref<64x128xf32, #tpu.memory_space<vmem>>[vector<16xi32>, vector<16xi32>], vector<16xf32>,
        tpu.vector_store_idx %arg9[%xor3A_103, %add3A_98], %gather3A_112 : memref<64x128xf32, #tpu.memory_space<vmem>>[vector<16xi32>, vector<16xi32>], vector<16xf32>,
        tpu.vector_store_idx %arg9[%xor3A_106, %add3A_98], %gather3A_114 : memref<64x128xf32, #tpu.memory_space<vmem>>[vector<16xi32>, vector<16xi32>], vector<16xf32>,
        tpu.vector_store_idx %arg9[%xor3A_109, %add3A_98], %gather3A_116 : memref<64x128xf32, #tpu.memory_space<vmem>>[vector<16xi32>, vector<16xi32>], vector<16xf32>,
        %xor3A_117 = arith.constant 4 : i32
        %xor3A_118 = vector.broadcast %xor3A_117 : i32 to vector<16xi32>
        %xor3A_119 = arith.xori %iota3A, %xor3A_118 : vector<16xi32>
        %xor3A_120 = arith.constant 5 : i32
        %xor3A_121 = vector.broadcast %xor3A_120 : i32 to vector<16xi32>
        %xor3A_122 = arith.xori %iota3A, %xor3A_121 : vector<16xi32>
        %xor3A_123 = arith.constant 6 : i32
        %xor3A_124 = vector.broadcast %xor3A_123 : i32 to vector<16xi32>
        %xor3A_125 = arith.xori %iota3A, %xor3A_124 : vector<16xi32>
        %xor3A_126 = arith.constant 7 : i32
        %xor3A_127 = vector.broadcast %xor3A_126 : i32 to vector<16xi32>
        %xor3A_128 = arith.xori %iota3A, %xor3A_127 : vector<16xi32>
        %add3A_129 = arith.addi %shift_left3A_94, %xor3A_119 : vector<16xi32>
        %gather3A_130 = tpu.vector_load_idx %arg5[%shift_right_logical3A_90, %add3A_129] : memref<512x128xf32, #tpu.memory_space<vmem>>[vector<16xi32>, vector<16xi32>], vector<16xf32>,
        %add3A_131 = arith.addi %shift_left3A_94, %xor3A_122 : vector<16xi32>
        %gather3A_132 = tpu.vector_load_idx %arg5[%shift_right_logical3A_90, %add3A_131] : memref<512x128xf32, #tpu.memory_space<vmem>>[vector<16xi32>, vector<16xi32>], vector<16xf32>,
        %add3A_133 = arith.addi %shift_left3A_94, %xor3A_125 : vector<16xi32>
        %gather3A_134 = tpu.vector_load_idx %arg5[%shift_right_logical3A_90, %add3A_133] : memref<512x128xf32, #tpu.memory_space<vmem>>[vector<16xi32>, vector<16xi32>], vector<16xf32>,
        %add3A_135 = arith.addi %shift_left3A_94, %xor3A_128 : vector<16xi32>
        %gather3A_136 = tpu.vector_load_idx %arg5[%shift_right_logical3A_90, %add3A_135] : memref<512x128xf32, #tpu.memory_space<vmem>>[vector<16xi32>, vector<16xi32>], vector<16xf32>,
        tpu.vector_store_idx %arg9[%xor3A_119, %add3A_98], %gather3A_130 : memref<64x128xf32, #tpu.memory_space<vmem>>[vector<16xi32>, vector<16xi32>], vector<16xf32>,
        tpu.vector_store_idx %arg9[%xor3A_122, %add3A_98], %gather3A_132 : memref<64x128xf32, #tpu.memory_space<vmem>>[vector<16xi32>, vector<16xi32>], vector<16xf32>,
        tpu.vector_store_idx %arg9[%xor3A_125, %add3A_98], %gather3A_134 : memref<64x128xf32, #tpu.memory_space<vmem>>[vector<16xi32>, vector<16xi32>], vector<16xf32>,
        tpu.vector_store_idx %arg9[%xor3A_128, %add3A_98], %gather3A_136 : memref<64x128xf32, #tpu.memory_space<vmem>>[vector<16xi32>, vector<16xi32>], vector<16xf32>,
        %xor3A_137 = arith.constant 8 : i32
        %xor3A_138 = vector.broadcast %xor3A_137 : i32 to vector<16xi32>
        %xor3A_139 = arith.xori %iota3A, %xor3A_138 : vector<16xi32>
        %xor3A_140 = arith.constant 9 : i32
        %xor3A_141 = vector.broadcast %xor3A_140 : i32 to vector<16xi32>
        %xor3A_142 = arith.xori %iota3A, %xor3A_141 : vector<16xi32>
        %xor3A_143 = arith.constant 10 : i32
        %xor3A_144 = vector.broadcast %xor3A_143 : i32 to vector<16xi32>
        %xor3A_145 = arith.xori %iota3A, %xor3A_144 : vector<16xi32>
        %xor3A_146 = arith.constant 11 : i32
        %xor3A_147 = vector.broadcast %xor3A_146 : i32 to vector<16xi32>
        %xor3A_148 = arith.xori %iota3A, %xor3A_147 : vector<16xi32>
        %add3A_149 = arith.addi %shift_left3A_94, %xor3A_139 : vector<16xi32>
        %gather3A_150 = tpu.vector_load_idx %arg5[%shift_right_logical3A_90, %add3A_149] : memref<512x128xf32, #tpu.memory_space<vmem>>[vector<16xi32>, vector<16xi32>], vector<16xf32>,
        %add3A_151 = arith.addi %shift_left3A_94, %xor3A_142 : vector<16xi32>
        %gather3A_152 = tpu.vector_load_idx %arg5[%shift_right_logical3A_90, %add3A_151] : memref<512x128xf32, #tpu.memory_space<vmem>>[vector<16xi32>, vector<16xi32>], vector<16xf32>,
        %add3A_153 = arith.addi %shift_left3A_94, %xor3A_145 : vector<16xi32>
        %gather3A_154 = tpu.vector_load_idx %arg5[%shift_right_logical3A_90, %add3A_153] : memref<512x128xf32, #tpu.memory_space<vmem>>[vector<16xi32>, vector<16xi32>], vector<16xf32>,
        %add3A_155 = arith.addi %shift_left3A_94, %xor3A_148 : vector<16xi32>
        %gather3A_156 = tpu.vector_load_idx %arg5[%shift_right_logical3A_90, %add3A_155] : memref<512x128xf32, #tpu.memory_space<vmem>>[vector<16xi32>, vector<16xi32>], vector<16xf32>,
        tpu.vector_store_idx %arg9[%xor3A_139, %add3A_98], %gather3A_150 : memref<64x128xf32, #tpu.memory_space<vmem>>[vector<16xi32>, vector<16xi32>], vector<16xf32>,
        tpu.vector_store_idx %arg9[%xor3A_142, %add3A_98], %gather3A_152 : memref<64x128xf32, #tpu.memory_space<vmem>>[vector<16xi32>, vector<16xi32>], vector<16xf32>,
        tpu.vector_store_idx %arg9[%xor3A_145, %add3A_98], %gather3A_154 : memref<64x128xf32, #tpu.memory_space<vmem>>[vector<16xi32>, vector<16xi32>], vector<16xf32>,
        tpu.vector_store_idx %arg9[%xor3A_148, %add3A_98], %gather3A_156 : memref<64x128xf32, #tpu.memory_space<vmem>>[vector<16xi32>, vector<16xi32>], vector<16xf32>,
        %xor3A_157 = arith.constant 12 : i32
        %xor3A_158 = vector.broadcast %xor3A_157 : i32 to vector<16xi32>
        %xor3A_159 = arith.xori %iota3A, %xor3A_158 : vector<16xi32>
        %xor3A_160 = arith.constant 13 : i32
        %xor3A_161 = vector.broadcast %xor3A_160 : i32 to vector<16xi32>
        %xor3A_162 = arith.xori %iota3A, %xor3A_161 : vector<16xi32>
        %xor3A_163 = arith.constant 14 : i32
        %xor3A_164 = vector.broadcast %xor3A_163 : i32 to vector<16xi32>
        %xor3A_165 = arith.xori %iota3A, %xor3A_164 : vector<16xi32>
        %xor3A_166 = arith.constant 15 : i32
        %xor3A_167 = vector.broadcast %xor3A_166 : i32 to vector<16xi32>
        %xor3A_168 = arith.xori %iota3A, %xor3A_167 : vector<16xi32>
        %add3A_169 = arith.addi %shift_left3A_94, %xor3A_159 : vector<16xi32>
        %gather3A_170 = tpu.vector_load_idx %arg5[%shift_right_logical3A_90, %add3A_169] : memref<512x128xf32, #tpu.memory_space<vmem>>[vector<16xi32>, vector<16xi32>], vector<16xf32>,
        %add3A_171 = arith.addi %shift_left3A_94, %xor3A_162 : vector<16xi32>
        %gather3A_172 = tpu.vector_load_idx %arg5[%shift_right_logical3A_90, %add3A_171] : memref<512x128xf32, #tpu.memory_space<vmem>>[vector<16xi32>, vector<16xi32>], vector<16xf32>,
        %add3A_173 = arith.addi %shift_left3A_94, %xor3A_165 : vector<16xi32>
        %gather3A_174 = tpu.vector_load_idx %arg5[%shift_right_logical3A_90, %add3A_173] : memref<512x128xf32, #tpu.memory_space<vmem>>[vector<16xi32>, vector<16xi32>], vector<16xf32>,
        %add3A_175 = arith.addi %shift_left3A_94, %xor3A_168 : vector<16xi32>
        %gather3A_176 = tpu.vector_load_idx %arg5[%shift_right_logical3A_90, %add3A_175] : memref<512x128xf32, #tpu.memory_space<vmem>>[vector<16xi32>, vector<16xi32>], vector<16xf32>,
        tpu.vector_store_idx %arg9[%xor3A_159, %add3A_98], %gather3A_170 : memref<64x128xf32, #tpu.memory_space<vmem>>[vector<16xi32>, vector<16xi32>], vector<16xf32>,
        tpu.vector_store_idx %arg9[%xor3A_162, %add3A_98], %gather3A_172 : memref<64x128xf32, #tpu.memory_space<vmem>>[vector<16xi32>, vector<16xi32>], vector<16xf32>,
        tpu.vector_store_idx %arg9[%xor3A_165, %add3A_98], %gather3A_174 : memref<64x128xf32, #tpu.memory_space<vmem>>[vector<16xi32>, vector<16xi32>], vector<16xf32>,
        tpu.vector_store_idx %arg9[%xor3A_168, %add3A_98], %gather3A_176 : memref<64x128xf32, #tpu.memory_space<vmem>>[vector<16xi32>, vector<16xi32>], vector<16xf32>,
        %xor3A_177 = arith.constant 16 : i32
        %xor3A_178 = vector.broadcast %xor3A_177 : i32 to vector<16xi32>
        %xor3A_179 = arith.xori %iota3A, %xor3A_178 : vector<16xi32>
        %xor3A_180 = arith.constant 17 : i32
        %xor3A_181 = vector.broadcast %xor3A_180 : i32 to vector<16xi32>
        %xor3A_182 = arith.xori %iota3A, %xor3A_181 : vector<16xi32>
        %xor3A_183 = arith.constant 18 : i32
        %xor3A_184 = vector.broadcast %xor3A_183 : i32 to vector<16xi32>
        %xor3A_185 = arith.xori %iota3A, %xor3A_184 : vector<16xi32>
        %xor3A_186 = arith.constant 19 : i32
        %xor3A_187 = vector.broadcast %xor3A_186 : i32 to vector<16xi32>
        %xor3A_188 = arith.xori %iota3A, %xor3A_187 : vector<16xi32>
        %add3A_189 = arith.addi %shift_left3A_94, %xor3A_179 : vector<16xi32>
        %gather3A_190 = tpu.vector_load_idx %arg5[%shift_right_logical3A_90, %add3A_189] : memref<512x128xf32, #tpu.memory_space<vmem>>[vector<16xi32>, vector<16xi32>], vector<16xf32>,
        %add3A_191 = arith.addi %shift_left3A_94, %xor3A_182 : vector<16xi32>
        %gather3A_192 = tpu.vector_load_idx %arg5[%shift_right_logical3A_90, %add3A_191] : memref<512x128xf32, #tpu.memory_space<vmem>>[vector<16xi32>, vector<16xi32>], vector<16xf32>,
        %add3A_193 = arith.addi %shift_left3A_94, %xor3A_185 : vector<16xi32>
        %gather3A_194 = tpu.vector_load_idx %arg5[%shift_right_logical3A_90, %add3A_193] : memref<512x128xf32, #tpu.memory_space<vmem>>[vector<16xi32>, vector<16xi32>], vector<16xf32>,
        %add3A_195 = arith.addi %shift_left3A_94, %xor3A_188 : vector<16xi32>
        %gather3A_196 = tpu.vector_load_idx %arg5[%shift_right_logical3A_90, %add3A_195] : memref<512x128xf32, #tpu.memory_space<vmem>>[vector<16xi32>, vector<16xi32>], vector<16xf32>,
        tpu.vector_store_idx %arg9[%xor3A_179, %add3A_98], %gather3A_190 : memref<64x128xf32, #tpu.memory_space<vmem>>[vector<16xi32>, vector<16xi32>], vector<16xf32>,
        tpu.vector_store_idx %arg9[%xor3A_182, %add3A_98], %gather3A_192 : memref<64x128xf32, #tpu.memory_space<vmem>>[vector<16xi32>, vector<16xi32>], vector<16xf32>,
        tpu.vector_store_idx %arg9[%xor3A_185, %add3A_98], %gather3A_194 : memref<64x128xf32, #tpu.memory_space<vmem>>[vector<16xi32>, vector<16xi32>], vector<16xf32>,
        tpu.vector_store_idx %arg9[%xor3A_188, %add3A_98], %gather3A_196 : memref<64x128xf32, #tpu.memory_space<vmem>>[vector<16xi32>, vector<16xi32>], vector<16xf32>,
        %xor3A_197 = arith.constant 20 : i32
        %xor3A_198 = vector.broadcast %xor3A_197 : i32 to vector<16xi32>
        %xor3A_199 = arith.xori %iota3A, %xor3A_198 : vector<16xi32>
        %xor3A_200 = arith.constant 21 : i32
        %xor3A_201 = vector.broadcast %xor3A_200 : i32 to vector<16xi32>
        %xor3A_202 = arith.xori %iota3A, %xor3A_201 : vector<16xi32>
        %xor3A_203 = arith.constant 22 : i32
        %xor3A_204 = vector.broadcast %xor3A_203 : i32 to vector<16xi32>
        %xor3A_205 = arith.xori %iota3A, %xor3A_204 : vector<16xi32>
        %xor3A_206 = arith.constant 23 : i32
        %xor3A_207 = vector.broadcast %xor3A_206 : i32 to vector<16xi32>
        %xor3A_208 = arith.xori %iota3A, %xor3A_207 : vector<16xi32>
        %add3A_209 = arith.addi %shift_left3A_94, %xor3A_199 : vector<16xi32>
        %gather3A_210 = tpu.vector_load_idx %arg5[%shift_right_logical3A_90, %add3A_209] : memref<512x128xf32, #tpu.memory_space<vmem>>[vector<16xi32>, vector<16xi32>], vector<16xf32>,
        %add3A_211 = arith.addi %shift_left3A_94, %xor3A_202 : vector<16xi32>
        %gather3A_212 = tpu.vector_load_idx %arg5[%shift_right_logical3A_90, %add3A_211] : memref<512x128xf32, #tpu.memory_space<vmem>>[vector<16xi32>, vector<16xi32>], vector<16xf32>,
        %add3A_213 = arith.addi %shift_left3A_94, %xor3A_205 : vector<16xi32>
        %gather3A_214 = tpu.vector_load_idx %arg5[%shift_right_logical3A_90, %add3A_213] : memref<512x128xf32, #tpu.memory_space<vmem>>[vector<16xi32>, vector<16xi32>], vector<16xf32>,
        %add3A_215 = arith.addi %shift_left3A_94, %xor3A_208 : vector<16xi32>
        %gather3A_216 = tpu.vector_load_idx %arg5[%shift_right_logical3A_90, %add3A_215] : memref<512x128xf32, #tpu.memory_space<vmem>>[vector<16xi32>, vector<16xi32>], vector<16xf32>,
        tpu.vector_store_idx %arg9[%xor3A_199, %add3A_98], %gather3A_210 : memref<64x128xf32, #tpu.memory_space<vmem>>[vector<16xi32>, vector<16xi32>], vector<16xf32>,
        tpu.vector_store_idx %arg9[%xor3A_202, %add3A_98], %gather3A_212 : memref<64x128xf32, #tpu.memory_space<vmem>>[vector<16xi32>, vector<16xi32>], vector<16xf32>,
        tpu.vector_store_idx %arg9[%xor3A_205, %add3A_98], %gather3A_214 : memref<64x128xf32, #tpu.memory_space<vmem>>[vector<16xi32>, vector<16xi32>], vector<16xf32>,
        tpu.vector_store_idx %arg9[%xor3A_208, %add3A_98], %gather3A_216 : memref<64x128xf32, #tpu.memory_space<vmem>>[vector<16xi32>, vector<16xi32>], vector<16xf32>,
        %xor3A_217 = arith.constant 24 : i32
        %xor3A_218 = vector.broadcast %xor3A_217 : i32 to vector<16xi32>
        %xor3A_219 = arith.xori %iota3A, %xor3A_218 : vector<16xi32>
        %xor3A_220 = arith.constant 25 : i32
        %xor3A_221 = vector.broadcast %xor3A_220 : i32 to vector<16xi32>
        %xor3A_222 = arith.xori %iota3A, %xor3A_221 : vector<16xi32>
        %xor3A_223 = arith.constant 26 : i32
        %xor3A_224 = vector.broadcast %xor3A_223 : i32 to vector<16xi32>
        %xor3A_225 = arith.xori %iota3A, %xor3A_224 : vector<16xi32>
        %xor3A_226 = arith.constant 27 : i32
        %xor3A_227 = vector.broadcast %xor3A_226 : i32 to vector<16xi32>
        %xor3A_228 = arith.xori %iota3A, %xor3A_227 : vector<16xi32>
        %add3A_229 = arith.addi %shift_left3A_94, %xor3A_219 : vector<16xi32>
        %gather3A_230 = tpu.vector_load_idx %arg5[%shift_right_logical3A_90, %add3A_229] : memref<512x128xf32, #tpu.memory_space<vmem>>[vector<16xi32>, vector<16xi32>], vector<16xf32>,
        %add3A_231 = arith.addi %shift_left3A_94, %xor3A_222 : vector<16xi32>
        %gather3A_232 = tpu.vector_load_idx %arg5[%shift_right_logical3A_90, %add3A_231] : memref<512x128xf32, #tpu.memory_space<vmem>>[vector<16xi32>, vector<16xi32>], vector<16xf32>,
        %add3A_233 = arith.addi %shift_left3A_94, %xor3A_225 : vector<16xi32>
        %gather3A_234 = tpu.vector_load_idx %arg5[%shift_right_logical3A_90, %add3A_233] : memref<512x128xf32, #tpu.memory_space<vmem>>[vector<16xi32>, vector<16xi32>], vector<16xf32>,
        %add3A_235 = arith.addi %shift_left3A_94, %xor3A_228 : vector<16xi32>
        %gather3A_236 = tpu.vector_load_idx %arg5[%shift_right_logical3A_90, %add3A_235] : memref<512x128xf32, #tpu.memory_space<vmem>>[vector<16xi32>, vector<16xi32>], vector<16xf32>,
        tpu.vector_store_idx %arg9[%xor3A_219, %add3A_98], %gather3A_230 : memref<64x128xf32, #tpu.memory_space<vmem>>[vector<16xi32>, vector<16xi32>], vector<16xf32>,
        tpu.vector_store_idx %arg9[%xor3A_222, %add3A_98], %gather3A_232 : memref<64x128xf32, #tpu.memory_space<vmem>>[vector<16xi32>, vector<16xi32>], vector<16xf32>,
        tpu.vector_store_idx %arg9[%xor3A_225, %add3A_98], %gather3A_234 : memref<64x128xf32, #tpu.memory_space<vmem>>[vector<16xi32>, vector<16xi32>], vector<16xf32>,
        tpu.vector_store_idx %arg9[%xor3A_228, %add3A_98], %gather3A_236 : memref<64x128xf32, #tpu.memory_space<vmem>>[vector<16xi32>, vector<16xi32>], vector<16xf32>,
        %xor3A_237 = arith.constant 28 : i32
        %xor3A_238 = vector.broadcast %xor3A_237 : i32 to vector<16xi32>
        %xor3A_239 = arith.xori %iota3A, %xor3A_238 : vector<16xi32>
        %xor3A_240 = arith.constant 29 : i32
        %xor3A_241 = vector.broadcast %xor3A_240 : i32 to vector<16xi32>
        %xor3A_242 = arith.xori %iota3A, %xor3A_241 : vector<16xi32>
        %xor3A_243 = arith.constant 30 : i32
        %xor3A_244 = vector.broadcast %xor3A_243 : i32 to vector<16xi32>
        %xor3A_245 = arith.xori %iota3A, %xor3A_244 : vector<16xi32>
        %xor3A_246 = arith.constant 31 : i32
        %xor3A_247 = vector.broadcast %xor3A_246 : i32 to vector<16xi32>
        %xor3A_248 = arith.xori %iota3A, %xor3A_247 : vector<16xi32>
        %add3A_249 = arith.addi %shift_left3A_94, %xor3A_239 : vector<16xi32>
        %gather3A_250 = tpu.vector_load_idx %arg5[%shift_right_logical3A_90, %add3A_249] : memref<512x128xf32, #tpu.memory_space<vmem>>[vector<16xi32>, vector<16xi32>], vector<16xf32>,
        %add3A_251 = arith.addi %shift_left3A_94, %xor3A_242 : vector<16xi32>
        %gather3A_252 = tpu.vector_load_idx %arg5[%shift_right_logical3A_90, %add3A_251] : memref<512x128xf32, #tpu.memory_space<vmem>>[vector<16xi32>, vector<16xi32>], vector<16xf32>,
        %add3A_253 = arith.addi %shift_left3A_94, %xor3A_245 : vector<16xi32>
        %gather3A_254 = tpu.vector_load_idx %arg5[%shift_right_logical3A_90, %add3A_253] : memref<512x128xf32, #tpu.memory_space<vmem>>[vector<16xi32>, vector<16xi32>], vector<16xf32>,
        %add3A_255 = arith.addi %shift_left3A_94, %xor3A_248 : vector<16xi32>
        %gather3A_256 = tpu.vector_load_idx %arg5[%shift_right_logical3A_90, %add3A_255] : memref<512x128xf32, #tpu.memory_space<vmem>>[vector<16xi32>, vector<16xi32>], vector<16xf32>,
        tpu.vector_store_idx %arg9[%xor3A_239, %add3A_98], %gather3A_250 : memref<64x128xf32, #tpu.memory_space<vmem>>[vector<16xi32>, vector<16xi32>], vector<16xf32>,
        tpu.vector_store_idx %arg9[%xor3A_242, %add3A_98], %gather3A_252 : memref<64x128xf32, #tpu.memory_space<vmem>>[vector<16xi32>, vector<16xi32>], vector<16xf32>,
        tpu.vector_store_idx %arg9[%xor3A_245, %add3A_98], %gather3A_254 : memref<64x128xf32, #tpu.memory_space<vmem>>[vector<16xi32>, vector<16xi32>], vector<16xf32>,
        tpu.vector_store_idx %arg9[%xor3A_248, %add3A_98], %gather3A_256 : memref<64x128xf32, #tpu.memory_space<vmem>>[vector<16xi32>, vector<16xi32>], vector<16xf32>,
        %xor3A_257 = arith.constant 32 : i32
        %xor3A_258 = vector.broadcast %xor3A_257 : i32 to vector<16xi32>
        %xor3A_259 = arith.xori %iota3A, %xor3A_258 : vector<16xi32>
        %xor3A_260 = arith.constant 33 : i32
        %xor3A_261 = vector.broadcast %xor3A_260 : i32 to vector<16xi32>
        %xor3A_262 = arith.xori %iota3A, %xor3A_261 : vector<16xi32>
        %xor3A_263 = arith.constant 34 : i32
        %xor3A_264 = vector.broadcast %xor3A_263 : i32 to vector<16xi32>
        %xor3A_265 = arith.xori %iota3A, %xor3A_264 : vector<16xi32>
        %xor3A_266 = arith.constant 35 : i32
        %xor3A_267 = vector.broadcast %xor3A_266 : i32 to vector<16xi32>
        %xor3A_268 = arith.xori %iota3A, %xor3A_267 : vector<16xi32>
        %add3A_269 = arith.addi %shift_left3A_94, %xor3A_259 : vector<16xi32>
        %gather3A_270 = tpu.vector_load_idx %arg5[%shift_right_logical3A_90, %add3A_269] : memref<512x128xf32, #tpu.memory_space<vmem>>[vector<16xi32>, vector<16xi32>], vector<16xf32>,
        %add3A_271 = arith.addi %shift_left3A_94, %xor3A_262 : vector<16xi32>
        %gather3A_272 = tpu.vector_load_idx %arg5[%shift_right_logical3A_90, %add3A_271] : memref<512x128xf32, #tpu.memory_space<vmem>>[vector<16xi32>, vector<16xi32>], vector<16xf32>,
        %add3A_273 = arith.addi %shift_left3A_94, %xor3A_265 : vector<16xi32>
        %gather3A_274 = tpu.vector_load_idx %arg5[%shift_right_logical3A_90, %add3A_273] : memref<512x128xf32, #tpu.memory_space<vmem>>[vector<16xi32>, vector<16xi32>], vector<16xf32>,
        %add3A_275 = arith.addi %shift_left3A_94, %xor3A_268 : vector<16xi32>
        %gather3A_276 = tpu.vector_load_idx %arg5[%shift_right_logical3A_90, %add3A_275] : memref<512x128xf32, #tpu.memory_space<vmem>>[vector<16xi32>, vector<16xi32>], vector<16xf32>,
        tpu.vector_store_idx %arg9[%xor3A_259, %add3A_98], %gather3A_270 : memref<64x128xf32, #tpu.memory_space<vmem>>[vector<16xi32>, vector<16xi32>], vector<16xf32>,
        tpu.vector_store_idx %arg9[%xor3A_262, %add3A_98], %gather3A_272 : memref<64x128xf32, #tpu.memory_space<vmem>>[vector<16xi32>, vector<16xi32>], vector<16xf32>,
        tpu.vector_store_idx %arg9[%xor3A_265, %add3A_98], %gather3A_274 : memref<64x128xf32, #tpu.memory_space<vmem>>[vector<16xi32>, vector<16xi32>], vector<16xf32>,
        tpu.vector_store_idx %arg9[%xor3A_268, %add3A_98], %gather3A_276 : memref<64x128xf32, #tpu.memory_space<vmem>>[vector<16xi32>, vector<16xi32>], vector<16xf32>,
        %xor3A_277 = arith.constant 36 : i32
        %xor3A_278 = vector.broadcast %xor3A_277 : i32 to vector<16xi32>
        %xor3A_279 = arith.xori %iota3A, %xor3A_278 : vector<16xi32>
        %xor3A_280 = arith.constant 37 : i32
        %xor3A_281 = vector.broadcast %xor3A_280 : i32 to vector<16xi32>
        %xor3A_282 = arith.xori %iota3A, %xor3A_281 : vector<16xi32>
        %xor3A_283 = arith.constant 38 : i32
        %xor3A_284 = vector.broadcast %xor3A_283 : i32 to vector<16xi32>
        %xor3A_285 = arith.xori %iota3A, %xor3A_284 : vector<16xi32>
        %xor3A_286 = arith.constant 39 : i32
        %xor3A_287 = vector.broadcast %xor3A_286 : i32 to vector<16xi32>
        %xor3A_288 = arith.xori %iota3A, %xor3A_287 : vector<16xi32>
        %add3A_289 = arith.addi %shift_left3A_94, %xor3A_279 : vector<16xi32>
        %gather3A_290 = tpu.vector_load_idx %arg5[%shift_right_logical3A_90, %add3A_289] : memref<512x128xf32, #tpu.memory_space<vmem>>[vector<16xi32>, vector<16xi32>], vector<16xf32>,
        %add3A_291 = arith.addi %shift_left3A_94, %xor3A_282 : vector<16xi32>
        %gather3A_292 = tpu.vector_load_idx %arg5[%shift_right_logical3A_90, %add3A_291] : memref<512x128xf32, #tpu.memory_space<vmem>>[vector<16xi32>, vector<16xi32>], vector<16xf32>,
        %add3A_293 = arith.addi %shift_left3A_94, %xor3A_285 : vector<16xi32>
        %gather3A_294 = tpu.vector_load_idx %arg5[%shift_right_logical3A_90, %add3A_293] : memref<512x128xf32, #tpu.memory_space<vmem>>[vector<16xi32>, vector<16xi32>], vector<16xf32>,
        %add3A_295 = arith.addi %shift_left3A_94, %xor3A_288 : vector<16xi32>
        %gather3A_296 = tpu.vector_load_idx %arg5[%shift_right_logical3A_90, %add3A_295] : memref<512x128xf32, #tpu.memory_space<vmem>>[vector<16xi32>, vector<16xi32>], vector<16xf32>,
        tpu.vector_store_idx %arg9[%xor3A_279, %add3A_98], %gather3A_290 : memref<64x128xf32, #tpu.memory_space<vmem>>[vector<16xi32>, vector<16xi32>], vector<16xf32>,
        tpu.vector_store_idx %arg9[%xor3A_282, %add3A_98], %gather3A_292 : memref<64x128xf32, #tpu.memory_space<vmem>>[vector<16xi32>, vector<16xi32>], vector<16xf32>,
        tpu.vector_store_idx %arg9[%xor3A_285, %add3A_98], %gather3A_294 : memref<64x128xf32, #tpu.memory_space<vmem>>[vector<16xi32>, vector<16xi32>], vector<16xf32>,
        tpu.vector_store_idx %arg9[%xor3A_288, %add3A_98], %gather3A_296 : memref<64x128xf32, #tpu.memory_space<vmem>>[vector<16xi32>, vector<16xi32>], vector<16xf32>,
        %xor3A_297 = arith.constant 40 : i32
        %xor3A_298 = vector.broadcast %xor3A_297 : i32 to vector<16xi32>
        %xor3A_299 = arith.xori %iota3A, %xor3A_298 : vector<16xi32>
        %xor3A_300 = arith.constant 41 : i32
        %xor3A_301 = vector.broadcast %xor3A_300 : i32 to vector<16xi32>
        %xor3A_302 = arith.xori %iota3A, %xor3A_301 : vector<16xi32>
        %xor3A_303 = arith.constant 42 : i32
        %xor3A_304 = vector.broadcast %xor3A_303 : i32 to vector<16xi32>
        %xor3A_305 = arith.xori %iota3A, %xor3A_304 : vector<16xi32>
        %xor3A_306 = arith.constant 43 : i32
        %xor3A_307 = vector.broadcast %xor3A_306 : i32 to vector<16xi32>
        %xor3A_308 = arith.xori %iota3A, %xor3A_307 : vector<16xi32>
        %add3A_309 = arith.addi %shift_left3A_94, %xor3A_299 : vector<16xi32>
        %gather3A_310 = tpu.vector_load_idx %arg5[%shift_right_logical3A_90, %add3A_309] : memref<512x128xf32, #tpu.memory_space<vmem>>[vector<16xi32>, vector<16xi32>], vector<16xf32>,
        %add3A_311 = arith.addi %shift_left3A_94, %xor3A_302 : vector<16xi32>
        %gather3A_312 = tpu.vector_load_idx %arg5[%shift_right_logical3A_90, %add3A_311] : memref<512x128xf32, #tpu.memory_space<vmem>>[vector<16xi32>, vector<16xi32>], vector<16xf32>,
        %add3A_313 = arith.addi %shift_left3A_94, %xor3A_305 : vector<16xi32>
        %gather3A_314 = tpu.vector_load_idx %arg5[%shift_right_logical3A_90, %add3A_313] : memref<512x128xf32, #tpu.memory_space<vmem>>[vector<16xi32>, vector<16xi32>], vector<16xf32>,
        %add3A_315 = arith.addi %shift_left3A_94, %xor3A_308 : vector<16xi32>
        %gather3A_316 = tpu.vector_load_idx %arg5[%shift_right_logical3A_90, %add3A_315] : memref<512x128xf32, #tpu.memory_space<vmem>>[vector<16xi32>, vector<16xi32>], vector<16xf32>,
        tpu.vector_store_idx %arg9[%xor3A_299, %add3A_98], %gather3A_310 : memref<64x128xf32, #tpu.memory_space<vmem>>[vector<16xi32>, vector<16xi32>], vector<16xf32>,
        tpu.vector_store_idx %arg9[%xor3A_302, %add3A_98], %gather3A_312 : memref<64x128xf32, #tpu.memory_space<vmem>>[vector<16xi32>, vector<16xi32>], vector<16xf32>,
        tpu.vector_store_idx %arg9[%xor3A_305, %add3A_98], %gather3A_314 : memref<64x128xf32, #tpu.memory_space<vmem>>[vector<16xi32>, vector<16xi32>], vector<16xf32>,
        tpu.vector_store_idx %arg9[%xor3A_308, %add3A_98], %gather3A_316 : memref<64x128xf32, #tpu.memory_space<vmem>>[vector<16xi32>, vector<16xi32>], vector<16xf32>,
        %xor3A_317 = arith.constant 44 : i32
        %xor3A_318 = vector.broadcast %xor3A_317 : i32 to vector<16xi32>
        %xor3A_319 = arith.xori %iota3A, %xor3A_318 : vector<16xi32>
        %xor3A_320 = arith.constant 45 : i32
        %xor3A_321 = vector.broadcast %xor3A_320 : i32 to vector<16xi32>
        %xor3A_322 = arith.xori %iota3A, %xor3A_321 : vector<16xi32>
        %xor3A_323 = arith.constant 46 : i32
        %xor3A_324 = vector.broadcast %xor3A_323 : i32 to vector<16xi32>
        %xor3A_325 = arith.xori %iota3A, %xor3A_324 : vector<16xi32>
        %xor3A_326 = arith.constant 47 : i32
        %xor3A_327 = vector.broadcast %xor3A_326 : i32 to vector<16xi32>
        %xor3A_328 = arith.xori %iota3A, %xor3A_327 : vector<16xi32>
        %add3A_329 = arith.addi %shift_left3A_94, %xor3A_319 : vector<16xi32>
        %gather3A_330 = tpu.vector_load_idx %arg5[%shift_right_logical3A_90, %add3A_329] : memref<512x128xf32, #tpu.memory_space<vmem>>[vector<16xi32>, vector<16xi32>], vector<16xf32>,
        %add3A_331 = arith.addi %shift_left3A_94, %xor3A_322 : vector<16xi32>
        %gather3A_332 = tpu.vector_load_idx %arg5[%shift_right_logical3A_90, %add3A_331] : memref<512x128xf32, #tpu.memory_space<vmem>>[vector<16xi32>, vector<16xi32>], vector<16xf32>,
        %add3A_333 = arith.addi %shift_left3A_94, %xor3A_325 : vector<16xi32>
        %gather3A_334 = tpu.vector_load_idx %arg5[%shift_right_logical3A_90, %add3A_333] : memref<512x128xf32, #tpu.memory_space<vmem>>[vector<16xi32>, vector<16xi32>], vector<16xf32>,
        %add3A_335 = arith.addi %shift_left3A_94, %xor3A_328 : vector<16xi32>
        %gather3A_336 = tpu.vector_load_idx %arg5[%shift_right_logical3A_90, %add3A_335] : memref<512x128xf32, #tpu.memory_space<vmem>>[vector<16xi32>, vector<16xi32>], vector<16xf32>,
        tpu.vector_store_idx %arg9[%xor3A_319, %add3A_98], %gather3A_330 : memref<64x128xf32, #tpu.memory_space<vmem>>[vector<16xi32>, vector<16xi32>], vector<16xf32>,
        tpu.vector_store_idx %arg9[%xor3A_322, %add3A_98], %gather3A_332 : memref<64x128xf32, #tpu.memory_space<vmem>>[vector<16xi32>, vector<16xi32>], vector<16xf32>,
        tpu.vector_store_idx %arg9[%xor3A_325, %add3A_98], %gather3A_334 : memref<64x128xf32, #tpu.memory_space<vmem>>[vector<16xi32>, vector<16xi32>], vector<16xf32>,
        tpu.vector_store_idx %arg9[%xor3A_328, %add3A_98], %gather3A_336 : memref<64x128xf32, #tpu.memory_space<vmem>>[vector<16xi32>, vector<16xi32>], vector<16xf32>,
        %xor3A_337 = arith.constant 48 : i32
        %xor3A_338 = vector.broadcast %xor3A_337 : i32 to vector<16xi32>
        %xor3A_339 = arith.xori %iota3A, %xor3A_338 : vector<16xi32>
        %xor3A_340 = arith.constant 49 : i32
        %xor3A_341 = vector.broadcast %xor3A_340 : i32 to vector<16xi32>
        %xor3A_342 = arith.xori %iota3A, %xor3A_341 : vector<16xi32>
        %xor3A_343 = arith.constant 50 : i32
        %xor3A_344 = vector.broadcast %xor3A_343 : i32 to vector<16xi32>
        %xor3A_345 = arith.xori %iota3A, %xor3A_344 : vector<16xi32>
        %xor3A_346 = arith.constant 51 : i32
        %xor3A_347 = vector.broadcast %xor3A_346 : i32 to vector<16xi32>
        %xor3A_348 = arith.xori %iota3A, %xor3A_347 : vector<16xi32>
        %add3A_349 = arith.addi %shift_left3A_94, %xor3A_339 : vector<16xi32>
        %gather3A_350 = tpu.vector_load_idx %arg5[%shift_right_logical3A_90, %add3A_349] : memref<512x128xf32, #tpu.memory_space<vmem>>[vector<16xi32>, vector<16xi32>], vector<16xf32>,
        %add3A_351 = arith.addi %shift_left3A_94, %xor3A_342 : vector<16xi32>
        %gather3A_352 = tpu.vector_load_idx %arg5[%shift_right_logical3A_90, %add3A_351] : memref<512x128xf32, #tpu.memory_space<vmem>>[vector<16xi32>, vector<16xi32>], vector<16xf32>,
        %add3A_353 = arith.addi %shift_left3A_94, %xor3A_345 : vector<16xi32>
        %gather3A_354 = tpu.vector_load_idx %arg5[%shift_right_logical3A_90, %add3A_353] : memref<512x128xf32, #tpu.memory_space<vmem>>[vector<16xi32>, vector<16xi32>], vector<16xf32>,
        %add3A_355 = arith.addi %shift_left3A_94, %xor3A_348 : vector<16xi32>
        %gather3A_356 = tpu.vector_load_idx %arg5[%shift_right_logical3A_90, %add3A_355] : memref<512x128xf32, #tpu.memory_space<vmem>>[vector<16xi32>, vector<16xi32>], vector<16xf32>,
        tpu.vector_store_idx %arg9[%xor3A_339, %add3A_98], %gather3A_350 : memref<64x128xf32, #tpu.memory_space<vmem>>[vector<16xi32>, vector<16xi32>], vector<16xf32>,
        tpu.vector_store_idx %arg9[%xor3A_342, %add3A_98], %gather3A_352 : memref<64x128xf32, #tpu.memory_space<vmem>>[vector<16xi32>, vector<16xi32>], vector<16xf32>,
        tpu.vector_store_idx %arg9[%xor3A_345, %add3A_98], %gather3A_354 : memref<64x128xf32, #tpu.memory_space<vmem>>[vector<16xi32>, vector<16xi32>], vector<16xf32>,
        tpu.vector_store_idx %arg9[%xor3A_348, %add3A_98], %gather3A_356 : memref<64x128xf32, #tpu.memory_space<vmem>>[vector<16xi32>, vector<16xi32>], vector<16xf32>,
        %xor3A_357 = arith.constant 52 : i32
        %xor3A_358 = vector.broadcast %xor3A_357 : i32 to vector<16xi32>
        %xor3A_359 = arith.xori %iota3A, %xor3A_358 : vector<16xi32>
        %xor3A_360 = arith.constant 53 : i32
        %xor3A_361 = vector.broadcast %xor3A_360 : i32 to vector<16xi32>
        %xor3A_362 = arith.xori %iota3A, %xor3A_361 : vector<16xi32>
        %xor3A_363 = arith.constant 54 : i32
        %xor3A_364 = vector.broadcast %xor3A_363 : i32 to vector<16xi32>
        %xor3A_365 = arith.xori %iota3A, %xor3A_364 : vector<16xi32>
        %xor3A_366 = arith.constant 55 : i32
        %xor3A_367 = vector.broadcast %xor3A_366 : i32 to vector<16xi32>
        %xor3A_368 = arith.xori %iota3A, %xor3A_367 : vector<16xi32>
        %add3A_369 = arith.addi %shift_left3A_94, %xor3A_359 : vector<16xi32>
        %gather3A_370 = tpu.vector_load_idx %arg5[%shift_right_logical3A_90, %add3A_369] : memref<512x128xf32, #tpu.memory_space<vmem>>[vector<16xi32>, vector<16xi32>], vector<16xf32>,
        %add3A_371 = arith.addi %shift_left3A_94, %xor3A_362 : vector<16xi32>
        %gather3A_372 = tpu.vector_load_idx %arg5[%shift_right_logical3A_90, %add3A_371] : memref<512x128xf32, #tpu.memory_space<vmem>>[vector<16xi32>, vector<16xi32>], vector<16xf32>,
        %add3A_373 = arith.addi %shift_left3A_94, %xor3A_365 : vector<16xi32>
        %gather3A_374 = tpu.vector_load_idx %arg5[%shift_right_logical3A_90, %add3A_373] : memref<512x128xf32, #tpu.memory_space<vmem>>[vector<16xi32>, vector<16xi32>], vector<16xf32>,
        %add3A_375 = arith.addi %shift_left3A_94, %xor3A_368 : vector<16xi32>
        %gather3A_376 = tpu.vector_load_idx %arg5[%shift_right_logical3A_90, %add3A_375] : memref<512x128xf32, #tpu.memory_space<vmem>>[vector<16xi32>, vector<16xi32>], vector<16xf32>,
        tpu.vector_store_idx %arg9[%xor3A_359, %add3A_98], %gather3A_370 : memref<64x128xf32, #tpu.memory_space<vmem>>[vector<16xi32>, vector<16xi32>], vector<16xf32>,
        tpu.vector_store_idx %arg9[%xor3A_362, %add3A_98], %gather3A_372 : memref<64x128xf32, #tpu.memory_space<vmem>>[vector<16xi32>, vector<16xi32>], vector<16xf32>,
        tpu.vector_store_idx %arg9[%xor3A_365, %add3A_98], %gather3A_374 : memref<64x128xf32, #tpu.memory_space<vmem>>[vector<16xi32>, vector<16xi32>], vector<16xf32>,
        tpu.vector_store_idx %arg9[%xor3A_368, %add3A_98], %gather3A_376 : memref<64x128xf32, #tpu.memory_space<vmem>>[vector<16xi32>, vector<16xi32>], vector<16xf32>,
        %xor3A_377 = arith.constant 56 : i32
        %xor3A_378 = vector.broadcast %xor3A_377 : i32 to vector<16xi32>
        %xor3A_379 = arith.xori %iota3A, %xor3A_378 : vector<16xi32>
        %xor3A_380 = arith.constant 57 : i32
        %xor3A_381 = vector.broadcast %xor3A_380 : i32 to vector<16xi32>
        %xor3A_382 = arith.xori %iota3A, %xor3A_381 : vector<16xi32>
        %xor3A_383 = arith.constant 58 : i32
        %xor3A_384 = vector.broadcast %xor3A_383 : i32 to vector<16xi32>
        %xor3A_385 = arith.xori %iota3A, %xor3A_384 : vector<16xi32>
        %xor3A_386 = arith.constant 59 : i32
        %xor3A_387 = vector.broadcast %xor3A_386 : i32 to vector<16xi32>
        %xor3A_388 = arith.xori %iota3A, %xor3A_387 : vector<16xi32>
        %add3A_389 = arith.addi %shift_left3A_94, %xor3A_379 : vector<16xi32>
        %gather3A_390 = tpu.vector_load_idx %arg5[%shift_right_logical3A_90, %add3A_389] : memref<512x128xf32, #tpu.memory_space<vmem>>[vector<16xi32>, vector<16xi32>], vector<16xf32>,
        %add3A_391 = arith.addi %shift_left3A_94, %xor3A_382 : vector<16xi32>
        %gather3A_392 = tpu.vector_load_idx %arg5[%shift_right_logical3A_90, %add3A_391] : memref<512x128xf32, #tpu.memory_space<vmem>>[vector<16xi32>, vector<16xi32>], vector<16xf32>,
        %add3A_393 = arith.addi %shift_left3A_94, %xor3A_385 : vector<16xi32>
        %gather3A_394 = tpu.vector_load_idx %arg5[%shift_right_logical3A_90, %add3A_393] : memref<512x128xf32, #tpu.memory_space<vmem>>[vector<16xi32>, vector<16xi32>], vector<16xf32>,
        %add3A_395 = arith.addi %shift_left3A_94, %xor3A_388 : vector<16xi32>
        %gather3A_396 = tpu.vector_load_idx %arg5[%shift_right_logical3A_90, %add3A_395] : memref<512x128xf32, #tpu.memory_space<vmem>>[vector<16xi32>, vector<16xi32>], vector<16xf32>,
        tpu.vector_store_idx %arg9[%xor3A_379, %add3A_98], %gather3A_390 : memref<64x128xf32, #tpu.memory_space<vmem>>[vector<16xi32>, vector<16xi32>], vector<16xf32>,
        tpu.vector_store_idx %arg9[%xor3A_382, %add3A_98], %gather3A_392 : memref<64x128xf32, #tpu.memory_space<vmem>>[vector<16xi32>, vector<16xi32>], vector<16xf32>,
        tpu.vector_store_idx %arg9[%xor3A_385, %add3A_98], %gather3A_394 : memref<64x128xf32, #tpu.memory_space<vmem>>[vector<16xi32>, vector<16xi32>], vector<16xf32>,
        tpu.vector_store_idx %arg9[%xor3A_388, %add3A_98], %gather3A_396 : memref<64x128xf32, #tpu.memory_space<vmem>>[vector<16xi32>, vector<16xi32>], vector<16xf32>,
        %xor3A_397 = arith.constant 60 : i32
        %xor3A_398 = vector.broadcast %xor3A_397 : i32 to vector<16xi32>
        %xor3A_399 = arith.xori %iota3A, %xor3A_398 : vector<16xi32>
        %xor3A_400 = arith.constant 61 : i32
        %xor3A_401 = vector.broadcast %xor3A_400 : i32 to vector<16xi32>
        %xor3A_402 = arith.xori %iota3A, %xor3A_401 : vector<16xi32>
        %xor3A_403 = arith.constant 62 : i32
        %xor3A_404 = vector.broadcast %xor3A_403 : i32 to vector<16xi32>
        %xor3A_405 = arith.xori %iota3A, %xor3A_404 : vector<16xi32>
        %xor3A_406 = arith.constant 63 : i32
        %xor3A_407 = vector.broadcast %xor3A_406 : i32 to vector<16xi32>
        %xor3A_408 = arith.xori %iota3A, %xor3A_407 : vector<16xi32>
        %add3A_409 = arith.addi %shift_left3A_94, %xor3A_399 : vector<16xi32>
        %gather3A_410 = tpu.vector_load_idx %arg5[%shift_right_logical3A_90, %add3A_409] : memref<512x128xf32, #tpu.memory_space<vmem>>[vector<16xi32>, vector<16xi32>], vector<16xf32>,
        %add3A_411 = arith.addi %shift_left3A_94, %xor3A_402 : vector<16xi32>
        %gather3A_412 = tpu.vector_load_idx %arg5[%shift_right_logical3A_90, %add3A_411] : memref<512x128xf32, #tpu.memory_space<vmem>>[vector<16xi32>, vector<16xi32>], vector<16xf32>,
        %add3A_413 = arith.addi %shift_left3A_94, %xor3A_405 : vector<16xi32>
        %gather3A_414 = tpu.vector_load_idx %arg5[%shift_right_logical3A_90, %add3A_413] : memref<512x128xf32, #tpu.memory_space<vmem>>[vector<16xi32>, vector<16xi32>], vector<16xf32>,
        %add3A_415 = arith.addi %shift_left3A_94, %xor3A_408 : vector<16xi32>
        %gather3A_416 = tpu.vector_load_idx %arg5[%shift_right_logical3A_90, %add3A_415] : memref<512x128xf32, #tpu.memory_space<vmem>>[vector<16xi32>, vector<16xi32>], vector<16xf32>,
        tpu.vector_store_idx %arg9[%xor3A_399, %add3A_98], %gather3A_410 : memref<64x128xf32, #tpu.memory_space<vmem>>[vector<16xi32>, vector<16xi32>], vector<16xf32>,
        tpu.vector_store_idx %arg9[%xor3A_402, %add3A_98], %gather3A_412 : memref<64x128xf32, #tpu.memory_space<vmem>>[vector<16xi32>, vector<16xi32>], vector<16xf32>,
        tpu.vector_store_idx %arg9[%xor3A_405, %add3A_98], %gather3A_414 : memref<64x128xf32, #tpu.memory_space<vmem>>[vector<16xi32>, vector<16xi32>], vector<16xf32>,
        tpu.vector_store_idx %arg9[%xor3A_408, %add3A_98], %gather3A_416 : memref<64x128xf32, #tpu.memory_space<vmem>>[vector<16xi32>, vector<16xi32>], vector<16xf32>,
      }
      %scan3A_73 = arith.constant 8 : i32
      %add3A_74 = arith.constant 2 : i32
      %add3A_75 = arith.addi %add3A_57, %add3A_74 : i32
      %lt3A_76 = arith.constant 64 : i32
      %lt3A_77 = arith.cmpi slt, %add3A_75, %lt3A_76 : i32
      %convert_element_type3A_78 = arith.extui %lt3A_77 : i1 to i32
      %cond3A_79 = arith.constant 0 : i32
      %cond3A_80 = arith.cmpi ne, %convert_element_type3A_78, %cond3A_79 : i32
      scf.if %cond3A_80 {
        %add3A_85 = arith.constant 256 : i32
        %add3A_86 = arith.addi %add3A_60, %add3A_85 : i32
        %dma_start3A_87 = tpu.memref_slice %arg2[%add3A_86] : memref<262144xi32, #tpu.memory_space<hbm>> -> memref<128xi32, #tpu.memory_space<hbm>>
        %dma_start3A_88 = tpu.memref_slice %arg2[%add3A_86] : memref<262144xi32, #tpu.memory_space<hbm>> -> memref<128xi32, #tpu.memory_space<hbm>>
        tpu.enqueue_dma source(%dma_start3A_88 : memref<128xi32, #tpu.memory_space<hbm>>) target(%arg7 : memref<128xi32, #tpu.memory_space<vmem>>) target_semaphore(%arg11 : memref<!tpu.dma_semaphore, #tpu.memory_space<semaphore_mem>>)
      } else {
      }
      %dma_start3A_81 = arith.constant 0 : i32
      %dma_start3A_82 = tpu.memref_slice %arg4[%dma_start3A_81, %add3A_60] : memref<64x262144xf32, #tpu.memory_space<hbm>> -> memref<64x128xf32, #tpu.memory_space<hbm>>
      %dma_start3A_83 = arith.constant 0 : i32
      %dma_start3A_84 = tpu.memref_slice %arg4[%dma_start3A_83, %add3A_60] : memref<64x262144xf32, #tpu.memory_space<hbm>> -> memref<64x128xf32, #tpu.memory_space<hbm>>
      tpu.enqueue_dma source(%arg9 : memref<64x128xf32, #tpu.memory_space<vmem>>) target(%dma_start3A_84 : memref<64x128xf32, #tpu.memory_space<hbm>>) target_semaphore(%arg13 : memref<!tpu.dma_semaphore, #tpu.memory_space<semaphore_mem>>)
    }
    %scan3A_14 = arith.constant 32 : i32
    %add3A_15 = arith.constant 7936 : i32
    %add3A_16 = arith.addi %mul3A_2, %add3A_15 : i32
    %dma_wait3A = arith.constant 0 : i32
    %dma_wait3A_17 = tpu.memref_slice %arg4[%dma_wait3A, %add3A_16] : memref<64x262144xf32, #tpu.memory_space<hbm>> -> memref<64x128xf32, #tpu.memory_space<hbm>>
    %dma_wait3A_18 = arith.constant 0 : i32
    %dma_wait3A_19 = tpu.memref_slice %arg4[%dma_wait3A_18, %add3A_16] : memref<64x262144xf32, #tpu.memory_space<hbm>> -> memref<64x128xf32, #tpu.memory_space<hbm>>
    tpu.wait_dma2 semaphore(%arg12 : memref<!tpu.dma_semaphore, #tpu.memory_space<semaphore_mem>>) src(%arg8 : memref<64x128xf32, #tpu.memory_space<vmem>>) dst(%dma_wait3A_19 : memref<64x128xf32, #tpu.memory_space<hbm>>)
    %add3A_20 = arith.constant 8064 : i32
    %add3A_21 = arith.addi %mul3A_2, %add3A_20 : i32
    %dma_wait3A_22 = arith.constant 0 : i32
    %dma_wait3A_23 = tpu.memref_slice %arg4[%dma_wait3A_22, %add3A_21] : memref<64x262144xf32, #tpu.memory_space<hbm>> -> memref<64x128xf32, #tpu.memory_space<hbm>>
    %dma_wait3A_24 = arith.constant 0 : i32
    %dma_wait3A_25 = tpu.memref_slice %arg4[%dma_wait3A_24, %add3A_21] : memref<64x262144xf32, #tpu.memory_space<hbm>> -> memref<64x128xf32, #tpu.memory_space<hbm>>
    tpu.wait_dma2 semaphore(%arg13 : memref<!tpu.dma_semaphore, #tpu.memory_space<semaphore_mem>>) src(%arg9 : memref<64x128xf32, #tpu.memory_space<vmem>>) dst(%dma_wait3A_25 : memref<64x128xf32, #tpu.memory_space<hbm>>)
    return
  }
}

module attributes {stable_mosaic.version = 14 : i64} {
  func.func @_prep_body(%arg0: memref<500x32xf32, #tpu.memory_space<vmem>>, %arg1: memref<500x32xf32, #tpu.memory_space<vmem>>, %arg2: memref<32x64xf32, #tpu.memory_space<vmem>>, %arg3: memref<32x64xf32, #tpu.memory_space<vmem>>, %arg4: memref<64x32xf32, #tpu.memory_space<vmem>>, %arg5: memref<32x32xf32, #tpu.memory_space<vmem>>, %arg6: memref<1x32xf32, #tpu.memory_space<vmem>>, %arg7: memref<1x64xf32, #tpu.memory_space<vmem>>, %arg8: memref<512x128xf32, #tpu.memory_space<vmem>>, %arg9: memref<64x32xf32, #tpu.memory_space<vmem>>) attributes {dimension_semantics = [], scalar_prefetch = 0 : i64, scratch_operands = 0 : i64, tpu.core_type = #tpu.core_type<tc>} {
    %get3A = arith.constant 0 : index
    %get3A_0 = arith.constant 0 : index
    %get3A_1 = vector.load %arg2[%get3A, %get3A_0] : memref<32x64xf32, #tpu.memory_space<vmem>>, vector<32x64xf32>
    %get3A_2 = arith.constant 0 : index
    %get3A_3 = arith.constant 0 : index
    %get3A_4 = vector.load %arg6[%get3A_2, %get3A_3] : memref<1x32xf32, #tpu.memory_space<vmem>>, vector<1x32xf32>
    %get3A_5 = arith.constant 0 : index
    %get3A_6 = arith.constant 0 : index
    %get3A_7 = vector.load %arg3[%get3A_5, %get3A_6] : memref<32x64xf32, #tpu.memory_space<vmem>>, vector<32x64xf32>
    %dot_general3A = arith.constant dense<0.000000e+00> : vector<1x64xf32>
    %dot_general3A_8 = tpu.matmul %get3A_4, %get3A_7, %dot_general3A {dimension_numbers = #tpu.dot_dimension_numbers<[1], [0], [0], [1], [0, 0, 1, 1], [], []>, transpose_lhs_hint = false} : vector<1x32xf32>, vector<32x64xf32>, vector<1x64xf32> -> vector<1x64xf32>
    %get3A_9 = arith.constant 0 : index
    %get3A_10 = arith.constant 0 : index
    %get3A_11 = vector.load %arg7[%get3A_9, %get3A_10] : memref<1x64xf32, #tpu.memory_space<vmem>>, vector<1x64xf32>
    %add3A = arith.addf %dot_general3A_8, %get3A_11 : vector<1x64xf32>
    %get3A_12 = arith.constant 0 : index
    %get3A_13 = arith.constant 0 : index
    %get3A_14 = vector.load %arg0[%get3A_12, %get3A_13] : memref<500x32xf32, #tpu.memory_space<vmem>>, vector<500x32xf32>
    %dot_general3A_15 = arith.constant dense<0.000000e+00> : vector<500x64xf32>
    %dot_general3A_16 = tpu.matmul %get3A_14, %get3A_1, %dot_general3A_15 {dimension_numbers = #tpu.dot_dimension_numbers<[1], [0], [0], [1], [0, 0, 1, 1], [], []>, transpose_lhs_hint = false} : vector<500x32xf32>, vector<32x64xf32>, vector<500x64xf32> -> vector<500x64xf32>
    %add3A_17 = vector.broadcast %add3A : vector<1x64xf32> to vector<500x64xf32>
    %add3A_18 = arith.addf %dot_general3A_16, %add3A_17 : vector<500x64xf32>
    %get3A_19 = arith.constant 0 : index
    %get3A_20 = arith.constant 0 : index
    %get3A_21 = vector.load %arg1[%get3A_19, %get3A_20] : memref<500x32xf32, #tpu.memory_space<vmem>>, vector<500x32xf32>
    %dot_general3A_22 = arith.constant dense<0.000000e+00> : vector<500x64xf32>
    %dot_general3A_23 = tpu.matmul %get3A_21, %get3A_1, %dot_general3A_22 {dimension_numbers = #tpu.dot_dimension_numbers<[1], [0], [0], [1], [0, 0, 1, 1], [], []>, transpose_lhs_hint = false} : vector<500x32xf32>, vector<32x64xf32>, vector<500x64xf32> -> vector<500x64xf32>
    %add3A_24 = vector.broadcast %add3A : vector<1x64xf32> to vector<500x64xf32>
    %add3A_25 = arith.addf %dot_general3A_23, %add3A_24 : vector<500x64xf32>
    %concatenate3A = tpu.concatenate %add3A_18, %add3A_25 in 1 : vector<500x64xf32>, vector<500x64xf32> -> vector<500x128xf32>
    %broadcast_in_dim3A = arith.constant 0.000000e+00 : f32
    %broadcast_in_dim3A_26 = vector.broadcast %broadcast_in_dim3A : f32 to vector<12x128xf32>
    %concatenate3A_27 = tpu.concatenate %concatenate3A, %broadcast_in_dim3A_26 in 0 : vector<500x128xf32>, vector<12x128xf32> -> vector<512x128xf32>
    %swap3A = arith.constant 0 : index
    %swap3A_28 = arith.constant 0 : index
    %swap3A_29 = vector.load %arg8[%swap3A, %swap3A_28] : memref<512x128xf32, #tpu.memory_space<vmem>>, vector<512x128xf32>
    tpu.vector_store %arg8[%swap3A, %swap3A_28], %concatenate3A_27 {strides = array<i32>} : memref<512x128xf32, #tpu.memory_space<vmem>>, vector<512x128xf32>,
    %get3A_30 = arith.constant 0 : index
    %get3A_31 = arith.constant 0 : index
    %get3A_32 = vector.load %arg4[%get3A_30, %get3A_31] : memref<64x32xf32, #tpu.memory_space<vmem>>, vector<64x32xf32>
    %get3A_33 = arith.constant 0 : index
    %get3A_34 = arith.constant 0 : index
    %get3A_35 = vector.load %arg5[%get3A_33, %get3A_34] : memref<32x32xf32, #tpu.memory_space<vmem>>, vector<32x32xf32>
    %dot_general3A_36 = arith.constant dense<0.000000e+00> : vector<64x32xf32>
    %dot_general3A_37 = tpu.matmul %get3A_32, %get3A_35, %dot_general3A_36 {dimension_numbers = #tpu.dot_dimension_numbers<[1], [0], [0], [1], [0, 0, 1, 1], [], []>, transpose_lhs_hint = false} : vector<64x32xf32>, vector<32x32xf32>, vector<64x32xf32> -> vector<64x32xf32>
    %swap3A_38 = arith.constant 0 : index
    %swap3A_39 = arith.constant 0 : index
    %swap3A_40 = vector.load %arg9[%swap3A_38, %swap3A_39] : memref<64x32xf32, #tpu.memory_space<vmem>>, vector<64x32xf32>
    tpu.vector_store %arg9[%swap3A_38, %swap3A_39], %dot_general3A_37 {strides = array<i32>} : memref<64x32xf32, #tpu.memory_space<vmem>>, vector<64x32xf32>,
    return
  }
}

module attributes {stable_mosaic.version = 14 : i64} {
  func.func @_combine_body(%arg0: i32, %arg1: memref<64x16384xf32, #tpu.memory_space<vmem>>, %arg2: memref<5x16384xf32, #tpu.memory_space<vmem>>, %arg3: memref<32x5xf32, #tpu.memory_space<vmem>>, %arg4: memref<64x32xf32, #tpu.memory_space<vmem>>, %arg5: memref<64x16384xf32, #tpu.memory_space<vmem>>) attributes {dimension_semantics = [#tpu.dimension_semantics<arbitrary>], iteration_bounds = array<i64: 16>, scalar_prefetch = 0 : i64, scratch_operands = 0 : i64, tpu.core_type = #tpu.core_type<tc>, window_params = [{transform_indices = @transform_0, window_bounds = array<i64: 64, 16384>}, {transform_indices = @transform_1, window_bounds = array<i64: 5, 16384>}, {pipeline_mode = #tpu.pipeline_mode<synchronous>, transform_indices = @transform_2, window_bounds = array<i64: 32, 5>}, {pipeline_mode = #tpu.pipeline_mode<synchronous>, transform_indices = @transform_3, window_bounds = array<i64: 64, 32>}, {transform_indices = @transform_4, window_bounds = array<i64: 64, 16384>}]} {
    %get3A = arith.constant 0 : index
    %get3A_0 = arith.constant 0 : index
    %get3A_1 = vector.load %arg3[%get3A, %get3A_0] : memref<32x5xf32, #tpu.memory_space<vmem>>, vector<32x5xf32>
    %get3A_2 = arith.constant 0 : index
    %get3A_3 = arith.constant 0 : index
    %get3A_4 = vector.load %arg2[%get3A_2, %get3A_3] : memref<5x16384xf32, #tpu.memory_space<vmem>>, vector<5x16384xf32>
    %dot_general3A = arith.constant dense<0.000000e+00> : vector<32x16384xf32>
    %dot_general3A_5 = tpu.matmul %get3A_1, %get3A_4, %dot_general3A {dimension_numbers = #tpu.dot_dimension_numbers<[1], [0], [0], [1], [0, 0, 1, 1], [], []>, transpose_lhs_hint = false} : vector<32x5xf32>, vector<5x16384xf32>, vector<32x16384xf32> -> vector<32x16384xf32>
    %max3A = arith.constant 0.000000e+00 : f32
    %max3A_6 = vector.broadcast %max3A : f32 to vector<32x16384xf32>
    %max3A_7 = arith.maximumf %dot_general3A_5, %max3A_6 : vector<32x16384xf32>
    %get3A_8 = arith.constant 0 : index
    %get3A_9 = arith.constant 0 : index
    %get3A_10 = vector.load %arg4[%get3A_8, %get3A_9] : memref<64x32xf32, #tpu.memory_space<vmem>>, vector<64x32xf32>
    %dot_general3A_11 = arith.constant dense<0.000000e+00> : vector<64x16384xf32>
    %dot_general3A_12 = tpu.matmul %get3A_10, %max3A_7, %dot_general3A_11 {dimension_numbers = #tpu.dot_dimension_numbers<[1], [0], [0], [1], [0, 0, 1, 1], [], []>, transpose_lhs_hint = false} : vector<64x32xf32>, vector<32x16384xf32>, vector<64x16384xf32> -> vector<64x16384xf32>
    %get3A_13 = arith.constant 0 : index
    %get3A_14 = arith.constant 0 : index
    %get3A_15 = vector.load %arg1[%get3A_13, %get3A_14] : memref<64x16384xf32, #tpu.memory_space<vmem>>, vector<64x16384xf32>
    %add3A = arith.addf %get3A_15, %dot_general3A_12 : vector<64x16384xf32>
    %swap3A = arith.constant 0 : index
    %swap3A_16 = arith.constant 0 : index
    %swap3A_17 = vector.load %arg5[%swap3A, %swap3A_16] : memref<64x16384xf32, #tpu.memory_space<vmem>>, vector<64x16384xf32>
    tpu.vector_store %arg5[%swap3A, %swap3A_16], %add3A {strides = array<i32>} : memref<64x16384xf32, #tpu.memory_space<vmem>>, vector<64x16384xf32>,
    return
  }
  func.func @transform_0(%arg0: i32) -> (i32, i32) {
    %c0_i32 = arith.constant 0 : i32
    %c0_i32_0 = arith.constant 0 : i32
    return %c0_i32, %arg0 : i32, i32
  }
  func.func @transform_1(%arg0: i32) -> (i32, i32) {
    %c0_i32 = arith.constant 0 : i32
    %c0_i32_0 = arith.constant 0 : i32
    return %c0_i32, %arg0 : i32, i32
  }
  func.func @transform_2(%arg0: i32) -> (i32, i32) {
    %c0_i32 = arith.constant 0 : i32
    %c0_i32_0 = arith.constant 0 : i32
    %c0_i32_1 = arith.constant 0 : i32
    return %c0_i32, %c0_i32_0 : i32, i32
  }
  func.func @transform_3(%arg0: i32) -> (i32, i32) {
    %c0_i32 = arith.constant 0 : i32
    %c0_i32_0 = arith.constant 0 : i32
    %c0_i32_1 = arith.constant 0 : i32
    return %c0_i32, %c0_i32_0 : i32, i32
  }
  func.func @transform_4(%arg0: i32) -> (i32, i32) {
    %c0_i32 = arith.constant 0 : i32
    %c0_i32_0 = arith.constant 0 : i32
    return %c0_i32, %arg0 : i32, i32
  }
}

module attributes {stable_mosaic.version = 14 : i64} {
  func.func @_combine_body_b(%arg0: i32, %arg1: memref<64x500000xf32, #tpu.memory_space<any>>, %arg2: memref<64x16384xf32, #tpu.memory_space<vmem>>, %arg3: memref<5x16384xf32, #tpu.memory_space<vmem>>, %arg4: memref<32x5xf32, #tpu.memory_space<vmem>>, %arg5: memref<64x32xf32, #tpu.memory_space<vmem>>, %arg6: memref<64x16384xf32, #tpu.memory_space<vmem>>) attributes {dimension_semantics = [#tpu.dimension_semantics<arbitrary>], iteration_bounds = array<i64: 15>, scalar_prefetch = 0 : i64, scratch_operands = 0 : i64, tpu.core_type = #tpu.core_type<tc>, window_params = [{}, {transform_indices = @transform_1, window_bounds = array<i64: 64, 16384>}, {transform_indices = @transform_2, window_bounds = array<i64: 5, 16384>}, {pipeline_mode = #tpu.pipeline_mode<synchronous>, transform_indices = @transform_3, window_bounds = array<i64: 32, 5>}, {pipeline_mode = #tpu.pipeline_mode<synchronous>, transform_indices = @transform_4, window_bounds = array<i64: 64, 32>}, {transform_indices = @transform_5, window_bounds = array<i64: 64, 16384>}]} {
    %get3A = arith.constant 0 : index
    %get3A_0 = arith.constant 0 : index
    %get3A_1 = vector.load %arg4[%get3A, %get3A_0] : memref<32x5xf32, #tpu.memory_space<vmem>>, vector<32x5xf32>
    %get3A_2 = arith.constant 0 : index
    %get3A_3 = arith.constant 0 : index
    %get3A_4 = vector.load %arg3[%get3A_2, %get3A_3] : memref<5x16384xf32, #tpu.memory_space<vmem>>, vector<5x16384xf32>
    %dot_general3A = arith.constant dense<0.000000e+00> : vector<32x16384xf32>
    %dot_general3A_5 = tpu.matmul %get3A_1, %get3A_4, %dot_general3A {dimension_numbers = #tpu.dot_dimension_numbers<[1], [0], [0], [1], [0, 0, 1, 1], [], []>, transpose_lhs_hint = false} : vector<32x5xf32>, vector<5x16384xf32>, vector<32x16384xf32> -> vector<32x16384xf32>
    %max3A = arith.constant 0.000000e+00 : f32
    %max3A_6 = vector.broadcast %max3A : f32 to vector<32x16384xf32>
    %max3A_7 = arith.maximumf %dot_general3A_5, %max3A_6 : vector<32x16384xf32>
    %get3A_8 = arith.constant 0 : index
    %get3A_9 = arith.constant 0 : index
    %get3A_10 = vector.load %arg5[%get3A_8, %get3A_9] : memref<64x32xf32, #tpu.memory_space<vmem>>, vector<64x32xf32>
    %dot_general3A_11 = arith.constant dense<0.000000e+00> : vector<64x16384xf32>
    %dot_general3A_12 = tpu.matmul %get3A_10, %max3A_7, %dot_general3A_11 {dimension_numbers = #tpu.dot_dimension_numbers<[1], [0], [0], [1], [0, 0, 1, 1], [], []>, transpose_lhs_hint = false} : vector<64x32xf32>, vector<32x16384xf32>, vector<64x16384xf32> -> vector<64x16384xf32>
    %get3A_13 = arith.constant 0 : index
    %get3A_14 = arith.constant 0 : index
    %get3A_15 = vector.load %arg2[%get3A_13, %get3A_14] : memref<64x16384xf32, #tpu.memory_space<vmem>>, vector<64x16384xf32>
    %add3A = arith.addf %get3A_15, %dot_general3A_12 : vector<64x16384xf32>
    %swap3A = arith.constant 0 : index
    %swap3A_16 = arith.constant 0 : index
    %swap3A_17 = vector.load %arg6[%swap3A, %swap3A_16] : memref<64x16384xf32, #tpu.memory_space<vmem>>, vector<64x16384xf32>
    tpu.vector_store %arg6[%swap3A, %swap3A_16], %add3A {strides = array<i32>} : memref<64x16384xf32, #tpu.memory_space<vmem>>, vector<64x16384xf32>,
    return
  }
  func.func @transform_1(%arg0: i32) -> (i32, i32) {
    %c0_i32 = arith.constant 0 : i32
    %c0_i32_0 = arith.constant 0 : i32
    return %c0_i32, %arg0 : i32, i32
  }
  func.func @transform_2(%arg0: i32) -> (i32, i32) {
    %add3A = arith.constant 16 : i32
    %add3A_0 = arith.addi %arg0, %add3A : i32
    %c0_i32 = arith.constant 0 : i32
    %c0_i32_1 = arith.constant 0 : i32
    return %c0_i32, %add3A_0 : i32, i32
  }
  func.func @transform_3(%arg0: i32) -> (i32, i32) {
    %c0_i32 = arith.constant 0 : i32
    %c0_i32_0 = arith.constant 0 : i32
    %c0_i32_1 = arith.constant 0 : i32
    return %c0_i32, %c0_i32_0 : i32, i32
  }
  func.func @transform_4(%arg0: i32) -> (i32, i32) {
    %c0_i32 = arith.constant 0 : i32
    %c0_i32_0 = arith.constant 0 : i32
    %c0_i32_1 = arith.constant 0 : i32
    return %c0_i32, %c0_i32_0 : i32, i32
  }
  func.func @transform_5(%arg0: i32) -> (i32, i32) {
    %add3A = arith.constant 16 : i32
    %add3A_0 = arith.addi %arg0, %add3A : i32
    %c0_i32 = arith.constant 0 : i32
    %c0_i32_1 = arith.constant 0 : i32
    return %c0_i32, %add3A_0 : i32, i32
  }
}

</mosaic_0001>

<sc_bundles>
// kernel: kernel.10.cloned.1.call-start
scs
__scs_entry_jumppad:
0x0: {  	(pc) =	sbr.rel $0x88, $3  }
0x1: {  	(tag) =	ssettag $0x0;
	lr =	simm.s32 $0x1  }
0x2: {  	[smem:$0x3F95] =	sst lr;
	_ =	strace $0xD0000000  }
0x3: {  	_ = 	snop  }
0x4: {  	_ = 	snop  }
0x5: {  	_ = 	snop  }
0x6: {  	_ = 	snop  }
0x7: {  	_ = 	snop  }
__scs_overlays_trampoline_lowered:
0x8: {  	[smem:$0x3FA4] =	sst s0  }
0x9: {  	[smem:$0x3FA5] =	sst s1  }
0xa: {  	[smem:$0x3FA6] =	sst s2  }
0xb: {  	[smem:$0x3FA7] =	sst s3  }
0xc: {  	[smem:$0x3FA8] =	sst s4  }
0xd: {  	[smem:$0x3FA9] =	sst s5  }
0xe: {  	[smem:$0x3FAA] =	sst s6  }
0xf: {  	[smem:$0x3FAB] =	sst s7  }
0x10: {  	[smem:$0x3FAC] =	sst s8  }
0x11: {  	[smem:$0x3FAD] =	sst s9;
	s0 =	simm.s32 @!p0 $0x0  }
0x12: {  	s1 =	sld [smem:$0x3F93];
	s0 =	simm.s32 @p0 $0x1  }
0x13: {  	[smem:$0x3FAE] =	sst s0;
	s0 =	simm.s32 @!p1 $0x0  }
0x14: {  	s2 =	sld [smem:$0x3F92];
	s0 =	simm.s32 @p1 $0x1  }
0x15: {  	[smem:$0x3FAF] =	sst s0;
	s0 =	simm.s32 @!p2 $0x0  }
0x16: {  	s3 =	sld [smem:$0x3FDB];
	s0 =	simm.s32 @p2 $0x1  }
0x17: {  	s4 =	simm.s32 $0x1BF5;
	[smem:$0x3FB1] =	sst s0  }
0x18: {  	s0 =	sld [smem:$0x3F94];
	_ =	swait.ge [sflag:s4], $0x0  }
0x19: {  	s7 =	sld [smem:$0x3F95]  }
0x1a: {  	s8 =	sadd.s32 $0xFFFFE003, lr  }
0x1b: {  	s9 =	sadd.s32 $0xFFFFFEF7, lr;
	s5 =	simm.s32 $0xFFFFFFFF;
	p2 =	slt.u32 s8, $0xFFFFF086  }
0x1c: {  	p1 =	slt.u32 s9, $0xF7A;
	s5 =	simm.s32 @!p2 $0x0  }
0x1d: {  	s5 =	simm.s32 @p1 $0x1;
	p0 =	seq.s32 s7, s2  }
0x1e: {  	s7 =	smul.u32 @!p0 $0xF7A, s2;
	p2 =	seq.s32 @!p0 s5, $0x0  }
0x1f: {  	s9 =	smul.u32 $0xF7A, s1;
	s8 =	simm.s32 @!p0 $0x1BF5;
	p2 =	por !p2, p0  }
0x20: {  	[sflag:s8] =	ssyncset.s32 @!p0 $0xFFFFF086;
	s6 =	sadd.s32 @!p0 s3, s7;
	s7 =	simm.s32 @!p0 $0x108  }
0x21: {  	s3 =	sadd.s32 s3, s9;
	s6 =	sadd.s32 @!p0 $0x88, s6;
	s7 =	simm.s32 @p2 $0x1082  }
0x22: {  	[simem:s7], [sflag:s8] =	dma.local @!p0 [hbm:s6], $0xF7A  }
0x23: {  	s9 =	sor.u32 $0xD0000000, s2;
	s6 =	simm.s32 $0x108;
	_ =	swait.ge @!p0 [sflag:s8], $0x0  }
0x24: {  	s3 =	sadd.s32 $0x88, s3;
	s6 =	simm.s32 @!p1 $0x1082;
	[sflag:s4] =	ssyncset.s32 $0xFFFFF086  }
0x25: {  	[simem:s6], [sflag:s4] =	dma.local [hbm:s3], $0xF7A  }
0x26: {  	[smem:$0x3F95] =	sst s1;
	(tag) =	ssettag s2;
	_ =	strace s9  }
0x27: {  	s1 =	sld [smem:$0x3FA5]  }
0x28: {  	s2 =	sld [smem:$0x3FA6]  }
0x29: {  	s4 =	sld [smem:$0x3FA8]  }
0x2a: {  	p0 =	seq.s32 s5, $0x0;
	s5 =	sld [smem:$0x3FA9]  }
0x2b: {  	s6 =	sld [smem:$0x3FAA]  }
0x2c: {  	s7 =	sld [smem:$0x3FAB]  }
0x2d: {  	s3 =	simm.s32 $0x108;
	s8 =	sld [smem:$0x3FAC]  }
0x2e: {  	s3 =	simm.s32 @!p0 $0x1082;
	s9 =	sld [smem:$0x3FAD]  }
0x2f: {  	lr =	sadd.s32 s0, s3;
	s0 =	sld [smem:$0x3FA4]  }
0x30: {  	s3 =	sld [smem:$0x3FA7]  }
0x31: {  	[smem:$0x3FB0] =	sst s10  }
0x32: {  	s10 =	sld [smem:$0x3FAE];
	_ =	sdelay $0x3  }
0x33: {  	p0 =	seq.s32 s10, $0x1;
	s10 =	sld [smem:$0x3FB0];
	_ =	sdelay $0x3  }
0x34: {  	[smem:$0x3FB0] =	sst s10  }
0x35: {  	s10 =	sld [smem:$0x3FAF];
	_ =	sdelay $0x3  }
0x36: {  	p1 =	seq.s32 s10, $0x1;
	s10 =	sld [smem:$0x3FB0];
	_ =	sdelay $0x3  }
0x37: {  	[smem:$0x3FB0] =	sst s10  }
0x38: {  	s10 =	sld [smem:$0x3FB1]  }
0x39: {  	_ = 	snop;
	(pc) =	sbr.ind lr, $3  }
0x3a: {  	_ = 	snop  }
0x3b: {  	_ = 	snop  }
0x3c: {  	p2 =	seq.s32 s10, $0x1;
	s10 =	sld [smem:$0x3FB0]  }
0x3d: {  	_ =	shalt  }
0x3e: {  	_ =	shalt  }
0x3f: {  	_ =	shalt  }
0x40: {  	_ =	shalt  }
0x41: {  	_ =	shalt  }
0x42: {  	_ =	shalt  }
0x43: {  	_ =	shalt  }
0x44: {  	_ =	shalt  }
0x45: {  	_ =	shalt  }
0x46: {  	_ =	shalt  }
0x47: {  	_ =	shalt  }
0x48: {  	_ =	shalt  }
0x49: {  	_ =	shalt  }
0x4a: {  	_ =	shalt  }
0x4b: {  	_ =	shalt  }
0x4c: {  	_ =	shalt  }
0x4d: {  	_ =	shalt  }
0x4e: {  	_ =	shalt  }
0x4f: {  	_ =	shalt  }
0x50: {  	_ =	shalt  }
0x51: {  	_ =	shalt  }
0x52: {  	_ =	shalt  }
0x53: {  	_ =	shalt  }
0x54: {  	_ =	shalt  }
0x55: {  	_ =	shalt  }
0x56: {  	_ =	shalt  }
0x57: {  	_ =	shalt  }
0x58: {  	_ =	shalt  }
0x59: {  	_ =	shalt  }
0x5a: {  	_ =	shalt  }
0x5b: {  	_ =	shalt  }
0x5c: {  	_ =	shalt  }
0x5d: {  	_ =	shalt  }
0x5e: {  	_ =	shalt  }
0x5f: {  	_ =	shalt  }
0x60: {  	_ =	shalt  }
0x61: {  	_ =	shalt  }
0x62: {  	_ =	shalt  }
0x63: {  	_ =	shalt  }
0x64: {  	_ =	shalt  }
0x65: {  	_ =	shalt  }
0x66: {  	_ =	shalt  }
0x67: {  	_ =	shalt  }
0x68: {  	_ =	shalt  }
0x69: {  	_ =	shalt  }
0x6a: {  	_ =	shalt  }
0x6b: {  	_ =	shalt  }
0x6c: {  	_ =	shalt  }
0x6d: {  	_ =	shalt  }
0x6e: {  	_ =	shalt  }
0x6f: {  	_ =	shalt  }
0x70: {  	_ =	shalt  }
0x71: {  	_ =	shalt  }
0x72: {  	_ =	shalt  }
0x73: {  	_ =	shalt  }
0x74: {  	_ =	shalt  }
0x75: {  	_ =	shalt  }
0x76: {  	_ =	shalt  }
0x77: {  	_ =	shalt  }
0x78: {  	_ =	shalt  }
0x79: {  	_ =	shalt  }
0x7a: {  	_ =	shalt  }
0x7b: {  	_ =	shalt  }
0x7c: {  	_ =	shalt  }
0x7d: {  	_ =	shalt  }
0x7e: {  	_ =	shalt  }
0x7f: {  	_ =	shalt  }
0x80: {  	_ =	shalt  }
0x81: {  	_ =	shalt  }
0x82: {  	_ =	shalt  }
0x83: {  	_ =	shalt  }
0x84: {  	_ =	shalt  }
0x85: {  	_ =	shalt  }
0x86: {  	_ =	shalt  }
0x87: {  	_ =	shalt  }
.Lfunc_end0:
.L_simem_size_0:
called_computation.1_lowered:
.L_overlay_start_0:
0x88: {  	s2 =	sld [smem:$0x3FD9]  }
0x89: {  	s3 =	sld [smem:$0x3FFE];
	_ =	sdelay $0x1  }
0x8a: {  	s1 =	srdreg.scid  }
0x8b: {  	s0 =	sand.u32 $0x1, s1  }
0x8c: {  	s17 =	sshll.u32 s0, $0xA;
	s2 =	sadd.s32 s3, s2  }
0x8d: {  	s2 =	sadd.s32 s2, s17  }
0x8e: {  	[smem:$0x3FBC] =	sst s2  }
0x8f: {  	_ = 	snop  }
0x90: {  	(tm) =	ssettm $0x1  }
0x91: {  	s18 =	sld [smem:$0x3FFB];
	_ =	sdelay $0x3  }
0x92: {  	_ =	strace s18  }
0x93: {  	s2 =	sld [smem:$0x3FFC];
	_ =	sdelay $0x3  }
0x94: {  	_ =	strace s2  }
0x95: {  	s2 =	sld [smem:$0x3FFD];
	_ =	sdelay $0x3  }
0x96: {  	_ =	strace s2  }
0x97: {  	_ =	strace $0x8FFFFFFF  }
0x98: {  	s19 =	sld [smem:$0x3FDB];
	_ =	sdelay $0x1  }
0x99: {  	s20 =	simm.s32 $_scs_section_size  }
0x9a: {  	s4 =	simm.s32 $_size__tile_overlayer_lowered;
	s5 =	simm.s32 $_tile_overlayer_lowered  }
0x9b: {  	s6 =	simm.s32 $0x1BFF;
	s21 =	sshll.u32 s5, $0x1;
	s3 =	sadd.s32 s20, s19  }
0x9c: {  	s22 =	simm.s32 $0x0;
	s4 =	sshll.u32 s4, $0x1;
	s5 =	sadd.s32 s21, s3  }
0x9d: {  	[timem:s22], [sflag:s6] =	dma.local [hbm:s5], s4  }
0x9e: {  	_ =	swait.ge [sflag:s6], s4  }
0x9f: {  	s4 =	ssub.s32 $0x0, s4;
	[sflag:s6] =	ssyncset.done $0x0  }
0xa0: {  	[sflag:s6] =	ssyncadd.s32 s4;
	_ =	sdelay $0x1  }
0xa1: {  	s23 =	simm.s32 $0x1B8B  }
0xa2: {  	_ =	swait.ge [sflag:s23], $0x1  }
0xa3: {  	[sflag:s23] =	ssyncset.done $0x0  }
0xa4: {  	[sflag:s23] =	ssyncadd.s32 $0xFFFFFFFF  }
0xa5: {  	s4 =	sld [smem:$0x0]  }
0xa6: {  	s5 =	sand.u32 $0xFFFFFFFE, s1  }
0xa7: {  	p0 =	sne.s32 s1, s5  }
0xa8: {  	s5 =	sshll.u32 @p0 s5, $0xE  }
0xa9: {  	s5 =	sadd.s32 @p0 $0x11B8D, s5;
	s6 =	sshll.u32 @p0 s4, $0x11  }
0xaa: {  	s5 =	sor.u32 @p0 s6, s5  }
0xab: {  	[sflag:s5] =	ssyncadd.remote.s32 @p0 $0x1;
	_ =	sdelay $0x1  }
0xac: {  	s5 =	simm.s32 @p0 $0x1B8D  }
0xad: {  	_ =	swait.eq @p0 [sflag:s5], $0x1  }
0xae: {  	[sflag:s5] =	ssyncadd.s32 @p0 $0xFFFFFFFF  }
0xaf: {  	s6 =	sshll.u32 @!p0 s1, $0xE  }
0xb0: {  	s6 =	sor.u32 @!p0 $0x4000, s6;
	s5 =	simm.s32 @!p0 $0x1B8D  }
0xb1: {  	s4 =	sshll.u32 @!p0 s4, $0x11;
	s6 =	sadd.s32 @!p0 $0x11B8D, s6;
	_ =	swait.eq @!p0 [sflag:s5], $0x1  }
0xb2: {  	s4 =	sor.u32 @!p0 s4, s6;
	[sflag:s5] =	ssyncadd.s32 @!p0 $0xFFFFFFFF  }
0xb3: {  	s25 =	simm.s32 $0x1B8E;
	s24 =	sld [smem:$0x3FFE];
	[sflag:s4] =	ssyncadd.remote.s32 @!p0 $0x1  }
0xb4: {  	s26 =	simm.s32 $execute0_lowered;
	[smem:$0x3FD2] =	sst s25  }
0xb5: {  	s5 =	sshll.u32 s26, $0x1;
	_ =	strace $0x80000049;
	[dreg:$0x1] =	wrdreg $0xFFFFFFFF  }
0xb6: {  	s28 =	simm.s32 $_size_execute0_lowered;
	s3 =	sadd.s32 s3, s5;
	[dreg:$0x0] =	wrdreg $0x0  }
0xb7: {  	s5 =	sshll.u32 s28, $0x1;
	[dreg:$0x2] =	wrdreg s3  }
0xb8: {  	[dreg:$0x3] =	wrdreg s5  }
0xb9: {  	[dreg:$0x4] =	wrdreg $0xC0  }
0xba: {  	_ =	task [dreg:s22], $0x5FFFF  }
0xbb: {  	[dreg:$0x1] =	wrdreg $0xFFFFFFFF  }
0xbc: {  	[dreg:$0x0] =	wrdreg $0x60  }
0xbd: {  	[dreg:$0x2] =	wrdreg s24  }
0xbe: {  	[dreg:$0x3] =	wrdreg $0xA  }
0xbf: {  	_ =	task.clear_ibuf [dreg:s22], $0x4FFFF;
	_ =	strace $0x90000049  }
0xc0: {  	s29 =	simm.s32 $0xA;
	_ =	strace $0x8000004B  }
0xc1: {  	_ =	swait.ge [sflag:s29], $0x1  }
0xc2: {  	[sflag:s29] =	ssyncadd.s32 $0xFFFFFFFF  }
0xc3: {  	_ =	strace $0x9000004B  }
0xc4: {  	_ =	sfence  }
0xc5: {  	s30 =	sld [smem:$0x0];
	_ =	sdelay $0x2  }
0xc6: {  	s31 =	sshll.u32 s1, $0xD;
	s1 =	sshrl.u32 s1, $0x2  }
0xc7: {  	s4 =	sand.u32 $0x4000, s31;
	s1 =	sadd.s32 s1, s30  }
0xc8: {  	s0 =	sor.u32 s4, s0;
	s1 =	sshll.u32 s1, $0x11  }
0xc9: {  	s0 =	sor.u32 s1, s0  }
0xca: {  	s0 =	sadd.s32 $0x8F2B, s0  }
0xcb: {  	[sflag:s0] =	ssyncadd.remote.s32 $0x1  }
0xcc: {  	_ =	sfence.sel $0xFFFF  }
0xcd: {  	[dreg:$0x0] =	wrdreg $0xFFFFFFFF;
	(pc) =	sbr.abs _section_cstart, $3  }
0xce: {  	[dreg:$0x1] =	wrdreg $0xFFFFFFFF  }
0xcf: {  	_ =	task.clear_ibuf [dreg:s22], $0x2FFFF;
	_ =	strace $0x9FFFFFFF  }
0xd0: {  	(tm) =	ssettm $0x7FFFFFFF  }
0xd1: {  	_ =	shalt  }
tec
execute0_lowered:
.L_overlay_start_1:
0x0: {  	(tag) =	ssettag $0x1  }
0x1: {  	v0 =	vimm.s32 $0xEFCDAB89;
	v1 =	vimm.s32 $0x67452301  }
0x2: {  	v2 =	vimm.s32 $0xDCFE98BA;
	v3 =	vimm.s32 $0x54761032;
	vm14 =	vcmask $0x300  }
0x3: {  	vm13 =	vcmask $0x704;
	v7 =	vimm.s32 $0x45670123;
	vm12 =	vcmask $0xB08  }
0x4: {  	vm11 =	vcmask $0xF0C;
	vm10 =	vcmask $0x1310;
	vm9 =	vcmask $0x1714  }
0x5: {  	vm8 =	vcmask $0x1B18;
	vm7 =	vcmask $0x1F1C;
	vm6 =	vcmask $0x2320  }
0x6: {  	vm5 =	vcmask $0x2724;
	vm4 =	vcmask $0x2B28;
	vm3 =	vcmask $0x2F2C  }
0x7: {  	vm2 =	vcmask $0x3330;
	vm1 =	vcmask $0x3734;
	vm0 =	vcmask $0x3B38  }
0x8: {  	v9 =	vimm.s32 $0xAB89EFCD;
	v11 =	vimm.s32 $0x23016745;
	v14 =	vimm.s32 $0x1234567  }
0x9: {  	v17 =	vimm.s32 $0x158F;
	v18 =	vimm.s32 $0x150F;
	v19 =	vimm.s32 $0x148F  }
0xa: {  	v20 =	vimm.s32 $0x140F;
	v21 =	vimm.s32 $0x138F;
	v22 =	vimm.s32 $0x130F  }
0xb: {  	v23 =	vimm.s32 $0x128F;
	v24 =	vimm.s32 $0x120F;
	v25 =	vimm.s32 $0x118F  }
0xc: {  	v26 =	vimm.s32 $0x110F;
	v27 =	vimm.s32 $0x108F;
	v28 =	vimm.s32 $0x1F0F  }
0xd: {  	v29 =	vimm.s32 $0x1E8F;
	v30 =	vimm.s32 $0x1E0F;
	v31 =	vimm.s32 $0x1D8F  }
0xe: {  	v32 =	vimm.s32 $0x1D0F;
	v33 =	vimm.s32 $0x1C8F;
	v34 =	vimm.s32 $0x1C0F  }
0xf: {  	v35 =	vimm.s32 $0x1B8F;
	v36 =	vimm.s32 $0x1B0F;
	v37 =	vimm.s32 $0x1A8F  }
0x10: {  	v38 =	vimm.s32 $0x1A0F;
	v39 =	vimm.s32 $0x198F;
	v40 =	vimm.s32 $0x190F  }
0x11: {  	v41 =	vimm.s32 $0x188F;
	v42 =	vimm.s32 $0x14151617;
	v49 =	vimm.s32 $0x1F1E1D1C  }
0x12: {  	v0 =	vunpack.c.l.s4.s8 v0;
	v1 =	vunpack.c.l.s4.s8 v1;
	v2 =	vunpack.c.l.s4.s8 v2  }
0x13: {  	v4 =	vunpack.c.l.s4.s8 v3;
	v7 =	vunpack.c.l.s4.s8 v7;
	v9 =	vunpack.c.l.s4.s8 v9  }
0x14: {  	v11 =	vunpack.c.l.s4.s8 v11;
	v14 =	vunpack.c.l.s4.s8 v14;
	v17 =	vsel vm14, $0x1200, v17  }
0x15: {  	v18 =	vsel vm14, $0x1280, v18;
	v19 =	vsel vm14, $0x1300, v19;
	v20 =	vsel vm14, $0x1380, v20  }
0x16: {  	v21 =	vsel vm14, $0x1400, v21;
	v22 =	vsel vm14, $0x1480, v22;
	v23 =	vsel vm14, $0x1500, v23  }
0x17: {  	v24 =	vsel vm14, $0x1580, v24;
	v0 =	vunpack.c.0.s8.s32 v0;
	v1 =	vunpack.c.0.s8.s32 v1  }
0x18: {  	v25 =	vsel vm14, $0x1600, v25;
	v26 =	vsel vm14, $0x1680, v26;
	v27 =	vsel vm14, $0x1700, v27  }
0x19: {  	v28 =	vsel vm14, $0x1880, v28;
	v29 =	vsel vm14, $0x1900, v29;
	v5 =	vcombine.low v1, v0  }
0x1a: {  	v30 =	vsel vm14, $0x1980, v30;
	v31 =	vsel vm14, $0x1A00, v31;
	v3 =	vunpack.c.0.s8.s32 v2  }
0x1b: {  	v2 =	vunpack.c.0.s8.s32 v4;
	v4 =	vand.u32 $0xF, v5;
	v5 =	vimm.s32 $0x70F  }
0x1c: {  	v32 =	vsel vm14, $0x1A80, v32;
	[tilespmem:$0x1FAD0] =	vst v4;
	v4 =	vimm.s32 $0xCDEF89AB;
	v5 =	vsel vm14, $0x80, v5  }
0x1d: {  	v33 =	vsel vm14, $0x1B00, v33;
	v4 =	vunpack.c.l.s4.s8 v4;
	v5 =	vsel vm13, $0x1, v5  }
0x1e: {  	v34 =	vsel vm14, $0x1B80, v34;
	v6 =	vcombine.low v2, v3;
	v5 =	vsel vm12, $0x182, v5  }
0x1f: {  	v4 =	vunpack.c.0.s8.s32 v4;
	v8 =	vsel vm11, $0x103, v5;
	v5 =	vunpack.c.0.s8.s32 v7  }
0x20: {  	v35 =	vsel vm14, $0x1C00, v35;
	v6 =	vand.u32 $0xF, v6;
	v7 =	vsel vm10, $0x284, v8  }
0x21: {  	[tilespmem:$0x1FAF0] =	vst v6;
	v8 =	vimm.s32 $0x68F;
	v6 =	vsel vm9, $0x205, v7;
	v7 =	vcombine.low v5, v4  }
0x22: {  	v36 =	vsel vm14, $0x1C80, v36;
	v37 =	vsel vm14, $0x1D00, v37;
	v8 =	vsel vm14, $0x100, v8  }
0x23: {  	v6 =	vsel vm8, $0x386, v6;
	v8 =	vsel vm13, $0x181, v8;
	v7 =	vand.u32 $0xF, v7  }
0x24: {  	v38 =	vsel vm14, $0x1D80, v38;
	v6 =	vsel vm7, $0x307, v6;
	[tilespmem:$0x1FB10] =	vst v7;
	v7 =	vsel vm12, $0x2, v8  }
0x25: {  	v6 =	vsel vm6, $0x488, v6;
	v8 =	vimm.s32 $0x60F;
	v7 =	vsel vm11, $0x83, v7  }
0x26: {  	v6 =	vsel vm5, $0x409, v6;
	v8 =	vsel vm14, $0x180, v8;
	v7 =	vsel vm10, $0x304, v7  }
0x27: {  	v6 =	vsel vm4, $0x58A, v6;
	v8 =	vsel vm13, $0x101, v8;
	v7 =	vsel vm9, $0x385, v7  }
0x28: {  	v6 =	vsel vm3, $0x50B, v6;
	v8 =	vsel vm12, $0x82, v8;
	v7 =	vsel vm8, $0x206, v7  }
0x29: {  	v6 =	vsel vm2, $0x68C, v6;
	v8 =	vsel vm11, $0x3, v8;
	v7 =	vsel vm7, $0x287, v7  }
0x2a: {  	v6 =	vsel vm1, $0x60D, v6;
	v8 =	vsel vm10, $0x384, v8;
	v7 =	vsel vm6, $0x508, v7  }
0x2b: {  	v8 =	vsel vm9, $0x305, v8;
	v6 =	vsel vm0, $0x78E, v6;
	v7 =	vsel vm5, $0x589, v7  }
0x2c: {  	v9 =	vunpack.c.0.s8.s32 v9;
	[tilespmem:$0x1F830] =	vst v6;
	v6 =	vsel vm4, $0x40A, v7;
	v7 =	vsel vm8, $0x286, v8  }
0x2d: {  	v8 =	vimm.s32 $0x32107654;
	v10 =	vsel vm3, $0x48B, v6;
	v6 =	vsel vm7, $0x207, v7  }
0x2e: {  	v7 =	vimm.s32 $0xBA98FEDC;
	v8 =	vunpack.c.l.s4.s8 v8;
	v6 =	vsel vm6, $0x588, v6  }
0x2f: {  	v7 =	vunpack.c.l.s4.s8 v7;
	v10 =	vsel vm2, $0x70C, v10;
	v6 =	vsel vm5, $0x509, v6  }
0x30: {  	v8 =	vunpack.c.0.s8.s32 v8;
	v10 =	vsel vm1, $0x78D, v10;
	v6 =	vsel vm4, $0x48A, v6  }
0x31: {  	v7 =	vunpack.c.0.s8.s32 v7;
	v12 =	vsel vm3, $0x40B, v6;
	v6 =	vunpack.c.0.s8.s32 v11  }
0x32: {  	v39 =	vsel vm14, $0x1E00, v39;
	v10 =	vsel vm0, $0x60E, v10;
	v11 =	vsel vm2, $0x78C, v12  }
0x33: {  	v12 =	vcombine.low v8, v7;
	v11 =	vsel vm1, $0x70D, v11;
	v13 =	vcombine.low v6, v9  }
0x34: {  	v40 =	vsel vm14, $0x1E80, v40;
	[tilespmem:$0x1F840] =	vst v10;
	v10 =	vsel vm0, $0x68E, v11;
	v11 =	vimm.s32 $0x58F  }
0x35: {  	[tilespmem:$0x1F850] =	vst v10;
	v10 =	vand.u32 $0xF, v12;
	v59 =	vand.u32 $0xF, v13;
	v11 =	vsel vm14, $0x200, v11  }
0x36: {  	v12 =	vimm.s32 $0x10325476;
	v13 =	vimm.s32 $0x89ABCDEF;
	v11 =	vsel vm13, $0x281, v11  }
0x37: {  	v12 =	vunpack.c.l.s4.s8 v12;
	v13 =	vunpack.c.l.s4.s8 v13;
	v11 =	vsel vm12, $0x302, v11  }
0x38: {  	v41 =	vsel vm14, $0x1F00, v41;
	v42 =	vunpack.c.0.s8.s32 v42;
	v15 =	vsel vm11, $0x383, v11  }
0x39: {  	v11 =	vunpack.c.0.s8.s32 v12;
	v12 =	vunpack.c.0.s8.s32 v13;
	v13 =	vsel vm10, $0x4, v15  }
0x3a: {  	v14 =	vunpack.c.0.s8.s32 v14;
	v15 =	vimm.s32 $0x50F;
	v13 =	vsel vm9, $0x85, v13  }
0x3b: {  	v45 =	vsel vm13, $0x1F81, v41;
	v15 =	vsel vm14, $0x280, v15;
	v13 =	vsel vm8, $0x106, v13  }
0x3c: {  	v12 =	vcombine.low v14, v12;
	v14 =	vsel vm13, $0x201, v15;
	v13 =	vsel vm7, $0x187, v13  }
0x3d: {  	v0 =	vand.u32 $0xF, v0;
	v14 =	vsel vm12, $0x382, v14;
	v13 =	vsel vm6, $0x608, v13  }
0x3e: {  	v61 =	vand.u32 $0xF, v12;
	v12 =	vsel vm5, $0x689, v13;
	v13 =	vsel vm11, $0x303, v14  }
0x3f: {  	v14 =	vimm.s32 $0x48F;
	v12 =	vsel vm4, $0x70A, v12;
	v13 =	vsel vm10, $0x84, v13  }
0x40: {  	v14 =	vsel vm14, $0x300, v14;
	v12 =	vsel vm3, $0x78B, v12;
	v13 =	vsel vm9, $0x5, v13  }
0x41: {  	v14 =	vsel vm13, $0x381, v14;
	v12 =	vsel vm2, $0x40C, v12;
	v13 =	vsel vm8, $0x186, v13  }
0x42: {  	v14 =	vsel vm12, $0x202, v14;
	v12 =	vsel vm1, $0x48D, v12;
	v13 =	vsel vm7, $0x107, v13  }
0x43: {  	v62 =	vsel vm0, $0x50E, v12;
	v12 =	vsel vm6, $0x688, v13;
	v13 =	vsel vm11, $0x283, v14  }
0x44: {  	v56 =	vcombine.low v0, v1;
	v12 =	vsel vm5, $0x609, v12;
	v13 =	vsel vm10, $0x104, v13  }
0x45: {  	v14 =	vimm.s32 $0x40F;
	v12 =	vsel vm4, $0x78A, v12;
	v13 =	vsel vm9, $0x185, v13  }
0x46: {  	v14 =	vsel vm14, $0x380, v14;
	v12 =	vsel vm3, $0x70B, v12;
	v13 =	vsel vm8, $0x6, v13  }
0x47: {  	v14 =	vsel vm13, $0x301, v14;
	v12 =	vsel vm2, $0x48C, v12;
	v13 =	vsel vm7, $0x87, v13  }
0x48: {  	v14 =	vsel vm12, $0x282, v14;
	v12 =	vsel vm1, $0x40D, v12;
	v13 =	vsel vm6, $0x708, v13  }
0x49: {  	v14 =	vsel vm11, $0x203, v14;
	v63 =	vsel vm0, $0x58E, v12;
	v12 =	vsel vm5, $0x789, v13  }
0x4a: {  	v0 =	vand.u32 $0xF, v3;
	v13 =	vsel vm10, $0x184, v14;
	v12 =	vsel vm4, $0x60A, v12  }
0x4b: {  	v14 =	vimm.s32 $0x38F;
	v13 =	vsel vm9, $0x105, v13;
	v12 =	vsel vm3, $0x68B, v12  }
0x4c: {  	v14 =	vsel vm14, $0x400, v14;
	v13 =	vsel vm8, $0x86, v13;
	v12 =	vsel vm2, $0x50C, v12  }
0x4d: {  	v14 =	vsel vm13, $0x481, v14;
	v13 =	vsel vm7, $0x7, v13;
	v12 =	vsel vm1, $0x58D, v12  }
0x4e: {  	v14 =	vsel vm12, $0x502, v14;
	v13 =	vsel vm6, $0x788, v13;
	v12 =	vsel vm0, $0x40E, v12  }
0x4f: {  	v0 =	vcombine.low v0, v2;
	[tilespmem:$0x1FAA0] =	vst v12;
	v12 =	vsel vm5, $0x709, v13;
	v13 =	vsel vm11, $0x583, v14  }
0x50: {  	v15 =	vimm.s32 $0x76543210;
	v14 =	vimm.s32 $0xFEDCBA98;
	v13 =	vsel vm10, $0x604, v13  }
0x51: {  	v12 =	vsel vm4, $0x68A, v12;
	v14 =	vunpack.c.l.s4.s8 v14;
	v13 =	vsel vm9, $0x685, v13  }
0x52: {  	v15 =	vunpack.c.l.s4.s8 v15;
	v12 =	vsel vm3, $0x60B, v12;
	v13 =	vsel vm8, $0x706, v13  }
0x53: {  	v12 =	vsel vm2, $0x58C, v12;
	v14 =	vunpack.c.0.s8.s32 v14;
	v13 =	vsel vm7, $0x787, v13  }
0x54: {  	v15 =	vunpack.c.0.s8.s32 v15;
	v12 =	vsel vm1, $0x50D, v12;
	v13 =	vsel vm6, $0x8, v13  }
0x55: {  	v44 =	vsel vm0, $0x48E, v12;
	v12 =	vand.u32 $0xF, v14;
	v13 =	vsel vm5, $0x89, v13  }
0x56: {  	v2 =	vimm.s32 $0x20F;
	v52 =	vcombine.low v12, v15;
	v12 =	vsel vm4, $0x10A, v13  }
0x57: {  	[tilespmem:$0x1F8B0] =	vst v42;
	v42 =	vsel vm13, $0x1E01, v40;
	v2 =	vsel vm14, $0x580, v2;
	v1 =	vsel vm3, $0x18B, v12  }
0x58: {  	[tilespmem:$0x1FBA0] =	vst v0;
	v2 =	vsel vm13, $0x501, v2;
	v0 =	vand.u32 $0xF, v4;
	v1 =	vsel vm2, $0x20C, v1  }
0x59: {  	v53 =	vcombine.low v0, v5;
	v0 =	vsel vm1, $0x28D, v1;
	v1 =	vimm.s32 $0x30F  }
0x5a: {  	v43 =	vsel vm0, $0x30E, v0;
	v0 =	vsel vm14, $0x480, v1;
	v1 =	vimm.s32 $0x28F  }
0x5b: {  	v2 =	vsel vm12, $0x482, v2;
	v0 =	vsel vm13, $0x401, v0;
	v1 =	vsel vm14, $0x500, v1  }
0x5c: {  	v2 =	vsel vm11, $0x403, v2;
	v0 =	vsel vm12, $0x582, v0;
	v1 =	vsel vm13, $0x581, v1  }
0x5d: {  	v2 =	vsel vm10, $0x784, v2;
	v0 =	vsel vm11, $0x503, v0;
	v1 =	vsel vm12, $0x402, v1  }
0x5e: {  	v2 =	vsel vm9, $0x705, v2;
	v0 =	vsel vm10, $0x684, v0;
	v1 =	vsel vm11, $0x483, v1  }
0x5f: {  	v2 =	vsel vm8, $0x686, v2;
	v0 =	vsel vm9, $0x605, v0;
	v1 =	vsel vm10, $0x704, v1  }
0x60: {  	v2 =	vsel vm7, $0x607, v2;
	v0 =	vsel vm8, $0x786, v0;
	v1 =	vsel vm9, $0x785, v1  }
0x61: {  	v2 =	vsel vm6, $0x188, v2;
	v0 =	vsel vm7, $0x707, v0;
	v1 =	vsel vm8, $0x606, v1  }
0x62: {  	v2 =	vsel vm5, $0x109, v2;
	v0 =	vsel vm6, $0x88, v0;
	v1 =	vsel vm7, $0x687, v1  }
0x63: {  	v2 =	vsel vm4, $0x8A, v2;
	v0 =	vsel vm5, $0x9, v0;
	v1 =	vsel vm6, $0x108, v1  }
0x64: {  	[tilespmem:$0x1F860] =	vst v10;
	v10 =	vimm.s32 $0x98BADCFE;
	v0 =	vsel vm4, $0x18A, v0;
	v1 =	vsel vm5, $0x189, v1  }
0x65: {  	v10 =	vunpack.c.l.s4.s8 v10;
	v0 =	vsel vm3, $0x10B, v0;
	v1 =	vsel vm4, $0xA, v1  }
0x66: {  	v2 =	vsel vm3, $0xB, v2;
	v0 =	vsel vm2, $0x28C, v0;
	v1 =	vsel vm3, $0x8B, v1  }
0x67: {  	v10 =	vunpack.c.0.s8.s32 v10;
	v0 =	vsel vm1, $0x20D, v0;
	v1 =	vsel vm2, $0x30C, v1  }
0x68: {  	v54 =	vsel vm0, $0x38E, v0;
	v0 =	vsel vm1, $0x38D, v1;
	v1 =	vsel vm2, $0x38C, v2  }
0x69: {  	v58 =	vsel vm0, $0x20E, v0;
	v0 =	vsel vm1, $0x30D, v1;
	v1 =	vand.u32 $0xF, v7  }
0x6a: {  	v3 =	vimm.s32 $0xD8F;
	v2 =	vand.u32 $0xF, v10;
	v1 =	vcombine.low v1, v8  }
0x6b: {  	v4 =	vimm.s32 $0xD0F;
	v51 =	vsel vm0, $0x28E, v0;
	v0 =	vcombine.low v2, v11  }
0x6c: {  	v3 =	vsel vm14, $0xA00, v3;
	v5 =	vimm.s32 $0xC8F;
	v4 =	vsel vm14, $0xA80, v4;
	[tilespmem:$0x1FB80] =	vst v1  }
0x6d: {  	v16 =	vcombine.low v11, v10;
	v1 =	vand.u32 $0xF, v9;
	[tilespmem:$0x1FE70] =	vst v0;
	v0 =	vimm.s32 $0x18F  }
0x6e: {  	v60 =	vcombine.low v1, v6;
	v1 =	vimm.s32 $0x10F;
	v0 =	vsel vm14, $0x600, v0  }
0x6f: {  	v2 =	vimm.s32 $0x8F;
	v1 =	vsel vm14, $0x680, v1;
	v0 =	vsel vm13, $0x681, v0  }
0x70: {  	v2 =	vsel vm14, $0x700, v2;
	v1 =	vsel vm13, $0x601, v1;
	v0 =	vsel vm12, $0x702, v0  }
0x71: {  	v2 =	vsel vm13, $0x781, v2;
	v1 =	vsel vm12, $0x782, v1;
	v0 =	vsel vm11, $0x783, v0  }
0x72: {  	v2 =	vsel vm12, $0x602, v2;
	v1 =	vsel vm11, $0x703, v1;
	v0 =	vsel vm10, $0x404, v0  }
0x73: {  	v2 =	vsel vm11, $0x683, v2;
	v1 =	vsel vm10, $0x484, v1;
	v0 =	vsel vm9, $0x485, v0  }
0x74: {  	v2 =	vsel vm10, $0x504, v2;
	v1 =	vsel vm9, $0x405, v1;
	v0 =	vsel vm8, $0x506, v0  }
0x75: {  	v2 =	vsel vm9, $0x585, v2;
	v1 =	vsel vm8, $0x586, v1;
	v0 =	vsel vm7, $0x587, v0  }
0x76: {  	v2 =	vsel vm8, $0x406, v2;
	v1 =	vsel vm7, $0x507, v1;
	v0 =	vsel vm6, $0x208, v0  }
0x77: {  	v2 =	vsel vm7, $0x487, v2;
	v1 =	vsel vm6, $0x288, v1;
	v0 =	vsel vm5, $0x289, v0  }
0x78: {  	v2 =	vsel vm6, $0x308, v2;
	v1 =	vsel vm5, $0x209, v1;
	v0 =	vsel vm4, $0x30A, v0  }
0x79: {  	v2 =	vsel vm5, $0x389, v2;
	v1 =	vsel vm4, $0x38A, v1;
	v0 =	vsel vm3, $0x38B, v0  }
0x7a: {  	v2 =	vsel vm4, $0x20A, v2;
	v1 =	vsel vm3, $0x30B, v1;
	v0 =	vsel vm2, $0xC, v0  }
0x7b: {  	v2 =	vsel vm3, $0x28B, v2;
	v1 =	vsel vm2, $0x8C, v1;
	v0 =	vsel vm1, $0x8D, v0  }
0x7c: {  	v2 =	vsel vm2, $0x10C, v2;
	v1 =	vsel vm1, $0xD, v1;
	v0 =	vsel vm0, $0x10E, v0  }
0x7d: {  	v5 =	vsel vm14, $0xB00, v5;
	v2 =	vsel vm1, $0x18D, v2;
	[tilespmem:$0x1F870] =	vst v0;
	v0 =	vsel vm0, $0x18E, v1  }
0x7e: {  	v46 =	vand.u32 $0xF, v16;
	v16 =	vimm.s32 $0x160F;
	[tilespmem:$0x1F880] =	vst v0;
	v0 =	vsel vm0, $0xE, v2  }
0x7f: {  	v16 =	vsel vm14, $0x1180, v16;
	v2 =	vimm.s32 $0x12131011;
	[tilespmem:$0x1F890] =	vst v0;
	v0 =	vimm.s32 $0x1A1B1819  }
0x80: {  	v14 =	vimm.s32 $0x170F;
	v47 =	vunpack.c.0.s8.s32 v0;
	v0 =	vunpack.c.0.s8.s32 v2  }
0x81: {  	v14 =	vsel vm14, $0x1080, v14;
	v15 =	vimm.s32 $0x168F;
	v13 =	vimm.s32 $0x88F  }
0x82: {  	v15 =	vsel vm14, $0x1100, v15;
	v12 =	vimm.s32 $0x90F;
	[tilespmem:$0x1FDD0] =	vst v0;
	v0 =	vimm.s32 $0x16171415  }
0x83: {  	v13 =	vsel vm14, $0xF00, v13;
	v1 =	vimm.s32 $0x1E1F1C1D;
	v0 =	vunpack.c.0.s8.s32 v0  }
0x84: {  	v12 =	vsel vm14, $0xE80, v12;
	v55 =	vunpack.c.0.s8.s32 v1;
	v1 =	vimm.s32 $0x19181B1A  }
0x85: {  	v10 =	vimm.s32 $0xA0F;
	v7 =	vimm.s32 $0xB8F;
	[tilespmem:$0x1FDE0] =	vst v0;
	v0 =	vunpack.c.0.s8.s32 v1  }
0x86: {  	v10 =	vsel vm14, $0xD80, v10;
	v8 =	vimm.s32 $0xB0F;
	v2 =	vimm.s32 $0xF0F  }
0x87: {  	v1 =	vimm.s32 $0x1D1C1F1E;
	[tilespmem:$0x1FDF0] =	vst v0;
	v0 =	vsel vm14, $0x880, v2;
	v2 =	vimm.s32 $0x11101312  }
0x88: {  	v7 =	vsel vm14, $0xC00, v7;
	v50 =	vunpack.c.0.s8.s32 v1;
	v1 =	vunpack.c.0.s8.s32 v2  }
0x89: {  	v11 =	vimm.s32 $0x98F;
	v8 =	vsel vm14, $0xC80, v8;
	v0 =	vsel vm13, $0x801, v0  }
0x8a: {  	v2 =	vimm.s32 $0x18191A1B;
	v0 =	vsel vm12, $0x982, v0;
	[tilespmem:$0x1FE10] =	vst v1;
	v1 =	vimm.s32 $0x15141716  }
0x8b: {  	v0 =	vsel vm11, $0x903, v0;
	v57 =	vunpack.c.0.s8.s32 v1;
	v1 =	vunpack.c.0.s8.s32 v2  }
0x8c: {  	v11 =	vsel vm14, $0xE00, v11;
	v9 =	vimm.s32 $0xA8F;
	v0 =	vsel vm10, $0xA84, v0  }
0x8d: {  	v2 =	vimm.s32 $0xE8F;
	v0 =	vsel vm9, $0xA05, v0;
	[tilespmem:$0x1FE80] =	vst v1;
	v1 =	vimm.s32 $0x1C1D1E1F  }
0x8e: {  	v0 =	vsel vm8, $0xB86, v0;
	v48 =	vunpack.c.0.s8.s32 v1;
	v1 =	vsel vm14, $0x900, v2  }
0x8f: {  	v6 =	vimm.s32 $0xC0F;
	v0 =	vsel vm7, $0xB07, v0;
	v1 =	vsel vm13, $0x981, v1  }
0x90: {  	v2 =	vimm.s32 $0x10111213;
	v0 =	vsel vm6, $0xC88, v0;
	v1 =	vsel vm12, $0x802, v1  }
0x91: {  	v2 =	vunpack.c.0.s8.s32 v2;
	v0 =	vsel vm5, $0xC09, v0;
	v1 =	vsel vm11, $0x883, v1  }
0x92: {  	v9 =	vsel vm14, $0xD00, v9;
	v0 =	vsel vm4, $0xD8A, v0;
	v1 =	vsel vm10, $0xB04, v1  }
0x93: {  	[tilespmem:$0x1F8A0] =	vst v2;
	v2 =	vimm.s32 $0xE0F;
	v0 =	vsel vm3, $0xD0B, v0;
	v1 =	vsel vm9, $0xB85, v1  }
0x94: {  	v2 =	vsel vm14, $0x980, v2;
	v0 =	vsel vm2, $0xE8C, v0;
	v1 =	vsel vm8, $0xA06, v1  }
0x95: {  	v2 =	vsel vm13, $0x901, v2;
	v0 =	vsel vm1, $0xE0D, v0;
	v1 =	vsel vm7, $0xA87, v1  }
0x96: {  	v2 =	vsel vm12, $0x882, v2;
	v0 =	vsel vm0, $0xF8E, v0;
	v1 =	vsel vm6, $0xD08, v1  }
0x97: {  	v6 =	vsel vm14, $0xB80, v6;
	v2 =	vsel vm11, $0x803, v2;
	[tilespmem:$0x1F8C0] =	vst v0;
	v0 =	vsel vm5, $0xD89, v1  }
0x98: {  	v1 =	vsel vm10, $0xB84, v2;
	v2 =	vsel vm13, $0xA81, v3;
	v3 =	vsel vm13, $0xB01, v6  }
0x99: {  	v6 =	vsel vm13, $0xD81, v9;
	v9 =	vsel vm13, $0xE01, v12;
	v12 =	vsel vm13, $0x1181, v15  }
0x9a: {  	v15 =	vsel vm13, $0x1201, v18;
	v18 =	vsel vm13, $0x1481, v21;
	v21 =	vsel vm13, $0x1501, v24  }
0x9b: {  	v24 =	vsel vm13, $0x1781, v27;
	v27 =	vsel vm13, $0x1901, v30;
	v30 =	vsel vm13, $0x1B81, v33  }
0x9c: {  	v33 =	vsel vm13, $0x1C01, v36;
	v36 =	vsel vm13, $0x1E81, v39;
	v39 =	vunpack.c.0.s8.s32 v49  }
0x9d: {  	v49 =	vimm.s32 $0x13121110;
	v0 =	vsel vm4, $0xC0A, v0;
	v1 =	vsel vm9, $0xB05, v1  }
0x9e: {  	v2 =	vsel vm12, $0xB02, v2;
	v3 =	vsel vm12, $0xA82, v3;
	v6 =	vsel vm12, $0xC02, v6  }
0x9f: {  	v9 =	vsel vm12, $0xF82, v9;
	v12 =	vsel vm12, $0x1002, v12;
	v15 =	vsel vm12, $0x1382, v15  }
0xa0: {  	v18 =	vsel vm12, $0x1502, v18;
	v21 =	vsel vm12, $0x1482, v21;
	v24 =	vsel vm12, $0x1602, v24  }
0xa1: {  	v27 =	vsel vm12, $0x1882, v27;
	v33 =	vsel vm12, $0x1D82, v33;
	v36 =	vsel vm12, $0x1F02, v36  }
0xa2: {  	v0 =	vsel vm3, $0xC8B, v0;
	v1 =	vsel vm8, $0xA86, v1;
	v2 =	vsel vm11, $0xB83, v2  }
0xa3: {  	v3 =	vsel vm11, $0xA03, v3;
	v6 =	vsel vm11, $0xC83, v6;
	v9 =	vsel vm11, $0xF03, v9  }
0xa4: {  	v12 =	vsel vm11, $0x1083, v12;
	v15 =	vsel vm11, $0x1303, v15;
	v18 =	vsel vm11, $0x1583, v18  }
0xa5: {  	v21 =	vsel vm11, $0x1403, v21;
	v24 =	vsel vm11, $0x1683, v24;
	v27 =	vsel vm11, $0x1803, v27  }
0xa6: {  	v33 =	vsel vm11, $0x1D03, v33;
	v36 =	vsel vm11, $0x1F83, v36;
	v0 =	vsel vm2, $0xF0C, v0  }
0xa7: {  	v1 =	vsel vm7, $0xA07, v1;
	v2 =	vsel vm10, $0x804, v2;
	v3 =	vsel vm10, $0x984, v3  }
0xa8: {  	v6 =	vsel vm10, $0xF04, v6;
	v9 =	vsel vm10, $0xC84, v9;
	v12 =	vsel vm10, $0x1304, v12  }
0xa9: {  	v15 =	vsel vm10, $0x1084, v15;
	v18 =	vsel vm10, $0x1604, v18;
	v21 =	vsel vm10, $0x1784, v21  }
0xaa: {  	v24 =	vsel vm10, $0x1504, v24;
	v27 =	vsel vm10, $0x1B84, v27;
	v33 =	vsel vm10, $0x1E84, v33  }
0xab: {  	v36 =	vsel vm10, $0x1C04, v36;
	v0 =	vsel vm1, $0xF8D, v0;
	v1 =	vsel vm6, $0xD88, v1  }
0xac: {  	v41 =	vsel vm9, $0x1C85, v36;
	v36 =	vimm.s32 $0x26272425;
	v0 =	vsel vm0, $0xE0E, v0  }
0xad: {  	[tilespmem:$0x1F8D0] =	vst v0;
	v0 =	vsel vm5, $0xD09, v1;
	v1 =	vsel vm9, $0x885, v2;
	v2 =	vsel vm13, $0xA01, v4  }
0xae: {  	v4 =	vsel vm13, $0xC81, v7;
	v7 =	vsel vm13, $0xD01, v10;
	v10 =	vsel vm13, $0xF81, v13  }
0xaf: {  	v13 =	vsel vm13, $0x1101, v16;
	v16 =	vsel vm13, $0x1381, v19;
	v19 =	vsel vm13, $0x1401, v22  }
0xb0: {  	v22 =	vsel vm13, $0x1681, v25;
	v25 =	vsel vm13, $0x1801, v28;
	v28 =	vsel vm13, $0x1A81, v31  }
0xb1: {  	v31 =	vsel vm13, $0x1B01, v34;
	v34 =	vsel vm13, $0x1D81, v37;
	v37 =	vsel vm12, $0x1F82, v42  }
0xb2: {  	v42 =	vimm.s32 $0x1B1A1918;
	v0 =	vsel vm4, $0xC8A, v0;
	v1 =	vsel vm8, $0x906, v1  }
0xb3: {  	v2 =	vsel vm12, $0xB82, v2;
	v4 =	vsel vm12, $0xD02, v4;
	v7 =	vsel vm12, $0xC82, v7  }
0xb4: {  	v10 =	vsel vm12, $0xE02, v10;
	v13 =	vsel vm12, $0x1082, v13;
	v16 =	vsel vm12, $0x1202, v16  }
0xb5: {  	v19 =	vsel vm12, $0x1582, v19;
	v22 =	vsel vm12, $0x1702, v22;
	v25 =	vsel vm12, $0x1982, v25  }
0xb6: {  	v28 =	vsel vm12, $0x1B02, v28;
	v31 =	vsel vm12, $0x1A82, v31;
	v34 =	vsel vm12, $0x1C02, v34  }
0xb7: {  	[tilespmem:$0x1F8F0] =	vst v39;
	v39 =	vunpack.c.0.s8.s32 v42;
	v37 =	vsel vm11, $0x1F03, v37;
	v0 =	vsel vm3, $0xC0B, v0  }
0xb8: {  	v1 =	vsel vm7, $0x987, v1;
	v2 =	vsel vm11, $0xB03, v2;
	v4 =	vsel vm11, $0xD83, v4  }
0xb9: {  	v7 =	vsel vm11, $0xC03, v7;
	v10 =	vsel vm11, $0xE83, v10;
	v13 =	vsel vm11, $0x1003, v13  }
0xba: {  	v16 =	vsel vm11, $0x1283, v16;
	v19 =	vsel vm11, $0x1503, v19;
	v22 =	vsel vm11, $0x1783, v22  }
0xbb: {  	v25 =	vsel vm11, $0x1903, v25;
	v28 =	vsel vm11, $0x1B83, v28;
	v31 =	vsel vm11, $0x1A03, v31  }
0xbc: {  	v34 =	vsel vm11, $0x1C83, v34;
	v37 =	vsel vm10, $0x1C84, v37;
	v0 =	vsel vm2, $0xF8C, v0  }
0xbd: {  	v1 =	vsel vm6, $0xE08, v1;
	v2 =	vsel vm10, $0x884, v2;
	v4 =	vsel vm10, $0xE04, v4  }
0xbe: {  	v7 =	vsel vm10, $0xF84, v7;
	v10 =	vsel vm10, $0xD04, v10;
	v13 =	vsel vm10, $0x1384, v13  }
0xbf: {  	v16 =	vsel vm10, $0x1104, v16;
	v19 =	vsel vm10, $0x1684, v19;
	v22 =	vsel vm10, $0x1404, v22  }
0xc0: {  	v25 =	vsel vm10, $0x1A84, v25;
	v28 =	vsel vm10, $0x1804, v28;
	v31 =	vsel vm10, $0x1984, v31  }
0xc1: {  	v34 =	vsel vm10, $0x1F04, v34;
	v42 =	vsel vm9, $0x1C05, v37;
	v0 =	vsel vm1, $0xF0D, v0  }
0xc2: {  	v37 =	vimm.s32 $0x29282B2A;
	v1 =	vsel vm5, $0xE89, v1;
	v0 =	vsel vm0, $0xE8E, v0  }
0xc3: {  	[tilespmem:$0x1F8E0] =	vst v0;
	v0 =	vsel vm4, $0xF0A, v1;
	v1 =	vsel vm9, $0x805, v2;
	v2 =	vsel vm13, $0xB81, v5  }
0xc4: {  	v5 =	vsel vm13, $0xC01, v8;
	v8 =	vsel vm13, $0xE81, v11;
	v11 =	vsel vm13, $0x1001, v14  }
0xc5: {  	v14 =	vsel vm13, $0x1281, v17;
	v17 =	vsel vm13, $0x1301, v20;
	v20 =	vsel vm13, $0x1581, v23  }
0xc6: {  	v23 =	vsel vm13, $0x1601, v26;
	v26 =	vsel vm13, $0x1981, v29;
	v29 =	vsel vm13, $0x1A01, v32  }
0xc7: {  	v32 =	vsel vm13, $0x1C81, v35;
	v35 =	vsel vm13, $0x1D01, v38;
	v38 =	vsel vm12, $0x1E02, v45  }
0xc8: {  	v45 =	vimm.s32 $0x17161514;
	v1 =	vsel vm8, $0x986, v1;
	v0 =	vsel vm3, $0xF8B, v0  }
0xc9: {  	v2 =	vsel vm12, $0xA02, v2;
	v5 =	vsel vm12, $0xD82, v5;
	v8 =	vsel vm12, $0xF02, v8  }
0xca: {  	v11 =	vsel vm12, $0x1182, v11;
	v14 =	vsel vm12, $0x1302, v14;
	v17 =	vsel vm12, $0x1282, v17  }
0xcb: {  	v20 =	vsel vm12, $0x1402, v20;
	v23 =	vsel vm12, $0x1782, v23;
	v26 =	vsel vm12, $0x1802, v26  }
0xcc: {  	v32 =	vsel vm12, $0x1D02, v32;
	v35 =	vsel vm12, $0x1C82, v35;
	v38 =	vsel vm11, $0x1E83, v38  }
0xcd: {  	[tilespmem:$0x1F900] =	vst v39;
	v39 =	vunpack.c.0.s8.s32 v45;
	v1 =	vsel vm7, $0x907, v1;
	v0 =	vsel vm2, $0xC0C, v0  }
0xce: {  	v2 =	vsel vm11, $0xA83, v2;
	v5 =	vsel vm11, $0xD03, v5;
	v8 =	vsel vm11, $0xF83, v8  }
0xcf: {  	v11 =	vsel vm11, $0x1103, v11;
	v14 =	vsel vm11, $0x1383, v14;
	v17 =	vsel vm11, $0x1203, v17  }
0xd0: {  	v20 =	vsel vm11, $0x1483, v20;
	v23 =	vsel vm11, $0x1703, v23;
	v26 =	vsel vm11, $0x1883, v26  }
0xd1: {  	v32 =	vsel vm11, $0x1D83, v32;
	v35 =	vsel vm11, $0x1C03, v35;
	v38 =	vsel vm10, $0x1D04, v38  }
0xd2: {  	v1 =	vsel vm6, $0xE88, v1;
	v0 =	vsel vm1, $0xC8D, v0;
	v2 =	vsel vm10, $0x904, v2  }
0xd3: {  	v5 =	vsel vm10, $0xE84, v5;
	v8 =	vsel vm10, $0xC04, v8;
	v11 =	vsel vm10, $0x1284, v11  }
0xd4: {  	v14 =	vsel vm10, $0x1004, v14;
	v17 =	vsel vm10, $0x1184, v17;
	v20 =	vsel vm10, $0x1704, v20  }
0xd5: {  	v23 =	vsel vm10, $0x1484, v23;
	v26 =	vsel vm10, $0x1B04, v26;
	v1 =	vsel vm5, $0xE09, v1  }
0xd6: {  	v32 =	vsel vm10, $0x1E04, v32;
	v35 =	vsel vm10, $0x1F84, v35;
	v1 =	vsel vm4, $0xF8A, v1  }
0xd7: {  	[tilespmem:$0x1F910] =	vst v39;
	v39 =	vunpack.c.0.s8.s32 v49;
	v0 =	vsel vm0, $0xD0E, v0;
	v1 =	vsel vm3, $0xF0B, v1  }
0xd8: {  	v40 =	vsel vm9, $0x1F05, v35;
	v35 =	vimm.s32 $0x22232021;
	v1 =	vsel vm2, $0xC8C, v1  }
0xd9: {  	[tilespmem:$0x1F930] =	vst v0;
	v0 =	vsel vm1, $0xC0D, v1;
	v1 =	vsel vm9, $0x905, v3;
	v3 =	vsel vm9, $0x1085, v14  }
0xda: {  	v14 =	vsel vm9, $0x1A05, v25;
	v25 =	vsel vm8, $0x1D06, v41;
	v41 =	vimm.s32 $0x25242726  }
0xdb: {  	v0 =	vsel vm0, $0xD8E, v0;
	v1 =	vsel vm8, $0x886, v1;
	v3 =	vsel vm8, $0x1106, v3  }
0xdc: {  	v14 =	vsel vm8, $0x1B86, v14;
	v25 =	vsel vm7, $0x1D87, v25;
	[tilespmem:$0x1F940] =	vst v0;
	v0 =	vsel vm9, $0x985, v2  }
0xdd: {  	v2 =	vsel vm9, $0xE85, v4;
	v1 =	vsel vm7, $0x807, v1;
	v4 =	vsel vm9, $0x1005, v15  }
0xde: {  	v15 =	vsel vm9, $0x1B85, v26;
	v26 =	vsel vm8, $0x1D86, v42;
	v3 =	vsel vm7, $0x1187, v3  }
0xdf: {  	v14 =	vsel vm7, $0x1B07, v14;
	v25 =	vsel vm6, $0x1A08, v25;
	v0 =	vsel vm8, $0x806, v0  }
0xe0: {  	v2 =	vsel vm8, $0xF06, v2;
	v1 =	vsel vm6, $0xF88, v1;
	v4 =	vsel vm8, $0x1186, v4  }
0xe1: {  	v15 =	vsel vm8, $0x1A06, v15;
	v26 =	vsel vm7, $0x1D07, v26;
	v3 =	vsel vm6, $0x1608, v3  }
0xe2: {  	v14 =	vsel vm6, $0x1C88, v14;
	v25 =	vsel vm5, $0x1A89, v25;
	v0 =	vsel vm7, $0x887, v0  }
0xe3: {  	v2 =	vsel vm7, $0xF87, v2;
	v1 =	vsel vm5, $0xF09, v1;
	v4 =	vsel vm7, $0x1107, v4  }
0xe4: {  	v15 =	vsel vm7, $0x1A87, v15;
	v26 =	vsel vm6, $0x1A88, v26;
	v3 =	vsel vm5, $0x1689, v3  }
0xe5: {  	v14 =	vsel vm5, $0x1C09, v14;
	v25 =	vsel vm4, $0x1B0A, v25;
	v0 =	vsel vm6, $0xF08, v0  }
0xe6: {  	v2 =	vsel vm6, $0x808, v2;
	v1 =	vsel vm4, $0xE8A, v1;
	v4 =	vsel vm6, $0x1688, v4  }
0xe7: {  	v15 =	vsel vm6, $0x1D08, v15;
	v26 =	vsel vm5, $0x1A09, v26;
	v3 =	vsel vm4, $0x170A, v3  }
0xe8: {  	v14 =	vsel vm4, $0x1D8A, v14;
	v25 =	vsel vm3, $0x1B8B, v25;
	v0 =	vsel vm5, $0xF89, v0  }
0xe9: {  	v2 =	vsel vm5, $0x889, v2;
	v1 =	vsel vm3, $0xE0B, v1;
	v4 =	vsel vm5, $0x1609, v4  }
0xea: {  	v15 =	vsel vm5, $0x1D89, v15;
	v26 =	vsel vm4, $0x1B8A, v26;
	v3 =	vsel vm3, $0x178B, v3  }
0xeb: {  	v14 =	vsel vm3, $0x1D0B, v14;
	v25 =	vsel vm2, $0x180C, v25;
	v0 =	vsel vm4, $0xE0A, v0  }
0xec: {  	v2 =	vsel vm4, $0x90A, v2;
	v1 =	vsel vm2, $0xD8C, v1;
	v4 =	vsel vm4, $0x178A, v4  }
0xed: {  	v15 =	vsel vm4, $0x1C0A, v15;
	v26 =	vsel vm3, $0x1B0B, v26;
	v3 =	vsel vm2, $0x140C, v3  }
0xee: {  	v14 =	vsel vm2, $0x1E8C, v14;
	v25 =	vsel vm1, $0x188D, v25;
	v0 =	vsel vm3, $0xE8B, v0  }
0xef: {  	v2 =	vsel vm3, $0x98B, v2;
	v1 =	vsel vm1, $0xD0D, v1;
	v4 =	vsel vm3, $0x170B, v4  }
0xf0: {  	v15 =	vsel vm3, $0x1C8B, v15;
	v26 =	vsel vm2, $0x188C, v26;
	v3 =	vsel vm1, $0x148D, v3  }
0xf1: {  	v14 =	vsel vm1, $0x1E0D, v14;
	v0 =	vsel vm2, $0xD0C, v0;
	v2 =	vsel vm2, $0xA0C, v2  }
0xf2: {  	v4 =	vsel vm2, $0x148C, v4;
	v15 =	vsel vm2, $0x1F0C, v15;
	v0 =	vsel vm1, $0xD8D, v0  }
0xf3: {  	v4 =	vsel vm1, $0x140D, v4;
	v15 =	vsel vm1, $0x1F8D, v15;
	v0 =	vsel vm0, $0xC0E, v0  }
0xf4: {  	[tilespmem:$0x1F950] =	vst v0;
	v0 =	vsel vm0, $0xC8E, v1;
	v1 =	vsel vm9, $0xF85, v6;
	v6 =	vsel vm9, $0x1105, v17  }
0xf5: {  	v17 =	vsel vm9, $0x1885, v28;
	[tilespmem:$0x1F960] =	vst v0;
	v0 =	vsel vm1, $0xA8D, v2;
	v1 =	vsel vm8, $0xE06, v1  }
0xf6: {  	v2 =	vsel vm9, $0xF05, v7;
	v7 =	vsel vm9, $0x1685, v18;
	v17 =	vsel vm8, $0x1906, v17  }
0xf7: {  	v49 =	vsel vm0, $0xB0E, v0;
	v0 =	vsel vm9, $0xE05, v5;
	v1 =	vsel vm7, $0xE87, v1  }
0xf8: {  	v2 =	vsel vm8, $0xE86, v2;
	v5 =	vsel vm9, $0x1185, v16;
	v16 =	vsel vm9, $0x1B05, v27  }
0xf9: {  	v7 =	vsel vm8, $0x1706, v7;
	v17 =	vsel vm7, $0x1987, v17;
	v0 =	vsel vm8, $0xF86, v0  }
0xfa: {  	v1 =	vsel vm6, $0x908, v1;
	v2 =	vsel vm7, $0xE07, v2;
	v5 =	vsel vm8, $0x1006, v5  }
0xfb: {  	v16 =	vsel vm8, $0x1A86, v16;
	v7 =	vsel vm7, $0x1787, v7;
	v17 =	vsel vm6, $0x1E08, v17  }
0xfc: {  	v0 =	vsel vm7, $0xF07, v0;
	v1 =	vsel vm5, $0x989, v1;
	v2 =	vsel vm6, $0x988, v2  }
0xfd: {  	v5 =	vsel vm7, $0x1087, v5;
	v16 =	vsel vm7, $0x1A07, v16;
	v7 =	vsel vm6, $0x1008, v7  }
0xfe: {  	v17 =	vsel vm5, $0x1E89, v17;
	v0 =	vsel vm6, $0x888, v0;
	v1 =	vsel vm4, $0x80A, v1  }
0xff: {  	v2 =	vsel vm5, $0x909, v2;
	v5 =	vsel vm6, $0x1708, v5;
	v16 =	vsel vm6, $0x1D88, v16  }
0x100: {  	v7 =	vsel vm5, $0x1089, v7;
	v17 =	vsel vm4, $0x1F0A, v17;
	v0 =	vsel vm5, $0x809, v0  }
0x101: {  	v1 =	vsel vm3, $0x88B, v1;
	v2 =	vsel vm4, $0x88A, v2;
	v5 =	vsel vm5, $0x1789, v5  }
0x102: {  	v16 =	vsel vm5, $0x1D09, v16;
	v7 =	vsel vm4, $0x110A, v7;
	v17 =	vsel vm3, $0x1F8B, v17  }
0x103: {  	v0 =	vsel vm4, $0x98A, v0;
	v1 =	vsel vm2, $0xB0C, v1;
	v2 =	vsel vm3, $0x80B, v2  }
0x104: {  	v5 =	vsel vm4, $0x160A, v5;
	v16 =	vsel vm4, $0x1C8A, v16;
	v7 =	vsel vm3, $0x118B, v7  }
0x105: {  	v17 =	vsel vm2, $0x1C0C, v17;
	v0 =	vsel vm3, $0x90B, v0;
	v1 =	vsel vm1, $0xB8D, v1  }
0x106: {  	v2 =	vsel vm2, $0xB8C, v2;
	v5 =	vsel vm3, $0x168B, v5;
	v16 =	vsel vm3, $0x1C0B, v16  }
0x107: {  	v7 =	vsel vm2, $0x120C, v7;
	v17 =	vsel vm1, $0x1C8D, v17;
	v0 =	vsel vm2, $0xA8C, v0  }
0x108: {  	v5 =	vsel vm2, $0x150C, v5;
	v16 =	vsel vm2, $0x1F8C, v16;
	v7 =	vsel vm1, $0x128D, v7  }
0x109: {  	v0 =	vsel vm1, $0xA0D, v0;
	v5 =	vsel vm1, $0x158D, v5;
	v16 =	vsel vm1, $0x1F0D, v16  }
0x10a: {  	v45 =	vsel vm0, $0xB8E, v0;
	v0 =	vsel vm0, $0xA0E, v1;
	v1 =	vsel vm9, $0xC05, v9  }
0x10b: {  	v9 =	vsel vm9, $0x1785, v20;
	v20 =	vsel vm9, $0x1905, v31;
	[tilespmem:$0x1F970] =	vst v0;
	v0 =	vsel vm1, $0xB0D, v2  }
0x10c: {  	v1 =	vsel vm8, $0xD86, v1;
	v2 =	vsel vm9, $0xD85, v10;
	v10 =	vsel vm9, $0x1705, v21  }
0x10d: {  	v21 =	vsel vm9, $0x1E85, v32;
	v32 =	vsel vm9, $0x1D85, v38;
	v9 =	vsel vm8, $0x1606, v9  }
0x10e: {  	v20 =	vsel vm8, $0x1886, v20;
	v38 =	vimm.s32 $0x2D2C2F2E;
	v0 =	vsel vm0, $0xA8E, v0  }
0x10f: {  	v1 =	vsel vm7, $0xD07, v1;
	v2 =	vsel vm8, $0xC06, v2;
	v10 =	vsel vm8, $0x1686, v10  }
0x110: {  	v21 =	vsel vm8, $0x1F06, v21;
	v27 =	vsel vm8, $0x1C06, v32;
	v9 =	vsel vm7, $0x1687, v9  }
0x111: {  	v20 =	vsel vm7, $0x1807, v20;
	[tilespmem:$0x1F980] =	vst v0;
	v0 =	vsel vm9, $0xC85, v8;
	v1 =	vsel vm6, $0xA88, v1  }
0x112: {  	v2 =	vsel vm7, $0xC87, v2;
	v8 =	vsel vm9, $0x1605, v19;
	v10 =	vsel vm7, $0x1607, v10  }
0x113: {  	v21 =	vsel vm7, $0x1F87, v21;
	v27 =	vsel vm7, $0x1C87, v27;
	v9 =	vsel vm6, $0x1108, v9  }
0x114: {  	v20 =	vsel vm6, $0x1F88, v20;
	v0 =	vsel vm8, $0xD06, v0;
	v1 =	vsel vm5, $0xA09, v1  }
0x115: {  	v2 =	vsel vm6, $0xB08, v2;
	v8 =	vsel vm8, $0x1786, v8;
	v10 =	vsel vm6, $0x1188, v10  }
0x116: {  	v21 =	vsel vm6, $0x1808, v21;
	v27 =	vsel vm6, $0x1B08, v27;
	v9 =	vsel vm5, $0x1189, v9  }
0x117: {  	v20 =	vsel vm5, $0x1F09, v20;
	v0 =	vsel vm7, $0xD87, v0;
	v1 =	vsel vm4, $0xB8A, v1  }
0x118: {  	v2 =	vsel vm5, $0xB89, v2;
	v8 =	vsel vm7, $0x1707, v8;
	v10 =	vsel vm5, $0x1109, v10  }
0x119: {  	v21 =	vsel vm5, $0x1889, v21;
	v27 =	vsel vm5, $0x1B89, v27;
	v9 =	vsel vm4, $0x100A, v9  }
0x11a: {  	v20 =	vsel vm4, $0x1E8A, v20;
	v0 =	vsel vm6, $0xA08, v0;
	v1 =	vsel vm3, $0xB0B, v1  }
0x11b: {  	v2 =	vsel vm4, $0xA0A, v2;
	v8 =	vsel vm6, $0x1088, v8;
	v10 =	vsel vm4, $0x108A, v10  }
0x11c: {  	v21 =	vsel vm4, $0x190A, v21;
	v9 =	vsel vm3, $0x108B, v9;
	v20 =	vsel vm3, $0x1E0B, v20  }
0x11d: {  	v0 =	vsel vm5, $0xA89, v0;
	v1 =	vsel vm2, $0x88C, v1;
	v2 =	vsel vm3, $0xA8B, v2  }
0x11e: {  	v8 =	vsel vm5, $0x1009, v8;
	v10 =	vsel vm3, $0x100B, v10;
	v21 =	vsel vm3, $0x198B, v21  }
0x11f: {  	v9 =	vsel vm2, $0x130C, v9;
	v20 =	vsel vm2, $0x1D8C, v20;
	v0 =	vsel vm4, $0xB0A, v0  }
0x120: {  	v1 =	vsel vm1, $0x80D, v1;
	v2 =	vsel vm2, $0x90C, v2;
	v8 =	vsel vm4, $0x118A, v8  }
0x121: {  	v10 =	vsel vm2, $0x138C, v10;
	v21 =	vsel vm2, $0x1A0C, v21;
	v9 =	vsel vm1, $0x138D, v9  }
0x122: {  	v20 =	vsel vm1, $0x1D0D, v20;
	v0 =	vsel vm3, $0xB8B, v0;
	v8 =	vsel vm3, $0x110B, v8  }
0x123: {  	v10 =	vsel vm1, $0x130D, v10;
	v0 =	vsel vm2, $0x80C, v0;
	v8 =	vsel vm2, $0x128C, v8  }
0x124: {  	v21 =	vsel vm1, $0x1A8D, v21;
	v0 =	vsel vm1, $0x88D, v0;
	v8 =	vsel vm1, $0x120D, v8  }
0x125: {  	[tilespmem:$0x1F920] =	vst v39;
	v39 =	vsel vm0, $0x90E, v0;
	v0 =	vsel vm0, $0x98E, v1;
	v1 =	vsel vm9, $0x1385, v12  }
0x126: {  	v12 =	vsel vm9, $0x1405, v23;
	v23 =	vsel vm9, $0x1F85, v34;
	[tilespmem:$0x1F990] =	vst v0;
	v0 =	vsel vm1, $0x98D, v2  }
0x127: {  	v34 =	vimm.s32 $0x2E2F2C2D;
	v2 =	vsel vm9, $0x1305, v13;
	v0 =	vsel vm0, $0x80E, v0  }
0x128: {  	v13 =	vsel vm9, $0x1585, v24;
	v1 =	vsel vm8, $0x1206, v1;
	[tilespmem:$0x1F9A0] =	vst v0;
	v0 =	vsel vm9, $0x1205, v11  }
0x129: {  	v11 =	vsel vm9, $0x1485, v22;
	v22 =	vsel vm9, $0x1E05, v33;
	v33 =	vimm.s32 $0x2A2B2829  }
0x12a: {  	v12 =	vsel vm8, $0x1586, v12;
	v23 =	vsel vm8, $0x1E06, v23;
	v28 =	vunpack.c.0.s8.s32 v33  }
0x12b: {  	v24 =	vsel vm8, $0x1E86, v40;
	v40 =	vimm.s32 $0x21202322;
	v2 =	vsel vm8, $0x1286, v2  }
0x12c: {  	v13 =	vsel vm8, $0x1406, v13;
	v1 =	vsel vm7, $0x1287, v1;
	[tilespmem:$0x1F9B0] =	vst v28;
	v28 =	vunpack.c.0.s8.s32 v34  }
0x12d: {  	v12 =	vsel vm7, $0x1507, v12;
	v23 =	vsel vm7, $0x1E87, v23;
	v24 =	vsel vm7, $0x1E07, v24  }
0x12e: {  	v2 =	vsel vm7, $0x1207, v2;
	v13 =	vsel vm7, $0x1487, v13;
	[tilespmem:$0x1F9C0] =	vst v28;
	v28 =	vunpack.c.0.s8.s32 v35  }
0x12f: {  	v1 =	vsel vm6, $0x1508, v1;
	v12 =	vsel vm6, $0x1288, v12;
	v23 =	vsel vm6, $0x1908, v23  }
0x130: {  	v24 =	vsel vm6, $0x1988, v24;
	v0 =	vsel vm8, $0x1386, v0;
	[tilespmem:$0x1F9D0] =	vst v28;
	v28 =	vunpack.c.0.s8.s32 v36  }
0x131: {  	v2 =	vsel vm6, $0x1588, v2;
	v1 =	vsel vm5, $0x1589, v1;
	v0 =	vsel vm7, $0x1307, v0  }
0x132: {  	v2 =	vsel vm5, $0x1509, v2;
	v0 =	vsel vm6, $0x1488, v0;
	[tilespmem:$0x1F9E0] =	vst v28;
	v28 =	vunpack.c.0.s8.s32 v37  }
0x133: {  	v1 =	vsel vm4, $0x140A, v1;
	v2 =	vsel vm4, $0x148A, v2;
	v0 =	vsel vm5, $0x1409, v0  }
0x134: {  	v1 =	vsel vm3, $0x148B, v1;
	v0 =	vsel vm4, $0x158A, v0;
	[tilespmem:$0x1F9F0] =	vst v28;
	v28 =	vunpack.c.0.s8.s32 v38  }
0x135: {  	v2 =	vsel vm3, $0x140B, v2;
	v1 =	vsel vm2, $0x170C, v1;
	v0 =	vsel vm3, $0x150B, v0  }
0x136: {  	v2 =	vsel vm2, $0x178C, v2;
	v0 =	vsel vm2, $0x168C, v0;
	[tilespmem:$0x1FA00] =	vst v28;
	v28 =	vunpack.c.0.s8.s32 v40  }
0x137: {  	v1 =	vsel vm1, $0x178D, v1;
	v2 =	vsel vm1, $0x170D, v2;
	v0 =	vsel vm1, $0x160D, v0  }
0x138: {  	[tilespmem:$0x1FA10] =	vst v28;
	v28 =	vunpack.c.0.s8.s32 v41;
	v41 =	vsel vm0, $0x178E, v0;
	v0 =	vsel vm0, $0x160E, v1  }
0x139: {  	v11 =	vsel vm8, $0x1506, v11;
	v13 =	vsel vm6, $0x1308, v13;
	[tilespmem:$0x1FA40] =	vst v0;
	v0 =	vsel vm0, $0x168E, v2  }
0x13a: {  	v12 =	vsel vm5, $0x1209, v12;
	v11 =	vsel vm7, $0x1587, v11;
	[tilespmem:$0x1FA50] =	vst v0;
	v0 =	vsel vm0, $0x150E, v3  }
0x13b: {  	v13 =	vsel vm5, $0x1389, v13;
	v11 =	vsel vm6, $0x1208, v11;
	[tilespmem:$0x1FA60] =	vst v0;
	v0 =	vsel vm0, $0x158E, v4  }
0x13c: {  	v12 =	vsel vm4, $0x138A, v12;
	v11 =	vsel vm5, $0x1289, v11;
	[tilespmem:$0x1FA70] =	vst v0;
	v0 =	vsel vm0, $0x140E, v5  }
0x13d: {  	v13 =	vsel vm4, $0x120A, v13;
	v11 =	vsel vm4, $0x130A, v11;
	[tilespmem:$0x1FA80] =	vst v0;
	v0 =	vsel vm0, $0x130E, v7  }
0x13e: {  	v12 =	vsel vm3, $0x130B, v12;
	v11 =	vsel vm3, $0x138B, v11;
	[tilespmem:$0x1FA90] =	vst v0;
	v0 =	vsel vm0, $0x138E, v8  }
0x13f: {  	v13 =	vsel vm3, $0x128B, v13;
	v11 =	vsel vm2, $0x100C, v11;
	[tilespmem:$0x1FAB0] =	vst v0;
	v0 =	vsel vm0, $0x120E, v9  }
0x140: {  	v12 =	vsel vm2, $0x108C, v12;
	v11 =	vsel vm1, $0x108D, v11;
	[tilespmem:$0x1FAC0] =	vst v0;
	v0 =	vsel vm0, $0x128E, v10  }
0x141: {  	v13 =	vsel vm2, $0x110C, v13;
	v12 =	vsel vm1, $0x100D, v12;
	[tilespmem:$0x1FAE0] =	vst v0;
	v0 =	vsel vm0, $0x110E, v11  }
0x142: {  	v22 =	vsel vm8, $0x1F86, v22;
	v13 =	vsel vm1, $0x118D, v13;
	[tilespmem:$0x1FB00] =	vst v0;
	v0 =	vsel vm0, $0x118E, v12  }
0x143: {  	v23 =	vsel vm5, $0x1989, v23;
	v22 =	vsel vm7, $0x1F07, v22;
	[tilespmem:$0x1FB20] =	vst v0;
	v0 =	vsel vm0, $0x100E, v13  }
0x144: {  	v24 =	vsel vm5, $0x1909, v24;
	v22 =	vsel vm6, $0x1888, v22;
	[tilespmem:$0x1FB30] =	vst v0;
	v0 =	vsel vm0, $0x1F8E, v14  }
0x145: {  	v23 =	vsel vm4, $0x180A, v23;
	v22 =	vsel vm5, $0x1809, v22;
	[tilespmem:$0x1FB40] =	vst v0;
	v0 =	vsel vm0, $0x1E0E, v15  }
0x146: {  	v24 =	vsel vm4, $0x188A, v24;
	v22 =	vsel vm4, $0x198A, v22;
	[tilespmem:$0x1FB50] =	vst v0;
	v0 =	vsel vm0, $0x1E8E, v16  }
0x147: {  	v23 =	vsel vm3, $0x188B, v23;
	v22 =	vsel vm3, $0x190B, v22;
	[tilespmem:$0x1FB60] =	vst v0;
	v0 =	vsel vm0, $0x1D0E, v17  }
0x148: {  	v24 =	vsel vm3, $0x180B, v24;
	v22 =	vsel vm2, $0x1A8C, v22;
	[tilespmem:$0x1FB70] =	vst v0;
	v0 =	vsel vm0, $0x1C8E, v20  }
0x149: {  	v23 =	vsel vm2, $0x1B0C, v23;
	v22 =	vsel vm1, $0x1A0D, v22;
	[tilespmem:$0x1FB90] =	vst v0;
	v0 =	vsel vm0, $0x1B0E, v21  }
0x14a: {  	v24 =	vsel vm2, $0x1B8C, v24;
	v23 =	vsel vm1, $0x1B8D, v23;
	[tilespmem:$0x1FBB0] =	vst v0;
	v0 =	vsel vm0, $0x1B8E, v22  }
0x14b: {  	v27 =	vsel vm4, $0x1A0A, v27;
	v24 =	vsel vm1, $0x1B0D, v24;
	[tilespmem:$0x1FBC0] =	vst v0;
	v0 =	vsel vm0, $0x1A0E, v23  }
0x14c: {  	v26 =	vsel vm1, $0x180D, v26;
	v27 =	vsel vm3, $0x1A8B, v27;
	[tilespmem:$0x1FBD0] =	vst v0;
	v0 =	vsel vm0, $0x1A8E, v24  }
0x14d: {  	v6 =	vsel vm8, $0x1086, v6;
	v27 =	vsel vm2, $0x190C, v27;
	[tilespmem:$0x1FBE0] =	vst v0;
	v0 =	vsel vm0, $0x190E, v25  }
0x14e: {  	v6 =	vsel vm7, $0x1007, v6;
	v27 =	vsel vm1, $0x198D, v27;
	[tilespmem:$0x1FBF0] =	vst v0;
	v0 =	vsel vm0, $0x198E, v26  }
0x14f: {  	v6 =	vsel vm6, $0x1788, v6;
	[tilespmem:$0x1FC00] =	vst v0;
	v0 =	vsel vm0, $0x180E, v27  }
0x150: {  	v6 =	vsel vm5, $0x1709, v6;
	[tilespmem:$0x1FC10] =	vst v0;
	v0 =	vimm.s32 $0x2C2D2E2F  }
0x151: {  	v6 =	vsel vm4, $0x168A, v6;
	v0 =	vunpack.c.0.s8.s32 v0  }
0x152: {  	v6 =	vsel vm3, $0x160B, v6  }
0x153: {  	v6 =	vsel vm2, $0x158C, v6;
	[tilespmem:$0x1FC20] =	vst v0;
	v0 =	vimm.s32 $0x20212223  }
0x154: {  	v42 =	vimm.s32 $0x28292A2B;
	v6 =	vsel vm1, $0x150D, v6;
	v0 =	vunpack.c.0.s8.s32 v0  }
0x155: {  	[tilespmem:$0x1FA20] =	vst v28;
	v28 =	vunpack.c.0.s8.s32 v42;
	v42 =	vsel vm0, $0x148E, v6;
	v6 =	vimm.s32 $0x24252627  }
0x156: {  	[tilespmem:$0x1FC30] =	vst v0;
	v0 =	vunpack.c.0.s8.s32 v6;
	_ =	sdelay $0x1  }
0x157: {  	[tilespmem:$0x1FC40] =	vst v0;
	v0 =	vimm.s32 $0x2F2E2D2C  }
0x158: {  	v0 =	vunpack.c.0.s8.s32 v0;
	_ =	sdelay $0x1  }
0x159: {  	[tilespmem:$0x1FC50] =	vst v0;
	v0 =	vimm.s32 $0x2B2A2928  }
0x15a: {  	v0 =	vunpack.c.0.s8.s32 v0  }
0x15b: {  	v6 =	vimm.s32 $0x27262524  }
0x15c: {  	[tilespmem:$0x1FC60] =	vst v0;
	v0 =	vunpack.c.0.s8.s32 v6;
	_ =	sdelay $0x1  }
0x15d: {  	[tilespmem:$0x1FC70] =	vst v0;
	v0 =	vimm.s32 $0x23222120  }
0x15e: {  	v0 =	vunpack.c.0.s8.s32 v0;
	_ =	sdelay $0x1  }
0x15f: {  	[tilespmem:$0x1FC80] =	vst v0;
	v0 =	vimm.s32 $0x3A3B3839  }
0x160: {  	v0 =	vunpack.c.0.s8.s32 v0  }
0x161: {  	v6 =	vimm.s32 $0x3E3F3C3D  }
0x162: {  	[tilespmem:$0x1FC90] =	vst v0;
	v0 =	vunpack.c.0.s8.s32 v6;
	_ =	sdelay $0x1  }
0x163: {  	[tilespmem:$0x1FCA0] =	vst v0;
	v0 =	vimm.s32 $0x32333031  }
0x164: {  	v0 =	vunpack.c.0.s8.s32 v0;
	_ =	sdelay $0x1  }
0x165: {  	[tilespmem:$0x1FCB0] =	vst v0;
	v0 =	vimm.s32 $0x36373435  }
0x166: {  	v0 =	vunpack.c.0.s8.s32 v0  }
0x167: {  	v6 =	vimm.s32 $0x39383B3A  }
0x168: {  	[tilespmem:$0x1FCC0] =	vst v0;
	v0 =	vunpack.c.0.s8.s32 v6;
	_ =	sdelay $0x1  }
0x169: {  	[tilespmem:$0x1FCD0] =	vst v0;
	v0 =	vimm.s32 $0x3D3C3F3E  }
0x16a: {  	v0 =	vunpack.c.0.s8.s32 v0;
	_ =	sdelay $0x1  }
0x16b: {  	[tilespmem:$0x1FCE0] =	vst v0;
	v0 =	vimm.s32 $0x31303332  }
0x16c: {  	v29 =	vsel vm12, $0x1B82, v29;
	v0 =	vunpack.c.0.s8.s32 v0  }
0x16d: {  	v29 =	vsel vm11, $0x1B03, v29;
	v6 =	vimm.s32 $0x35343736  }
0x16e: {  	v29 =	vsel vm10, $0x1884, v29;
	[tilespmem:$0x1FCF0] =	vst v0;
	v0 =	vunpack.c.0.s8.s32 v6  }
0x16f: {  	v18 =	vsel vm9, $0x1805, v29  }
0x170: {  	v18 =	vsel vm8, $0x1986, v18;
	[tilespmem:$0x1FD00] =	vst v0;
	v0 =	vimm.s32 $0x38393A3B  }
0x171: {  	v18 =	vsel vm7, $0x1907, v18;
	v0 =	vunpack.c.0.s8.s32 v0  }
0x172: {  	v18 =	vsel vm6, $0x1E88, v18  }
0x173: {  	v18 =	vsel vm5, $0x1E09, v18;
	[tilespmem:$0x1FD10] =	vst v0;
	v0 =	vimm.s32 $0x3C3D3E3F  }
0x174: {  	v18 =	vsel vm4, $0x1F8A, v18;
	v8 =	vld [tilespmem:$0x1FAA0];
	v0 =	vunpack.c.0.s8.s32 v0  }
0x175: {  	v18 =	vsel vm3, $0x1F0B, v18;
	v9 =	vld [tilespmem:$0x1FAD0];
	v6 =	vimm.s32 $0x30313233  }
0x176: {  	v18 =	vsel vm2, $0x1C8C, v18;
	v4 =	vlaneseq.u32;
	v10 =	vld [tilespmem:$0x1FAF0];
	[tilespmem:$0x1FD20] =	vst v0;
	v0 =	vunpack.c.0.s8.s32 v6  }
0x177: {  	s7 =	rddreg [dreg:$0x0];
	s2 =	simm.s32 $0x0;
	v18 =	vsel vm1, $0x1C0D, v18;
	[tilespmem:$0x1FA30] =	vst v28;
	v1 =	vmul.u32 $0xFFFFFFFF, v4;
	v11 =	vld [tilespmem:$0x1FB10]  }
0x178: {  	[smem:$0x7FF] =	sst s2;
	v15 =	vsel vm0, $0x1D8E, v18;
	v18 =	vld [tilespmem:$0x1FB80];
	[tilespmem:$0x1FD30] =	vst v0  }
0x179: {  	s0 =	rddreg [dreg:$0x1];
	v21 =	vld [tilespmem:$0x1FBA0];
	_ =	strace $0x8000004A;
	[tilespmem:$0x1FD90] =	vst v1  }
0x17a: {  	[tilespmem:$0x1FDB0] =	vst v47  }
0x17b: {  	[tilespmem:$0x1FDC0] =	vst v55  }
0x17c: {  	[tilespmem:$0x1FE00] =	vst v50  }
0x17d: {  	v2 =	vmul.u32 $0x81, v4;
	[tilespmem:$0x1FE20] =	vst v57  }
0x17e: {  	[tilespmem:$0x1FE90] =	vst v48  }
0x17f: {  	[tilespmem:$0x1FEE0] =	vst v2  }
0x180: {  	[tilespmem:$0x1FF10] =	vst v46  }
0x181: {  	[tilespmem:$0x1FF20] =	vst v53  }
0x182: {  	[tilespmem:$0x1FF30] =	vst v43  }
0x183: {  	v0 =	vimm.s32 $0x34353637;
	[tilespmem:$0x1FF40] =	vst v59  }
0x184: {  	v0 =	vunpack.c.0.s8.s32 v0;
	[tilespmem:$0x1FF50] =	vst v44  }
0x185: {  	v30 =	vsel vm12, $0x1A02, v30;
	[tilespmem:$0x1FF60] =	vst v54  }
0x186: {  	v30 =	vsel vm11, $0x1A83, v30;
	[tilespmem:$0x1FD40] =	vst v0;
	v0 =	vimm.s32 $0x3F3E3D3C  }
0x187: {  	v30 =	vsel vm10, $0x1904, v30;
	[tilespmem:$0x1FF70] =	vst v52;
	v0 =	vunpack.c.0.s8.s32 v0  }
0x188: {  	v19 =	vsel vm9, $0x1985, v30;
	v6 =	vimm.s32 $0x3B3A3938;
	[tilespmem:$0x1FF80] =	vst v61  }
0x189: {  	v19 =	vsel vm8, $0x1806, v19;
	[tilespmem:$0x1FD50] =	vst v0;
	v0 =	vunpack.c.0.s8.s32 v6  }
0x18a: {  	v19 =	vsel vm7, $0x1887, v19;
	[tilespmem:$0x1FF90] =	vst v56  }
0x18b: {  	v19 =	vsel vm6, $0x1F08, v19;
	v23 =	vmov v62;
	[tilespmem:$0x1FD60] =	vst v0;
	v0 =	vimm.s32 $0x37363534  }
0x18c: {  	v19 =	vsel vm5, $0x1F89, v19;
	[tilespmem:$0x1FFA0] =	vst v23;
	v0 =	vunpack.c.0.s8.s32 v0  }
0x18d: {  	v19 =	vsel vm4, $0x1E0A, v19;
	[tilespmem:$0x1FFB0] =	vst v63;
	v6 =	vimm.s32 $0x33323130  }
0x18e: {  	v19 =	vsel vm3, $0x1E8B, v19;
	[tilespmem:$0x1FD70] =	vst v0;
	v0 =	vunpack.c.0.s8.s32 v6  }
0x18f: {  	v19 =	vsel vm2, $0x1D0C, v19;
	[tilespmem:$0x1FFC0] =	vst v58  }
0x190: {  	v19 =	vsel vm1, $0x1D8D, v19;
	v7 =	vld [tilespmem:$0x1FE10];
	[tilespmem:$0x1FD80] =	vst v0;
	v0 =	vmul.u32 $0xFFFFFF81, v4  }
0x191: {  	v12 =	vsel vm0, $0x1C0E, v19;
	vm0 =	vcmask $0x1F10;
	[tilespmem:$0x1FFD0] =	vst v60;
	v5 =	vld [tilespmem:$0x1FDE0]  }
0x192: {  	[tilespmem:$0x1FDA0] =	vst v0;
	v3 =	vadd.s32 $0x780, v0;
	v0 =	vsel vm0, v55, v47;
	v55 =	vld [tilespmem:$0x1FDD0]  }
0x193: {  	[tilespmem:$0x1FFE0] =	vst v51  }
0x194: {  	v1 =	vadd.s32 $0xF, v1;
	[tilespmem:$0x1FFF0] =	vst v12;
	v6 =	vld [tilespmem:$0x1FDF0]  }
0x195: {  	s3 =	srdreg.scid;
	[tilespmem:$0x1FED0] =	vst v1;
	v7 =	vsel vm0, v57, v7  }
0x196: {  	s1 =	stileid.u32;
	s11 =	simm.s32 $0x10000;
	s12 =	simm.s32 $0x10080;
	[tilespmem:$0x1FE60] =	vst v7  }
0x197: {  	s13 =	simm.s32 $0x1;
	s14 =	simm.s32 $0x10100;
	s15 =	simm.s32 $0x400;
	[tilespmem:$0x1FE30] =	vst v0;
	v5 =	vsel vm0, v5, v55  }
0x198: {  	s16 =	simm.s32 $0x200000;
	s17 =	simm.s32 $0x2;
	s18 =	simm.s32 $0x12100;
	v4 =	vor.u32 $0x10, v4;
	[tilespmem:$0x1FE40] =	vst v5;
	v5 =	vcombine.low v5, v0;
	v0 =	vld [tilespmem:$0x1FE80]  }
0x199: {  	s19 =	simm.s32 $0x3;
	s20 =	simm.s32 $0x4;
	s3 =	sand.u32 $0x1, s3;
	[tilespmem:$0x1FEC0] =	vst v4;
	v6 =	vsel vm0, v50, v6  }
0x19a: {  	s21 =	simm.s32 $0x0;
	s4 =	sshll.u32 s1, $0xE;
	s5 =	sshll.u32 s3, $0xD;
	[tilespmem:$0x1FE50] =	vst v6;
	v6 =	vcombine.low v7, v6  }
0x19b: {  	s6 =	ssub.s32 $0x2, s3;
	s3 =	sor.u32 s5, s4;
	s4 =	sadd.s32 $0x2600, s7;
	[tilespmem:$0x1FEB0] =	vst v3  }
0x19c: {  	s8 =	sshrl.u32 s6, $0x1;
	s5 =	sadd.s32 $0xA600, s7;
	s9 =	sshrl.u32 s3, $0x3;
	[tilespmem:$0x1FEF0] =	vst v6  }
0x19d: {  	s7 =	sadd.s32 $0x20CA00, s7;
	s10 =	ssub.s32 s6, s8;
	s6 =	sadd.s32 s4, s9;
	[tilespmem:$0x1FF00] =	vst v5;
	v0 =	vsel vm0, v48, v0  }
0x19e: {  	s9 =	smax.u32 s10, $0x1;
	s10 =	simm.s32 $0x5;
	s8 =	sadd.s32 $0x10, s6;
	v20 =	vmov v51;
	v22 =	vmov v60;
	v62 =	vlaneseq.u32;
	v7 =	vld [tilespmem:$0x1FE70];
	[tilespmem:$0x1FEA0] =	vst v0  }
.LBB2_1:
0x19f: {  	[tilespmem:s2], [sflag:$0x5] =	stream.linear.gather [hbm4b:s5+s2], $0x10000, $0x38;
	[tilespmem:$0x14100] =	vst v63  }
0x1a0: {  	_ =	swait.ge [sflag:s10], $0x10000  }
0x1a1: {  	[sflag:s10] =	ssyncset.done $0x0  }
0x1a2: {  	[sflag:s10] =	ssyncadd.s32 $0xFFFF0000  }
0x1a3: {  	[tilespmem:s11], [sflag:$0x1] =	stream.linear.gather [hbm4b:s6+s2], $0x80, $0x38;
	[tilespmem:$0x14100] =	vst v63  }
0x1a4: {  	s22 =	simm.s32 $0x0  }
0x1a5: {  	[tilespmem:s12], [sflag:$0x2] =	stream.linear.gather [hbm4b:s8+s2], $0x80, $0x38;
	[tilespmem:$0x14100] =	vst v63  }
.LBB2_2:
0x1a6: {  	_ =	swait.ge [sflag:s13], $0x80  }
0x1a7: {  	p0 =	seq.s32 s22, $0x0;
	[sflag:s13] =	ssyncset.done $0x0  }
0x1a8: {  	s23 =	simm.s32 @!p0 $0x3;
	[sflag:s13] =	ssyncadd.s32 $0xFFFFFF80  }
0x1a9: {  	_ =	swait.ge @!p0 [sflag:s23], $0x2000  }
0x1aa: {  	[sflag:s23] =	ssyncset.done @!p0 $0x0  }
0x1ab: {  	[sflag:s23] =	ssyncadd.s32 @!p0 $0xFFFFE000;
	s23 =	simm.s32 $0x10000  }
0x1ac: {  	v0 =	vld [tilespmem:s23+$0x0];
	_ =	sdelay $0x3  }
0x1ad: {  	v16 =	vld [tilespmem:$0x1F830]  }
0x1ae: {  	v29 =	vshll.u32 v0, $0x6  }
0x1af: {  	v0 =	vor.u32 v62, v29  }
0x1b0: {  	v12 =	vor.u32 v9, v29  }
0x1b1: {  	s26 =	simm.s32 $0x0;
	v17 =	vld [tilespmem:$0x1F840];
	v13 =	vor.u32 v10, v29  }
0x1b2: {  	v48 =	vmov v16;
	v24 =	vor.u32 s26, v16;
	v16 =	vld [tilespmem:$0x1F850];
	v14 =	vor.u32 v11, v29  }
0x1b3: {  	v19 =	vld [tilespmem:$0x1F860]  }
0x1b4: {  	v47 =	vmov v15;
	v15 =	vor.u32 s26, v2;
	v0 =	vld.idx.msk [tilespmem:v0+s2+$0x0], $0xffff  }
0x1b5: {  	v12 =	vld.idx.msk [tilespmem:v12+s2+$0x0], $0xffff  }
0x1b6: {  	v17 =	vor.u32 s26, v17;
	v13 =	vld.idx.msk [tilespmem:v13+s2+$0x0], $0xffff  }
0x1b7: {  	v16 =	vor.u32 s26, v16;
	v14 =	vld.idx.msk [tilespmem:v14+s2+$0x0], $0xffff  }
0x1b8: {  	v19 =	vor.u32 v19, v29  }
0x1b9: {  	[tilespmem:v15+s14+$0x0] =	vst.idx.msk $0xffff, v0;
	v0 =	vor.u32 v59, v29  }
0x1ba: {  	[tilespmem:v24+s14+$0x0] =	vst.idx.msk $0xffff, v12;
	v12 =	vor.u32 v46, v29  }
0x1bb: {  	[tilespmem:v17+s14+$0x0] =	vst.idx.msk $0xffff, v13;
	v13 =	vor.u32 v61, v29  }
0x1bc: {  	[tilespmem:v16+s14+$0x0] =	vst.idx.msk $0xffff, v14  }
0x1bd: {  	v15 =	vor.u32 s26, v23;
	v14 =	vld.idx.msk [tilespmem:v19+s2+$0x0], $0xffff  }
0x1be: {  	v24 =	vor.u32 s26, v63;
	v0 =	vld.idx.msk [tilespmem:v0+s2+$0x0], $0xffff  }
0x1bf: {  	v17 =	vor.u32 s26, v8;
	v12 =	vld.idx.msk [tilespmem:v12+s2+$0x0], $0xffff  }
0x1c0: {  	v16 =	vor.u32 s26, v44;
	v13 =	vld.idx.msk [tilespmem:v13+s2+$0x0], $0xffff  }
0x1c1: {  	v8 =	vor.u32 v52, v29  }
0x1c2: {  	[tilespmem:v15+s14+$0x0] =	vst.idx.msk $0xffff, v14;
	v14 =	vor.u32 v56, v29  }
0x1c3: {  	[tilespmem:v24+s14+$0x0] =	vst.idx.msk $0xffff, v0;
	v0 =	vor.u32 v21, v29  }
0x1c4: {  	[tilespmem:v17+s14+$0x0] =	vst.idx.msk $0xffff, v12  }
0x1c5: {  	[tilespmem:v16+s14+$0x0] =	vst.idx.msk $0xffff, v13  }
0x1c6: {  	v15 =	vor.u32 s26, v43;
	v12 =	vor.u32 v53, v29;
	v13 =	vld.idx.msk [tilespmem:v8+s2+$0x0], $0xffff  }
0x1c7: {  	v8 =	vor.u32 s26, v54;
	v14 =	vld.idx.msk [tilespmem:v14+s2+$0x0], $0xffff  }
0x1c8: {  	v17 =	vor.u32 s26, v58;
	v0 =	vld.idx.msk [tilespmem:v0+s2+$0x0], $0xffff;
	_ =	sdelay $0x2  }
0x1c9: {  	v12 =	vld.idx.msk [tilespmem:v12+s2+$0x0], $0xffff;
	[tilespmem:v15+s14+$0x0] =	vst.idx.msk $0xffff, v13  }
0x1ca: {  	[tilespmem:v8+s14+$0x0] =	vst.idx.msk $0xffff, v14  }
0x1cb: {  	[tilespmem:v17+s14+$0x0] =	vst.idx.msk $0xffff, v0;
	v0 =	vor.u32 v1, v29;
	v1 =	vld [tilespmem:$0x1F870];
	_ =	sdelay $0x4  }
0x1cc: {  	v15 =	vor.u32 s26, v1;
	v1 =	vld [tilespmem:$0x1F880]  }
0x1cd: {  	v16 =	vor.u32 s26, v20  }
0x1ce: {  	v18 =	vor.u32 v18, v29  }
0x1cf: {  	v50 =	vld [tilespmem:$0x1F8B0];
	v13 =	vor.u32 v22, v29  }
0x1d0: {  	v37 =	vld [tilespmem:$0x1FEA0]  }
0x1d1: {  	v14 =	vor.u32 v7, v29;
	v46 =	vor.u32 s26, v1;
	v1 =	vld [tilespmem:$0x1F890]  }
0x1d2: {  	[tilespmem:v16+s14+$0x0] =	vst.idx.msk $0xffff, v12;
	v16 =	vor.u32 s26, v3;
	v3 =	vld [tilespmem:$0x1F8A0]  }
0x1d3: {  	v12 =	vld.idx.msk [tilespmem:v18+s2+$0x0], $0xffff  }
0x1d4: {  	v13 =	vld.idx.msk [tilespmem:v13+s2+$0x0], $0xffff;
	_ =	sdelay $0x1  }
0x1d5: {  	v14 =	vld.idx.msk [tilespmem:v14+s2+$0x0], $0xffff;
	v17 =	vor.u32 s26, v1  }
0x1d6: {  	v0 =	vld.idx.msk [tilespmem:v0+s2+$0x0], $0xffff;
	v21 =	vsel vm0, v50, v3  }
0x1d7: {  	[tilespmem:v15+s14+$0x0] =	vst.idx.msk $0xffff, v12;
	v1 =	vcombine.low v21, v37  }
0x1d8: {  	[tilespmem:v46+s14+$0x0] =	vst.idx.msk $0xffff, v13  }
0x1d9: {  	[tilespmem:$0x1F4A0] =	vst v1  }
0x1da: {  	[tilespmem:v17+s14+$0x0] =	vst.idx.msk $0xffff, v14;
	v17 =	vor.u32 v1, v29;
	v1 =	vld [tilespmem:$0x1FE20]  }
0x1db: {  	[tilespmem:v16+s14+$0x0] =	vst.idx.msk $0xffff, v0;
	v0 =	vld [tilespmem:$0x1FE10];
	_ =	sdelay $0x3  }
0x1dc: {  	v51 =	vor.u32 $0x800, v2;
	v40 =	vmov v2;
	v2 =	vld [tilespmem:$0x1FE90]  }
0x1dd: {  	v0 =	vsel vm0, v0, v1;
	v1 =	vld [tilespmem:$0x1FE80];
	_ =	sdelay $0x4  }
0x1de: {  	v25 =	vsel vm0, v1, v2;
	v1 =	vld [tilespmem:$0x1FDD0]  }
0x1df: {  	v2 =	vld [tilespmem:$0x1FDE0];
	_ =	sdelay $0x4  }
0x1e0: {  	v38 =	vsel vm0, v1, v2;
	v1 =	vld [tilespmem:$0x1F8D0]  }
0x1e1: {  	v52 =	vld [tilespmem:$0x1F8F0]  }
0x1e2: {  	v53 =	vld [tilespmem:$0x1F900]  }
0x1e3: {  	v8 =	vor.u32 v4, v29;
	v12 =	vld [tilespmem:$0x1F8C0]  }
0x1e4: {  	v2 =	vld [tilespmem:$0x1FDC0]  }
0x1e5: {  	v16 =	vmov v1;
	v28 =	vor.u32 s26, v1;
	v1 =	vld [tilespmem:$0x1FDB0]  }
0x1e6: {  	v15 =	vor.u32 v5, v29;
	v5 =	vld [tilespmem:$0x1F8E0]  }
0x1e7: {  	v13 =	vld [tilespmem:$0x1F920]  }
0x1e8: {  	v36 =	vld.idx.msk [tilespmem:v8+s2+$0x0], $0xffff  }
0x1e9: {  	v20 =	vor.u32 v6, v29;
	v8 =	vld [tilespmem:$0x1F910]  }
0x1ea: {  	v30 =	vsel vm0, v1, v2;
	v1 =	vld [tilespmem:$0x1FDF0]  }
0x1eb: {  	v18 =	vor.u32 s26, v51;
	v2 =	vld [tilespmem:$0x1FE00]  }
0x1ec: {  	v24 =	vor.u32 s26, v12;
	v31 =	vld.idx.msk [tilespmem:v15+s2+$0x0], $0xffff  }
0x1ed: {  	v32 =	vld [tilespmem:$0x1FE30]  }
0x1ee: {  	v22 =	vld.idx.msk [tilespmem:v20+s2+$0x0], $0xffff  }
0x1ef: {  	v19 =	vsel vm0, v53, v52;
	v20 =	vld.idx.msk [tilespmem:v17+s2+$0x0], $0xffff;
	v17 =	vsel vm0, v3, v50;
	v26 =	vsel vm0, v13, v8  }
0x1f0: {  	v33 =	vld [tilespmem:$0x1FE40];
	v56 =	vmov v42;
	[tilespmem:v18+s14+$0x0] =	vst.idx.msk $0xffff, v36;
	v15 =	vcombine.low v38, v30;
	v27 =	vsel vm0, v1, v2  }
0x1f1: {  	v42 =	vld [tilespmem:$0x1FE50];
	v23 =	vor.u32 s26, v5;
	v14 =	vcombine.low v26, v19;
	[tilespmem:v24+s14+$0x0] =	vst.idx.msk $0xffff, v31;
	v1 =	vcombine.low v0, v27  }
0x1f2: {  	v43 =	vld [tilespmem:$0x1FE60];
	[tilespmem:$0x1F4D0] =	vst v15;
	v2 =	vcombine.low v17, v25  }
0x1f3: {  	v34 =	vor.u32 v14, v29;
	[tilespmem:$0x1F4E0] =	vst v1;
	v3 =	vor.u32 v1, v29;
	v1 =	vld [tilespmem:$0x1F930]  }
0x1f4: {  	v60 =	vor.u32 v15, v29;
	[tilespmem:$0x1F4F0] =	vst v2;
	v15 =	vor.u32 v2, v29;
	v2 =	vld [tilespmem:$0x1F940]  }
0x1f5: {  	v18 =	vld [tilespmem:$0x1F950];
	[tilespmem:v28+s14+$0x0] =	vst.idx.msk $0xffff, v22  }
0x1f6: {  	[tilespmem:v23+s14+$0x0] =	vst.idx.msk $0xffff, v20;
	v23 =	vld [tilespmem:$0x1F960]  }
0x1f7: {  	v57 =	vld [tilespmem:$0x1FA00]  }
0x1f8: {  	v6 =	vsel vm0, v52, v53;
	[tilespmem:$0x1F4C0] =	vst v14;
	v17 =	vld.idx.msk [tilespmem:v34+s2+$0x0], $0xffff;
	v14 =	vor.u32 s26, v1  }
0x1f9: {  	v4 =	vcombine.low v42, v43;
	v61 =	vsel vm0, v8, v13;
	v20 =	vld.idx.msk [tilespmem:v60+s2+$0x0], $0xffff;
	v28 =	vor.u32 s26, v2  }
0x1fa: {  	v8 =	vcombine.low v32, v33;
	v7 =	vcombine.low v6, v61;
	v63 =	vor.u32 s26, v18;
	v22 =	vld.idx.msk [tilespmem:v3+s2+$0x0], $0xffff  }
0x1fb: {  	[tilespmem:$0x1F520] =	vst v4;
	v13 =	vld.idx.msk [tilespmem:v15+s2+$0x0], $0xffff;
	v15 =	vor.u32 s26, v23  }
0x1fc: {  	v52 =	vld [tilespmem:$0x1F970];
	[tilespmem:$0x1F510] =	vst v8;
	v35 =	vor.u32 v7, v29  }
0x1fd: {  	v42 =	vld [tilespmem:$0x1FC40];
	[tilespmem:v14+s14+$0x0] =	vst.idx.msk $0xffff, v17  }
0x1fe: {  	v44 =	vcombine.low v37, v21;
	v6 =	vld [tilespmem:$0x1F9F0];
	v46 =	vor.u32 v8, v29;
	[tilespmem:v28+s14+$0x0] =	vst.idx.msk $0xffff, v20  }
0x1ff: {  	v4 =	vor.u32 v4, v29;
	v34 =	vld [tilespmem:$0x1FD90];
	[tilespmem:v63+s14+$0x0] =	vst.idx.msk $0xffff, v22  }
0x200: {  	v8 =	vor.u32 v44, v29;
	v3 =	vld [tilespmem:$0x1F980];
	[tilespmem:v15+s14+$0x0] =	vst.idx.msk $0xffff, v13  }
0x201: {  	v50 =	vor.u32 s26, v49;
	v22 =	vmov v1;
	v1 =	vcombine.low v19, v26;
	v28 =	vld.idx.msk [tilespmem:v35+s2+$0x0], $0xffff  }
0x202: {  	[tilespmem:$0x1F4B0] =	vst v51;
	v17 =	vld [tilespmem:$0x1FC30]  }
0x203: {  	v51 =	vor.u32 s26, v45;
	v13 =	vld.idx.msk [tilespmem:v46+s2+$0x0], $0xffff;
	[tilespmem:$0x1F540] =	vst v1;
	v55 =	vor.u32 v1, v29;
	v1 =	vcombine.low v27, v0  }
0x204: {  	v53 =	vor.u32 s26, v52;
	v26 =	vld.idx.msk [tilespmem:v4+s2+$0x0], $0xffff  }
0x205: {  	v54 =	vcombine.low v30, v38;
	v30 =	vor.u32 s26, v3;
	v8 =	vld.idx.msk [tilespmem:v8+s2+$0x0], $0xffff;
	[tilespmem:$0x1F560] =	vst v1  }
0x206: {  	v24 =	vmov v3;
	v3 =	vld [tilespmem:$0x1F9D0];
	[tilespmem:v50+s14+$0x0] =	vst.idx.msk $0xffff, v28;
	v28 =	vor.u32 v1, v29;
	v1 =	vadd.s32 $0x1F, v34  }
0x207: {  	[tilespmem:$0x1F570] =	vst v1;
	v15 =	vor.u32 v1, v29;
	v1 =	vld [tilespmem:$0x1F990]  }
0x208: {  	v4 =	vld [tilespmem:$0x1F9E0];
	[tilespmem:v51+s14+$0x0] =	vst.idx.msk $0xffff, v13  }
0x209: {  	v27 =	vmov v2;
	v2 =	vld [tilespmem:$0x1F9C0];
	[tilespmem:v53+s14+$0x0] =	vst.idx.msk $0xffff, v26  }
0x20a: {  	v0 =	vor.u32 v54, v29;
	v13 =	vld [tilespmem:$0x1FA20];
	[tilespmem:v30+s14+$0x0] =	vst.idx.msk $0xffff, v8  }
0x20b: {  	v30 =	vld.idx.msk [tilespmem:v55+s2+$0x0], $0xffff  }
0x20c: {  	v20 =	vmov v1;
	v25 =	vor.u32 s26, v1;
	v1 =	vld [tilespmem:$0x1F9A0]  }
0x20d: {  	v55 =	vld [tilespmem:$0x1FDA0]  }
0x20e: {  	v8 =	vld [tilespmem:$0x1FA10]  }
0x20f: {  	v0 =	vld.idx.msk [tilespmem:v0+s2+$0x0], $0xffff  }
0x210: {  	v28 =	vld.idx.msk [tilespmem:v28+s2+$0x0], $0xffff  }
0x211: {  	v35 =	vor.u32 s26, v39;
	v33 =	vmov v1;
	v58 =	vor.u32 s26, v1;
	v1 =	vld [tilespmem:$0x1F9B0]  }
0x212: {  	v31 =	vld.idx.msk [tilespmem:v15+s2+$0x0], $0xffff;
	v14 =	vadd.s32 $0xF80, v55  }
0x213: {  	v15 =	vld [tilespmem:$0x1FC20];
	[tilespmem:$0x1F580] =	vst v14;
	v59 =	vor.u32 s26, v14;
	v14 =	vor.u32 $0x20, v62  }
0x214: {  	[tilespmem:$0x1F590] =	vst v14;
	v60 =	vor.u32 v14, v29;
	v14 =	vld [tilespmem:$0x1FA30]  }
0x215: {  	v37 =	vsel vm0, v57, v6;
	v36 =	vsel vm0, v4, v3;
	v32 =	vsel vm0, v13, v8  }
0x216: {  	v51 =	vmov v39;
	v61 =	vcombine.low v32, v37;
	[tilespmem:v35+s14+$0x0] =	vst.idx.msk $0xffff, v30;
	v39 =	vsel vm0, v2, v1  }
0x217: {  	[tilespmem:v25+s14+$0x0] =	vst.idx.msk $0xffff, v0;
	v26 =	vcombine.low v36, v39  }
0x218: {  	v63 =	vsel vm0, v42, v17;
	v42 =	vsel vm0, v17, v42;
	[tilespmem:$0x1F5B0] =	vst v61  }
0x219: {  	v21 =	vmov v45;
	v17 =	vld [tilespmem:$0x1FC80];
	v45 =	vsel vm0, v15, v14;
	[tilespmem:v58+s14+$0x0] =	vst.idx.msk $0xffff, v28;
	v30 =	vor.u32 v26, v29  }
0x21a: {  	v38 =	vsel vm0, v3, v4;
	v3 =	vld [tilespmem:$0x1FA40];
	v0 =	vor.u32 v61, v29;
	[tilespmem:$0x1F5A0] =	vst v26;
	v26 =	vcombine.low v63, v45  }
0x21b: {  	v4 =	vld [tilespmem:$0x1FC50];
	v43 =	vsel vm0, v8, v13;
	[tilespmem:v59+s14+$0x0] =	vst.idx.msk $0xffff, v31  }
0x21c: {  	v8 =	vld [tilespmem:$0x1FC60];
	v61 =	vsel vm0, v1, v2;
	[tilespmem:$0x1F5C0] =	vst v26;
	v28 =	vor.u32 v26, v29;
	v26 =	vor.u32 $0x1000, v40  }
0x21d: {  	v2 =	vcombine.low v38, v61;
	v50 =	vld.idx.msk [tilespmem:v60+s2+$0x0], $0xffff;
	v25 =	vor.u32 s26, v26  }
0x21e: {  	[tilespmem:$0x1F530] =	vst v44;
	v44 =	vor.u32 s26, v41;
	v59 =	vsel vm0, v14, v15;
	v30 =	vld.idx.msk [tilespmem:v30+s2+$0x0], $0xffff  }
0x21f: {  	v31 =	vor.u32 s26, v3;
	v0 =	vld.idx.msk [tilespmem:v0+s2+$0x0], $0xffff;
	[tilespmem:$0x1F5F0] =	vst v2;
	v14 =	vor.u32 v2, v29;
	v2 =	vcombine.low v42, v59  }
0x220: {  	v13 =	vld [tilespmem:$0x1FC70]  }
0x221: {  	v19 =	vmov v52;
	v52 =	vld [tilespmem:$0x1FA50];
	[tilespmem:$0x1F610] =	vst v2  }
0x222: {  	v28 =	vld.idx.msk [tilespmem:v28+s2+$0x0], $0xffff;
	[tilespmem:v25+s14+$0x0] =	vst.idx.msk $0xffff, v50  }
0x223: {  	[tilespmem:v44+s14+$0x0] =	vst.idx.msk $0xffff, v30  }
0x224: {  	[tilespmem:v31+s14+$0x0] =	vst.idx.msk $0xffff, v0;
	v0 =	vor.u32 v2, v29;
	v2 =	vld [tilespmem:$0x1FA60]  }
0x225: {  	v46 =	vsel vm0, v8, v4;
	v60 =	vsel vm0, v17, v13  }
0x226: {  	v40 =	vcombine.low v60, v46  }
0x227: {  	[tilespmem:$0x1F5D0] =	vst v26;
	v26 =	vor.u32 s26, v52  }
0x228: {  	[tilespmem:$0x1F550] =	vst v54;
	v54 =	vor.u32 v40, v29  }
0x229: {  	v35 =	vmov v5;
	v53 =	vmov v2;
	v5 =	vor.u32 s26, v2;
	v2 =	vld [tilespmem:$0x1FA70];
	_ =	sdelay $0x1  }
0x22a: {  	v58 =	vsel vm0, v6, v57  }
0x22b: {  	v57 =	vcombine.low v43, v58;
	[tilespmem:v26+s14+$0x0] =	vst.idx.msk $0xffff, v28  }
0x22c: {  	v28 =	vld.idx.msk [tilespmem:v54+s2+$0x0], $0xffff  }
0x22d: {  	v30 =	vor.u32 v57, v29;
	v54 =	vmov v2;
	v6 =	vor.u32 s26, v2;
	v2 =	vld [tilespmem:$0x1FA80];
	_ =	sdelay $0x1  }
0x22e: {  	[tilespmem:$0x1F500] =	vst v7;
	v1 =	vcombine.low v39, v36;
	v36 =	vld [tilespmem:$0x1FB00]  }
0x22f: {  	[tilespmem:$0x1F600] =	vst v57;
	v7 =	vld.idx.msk [tilespmem:v14+s2+$0x0], $0xffff  }
0x230: {  	v15 =	vld [tilespmem:$0x1FD30];
	[tilespmem:$0x1F630] =	vst v1  }
0x231: {  	[tilespmem:$0x1F5E0] =	vst v40;
	v30 =	vld.idx.msk [tilespmem:v30+s2+$0x0], $0xffff;
	v59 =	vor.u32 s26, v2  }
0x232: {  	v40 =	vsel vm0, v13, v17;
	v50 =	vmovc v3;
	v3 =	vsel vm0, v4, v8;
	v57 =	vor.u32 s26, v56;
	v0 =	vld.idx.msk [tilespmem:v0+s2+$0x0], $0xffff  }
0x233: {  	v17 =	vld [tilespmem:$0x1FD40];
	[tilespmem:v5+s14+$0x0] =	vst.idx.msk $0xffff, v28;
	v25 =	vmov v2;
	v2 =	vcombine.low v3, v40  }
0x234: {  	v4 =	vld [tilespmem:$0x1FCC0];
	[tilespmem:v6+s14+$0x0] =	vst.idx.msk $0xffff, v7  }
0x235: {  	v42 =	vmov v56;
	v56 =	vld [tilespmem:$0x1FA90];
	[tilespmem:$0x1F620] =	vst v2  }
0x236: {  	v5 =	vld [tilespmem:$0x1FCD0];
	v3 =	vcombine.low v37, v32;
	v8 =	vor.u32 v2, v29;
	[tilespmem:v59+s14+$0x0] =	vst.idx.msk $0xffff, v30  }
0x237: {  	v40 =	vor.u32 v1, v29;
	v2 =	vcombine.low v45, v63;
	[tilespmem:v57+s14+$0x0] =	vst.idx.msk $0xffff, v0;
	v57 =	vld [tilespmem:$0x1FAB0]  }
0x238: {  	v1 =	vld [tilespmem:$0x1FAC0];
	[tilespmem:$0x1F640] =	vst v3;
	v28 =	vor.u32 v3, v29;
	v3 =	vcombine.low v46, v60  }
0x239: {  	v32 =	vld [tilespmem:$0x1FAE0];
	v30 =	vor.u32 v2, v29  }
0x23a: {  	[tilespmem:$0x1F660] =	vst v3;
	v59 =	vcombine.low v61, v38;
	v61 =	vor.u32 v3, v29;
	v3 =	vld [tilespmem:$0x1FB20]  }
0x23b: {  	v44 =	vor.u32 s26, v56;
	v0 =	vld.idx.msk [tilespmem:v8+s2+$0x0], $0xffff  }
0x23c: {  	v8 =	vld.idx.msk [tilespmem:v40+s2+$0x0], $0xffff;
	v45 =	vor.u32 s26, v57  }
0x23d: {  	[tilespmem:$0x1F650] =	vst v2;
	v31 =	vmovc v1;
	v46 =	vor.u32 s26, v1;
	v2 =	vcombine.low v58, v43;
	v1 =	vadd.s32 $0x2F, v34;
	v28 =	vld.idx.msk [tilespmem:v28+s2+$0x0], $0xffff  }
0x23e: {  	v60 =	vor.u32 s26, v32;
	[tilespmem:$0x1F690] =	vst v1;
	v30 =	vld.idx.msk [tilespmem:v30+s2+$0x0], $0xffff  }
0x23f: {  	v7 =	vld [tilespmem:$0x1FCF0];
	[tilespmem:$0x1F680] =	vst v2  }
0x240: {  	v6 =	vld [tilespmem:$0x1FCE0];
	[tilespmem:v44+s14+$0x0] =	vst.idx.msk $0xffff, v0;
	v0 =	vor.u32 v59, v29  }
0x241: {  	v2 =	vor.u32 v2, v29;
	v34 =	vmov v3;
	v38 =	vor.u32 s26, v3;
	v3 =	vld [tilespmem:$0x1FCB0];
	[tilespmem:v45+s14+$0x0] =	vst.idx.msk $0xffff, v8  }
0x242: {  	v8 =	vld [tilespmem:$0x1FD00];
	[tilespmem:v46+s14+$0x0] =	vst.idx.msk $0xffff, v28  }
0x243: {  	v28 =	vor.u32 v1, v29;
	v1 =	vld [tilespmem:$0x1FB30];
	[tilespmem:v60+s14+$0x0] =	vst.idx.msk $0xffff, v30  }
0x244: {  	v30 =	vld.idx.msk [tilespmem:v61+s2+$0x0], $0xffff  }
0x245: {  	v0 =	vld.idx.msk [tilespmem:v0+s2+$0x0], $0xffff  }
0x246: {  	v39 =	vld.idx.msk [tilespmem:v2+s2+$0x0], $0xffff  }
0x247: {  	v13 =	vadd.s32 $0x1780, v55;
	v37 =	vor.u32 s26, v36;
	v2 =	vld [tilespmem:$0x1FCA0]  }
0x248: {  	[tilespmem:$0x1F6A0] =	vst v13;
	v60 =	vor.u32 s26, v13;
	v13 =	vor.u32 $0x30, v62;
	v40 =	vmovc v1;
	v43 =	vor.u32 s26, v1;
	v1 =	vld [tilespmem:$0x1FC90]  }
0x249: {  	v63 =	vsel vm0, v6, v5;
	[tilespmem:$0x1F6B0] =	vst v13;
	v61 =	vor.u32 v13, v29;
	v13 =	vld [tilespmem:$0x1FD10];
	v14 =	vsel vm0, v8, v7  }
0x24a: {  	[tilespmem:$0x1F760] =	vst v14;
	v62 =	vcombine.low v14, v63;
	v14 =	vld [tilespmem:$0x1FD20];
	_ =	sdelay $0x1  }
0x24b: {  	[tilespmem:$0x1F770] =	vst v63;
	v26 =	vsel vm0, v4, v3  }
0x24c: {  	[tilespmem:$0x1F740] =	vst v26;
	v55 =	vsel vm0, v2, v1  }
0x24d: {  	v28 =	vld.idx.msk [tilespmem:v28+s2+$0x0], $0xffff;
	[tilespmem:v37+s14+$0x0] =	vst.idx.msk $0xffff, v30;
	v26 =	vcombine.low v26, v55  }
0x24e: {  	v58 =	vsel vm0, v17, v15;
	[tilespmem:v38+s14+$0x0] =	vst.idx.msk $0xffff, v0;
	v63 =	vsel vm0, v14, v13  }
0x24f: {  	[tilespmem:$0x1F6C0] =	vst v26;
	v30 =	vor.u32 v26, v29;
	v26 =	vcombine.low v58, v63  }
0x250: {  	[tilespmem:v43+s14+$0x0] =	vst.idx.msk $0xffff, v39  }
0x251: {  	[tilespmem:$0x1F6E0] =	vst v26;
	v43 =	vor.u32 v26, v29;
	v26 =	vld [tilespmem:$0x1FEE0];
	_ =	sdelay $0x3  }
0x252: {  	[tilespmem:v60+s14+$0x0] =	vst.idx.msk $0xffff, v28;
	v28 =	vsel vm0, v3, v4;
	v3 =	vld [tilespmem:$0x1FD50]  }
0x253: {  	v4 =	vld [tilespmem:$0x1FD60];
	v26 =	vor.u32 $0x1800, v26  }
0x254: {  	v0 =	vor.u32 v62, v29;
	[tilespmem:$0x1F6F0] =	vst v26;
	v45 =	vor.u32 s26, v26;
	v26 =	vsel vm0, v7, v8;
	v7 =	vld [tilespmem:$0x1FD70]  }
0x255: {  	v8 =	vld [tilespmem:$0x1FD80]  }
0x256: {  	[tilespmem:$0x1F750] =	vst v55;
	v55 =	vld [tilespmem:$0x1FB40]  }
0x257: {  	[tilespmem:$0x1F790] =	vst v58;
	v37 =	vld [tilespmem:$0x1FB50]  }
0x258: {  	[tilespmem:$0x1F6D0] =	vst v62;
	v62 =	vld.idx.msk [tilespmem:v61+s2+$0x0], $0xffff  }
0x259: {  	[tilespmem:$0x1F670] =	vst v59;
	v38 =	vsel vm0, v15, v17;
	v1 =	vsel vm0, v1, v2;
	v59 =	vld.idx.msk [tilespmem:v0+s2+$0x0], $0xffff  }
0x25a: {  	[tilespmem:$0x1F810] =	vst v1;
	v17 =	vsel vm0, v4, v3;
	v61 =	vld.idx.msk [tilespmem:v30+s2+$0x0], $0xffff;
	v30 =	vsel vm0, v8, v7  }
0x25b: {  	v1 =	vcombine.low v28, v1;
	v60 =	vor.u32 s26, v55;
	[tilespmem:$0x1F7E0] =	vst v17;
	v0 =	vcombine.low v30, v17;
	v17 =	vld [tilespmem:$0x1FB60]  }
0x25c: {  	[tilespmem:$0x1F800] =	vst v28  }
0x25d: {  	[tilespmem:$0x1F710] =	vst v1  }
0x25e: {  	v6 =	vsel vm0, v5, v6;
	v58 =	vor.u32 s26, v37;
	v43 =	vld.idx.msk [tilespmem:v43+s2+$0x0], $0xffff;
	[tilespmem:v45+s14+$0x0] =	vst.idx.msk $0xffff, v62  }
0x25f: {  	v2 =	vcombine.low v26, v6;
	[tilespmem:$0x1F7F0] =	vst v30  }
0x260: {  	[tilespmem:v60+s14+$0x0] =	vst.idx.msk $0xffff, v61;
	v30 =	vor.u32 s26, v17  }
0x261: {  	v60 =	vor.u32 v2, v29;
	[tilespmem:$0x1F700] =	vst v0;
	v28 =	vor.u32 v0, v29;
	v0 =	vsel vm0, v13, v14  }
0x262: {  	[tilespmem:$0x1F720] =	vst v2;
	v39 =	vcombine.low v38, v0;
	v0 =	vor.u32 v1, v29;
	v1 =	vld [tilespmem:$0x1FFF0]  }
0x263: {  	[tilespmem:v58+s14+$0x0] =	vst.idx.msk $0xffff, v59;
	v38 =	vld [tilespmem:$0x1FB70]  }
0x264: {  	v2 =	vld [tilespmem:$0x1F750];
	[tilespmem:$0x1F730] =	vst v39  }
0x265: {  	v59 =	vor.u32 v39, v29;
	v39 =	vld [tilespmem:$0x1FB90];
	[tilespmem:v30+s14+$0x0] =	vst.idx.msk $0xffff, v43  }
0x266: {  	v43 =	vsel vm0, v7, v8;
	v7 =	vld.idx.msk [tilespmem:v60+s2+$0x0], $0xffff  }
0x267: {  	v58 =	vor.u32 s26, v1;
	v60 =	vmov v1;
	v1 =	vld [tilespmem:$0x1F740]  }
0x268: {  	[tilespmem:$0x1F7A0] =	vst v63;
	v63 =	vor.u32 s26, v38;
	v5 =	vld.idx.msk [tilespmem:v28+s2+$0x0], $0xffff  }
0x269: {  	v45 =	vsel vm0, v3, v4;
	v14 =	vor.u32 s26, v47;
	v13 =	vld.idx.msk [tilespmem:v0+s2+$0x0], $0xffff  }
0x26a: {  	v3 =	vld [tilespmem:$0x1F760];
	v0 =	vcombine.low v45, v43  }
0x26b: {  	v43 =	vld [tilespmem:$0x1F770]  }
0x26c: {  	v30 =	vor.u32 s26, v39;
	[tilespmem:$0x1F780] =	vst v0;
	v1 =	vcombine.low v2, v1;
	v2 =	vld.idx.msk [tilespmem:v59+s2+$0x0], $0xffff  }
0x26d: {  	v0 =	vor.u32 v0, v29;
	[tilespmem:v63+s14+$0x0] =	vst.idx.msk $0xffff, v5  }
0x26e: {  	[tilespmem:v14+s14+$0x0] =	vst.idx.msk $0xffff, v13  }
0x26f: {  	[tilespmem:$0x1F7B0] =	vst v1  }
0x270: {  	v3 =	vcombine.low v43, v3;
	[tilespmem:v58+s14+$0x0] =	vst.idx.msk $0xffff, v7  }
0x271: {  	v46 =	vor.u32 v1, v29;
	v1 =	vld [tilespmem:$0x1F7F0];
	[tilespmem:v30+s14+$0x0] =	vst.idx.msk $0xffff, v2  }
0x272: {  	[tilespmem:$0x1F7C0] =	vst v3;
	v28 =	vor.u32 v3, v29;
	v3 =	vld.idx.msk [tilespmem:v0+s2+$0x0], $0xffff  }
0x273: {  	v0 =	vld [tilespmem:$0x1F7E0]  }
0x274: {  	v44 =	vld [tilespmem:$0x1F790]  }
0x275: {  	v45 =	vld [tilespmem:$0x1F7A0];
	_ =	sdelay $0x1  }
0x276: {  	v2 =	vld [tilespmem:$0x1F810]  }
0x277: {  	v0 =	vcombine.low v0, v1;
	v1 =	vld [tilespmem:$0x1F800]  }
0x278: {  	[tilespmem:$0x1F820] =	vst v26;
	v26 =	vld [tilespmem:$0x1FBE0]  }
0x279: {  	v4 =	vcombine.low v45, v44;
	v43 =	vld [tilespmem:$0x1FBB0]  }
0x27a: {  	v44 =	vld [tilespmem:$0x1FBC0]  }
0x27b: {  	v45 =	vld [tilespmem:$0x1FBD0];
	v13 =	vor.u32 v4, v29  }
0x27c: {  	v1 =	vcombine.low v2, v1;
	v2 =	vld [tilespmem:$0x1F820];
	_ =	sdelay $0x1  }
0x27d: {  	v58 =	vor.u32 s26, v43;
	v59 =	vld.idx.msk [tilespmem:v46+s2+$0x0], $0xffff  }
0x27e: {  	v8 =	vor.u32 s26, v44;
	v7 =	vld.idx.msk [tilespmem:v28+s2+$0x0], $0xffff  }
0x27f: {  	v28 =	vor.u32 s26, v45;
	v13 =	vld.idx.msk [tilespmem:v13+s2+$0x0], $0xffff  }
0x280: {  	v14 =	vor.u32 s26, v26;
	v61 =	vmovc v1;
	v63 =	vcombine.low v6, v2;
	v2 =	vor.u32 v1, v29;
	v1 =	vld [tilespmem:$0x1FD90]  }
0x281: {  	v46 =	vld [tilespmem:$0x1FBF0];
	v62 =	vmov v0;
	v0 =	vor.u32 v0, v29  }
0x282: {  	[tilespmem:v58+s14+$0x0] =	vst.idx.msk $0xffff, v3;
	v58 =	vld [tilespmem:$0x1FC00]  }
0x283: {  	[tilespmem:v8+s14+$0x0] =	vst.idx.msk $0xffff, v59  }
0x284: {  	[tilespmem:v28+s14+$0x0] =	vst.idx.msk $0xffff, v7  }
0x285: {  	[tilespmem:v14+s14+$0x0] =	vst.idx.msk $0xffff, v13;
	v3 =	vor.u32 v63, v29;
	v28 =	vadd.s32 $0x3F, v1  }
0x286: {  	[tilespmem:$0x1F7D0] =	vst v4;
	v4 =	vor.u32 s26, v46;
	v1 =	vld.idx.msk [tilespmem:v0+s2+$0x0], $0xffff;
	v30 =	vor.u32 v28, v29  }
0x287: {  	v0 =	vor.u32 s26, v58;
	v29 =	vld.idx.msk [tilespmem:v2+s2+$0x0], $0xffff  }
0x288: {  	v59 =	vld [tilespmem:$0x1FC10];
	_ =	sdelay $0x1  }
0x289: {  	v2 =	vld.idx.msk [tilespmem:v3+s2+$0x0], $0xffff  }
0x28a: {  	v30 =	vld.idx.msk [tilespmem:v30+s2+$0x0], $0xffff;
	[tilespmem:v4+s14+$0x0] =	vst.idx.msk $0xffff, v1  }
0x28b: {  	[tilespmem:v0+s14+$0x0] =	vst.idx.msk $0xffff, v29;
	v0 =	vld [tilespmem:$0x1FDA0]  }
0x28c: {  	v3 =	vor.u32 s26, v59;
	_ =	sdelay $0x3  }
0x28d: {  	s24 =	sshll.u32 s22, $0x8;
	v29 =	vadd.s32 $0x1F80, v0  }
0x28e: {  	s25 =	simm.s32 $0x10;
	s24 =	sor.u32 s3, s24;
	v15 =	vmov v47;
	[tilespmem:v3+s14+$0x0] =	vst.idx.msk $0xffff, v2;
	v0 =	vor.u32 s26, v29  }
.LBB2_3:
0x28f: {  	_ =	sdelay $0x3  }
0x290: {  	s23 =	sadd.s32 $0x10, s23;
	[tilespmem:v0+s14+$0x0] =	vst.idx.msk $0xffff, v30  }
0x291: {  	v0 =	vld [tilespmem:s23+$0x0];
	_ =	sdelay $0x4  }
0x292: {  	v6 =	vld [tilespmem:$0x1F840];
	v30 =	vshll.u32 v0, $0x6;
	v0 =	vlaneseq.u32  }
0x293: {  	v4 =	vld [tilespmem:$0x1FEE0];
	v0 =	vor.u32 v0, v30  }
0x294: {  	v1 =	vor.u32 v9, v30;
	_ =	sdelay $0x1  }
0x295: {  	s26 =	smov.u32 s25;
	v2 =	vor.u32 v10, v30  }
0x296: {  	v7 =	vor.u32 s26, v6;
	v6 =	vld [tilespmem:$0x1F850];
	v3 =	vor.u32 v11, v30  }
0x297: {  	v4 =	vor.u32 s26, v4;
	v0 =	vld.idx.msk [tilespmem:v0+s2+$0x0], $0xffff  }
0x298: {  	v5 =	vor.u32 s26, v48;
	v1 =	vld.idx.msk [tilespmem:v1+s2+$0x0], $0xffff  }
0x299: {  	v8 =	vld [tilespmem:$0x1F860]  }
0x29a: {  	v2 =	vld.idx.msk [tilespmem:v2+s2+$0x0], $0xffff  }
0x29b: {  	v3 =	vld.idx.msk [tilespmem:v3+s2+$0x0], $0xffff  }
0x29c: {  	[tilespmem:v4+s14+$0x0] =	vst.idx.msk $0xffff, v0;
	v0 =	vld [tilespmem:$0x1FF40]  }
0x29d: {  	v6 =	vor.u32 s26, v6;
	[tilespmem:v5+s14+$0x0] =	vst.idx.msk $0xffff, v1;
	v1 =	vld [tilespmem:$0x1FF10];
	_ =	sdelay $0x1  }
0x29e: {  	[tilespmem:v7+s14+$0x0] =	vst.idx.msk $0xffff, v2;
	v2 =	vld [tilespmem:$0x1FF80]  }
0x29f: {  	v8 =	vor.u32 v8, v30;
	v4 =	vld [tilespmem:$0x1FFA0]  }
0x2a0: {  	v5 =	vld [tilespmem:$0x1FFB0];
	v0 =	vor.u32 v0, v30  }
0x2a1: {  	[tilespmem:v6+s14+$0x0] =	vst.idx.msk $0xffff, v3;
	v6 =	vld [tilespmem:$0x1FAA0];
	v1 =	vor.u32 v1, v30;
	_ =	sdelay $0x1  }
0x2a2: {  	v7 =	vld [tilespmem:$0x1FF50];
	v2 =	vor.u32 v2, v30  }
0x2a3: {  	v3 =	vld.idx.msk [tilespmem:v8+s2+$0x0], $0xffff;
	v4 =	vor.u32 s26, v4  }
0x2a4: {  	v5 =	vor.u32 s26, v5;
	v0 =	vld.idx.msk [tilespmem:v0+s2+$0x0], $0xffff  }
0x2a5: {  	v6 =	vor.u32 s26, v6;
	v1 =	vld.idx.msk [tilespmem:v1+s2+$0x0], $0xffff  }
0x2a6: {  	v8 =	vld [tilespmem:$0x1FF70]  }
0x2a7: {  	v2 =	vld.idx.msk [tilespmem:v2+s2+$0x0], $0xffff  }
0x2a8: {  	[tilespmem:v4+s14+$0x0] =	vst.idx.msk $0xffff, v3;
	v3 =	vld [tilespmem:$0x1FF90]  }
0x2a9: {  	[tilespmem:v5+s14+$0x0] =	vst.idx.msk $0xffff, v0;
	v0 =	vld [tilespmem:$0x1FBA0]  }
0x2aa: {  	v7 =	vor.u32 s26, v7;
	[tilespmem:v6+s14+$0x0] =	vst.idx.msk $0xffff, v1;
	v1 =	vld [tilespmem:$0x1FF20]  }
0x2ab: {  	v8 =	vor.u32 v8, v30;
	v4 =	vld [tilespmem:$0x1FF30];
	_ =	sdelay $0x1  }
0x2ac: {  	v5 =	vld [tilespmem:$0x1FF60];
	v3 =	vor.u32 v3, v30  }
0x2ad: {  	v6 =	vld [tilespmem:$0x1FFC0];
	v0 =	vor.u32 v0, v30  }
0x2ae: {  	[tilespmem:v7+s14+$0x0] =	vst.idx.msk $0xffff, v2;
	v7 =	vld [tilespmem:$0x1FFE0];
	v1 =	vor.u32 v1, v30  }
0x2af: {  	v4 =	vor.u32 s26, v4;
	v2 =	vld.idx.msk [tilespmem:v8+s2+$0x0], $0xffff  }
0x2b0: {  	v8 =	vld [tilespmem:$0x1FB80]  }
0x2b1: {  	v5 =	vor.u32 s26, v5;
	v3 =	vld.idx.msk [tilespmem:v3+s2+$0x0], $0xffff  }
0x2b2: {  	v6 =	vor.u32 s26, v6;
	v0 =	vld.idx.msk [tilespmem:v0+s2+$0x0], $0xffff  }
0x2b3: {  	v1 =	vld.idx.msk [tilespmem:v1+s2+$0x0], $0xffff  }
0x2b4: {  	[tilespmem:v4+s14+$0x0] =	vst.idx.msk $0xffff, v2;
	v2 =	vld [tilespmem:$0x1FFD0];
	_ =	sdelay $0x1  }
0x2b5: {  	[tilespmem:v5+s14+$0x0] =	vst.idx.msk $0xffff, v3;
	v3 =	vld [tilespmem:$0x1FE70]  }
0x2b6: {  	v7 =	vor.u32 s26, v7;
	[tilespmem:v6+s14+$0x0] =	vst.idx.msk $0xffff, v0;
	v0 =	vld [tilespmem:$0x1FED0]  }
0x2b7: {  	v8 =	vor.u32 v8, v30;
	v4 =	vld [tilespmem:$0x1F870]  }
0x2b8: {  	v5 =	vld [tilespmem:$0x1F880];
	v2 =	vor.u32 v2, v30;
	_ =	sdelay $0x1  }
0x2b9: {  	v6 =	vld [tilespmem:$0x1F890];
	v3 =	vor.u32 v3, v30  }
0x2ba: {  	[tilespmem:v7+s14+$0x0] =	vst.idx.msk $0xffff, v1;
	v7 =	vld [tilespmem:$0x1FEB0];
	v0 =	vor.u32 v0, v30  }
0x2bb: {  	v4 =	vor.u32 s26, v4;
	v1 =	vld.idx.msk [tilespmem:v8+s2+$0x0], $0xffff  }
0x2bc: {  	v5 =	vor.u32 s26, v5;
	v2 =	vld.idx.msk [tilespmem:v2+s2+$0x0], $0xffff  }
0x2bd: {  	v8 =	vld [tilespmem:$0x1FEC0]  }
0x2be: {  	v6 =	vor.u32 s26, v6;
	v3 =	vld.idx.msk [tilespmem:v3+s2+$0x0], $0xffff  }
0x2bf: {  	v0 =	vld.idx.msk [tilespmem:v0+s2+$0x0], $0xffff  }
0x2c0: {  	[tilespmem:v4+s14+$0x0] =	vst.idx.msk $0xffff, v1;
	v1 =	vld [tilespmem:$0x1FF00]  }
0x2c1: {  	[tilespmem:v5+s14+$0x0] =	vst.idx.msk $0xffff, v2;
	v2 =	vld [tilespmem:$0x1FEF0];
	_ =	sdelay $0x1  }
0x2c2: {  	v7 =	vor.u32 s26, v7;
	[tilespmem:v6+s14+$0x0] =	vst.idx.msk $0xffff, v3;
	v3 =	vld [tilespmem:$0x1F4A0]  }
0x2c3: {  	v8 =	vor.u32 v8, v30;
	v5 =	vld [tilespmem:$0x1F4B0]  }
0x2c4: {  	v1 =	vor.u32 v1, v30  }
0x2c5: {  	v2 =	vor.u32 v2, v30;
	_ =	sdelay $0x1  }
0x2c6: {  	[tilespmem:v7+s14+$0x0] =	vst.idx.msk $0xffff, v0;
	v3 =	vor.u32 v3, v30  }
0x2c7: {  	v4 =	vld.idx.msk [tilespmem:v8+s2+$0x0], $0xffff;
	v5 =	vor.u32 s26, v5  }
0x2c8: {  	v6 =	vor.u32 s26, v12;
	v1 =	vld.idx.msk [tilespmem:v1+s2+$0x0], $0xffff  }
0x2c9: {  	v7 =	vor.u32 s26, v16;
	v2 =	vld.idx.msk [tilespmem:v2+s2+$0x0], $0xffff  }
0x2ca: {  	v13 =	vmov v9;
	v9 =	vld [tilespmem:$0x1F4C0]  }
0x2cb: {  	v3 =	vld.idx.msk [tilespmem:v3+s2+$0x0], $0xffff  }
0x2cc: {  	[tilespmem:v5+s14+$0x0] =	vst.idx.msk $0xffff, v4;
	v4 =	vld [tilespmem:$0x1F4D0]  }
0x2cd: {  	[tilespmem:v6+s14+$0x0] =	vst.idx.msk $0xffff, v1;
	v1 =	vld [tilespmem:$0x1F4E0]  }
0x2ce: {  	v8 =	vor.u32 s26, v35;
	[tilespmem:v7+s14+$0x0] =	vst.idx.msk $0xffff, v2;
	v2 =	vld [tilespmem:$0x1F4F0]  }
0x2cf: {  	v9 =	vor.u32 v9, v30;
	_ =	sdelay $0x1  }
0x2d0: {  	v4 =	vor.u32 v4, v30  }
0x2d1: {  	v1 =	vor.u32 v1, v30  }
0x2d2: {  	[tilespmem:v8+s14+$0x0] =	vst.idx.msk $0xffff, v3;
	v2 =	vor.u32 v2, v30  }
0x2d3: {  	v5 =	vor.u32 s26, v22;
	v3 =	vld.idx.msk [tilespmem:v9+s2+$0x0], $0xffff  }
0x2d4: {  	v9 =	vld [tilespmem:$0x1F500]  }
0x2d5: {  	v4 =	vld.idx.msk [tilespmem:v4+s2+$0x0], $0xffff  }
0x2d6: {  	v1 =	vld.idx.msk [tilespmem:v1+s2+$0x0], $0xffff  }
0x2d7: {  	v6 =	vor.u32 s26, v27;
	v2 =	vld.idx.msk [tilespmem:v2+s2+$0x0], $0xffff  }
0x2d8: {  	[tilespmem:v5+s14+$0x0] =	vst.idx.msk $0xffff, v3;
	v3 =	vld [tilespmem:$0x1F510];
	_ =	sdelay $0x1  }
0x2d9: {  	v7 =	vor.u32 s26, v18  }
0x2da: {  	v0 =	vld [tilespmem:$0x1F530];
	v8 =	vor.u32 s26, v23  }
0x2db: {  	v9 =	vor.u32 v9, v30;
	[tilespmem:v6+s14+$0x0] =	vst.idx.msk $0xffff, v4;
	v4 =	vld [tilespmem:$0x1F520]  }
0x2dc: {  	v3 =	vor.u32 v3, v30;
	_ =	sdelay $0x1  }
0x2dd: {  	[tilespmem:v7+s14+$0x0] =	vst.idx.msk $0xffff, v1  }
0x2de: {  	v0 =	vor.u32 v0, v30;
	[tilespmem:v8+s14+$0x0] =	vst.idx.msk $0xffff, v2  }
0x2df: {  	v4 =	vor.u32 v4, v30;
	v1 =	vld.idx.msk [tilespmem:v9+s2+$0x0], $0xffff  }
0x2e0: {  	v2 =	vld.idx.msk [tilespmem:v3+s2+$0x0], $0xffff;
	v3 =	vor.u32 s26, v49  }
0x2e1: {  	v5 =	vor.u32 s26, v21  }
0x2e2: {  	v8 =	vld [tilespmem:$0x1F540]  }
0x2e3: {  	v0 =	vld.idx.msk [tilespmem:v0+s2+$0x0], $0xffff  }
0x2e4: {  	v4 =	vld.idx.msk [tilespmem:v4+s2+$0x0], $0xffff  }
0x2e5: {  	[tilespmem:v3+s14+$0x0] =	vst.idx.msk $0xffff, v1;
	v1 =	vld [tilespmem:$0x1F550]  }
0x2e6: {  	v6 =	vor.u32 s26, v19;
	[tilespmem:v5+s14+$0x0] =	vst.idx.msk $0xffff, v2;
	v2 =	vld [tilespmem:$0x1F560]  }
0x2e7: {  	v7 =	vor.u32 s26, v24;
	v3 =	vld [tilespmem:$0x1F570]  }
0x2e8: {  	v8 =	vor.u32 v8, v30;
	_ =	sdelay $0x1  }
0x2e9: {  	v1 =	vor.u32 v1, v30  }
0x2ea: {  	[tilespmem:v6+s14+$0x0] =	vst.idx.msk $0xffff, v4;
	v2 =	vor.u32 v2, v30  }
0x2eb: {  	[tilespmem:v7+s14+$0x0] =	vst.idx.msk $0xffff, v0;
	v7 =	vld [tilespmem:$0x1F580];
	v3 =	vor.u32 v3, v30  }
0x2ec: {  	v4 =	vor.u32 s26, v51;
	v0 =	vld.idx.msk [tilespmem:v8+s2+$0x0], $0xffff  }
0x2ed: {  	v8 =	vld [tilespmem:$0x1F590]  }
0x2ee: {  	v5 =	vor.u32 s26, v20;
	v1 =	vld.idx.msk [tilespmem:v1+s2+$0x0], $0xffff  }
0x2ef: {  	v6 =	vor.u32 s26, v33;
	v2 =	vld.idx.msk [tilespmem:v2+s2+$0x0], $0xffff  }
0x2f0: {  	v3 =	vld.idx.msk [tilespmem:v3+s2+$0x0], $0xffff  }
0x2f1: {  	[tilespmem:v4+s14+$0x0] =	vst.idx.msk $0xffff, v0;
	v0 =	vld [tilespmem:$0x1F5A0];
	_ =	sdelay $0x1  }
0x2f2: {  	[tilespmem:v5+s14+$0x0] =	vst.idx.msk $0xffff, v1;
	v1 =	vld [tilespmem:$0x1F5B0]  }
0x2f3: {  	v7 =	vor.u32 s26, v7;
	[tilespmem:v6+s14+$0x0] =	vst.idx.msk $0xffff, v2;
	v2 =	vld [tilespmem:$0x1F5C0]  }
0x2f4: {  	v8 =	vor.u32 v8, v30;
	v5 =	vld [tilespmem:$0x1F5D0]  }
0x2f5: {  	v0 =	vor.u32 v0, v30;
	_ =	sdelay $0x1  }
0x2f6: {  	v1 =	vor.u32 v1, v30  }
0x2f7: {  	[tilespmem:v7+s14+$0x0] =	vst.idx.msk $0xffff, v3;
	v2 =	vor.u32 v2, v30  }
0x2f8: {  	v3 =	vld.idx.msk [tilespmem:v8+s2+$0x0], $0xffff;
	v5 =	vor.u32 s26, v5  }
0x2f9: {  	v6 =	vor.u32 s26, v41;
	v0 =	vld.idx.msk [tilespmem:v0+s2+$0x0], $0xffff  }
0x2fa: {  	v9 =	vld [tilespmem:$0x1F5E0]  }
0x2fb: {  	v1 =	vld.idx.msk [tilespmem:v1+s2+$0x0], $0xffff  }
0x2fc: {  	v7 =	vor.u32 s26, v50;
	v2 =	vld.idx.msk [tilespmem:v2+s2+$0x0], $0xffff  }
0x2fd: {  	[tilespmem:v5+s14+$0x0] =	vst.idx.msk $0xffff, v3;
	v3 =	vld [tilespmem:$0x1F5F0]  }
0x2fe: {  	[tilespmem:v6+s14+$0x0] =	vst.idx.msk $0xffff, v0;
	v0 =	vld [tilespmem:$0x1F600]  }
0x2ff: {  	v8 =	vor.u32 s26, v52  }
0x300: {  	v9 =	vor.u32 v9, v30  }
0x301: {  	[tilespmem:v7+s14+$0x0] =	vst.idx.msk $0xffff, v1;
	v1 =	vld [tilespmem:$0x1F610]  }
0x302: {  	v3 =	vor.u32 v3, v30  }
0x303: {  	v0 =	vor.u32 v0, v30  }
0x304: {  	[tilespmem:v8+s14+$0x0] =	vst.idx.msk $0xffff, v2  }
0x305: {  	v2 =	vld.idx.msk [tilespmem:v9+s2+$0x0], $0xffff  }
0x306: {  	v5 =	vor.u32 s26, v53;
	v9 =	vld [tilespmem:$0x1F620];
	v1 =	vor.u32 v1, v30  }
0x307: {  	v6 =	vor.u32 s26, v54;
	v3 =	vld.idx.msk [tilespmem:v3+s2+$0x0], $0xffff  }
0x308: {  	v7 =	vor.u32 s26, v25;
	v0 =	vld.idx.msk [tilespmem:v0+s2+$0x0], $0xffff  }
0x309: {  	v4 =	vld [tilespmem:$0x1F630];
	_ =	sdelay $0x1  }
0x30a: {  	v1 =	vld.idx.msk [tilespmem:v1+s2+$0x0], $0xffff;
	[tilespmem:v5+s14+$0x0] =	vst.idx.msk $0xffff, v2  }
0x30b: {  	v8 =	vor.u32 s26, v42;
	v2 =	vld [tilespmem:$0x1F640];
	[tilespmem:v6+s14+$0x0] =	vst.idx.msk $0xffff, v3  }
0x30c: {  	v9 =	vor.u32 v9, v30;
	[tilespmem:v7+s14+$0x0] =	vst.idx.msk $0xffff, v0;
	v0 =	vld [tilespmem:$0x1F650]  }
0x30d: {  	v4 =	vor.u32 v4, v30;
	_ =	sdelay $0x2  }
0x30e: {  	v2 =	vor.u32 v2, v30;
	[tilespmem:v8+s14+$0x0] =	vst.idx.msk $0xffff, v1  }
0x30f: {  	v1 =	vld.idx.msk [tilespmem:v9+s2+$0x0], $0xffff;
	v0 =	vor.u32 v0, v30  }
0x310: {  	v3 =	vld.idx.msk [tilespmem:v4+s2+$0x0], $0xffff;
	v4 =	vor.u32 s26, v56;
	_ =	sdelay $0x1  }
0x311: {  	v5 =	vor.u32 s26, v57;
	v8 =	vld [tilespmem:$0x1F660]  }
0x312: {  	v6 =	vor.u32 s26, v31;
	v2 =	vld.idx.msk [tilespmem:v2+s2+$0x0], $0xffff  }
0x313: {  	v0 =	vld.idx.msk [tilespmem:v0+s2+$0x0], $0xffff  }
0x314: {  	[tilespmem:v4+s14+$0x0] =	vst.idx.msk $0xffff, v1;
	v1 =	vld [tilespmem:$0x1F670];
	_ =	sdelay $0x1  }
0x315: {  	[tilespmem:v5+s14+$0x0] =	vst.idx.msk $0xffff, v3;
	v3 =	vld [tilespmem:$0x1F680]  }
0x316: {  	v7 =	vor.u32 s26, v32;
	[tilespmem:v6+s14+$0x0] =	vst.idx.msk $0xffff, v2;
	v2 =	vld [tilespmem:$0x1F690]  }
0x317: {  	v8 =	vor.u32 v8, v30  }
0x318: {  	v1 =	vor.u32 v1, v30;
	_ =	sdelay $0x1  }
0x319: {  	v3 =	vor.u32 v3, v30  }
0x31a: {  	[tilespmem:v7+s14+$0x0] =	vst.idx.msk $0xffff, v0;
	v7 =	vld [tilespmem:$0x1F6A0];
	v2 =	vor.u32 v2, v30  }
0x31b: {  	v4 =	vor.u32 s26, v36;
	v0 =	vld.idx.msk [tilespmem:v8+s2+$0x0], $0xffff  }
0x31c: {  	v5 =	vor.u32 s26, v34;
	v1 =	vld.idx.msk [tilespmem:v1+s2+$0x0], $0xffff  }
0x31d: {  	v8 =	vld [tilespmem:$0x1F6B0]  }
0x31e: {  	v6 =	vor.u32 s26, v40;
	v3 =	vld.idx.msk [tilespmem:v3+s2+$0x0], $0xffff  }
0x31f: {  	v2 =	vld.idx.msk [tilespmem:v2+s2+$0x0], $0xffff  }
0x320: {  	[tilespmem:v4+s14+$0x0] =	vst.idx.msk $0xffff, v0;
	v0 =	vld [tilespmem:$0x1F6C0]  }
0x321: {  	[tilespmem:v5+s14+$0x0] =	vst.idx.msk $0xffff, v1;
	v1 =	vld [tilespmem:$0x1F6D0];
	_ =	sdelay $0x1  }
0x322: {  	v7 =	vor.u32 s26, v7;
	[tilespmem:v6+s14+$0x0] =	vst.idx.msk $0xffff, v3;
	v3 =	vld [tilespmem:$0x1F6E0]  }
0x323: {  	v8 =	vor.u32 v8, v30;
	v6 =	vld [tilespmem:$0x1F6F0]  }
0x324: {  	v0 =	vor.u32 v0, v30  }
0x325: {  	v1 =	vor.u32 v1, v30;
	_ =	sdelay $0x1  }
0x326: {  	[tilespmem:v7+s14+$0x0] =	vst.idx.msk $0xffff, v2;
	v3 =	vor.u32 v3, v30  }
0x327: {  	v4 =	vld.idx.msk [tilespmem:v8+s2+$0x0], $0xffff;
	v6 =	vor.u32 s26, v6  }
0x328: {  	v7 =	vor.u32 s26, v55;
	v0 =	vld.idx.msk [tilespmem:v0+s2+$0x0], $0xffff  }
0x329: {  	v8 =	vor.u32 s26, v37;
	v1 =	vld.idx.msk [tilespmem:v1+s2+$0x0], $0xffff  }
0x32a: {  	v14 =	vmov v10;
	v10 =	vld [tilespmem:$0x1F700]  }
0x32b: {  	v3 =	vld.idx.msk [tilespmem:v3+s2+$0x0], $0xffff  }
0x32c: {  	[tilespmem:v6+s14+$0x0] =	vst.idx.msk $0xffff, v4;
	v4 =	vld [tilespmem:$0x1F710]  }
0x32d: {  	[tilespmem:v7+s14+$0x0] =	vst.idx.msk $0xffff, v0;
	v0 =	vld [tilespmem:$0x1F720]  }
0x32e: {  	v9 =	vor.u32 s26, v17;
	[tilespmem:v8+s14+$0x0] =	vst.idx.msk $0xffff, v1;
	v1 =	vld [tilespmem:$0x1F730]  }
0x32f: {  	v10 =	vor.u32 v10, v30;
	_ =	sdelay $0x1  }
0x330: {  	v4 =	vor.u32 v4, v30  }
0x331: {  	v0 =	vor.u32 v0, v30  }
0x332: {  	[tilespmem:v9+s14+$0x0] =	vst.idx.msk $0xffff, v3;
	v1 =	vor.u32 v1, v30  }
0x333: {  	v8 =	vor.u32 s26, v38;
	v6 =	vld.idx.msk [tilespmem:v10+s2+$0x0], $0xffff  }
0x334: {  	v12 =	vld [tilespmem:$0x1F780]  }
0x335: {  	v4 =	vld.idx.msk [tilespmem:v4+s2+$0x0], $0xffff  }
0x336: {  	v0 =	vld.idx.msk [tilespmem:v0+s2+$0x0], $0xffff  }
0x337: {  	v1 =	vld.idx.msk [tilespmem:v1+s2+$0x0], $0xffff  }
0x338: {  	[tilespmem:v8+s14+$0x0] =	vst.idx.msk $0xffff, v6;
	v6 =	vld [tilespmem:$0x1F7B0]  }
0x339: {  	v2 =	vld [tilespmem:$0x1F7C0];
	v9 =	vor.u32 s26, v15  }
0x33a: {  	v5 =	vld [tilespmem:$0x1F7D0];
	v10 =	vor.u32 s26, v60  }
0x33b: {  	v15 =	vmov v11;
	v11 =	vor.u32 s26, v39  }
0x33c: {  	v12 =	vor.u32 v12, v30  }
0x33d: {  	v6 =	vor.u32 v6, v30  }
0x33e: {  	v2 =	vor.u32 v2, v30;
	[tilespmem:v9+s14+$0x0] =	vst.idx.msk $0xffff, v4  }
0x33f: {  	v5 =	vor.u32 v5, v30;
	[tilespmem:v10+s14+$0x0] =	vst.idx.msk $0xffff, v0  }
0x340: {  	[tilespmem:v11+s14+$0x0] =	vst.idx.msk $0xffff, v1  }
0x341: {  	v4 =	vor.u32 s26, v43;
	v0 =	vld.idx.msk [tilespmem:v12+s2+$0x0], $0xffff  }
0x342: {  	v1 =	vld.idx.msk [tilespmem:v6+s2+$0x0], $0xffff;
	v6 =	vor.u32 s26, v44  }
0x343: {  	v8 =	vor.u32 s26, v45;
	v2 =	vld.idx.msk [tilespmem:v2+s2+$0x0], $0xffff  }
0x344: {  	v9 =	vor.u32 s26, v26;
	v5 =	vld.idx.msk [tilespmem:v5+s2+$0x0], $0xffff  }
0x345: {  	v10 =	vor.u32 v62, v30  }
0x346: {  	v3 =	vor.u32 v61, v30;
	[tilespmem:v4+s14+$0x0] =	vst.idx.msk $0xffff, v0  }
0x347: {  	[tilespmem:v6+s14+$0x0] =	vst.idx.msk $0xffff, v1  }
0x348: {  	v7 =	vor.u32 v63, v30;
	[tilespmem:v8+s14+$0x0] =	vst.idx.msk $0xffff, v2  }
0x349: {  	[tilespmem:v9+s14+$0x0] =	vst.idx.msk $0xffff, v5  }
0x34a: {  	v1 =	vld.idx.msk [tilespmem:v10+s2+$0x0], $0xffff  }
0x34b: {  	v0 =	vor.u32 v28, v30;
	v2 =	vld.idx.msk [tilespmem:v3+s2+$0x0], $0xffff;
	v3 =	vor.u32 s26, v46  }
0x34c: {  	v5 =	vor.u32 s26, v58  }
0x34d: {  	p1 =	sne.s32 s25, $0x70;
	v6 =	vor.u32 s26, v59;
	v4 =	vld.idx.msk [tilespmem:v7+s2+$0x0], $0xffff  }
.Ltmp0:
0x34e: {  	_ = 	snop;
	(pc) =	sbr.rel @p1 .LBB2_3-.Ltmp0, $4  }
0x34f: {  	_ = 	snop  }
0x350: {  	v30 =	vld.idx.msk [tilespmem:v0+s2+$0x0], $0xffff;
	[tilespmem:v3+s14+$0x0] =	vst.idx.msk $0xffff, v1  }
0x351: {  	[tilespmem:v5+s14+$0x0] =	vst.idx.msk $0xffff, v2  }
0x352: {  	s25 =	sadd.s32 $0x10, s25;
	v11 =	vmovc v15;
	v15 =	vmovc v47;
	v12 =	vld [tilespmem:$0x1F8C0];
	v9 =	vmov v13;
	v10 =	vmov v14;
	v0 =	vor.u32 s26, v29;
	[tilespmem:v6+s14+$0x0] =	vst.idx.msk $0xffff, v4  }
0x353: {  	_ = 	snop  }
0x354: {  	p1 =	seq.s32 s22, $0x1F  }
0x355: {  	s23 =	sshrl.u32 @!p1 s24, $0x3  }
0x356: {  	s23 =	sadd.s32 @!p1 s4, s23  }
0x357: {  	s26 =	simm.s32 @!p1 $0x0;
	s28 =	simm.s32 @!p1 $0x10000;
	[tilespmem:v0+s14+$0x0] =	vst.idx.msk $0xffff, v30;
	s25 =	sadd.s32 @!p1 $0x20, s23  }
0x358: {  	[tilespmem:s28], [sflag:$0x1] =	stream.linear.gather @!p1 [hbm4b:s25+s26], $0x80, $0x38;
	[tilespmem:$0x14100] =	vst v63  }
0x359: {  	s30 =	sadd.s32 s7, s24  }
0x35a: {  	[hbm4b:s30+s15] =	stream.strided.scatter [tilespmem:s14], [sflag:$0x3], $0x2000, s16, s15, $0x38;
	[tilespmem:$0x14100] =	vst v63  }
0x35b: {  	_ =	swait.ge [sflag:s17], $0x80  }
0x35c: {  	[sflag:s17] =	ssyncset.done $0x0  }
0x35d: {  	s25 =	simm.s32 @!p0 $0x4;
	[sflag:s17] =	ssyncadd.s32 $0xFFFFFF80  }
0x35e: {  	_ =	swait.ge @!p0 [sflag:s25], $0x2000  }
0x35f: {  	[sflag:s25] =	ssyncset.done @!p0 $0x0  }
0x360: {  	[sflag:s25] =	ssyncadd.s32 @!p0 $0xFFFFE000;
	s25 =	simm.s32 $0x10080  }
0x361: {  	v0 =	vld [tilespmem:s25+$0x0];
	_ =	sdelay $0x4  }
0x362: {  	v30 =	vshll.u32 v0, $0x6;
	v0 =	vlaneseq.u32  }
0x363: {  	v4 =	vld [tilespmem:$0x1FEE0];
	v0 =	vor.u32 v0, v30  }
0x364: {  	v6 =	vld [tilespmem:$0x1F840];
	v1 =	vor.u32 v9, v30  }
0x365: {  	v7 =	vld [tilespmem:$0x1F850];
	v2 =	vor.u32 v10, v30  }
0x366: {  	s31 =	simm.s32 $0x0;
	v8 =	vld [tilespmem:$0x1F860]  }
0x367: {  	v5 =	vor.u32 s31, v48;
	v48 =	vld [tilespmem:$0x1FFA0];
	v3 =	vor.u32 v11, v30  }
0x368: {  	v4 =	vor.u32 s31, v4;
	v0 =	vld.idx.msk [tilespmem:v0+s2+$0x0], $0xffff  }
0x369: {  	v1 =	vld.idx.msk [tilespmem:v1+s2+$0x0], $0xffff  }
0x36a: {  	v6 =	vor.u32 s31, v6;
	v2 =	vld.idx.msk [tilespmem:v2+s2+$0x0], $0xffff  }
0x36b: {  	v47 =	vld [tilespmem:$0x1FFB0]  }
0x36c: {  	v3 =	vld.idx.msk [tilespmem:v3+s2+$0x0], $0xffff  }
0x36d: {  	v7 =	vor.u32 s31, v7;
	[tilespmem:v4+s18+$0x0] =	vst.idx.msk $0xffff, v0;
	v0 =	vld [tilespmem:$0x1FF40]  }
0x36e: {  	v8 =	vor.u32 v8, v30;
	[tilespmem:v5+s18+$0x0] =	vst.idx.msk $0xffff, v1;
	v1 =	vld [tilespmem:$0x1FF10]  }
0x36f: {  	[tilespmem:v6+s18+$0x0] =	vst.idx.msk $0xffff, v2;
	v2 =	vld [tilespmem:$0x1FF80]  }
0x370: {  	v4 =	vor.u32 s31, v48;
	v48 =	vld [tilespmem:$0x1FAA0]  }
0x371: {  	v5 =	vor.u32 s31, v47;
	v47 =	vld [tilespmem:$0x1FF50]  }
0x372: {  	[tilespmem:v7+s18+$0x0] =	vst.idx.msk $0xffff, v3;
	v0 =	vor.u32 v0, v30  }
0x373: {  	v3 =	vld.idx.msk [tilespmem:v8+s2+$0x0], $0xffff;
	v1 =	vor.u32 v1, v30  }
0x374: {  	v8 =	vld [tilespmem:$0x1FF70];
	v2 =	vor.u32 v2, v30  }
0x375: {  	v6 =	vor.u32 s31, v48;
	v48 =	vld [tilespmem:$0x1FF30]  }
0x376: {  	v7 =	vor.u32 s31, v47;
	v47 =	vld [tilespmem:$0x1FF60]  }
0x377: {  	v0 =	vld.idx.msk [tilespmem:v0+s2+$0x0], $0xffff  }
0x378: {  	v1 =	vld.idx.msk [tilespmem:v1+s2+$0x0], $0xffff  }
0x379: {  	v2 =	vld.idx.msk [tilespmem:v2+s2+$0x0], $0xffff  }
0x37a: {  	[tilespmem:v4+s18+$0x0] =	vst.idx.msk $0xffff, v3;
	v3 =	vld [tilespmem:$0x1FF90]  }
0x37b: {  	v4 =	vor.u32 s31, v48;
	v48 =	vld [tilespmem:$0x1FFC0]  }
0x37c: {  	[tilespmem:v5+s18+$0x0] =	vst.idx.msk $0xffff, v0;
	v0 =	vld [tilespmem:$0x1FBA0]  }
0x37d: {  	[tilespmem:v6+s18+$0x0] =	vst.idx.msk $0xffff, v1;
	v1 =	vld [tilespmem:$0x1FF20]  }
0x37e: {  	v8 =	vor.u32 v8, v30;
	_ =	sdelay $0x1  }
0x37f: {  	v3 =	vor.u32 v3, v30  }
0x380: {  	v5 =	vor.u32 s31, v47;
	v47 =	vld [tilespmem:$0x1FFE0];
	v0 =	vor.u32 v0, v30  }
0x381: {  	[tilespmem:v7+s18+$0x0] =	vst.idx.msk $0xffff, v2;
	v6 =	vor.u32 s31, v48;
	v48 =	vld [tilespmem:$0x1F870];
	v1 =	vor.u32 v1, v30  }
0x382: {  	v2 =	vld.idx.msk [tilespmem:v8+s2+$0x0], $0xffff  }
0x383: {  	v8 =	vld [tilespmem:$0x1FB80]  }
0x384: {  	v3 =	vld.idx.msk [tilespmem:v3+s2+$0x0], $0xffff  }
0x385: {  	v0 =	vld.idx.msk [tilespmem:v0+s2+$0x0], $0xffff  }
0x386: {  	v1 =	vld.idx.msk [tilespmem:v1+s2+$0x0], $0xffff  }
0x387: {  	[tilespmem:v4+s18+$0x0] =	vst.idx.msk $0xffff, v2;
	v2 =	vld [tilespmem:$0x1FFD0]  }
0x388: {  	v7 =	vor.u32 s31, v47;
	v47 =	vld [tilespmem:$0x1F880]  }
0x389: {  	[tilespmem:v5+s18+$0x0] =	vst.idx.msk $0xffff, v3;
	v3 =	vld [tilespmem:$0x1FE70]  }
0x38a: {  	[tilespmem:v6+s18+$0x0] =	vst.idx.msk $0xffff, v0;
	v0 =	vld [tilespmem:$0x1FED0]  }
0x38b: {  	v8 =	vor.u32 v8, v30  }
0x38c: {  	v2 =	vor.u32 v2, v30;
	_ =	sdelay $0x1  }
0x38d: {  	v4 =	vor.u32 s31, v48;
	v48 =	vld [tilespmem:$0x1F890];
	v3 =	vor.u32 v3, v30  }
0x38e: {  	v5 =	vor.u32 s31, v47;
	v47 =	vld [tilespmem:$0x1FEB0];
	[tilespmem:v7+s18+$0x0] =	vst.idx.msk $0xffff, v1;
	v0 =	vor.u32 v0, v30  }
0x38f: {  	v1 =	vld.idx.msk [tilespmem:v8+s2+$0x0], $0xffff  }
0x390: {  	v2 =	vld.idx.msk [tilespmem:v2+s2+$0x0], $0xffff  }
0x391: {  	v8 =	vld [tilespmem:$0x1FEC0]  }
0x392: {  	v6 =	vor.u32 s31, v48;
	v3 =	vld.idx.msk [tilespmem:v3+s2+$0x0], $0xffff  }
0x393: {  	v0 =	vld.idx.msk [tilespmem:v0+s2+$0x0], $0xffff  }
0x394: {  	[tilespmem:v4+s18+$0x0] =	vst.idx.msk $0xffff, v1;
	v1 =	vld [tilespmem:$0x1FF00]  }
0x395: {  	[tilespmem:v5+s18+$0x0] =	vst.idx.msk $0xffff, v2;
	v2 =	vld [tilespmem:$0x1FEF0];
	_ =	sdelay $0x1  }
0x396: {  	v7 =	vor.u32 s31, v47;
	[tilespmem:v6+s18+$0x0] =	vst.idx.msk $0xffff, v3;
	v3 =	vld [tilespmem:$0x1F4A0]  }
0x397: {  	v48 =	vld [tilespmem:$0x1F4B0];
	v8 =	vor.u32 v8, v30  }
0x398: {  	v1 =	vor.u32 v1, v30  }
0x399: {  	v2 =	vor.u32 v2, v30;
	_ =	sdelay $0x1  }
0x39a: {  	[tilespmem:v7+s18+$0x0] =	vst.idx.msk $0xffff, v0;
	v3 =	vor.u32 v3, v30  }
0x39b: {  	v4 =	vor.u32 s31, v48;
	v0 =	vld.idx.msk [tilespmem:v8+s2+$0x0], $0xffff  }
0x39c: {  	v5 =	vor.u32 s31, v12;
	v1 =	vld.idx.msk [tilespmem:v1+s2+$0x0], $0xffff  }
0x39d: {  	v6 =	vor.u32 s31, v16;
	v2 =	vld.idx.msk [tilespmem:v2+s2+$0x0], $0xffff  }
0x39e: {  	v8 =	vld [tilespmem:$0x1F4C0]  }
0x39f: {  	v3 =	vld.idx.msk [tilespmem:v3+s2+$0x0], $0xffff  }
0x3a0: {  	[tilespmem:v4+s18+$0x0] =	vst.idx.msk $0xffff, v0;
	v0 =	vld [tilespmem:$0x1F4D0]  }
0x3a1: {  	[tilespmem:v5+s18+$0x0] =	vst.idx.msk $0xffff, v1;
	v1 =	vld [tilespmem:$0x1F4E0]  }
0x3a2: {  	v47 =	vor.u32 s31, v35;
	[tilespmem:v6+s18+$0x0] =	vst.idx.msk $0xffff, v2;
	v2 =	vld [tilespmem:$0x1F4F0]  }
0x3a3: {  	v8 =	vor.u32 v8, v30;
	_ =	sdelay $0x1  }
0x3a4: {  	v0 =	vor.u32 v0, v30  }
0x3a5: {  	v1 =	vor.u32 v1, v30  }
0x3a6: {  	[tilespmem:v47+s18+$0x0] =	vst.idx.msk $0xffff, v3;
	v2 =	vor.u32 v2, v30  }
0x3a7: {  	v4 =	vor.u32 s31, v22;
	v3 =	vld.idx.msk [tilespmem:v8+s2+$0x0], $0xffff  }
0x3a8: {  	v8 =	vld [tilespmem:$0x1F500]  }
0x3a9: {  	v5 =	vor.u32 s31, v27;
	v0 =	vld.idx.msk [tilespmem:v0+s2+$0x0], $0xffff  }
0x3aa: {  	v48 =	vmov v35;
	v35 =	vor.u32 s31, v18;
	v1 =	vld.idx.msk [tilespmem:v1+s2+$0x0], $0xffff  }
0x3ab: {  	v2 =	vld.idx.msk [tilespmem:v2+s2+$0x0], $0xffff  }
0x3ac: {  	[tilespmem:v4+s18+$0x0] =	vst.idx.msk $0xffff, v3;
	v3 =	vld [tilespmem:$0x1F510];
	_ =	sdelay $0x1  }
0x3ad: {  	[tilespmem:v5+s18+$0x0] =	vst.idx.msk $0xffff, v0;
	v0 =	vld [tilespmem:$0x1F520]  }
0x3ae: {  	v47 =	vor.u32 s31, v23;
	[tilespmem:v35+s18+$0x0] =	vst.idx.msk $0xffff, v1;
	v1 =	vld [tilespmem:$0x1F530]  }
0x3af: {  	v8 =	vor.u32 v8, v30  }
0x3b0: {  	v3 =	vor.u32 v3, v30;
	_ =	sdelay $0x1  }
0x3b1: {  	v0 =	vor.u32 v0, v30  }
0x3b2: {  	[tilespmem:v47+s18+$0x0] =	vst.idx.msk $0xffff, v2;
	v1 =	vor.u32 v1, v30  }
0x3b3: {  	v4 =	vor.u32 s31, v49;
	v2 =	vld.idx.msk [tilespmem:v8+s2+$0x0], $0xffff  }
0x3b4: {  	v5 =	vor.u32 s31, v21;
	v3 =	vld.idx.msk [tilespmem:v3+s2+$0x0], $0xffff  }
0x3b5: {  	v8 =	vld [tilespmem:$0x1F540]  }
0x3b6: {  	v35 =	vor.u32 s31, v19;
	v0 =	vld.idx.msk [tilespmem:v0+s2+$0x0], $0xffff  }
0x3b7: {  	v1 =	vld.idx.msk [tilespmem:v1+s2+$0x0], $0xffff  }
0x3b8: {  	[tilespmem:v4+s18+$0x0] =	vst.idx.msk $0xffff, v2;
	v2 =	vld [tilespmem:$0x1F550]  }
0x3b9: {  	[tilespmem:v5+s18+$0x0] =	vst.idx.msk $0xffff, v3;
	v3 =	vld [tilespmem:$0x1F560];
	_ =	sdelay $0x1  }
0x3ba: {  	v47 =	vor.u32 s31, v24;
	[tilespmem:v35+s18+$0x0] =	vst.idx.msk $0xffff, v0;
	v0 =	vld [tilespmem:$0x1F570]  }
0x3bb: {  	v8 =	vor.u32 v8, v30  }
0x3bc: {  	v2 =	vor.u32 v2, v30  }
0x3bd: {  	v3 =	vor.u32 v3, v30;
	_ =	sdelay $0x1  }
0x3be: {  	v14 =	vmovc v21;
	v21 =	vmov v33;
	[tilespmem:v47+s18+$0x0] =	vst.idx.msk $0xffff, v1;
	v47 =	vor.u32 s31, v33;
	v33 =	vld [tilespmem:$0x1F580];
	v0 =	vor.u32 v0, v30  }
0x3bf: {  	v4 =	vor.u32 s31, v51;
	v1 =	vld.idx.msk [tilespmem:v8+s2+$0x0], $0xffff  }
0x3c0: {  	v35 =	vor.u32 s31, v20;
	v2 =	vld.idx.msk [tilespmem:v2+s2+$0x0], $0xffff  }
0x3c1: {  	v3 =	vld.idx.msk [tilespmem:v3+s2+$0x0], $0xffff  }
0x3c2: {  	v8 =	vld [tilespmem:$0x1F590]  }
0x3c3: {  	v0 =	vld.idx.msk [tilespmem:v0+s2+$0x0], $0xffff  }
0x3c4: {  	[tilespmem:v4+s18+$0x0] =	vst.idx.msk $0xffff, v1;
	v1 =	vld [tilespmem:$0x1F5A0]  }
0x3c5: {  	[tilespmem:v35+s18+$0x0] =	vst.idx.msk $0xffff, v2;
	v2 =	vld [tilespmem:$0x1F5B0]  }
0x3c6: {  	v7 =	vor.u32 s31, v33;
	[tilespmem:v47+s18+$0x0] =	vst.idx.msk $0xffff, v3;
	v3 =	vld [tilespmem:$0x1F5C0]  }
0x3c7: {  	v8 =	vor.u32 v8, v30;
	v35 =	vld [tilespmem:$0x1F5D0];
	_ =	sdelay $0x1  }
0x3c8: {  	v1 =	vor.u32 v1, v30  }
0x3c9: {  	v2 =	vor.u32 v2, v30  }
0x3ca: {  	[tilespmem:v7+s18+$0x0] =	vst.idx.msk $0xffff, v0;
	v3 =	vor.u32 v3, v30  }
0x3cb: {  	v0 =	vld.idx.msk [tilespmem:v8+s2+$0x0], $0xffff;
	v4 =	vor.u32 s31, v35  }
0x3cc: {  	v8 =	vld [tilespmem:$0x1F5E0]  }
0x3cd: {  	v13 =	vmov v41;
	v41 =	vor.u32 s31, v41;
	v1 =	vld.idx.msk [tilespmem:v1+s2+$0x0], $0xffff  }
0x3ce: {  	v47 =	vor.u32 s31, v50;
	v2 =	vld.idx.msk [tilespmem:v2+s2+$0x0], $0xffff  }
0x3cf: {  	v3 =	vld.idx.msk [tilespmem:v3+s2+$0x0], $0xffff  }
0x3d0: {  	[tilespmem:v4+s18+$0x0] =	vst.idx.msk $0xffff, v0;
	v0 =	vld [tilespmem:$0x1F5F0];
	_ =	sdelay $0x1  }
0x3d1: {  	[tilespmem:v41+s18+$0x0] =	vst.idx.msk $0xffff, v1;
	v1 =	vld [tilespmem:$0x1F600]  }
0x3d2: {  	v33 =	vor.u32 s31, v52;
	[tilespmem:v47+s18+$0x0] =	vst.idx.msk $0xffff, v2;
	v2 =	vld [tilespmem:$0x1F610]  }
0x3d3: {  	v8 =	vor.u32 v8, v30  }
0x3d4: {  	v0 =	vor.u32 v0, v30;
	_ =	sdelay $0x1  }
0x3d5: {  	v1 =	vor.u32 v1, v30  }
0x3d6: {  	[tilespmem:v33+s18+$0x0] =	vst.idx.msk $0xffff, v3;
	v2 =	vor.u32 v2, v30  }
0x3d7: {  	v35 =	vor.u32 s31, v53;
	v3 =	vld.idx.msk [tilespmem:v8+s2+$0x0], $0xffff  }
0x3d8: {  	v41 =	vor.u32 s31, v54;
	v0 =	vld.idx.msk [tilespmem:v0+s2+$0x0], $0xffff  }
0x3d9: {  	v8 =	vld [tilespmem:$0x1F620]  }
0x3da: {  	v47 =	vor.u32 s31, v25;
	v1 =	vld.idx.msk [tilespmem:v1+s2+$0x0], $0xffff  }
0x3db: {  	v2 =	vld.idx.msk [tilespmem:v2+s2+$0x0], $0xffff  }
0x3dc: {  	[tilespmem:v35+s18+$0x0] =	vst.idx.msk $0xffff, v3;
	v3 =	vld [tilespmem:$0x1F630]  }
0x3dd: {  	[tilespmem:v41+s18+$0x0] =	vst.idx.msk $0xffff, v0;
	v0 =	vld [tilespmem:$0x1F640];
	_ =	sdelay $0x1  }
0x3de: {  	v33 =	vor.u32 s31, v42;
	[tilespmem:v47+s18+$0x0] =	vst.idx.msk $0xffff, v1;
	v1 =	vld [tilespmem:$0x1F650]  }
0x3df: {  	v8 =	vor.u32 v8, v30  }
0x3e0: {  	v3 =	vor.u32 v3, v30  }
0x3e1: {  	v0 =	vor.u32 v0, v30;
	_ =	sdelay $0x1  }
0x3e2: {  	[tilespmem:v33+s18+$0x0] =	vst.idx.msk $0xffff, v2;
	v1 =	vor.u32 v1, v30  }
0x3e3: {  	v35 =	vor.u32 s31, v56;
	v2 =	vld.idx.msk [tilespmem:v8+s2+$0x0], $0xffff  }
0x3e4: {  	v41 =	vor.u32 s31, v57;
	v3 =	vld.idx.msk [tilespmem:v3+s2+$0x0], $0xffff  }
0x3e5: {  	v47 =	vor.u32 s31, v31;
	v0 =	vld.idx.msk [tilespmem:v0+s2+$0x0], $0xffff  }
0x3e6: {  	v8 =	vld [tilespmem:$0x1F660]  }
0x3e7: {  	v1 =	vld.idx.msk [tilespmem:v1+s2+$0x0], $0xffff  }
0x3e8: {  	[tilespmem:v35+s18+$0x0] =	vst.idx.msk $0xffff, v2;
	v2 =	vld [tilespmem:$0x1F670]  }
0x3e9: {  	[tilespmem:v41+s18+$0x0] =	vst.idx.msk $0xffff, v3;
	v3 =	vld [tilespmem:$0x1F680]  }
0x3ea: {  	v33 =	vor.u32 s31, v32;
	[tilespmem:v47+s18+$0x0] =	vst.idx.msk $0xffff, v0;
	v0 =	vld [tilespmem:$0x1F690]  }
0x3eb: {  	v8 =	vor.u32 v8, v30;
	_ =	sdelay $0x1  }
0x3ec: {  	v2 =	vor.u32 v2, v30  }
0x3ed: {  	v3 =	vor.u32 v3, v30  }
0x3ee: {  	[tilespmem:v33+s18+$0x0] =	vst.idx.msk $0xffff, v1;
	v33 =	vld [tilespmem:$0x1F6A0];
	v0 =	vor.u32 v0, v30  }
0x3ef: {  	v35 =	vor.u32 s31, v36;
	v1 =	vld.idx.msk [tilespmem:v8+s2+$0x0], $0xffff  }
0x3f0: {  	v8 =	vld [tilespmem:$0x1F6B0]  }
0x3f1: {  	v41 =	vor.u32 s31, v34;
	v2 =	vld.idx.msk [tilespmem:v2+s2+$0x0], $0xffff  }
0x3f2: {  	v47 =	vor.u32 s31, v40;
	v3 =	vld.idx.msk [tilespmem:v3+s2+$0x0], $0xffff  }
0x3f3: {  	v0 =	vld.idx.msk [tilespmem:v0+s2+$0x0], $0xffff  }
0x3f4: {  	[tilespmem:v35+s18+$0x0] =	vst.idx.msk $0xffff, v1;
	v1 =	vld [tilespmem:$0x1F6C0];
	_ =	sdelay $0x1  }
0x3f5: {  	[tilespmem:v41+s18+$0x0] =	vst.idx.msk $0xffff, v2;
	v2 =	vld [tilespmem:$0x1F6D0]  }
0x3f6: {  	v7 =	vor.u32 s31, v33;
	[tilespmem:v47+s18+$0x0] =	vst.idx.msk $0xffff, v3;
	v3 =	vld [tilespmem:$0x1F6E0]  }
0x3f7: {  	v8 =	vor.u32 v8, v30;
	v35 =	vld [tilespmem:$0x1F6F0]  }
0x3f8: {  	v1 =	vor.u32 v1, v30;
	_ =	sdelay $0x1  }
0x3f9: {  	v2 =	vor.u32 v2, v30  }
0x3fa: {  	[tilespmem:v7+s18+$0x0] =	vst.idx.msk $0xffff, v0;
	v3 =	vor.u32 v3, v30  }
0x3fb: {  	v4 =	vor.u32 s31, v35;
	v0 =	vld.idx.msk [tilespmem:v8+s2+$0x0], $0xffff  }
0x3fc: {  	v41 =	vor.u32 s31, v55;
	v1 =	vld.idx.msk [tilespmem:v1+s2+$0x0], $0xffff  }
0x3fd: {  	v8 =	vld [tilespmem:$0x1F700]  }
0x3fe: {  	v47 =	vor.u32 s31, v37;
	v2 =	vld.idx.msk [tilespmem:v2+s2+$0x0], $0xffff  }
0x3ff: {  	v3 =	vld.idx.msk [tilespmem:v3+s2+$0x0], $0xffff  }
0x400: {  	[tilespmem:v4+s18+$0x0] =	vst.idx.msk $0xffff, v0;
	v0 =	vld [tilespmem:$0x1F710]  }
0x401: {  	[tilespmem:v41+s18+$0x0] =	vst.idx.msk $0xffff, v1;
	v1 =	vld [tilespmem:$0x1F720];
	_ =	sdelay $0x1  }
0x402: {  	v33 =	vor.u32 s31, v17;
	[tilespmem:v47+s18+$0x0] =	vst.idx.msk $0xffff, v2;
	v2 =	vld [tilespmem:$0x1F730]  }
0x403: {  	v8 =	vor.u32 v8, v30  }
0x404: {  	v0 =	vor.u32 v0, v30  }
0x405: {  	v1 =	vor.u32 v1, v30;
	_ =	sdelay $0x1  }
0x406: {  	[tilespmem:v33+s18+$0x0] =	vst.idx.msk $0xffff, v3;
	v2 =	vor.u32 v2, v30  }
0x407: {  	v35 =	vor.u32 s31, v38;
	v3 =	vld.idx.msk [tilespmem:v8+s2+$0x0], $0xffff  }
0x408: {  	v41 =	vor.u32 s31, v15;
	v0 =	vld.idx.msk [tilespmem:v0+s2+$0x0], $0xffff  }
0x409: {  	v47 =	vor.u32 s31, v60;
	v1 =	vld.idx.msk [tilespmem:v1+s2+$0x0], $0xffff  }
0x40a: {  	v8 =	vld [tilespmem:$0x1F780]  }
0x40b: {  	v2 =	vld.idx.msk [tilespmem:v2+s2+$0x0], $0xffff  }
0x40c: {  	[tilespmem:v35+s18+$0x0] =	vst.idx.msk $0xffff, v3;
	v3 =	vld [tilespmem:$0x1F7B0]  }
0x40d: {  	[tilespmem:v41+s18+$0x0] =	vst.idx.msk $0xffff, v0;
	v0 =	vld [tilespmem:$0x1F7C0]  }
0x40e: {  	[tilespmem:v47+s18+$0x0] =	vst.idx.msk $0xffff, v1;
	v1 =	vld [tilespmem:$0x1F7D0]  }
0x40f: {  	v33 =	vor.u32 s31, v39  }
0x410: {  	v8 =	vor.u32 v8, v30  }
0x411: {  	v3 =	vor.u32 v3, v30  }
0x412: {  	v0 =	vor.u32 v0, v30  }
0x413: {  	v1 =	vor.u32 v1, v30  }
0x414: {  	[tilespmem:v33+s18+$0x0] =	vst.idx.msk $0xffff, v2  }
0x415: {  	v35 =	vor.u32 s31, v43;
	v2 =	vld.idx.msk [tilespmem:v8+s2+$0x0], $0xffff  }
0x416: {  	v41 =	vor.u32 s31, v44;
	v3 =	vld.idx.msk [tilespmem:v3+s2+$0x0], $0xffff  }
0x417: {  	v47 =	vor.u32 s31, v45;
	v0 =	vld.idx.msk [tilespmem:v0+s2+$0x0], $0xffff  }
0x418: {  	v33 =	vor.u32 s31, v26;
	v1 =	vld.idx.msk [tilespmem:v1+s2+$0x0], $0xffff  }
0x419: {  	v8 =	vor.u32 v62, v30  }
0x41a: {  	[tilespmem:v35+s18+$0x0] =	vst.idx.msk $0xffff, v2;
	v2 =	vor.u32 v61, v30  }
0x41b: {  	[tilespmem:v41+s18+$0x0] =	vst.idx.msk $0xffff, v3;
	v3 =	vor.u32 v63, v30  }
0x41c: {  	[tilespmem:v47+s18+$0x0] =	vst.idx.msk $0xffff, v0  }
0x41d: {  	v0 =	vor.u32 v28, v30;
	[tilespmem:v33+s18+$0x0] =	vst.idx.msk $0xffff, v1  }
0x41e: {  	v35 =	vor.u32 s31, v46;
	v1 =	vld.idx.msk [tilespmem:v8+s2+$0x0], $0xffff  }
0x41f: {  	v41 =	vor.u32 s31, v58;
	v2 =	vld.idx.msk [tilespmem:v2+s2+$0x0], $0xffff  }
0x420: {  	v47 =	vor.u32 s31, v59;
	v3 =	vld.idx.msk [tilespmem:v3+s2+$0x0], $0xffff  }
0x421: {  	v33 =	vmov v36;
	v36 =	vmov v55;
	v55 =	vmov v13;
	v13 =	vld [tilespmem:$0x1F840]  }
0x422: {  	v30 =	vld.idx.msk [tilespmem:v0+s2+$0x0], $0xffff  }
0x423: {  	[tilespmem:v35+s18+$0x0] =	vst.idx.msk $0xffff, v1;
	v35 =	vmov v40;
	v40 =	vmov v12;
	v12 =	vld [tilespmem:$0x1F830]  }
0x424: {  	[tilespmem:v41+s18+$0x0] =	vst.idx.msk $0xffff, v2;
	v41 =	vmov v50;
	v50 =	vmov v14;
	v14 =	vld [tilespmem:$0x1F850]  }
0x425: {  	s24 =	sor.u32 $0x80, s24;
	s26 =	simm.s32 $0x10;
	v0 =	vor.u32 s31, v29;
	[tilespmem:v47+s18+$0x0] =	vst.idx.msk $0xffff, v3;
	v47 =	vmov v15;
	v15 =	vld [tilespmem:$0x1F860]  }
.LBB2_5:
0x426: {  	_ =	sdelay $0x3  }
0x427: {  	s25 =	sadd.s32 $0x10, s25;
	[tilespmem:v0+s18+$0x0] =	vst.idx.msk $0xffff, v30  }
0x428: {  	v0 =	vld [tilespmem:s25+$0x0];
	_ =	sdelay $0x4  }
0x429: {  	v30 =	vshll.u32 v0, $0x6;
	v0 =	vlaneseq.u32  }
0x42a: {  	v4 =	vld [tilespmem:$0x1FEE0];
	v0 =	vor.u32 v0, v30  }
0x42b: {  	v1 =	vor.u32 v9, v30;
	_ =	sdelay $0x1  }
0x42c: {  	v2 =	vor.u32 v10, v30  }
0x42d: {  	s28 =	smov.u32 s26;
	v3 =	vor.u32 v11, v30  }
0x42e: {  	v4 =	vor.u32 s28, v4;
	v0 =	vld.idx.msk [tilespmem:v0+s2+$0x0], $0xffff  }
0x42f: {  	v5 =	vor.u32 s28, v12;
	v1 =	vld.idx.msk [tilespmem:v1+s2+$0x0], $0xffff;
	_ =	sdelay $0x1  }
0x430: {  	v6 =	vor.u32 s28, v13;
	v2 =	vld.idx.msk [tilespmem:v2+s2+$0x0], $0xffff  }
0x431: {  	v3 =	vld.idx.msk [tilespmem:v3+s2+$0x0], $0xffff  }
0x432: {  	[tilespmem:v4+s18+$0x0] =	vst.idx.msk $0xffff, v0;
	v0 =	vld [tilespmem:$0x1FF40]  }
0x433: {  	[tilespmem:v5+s18+$0x0] =	vst.idx.msk $0xffff, v1;
	v1 =	vld [tilespmem:$0x1FF10];
	_ =	sdelay $0x1  }
0x434: {  	v7 =	vor.u32 s28, v14;
	[tilespmem:v6+s18+$0x0] =	vst.idx.msk $0xffff, v2;
	v2 =	vld [tilespmem:$0x1FF80]  }
0x435: {  	v8 =	vor.u32 v15, v30;
	v4 =	vld [tilespmem:$0x1FFA0]  }
0x436: {  	v5 =	vld [tilespmem:$0x1FFB0];
	v0 =	vor.u32 v0, v30  }
0x437: {  	v6 =	vld [tilespmem:$0x1FAA0];
	v1 =	vor.u32 v1, v30;
	_ =	sdelay $0x1  }
0x438: {  	[tilespmem:v7+s18+$0x0] =	vst.idx.msk $0xffff, v3;
	v7 =	vld [tilespmem:$0x1FF50];
	v2 =	vor.u32 v2, v30  }
0x439: {  	v3 =	vld.idx.msk [tilespmem:v8+s2+$0x0], $0xffff;
	v4 =	vor.u32 s28, v4  }
0x43a: {  	v5 =	vor.u32 s28, v5;
	v0 =	vld.idx.msk [tilespmem:v0+s2+$0x0], $0xffff  }
0x43b: {  	v6 =	vor.u32 s28, v6;
	v1 =	vld.idx.msk [tilespmem:v1+s2+$0x0], $0xffff  }
0x43c: {  	v8 =	vld [tilespmem:$0x1FF70]  }
0x43d: {  	v2 =	vld.idx.msk [tilespmem:v2+s2+$0x0], $0xffff  }
0x43e: {  	[tilespmem:v4+s18+$0x0] =	vst.idx.msk $0xffff, v3;
	v3 =	vld [tilespmem:$0x1FF90]  }
0x43f: {  	[tilespmem:v5+s18+$0x0] =	vst.idx.msk $0xffff, v0;
	v0 =	vld [tilespmem:$0x1FBA0]  }
0x440: {  	v7 =	vor.u32 s28, v7;
	[tilespmem:v6+s18+$0x0] =	vst.idx.msk $0xffff, v1;
	v1 =	vld [tilespmem:$0x1FF20]  }
0x441: {  	v8 =	vor.u32 v8, v30;
	v4 =	vld [tilespmem:$0x1FF30];
	_ =	sdelay $0x1  }
0x442: {  	v5 =	vld [tilespmem:$0x1FF60];
	v3 =	vor.u32 v3, v30  }
0x443: {  	v6 =	vld [tilespmem:$0x1FFC0];
	v0 =	vor.u32 v0, v30  }
0x444: {  	[tilespmem:v7+s18+$0x0] =	vst.idx.msk $0xffff, v2;
	v7 =	vld [tilespmem:$0x1FFE0];
	v1 =	vor.u32 v1, v30  }
0x445: {  	v4 =	vor.u32 s28, v4;
	v2 =	vld.idx.msk [tilespmem:v8+s2+$0x0], $0xffff  }
0x446: {  	v8 =	vld [tilespmem:$0x1FB80]  }
0x447: {  	v5 =	vor.u32 s28, v5;
	v3 =	vld.idx.msk [tilespmem:v3+s2+$0x0], $0xffff  }
0x448: {  	v6 =	vor.u32 s28, v6;
	v0 =	vld.idx.msk [tilespmem:v0+s2+$0x0], $0xffff  }
0x449: {  	v1 =	vld.idx.msk [tilespmem:v1+s2+$0x0], $0xffff  }
0x44a: {  	[tilespmem:v4+s18+$0x0] =	vst.idx.msk $0xffff, v2;
	v2 =	vld [tilespmem:$0x1FFD0];
	_ =	sdelay $0x1  }
0x44b: {  	[tilespmem:v5+s18+$0x0] =	vst.idx.msk $0xffff, v3;
	v3 =	vld [tilespmem:$0x1FE70]  }
0x44c: {  	v7 =	vor.u32 s28, v7;
	[tilespmem:v6+s18+$0x0] =	vst.idx.msk $0xffff, v0;
	v0 =	vld [tilespmem:$0x1FED0]  }
0x44d: {  	v8 =	vor.u32 v8, v30;
	v4 =	vld [tilespmem:$0x1F870]  }
0x44e: {  	v5 =	vld [tilespmem:$0x1F880];
	v2 =	vor.u32 v2, v30;
	_ =	sdelay $0x1  }
0x44f: {  	v6 =	vld [tilespmem:$0x1F890];
	v3 =	vor.u32 v3, v30  }
0x450: {  	[tilespmem:v7+s18+$0x0] =	vst.idx.msk $0xffff, v1;
	v7 =	vld [tilespmem:$0x1FEB0];
	v0 =	vor.u32 v0, v30  }
0x451: {  	v4 =	vor.u32 s28, v4;
	v1 =	vld.idx.msk [tilespmem:v8+s2+$0x0], $0xffff  }
0x452: {  	v5 =	vor.u32 s28, v5;
	v2 =	vld.idx.msk [tilespmem:v2+s2+$0x0], $0xffff  }
0x453: {  	v8 =	vld [tilespmem:$0x1FEC0]  }
0x454: {  	v6 =	vor.u32 s28, v6;
	v3 =	vld.idx.msk [tilespmem:v3+s2+$0x0], $0xffff  }
0x455: {  	v0 =	vld.idx.msk [tilespmem:v0+s2+$0x0], $0xffff  }
0x456: {  	[tilespmem:v4+s18+$0x0] =	vst.idx.msk $0xffff, v1;
	v1 =	vld [tilespmem:$0x1FF00]  }
0x457: {  	[tilespmem:v5+s18+$0x0] =	vst.idx.msk $0xffff, v2;
	v2 =	vld [tilespmem:$0x1FEF0];
	_ =	sdelay $0x1  }
0x458: {  	v7 =	vor.u32 s28, v7;
	[tilespmem:v6+s18+$0x0] =	vst.idx.msk $0xffff, v3;
	v3 =	vld [tilespmem:$0x1F4A0]  }
0x459: {  	v8 =	vor.u32 v8, v30;
	v4 =	vld [tilespmem:$0x1F4B0]  }
0x45a: {  	v1 =	vor.u32 v1, v30  }
0x45b: {  	v2 =	vor.u32 v2, v30;
	_ =	sdelay $0x1  }
0x45c: {  	[tilespmem:v7+s18+$0x0] =	vst.idx.msk $0xffff, v0;
	v3 =	vor.u32 v3, v30  }
0x45d: {  	v4 =	vor.u32 s28, v4;
	v0 =	vld.idx.msk [tilespmem:v8+s2+$0x0], $0xffff  }
0x45e: {  	v5 =	vor.u32 s28, v40;
	v1 =	vld.idx.msk [tilespmem:v1+s2+$0x0], $0xffff  }
0x45f: {  	v6 =	vor.u32 s28, v16;
	v2 =	vld.idx.msk [tilespmem:v2+s2+$0x0], $0xffff  }
0x460: {  	v8 =	vld [tilespmem:$0x1F4C0]  }
0x461: {  	v3 =	vld.idx.msk [tilespmem:v3+s2+$0x0], $0xffff  }
0x462: {  	[tilespmem:v4+s18+$0x0] =	vst.idx.msk $0xffff, v0;
	v0 =	vld [tilespmem:$0x1F4D0]  }
0x463: {  	[tilespmem:v5+s18+$0x0] =	vst.idx.msk $0xffff, v1;
	v1 =	vld [tilespmem:$0x1F4E0]  }
0x464: {  	v7 =	vor.u32 s28, v48;
	[tilespmem:v6+s18+$0x0] =	vst.idx.msk $0xffff, v2;
	v2 =	vld [tilespmem:$0x1F4F0]  }
0x465: {  	v8 =	vor.u32 v8, v30;
	_ =	sdelay $0x1  }
0x466: {  	v0 =	vor.u32 v0, v30  }
0x467: {  	v1 =	vor.u32 v1, v30  }
0x468: {  	[tilespmem:v7+s18+$0x0] =	vst.idx.msk $0xffff, v3;
	v2 =	vor.u32 v2, v30  }
0x469: {  	v4 =	vor.u32 s28, v22;
	v3 =	vld.idx.msk [tilespmem:v8+s2+$0x0], $0xffff  }
0x46a: {  	v8 =	vld [tilespmem:$0x1F500]  }
0x46b: {  	v5 =	vor.u32 s28, v27;
	v0 =	vld.idx.msk [tilespmem:v0+s2+$0x0], $0xffff  }
0x46c: {  	v6 =	vor.u32 s28, v18;
	v1 =	vld.idx.msk [tilespmem:v1+s2+$0x0], $0xffff  }
0x46d: {  	v2 =	vld.idx.msk [tilespmem:v2+s2+$0x0], $0xffff  }
0x46e: {  	[tilespmem:v4+s18+$0x0] =	vst.idx.msk $0xffff, v3;
	v3 =	vld [tilespmem:$0x1F510];
	_ =	sdelay $0x1  }
0x46f: {  	[tilespmem:v5+s18+$0x0] =	vst.idx.msk $0xffff, v0;
	v0 =	vld [tilespmem:$0x1F520]  }
0x470: {  	v7 =	vor.u32 s28, v23;
	[tilespmem:v6+s18+$0x0] =	vst.idx.msk $0xffff, v1;
	v1 =	vld [tilespmem:$0x1F530]  }
0x471: {  	v8 =	vor.u32 v8, v30  }
0x472: {  	v3 =	vor.u32 v3, v30;
	_ =	sdelay $0x1  }
0x473: {  	v0 =	vor.u32 v0, v30  }
0x474: {  	[tilespmem:v7+s18+$0x0] =	vst.idx.msk $0xffff, v2;
	v1 =	vor.u32 v1, v30  }
0x475: {  	v4 =	vor.u32 s28, v49;
	v2 =	vld.idx.msk [tilespmem:v8+s2+$0x0], $0xffff  }
0x476: {  	v5 =	vor.u32 s28, v50;
	v3 =	vld.idx.msk [tilespmem:v3+s2+$0x0], $0xffff  }
0x477: {  	v8 =	vld [tilespmem:$0x1F540]  }
0x478: {  	v6 =	vor.u32 s28, v19;
	v0 =	vld.idx.msk [tilespmem:v0+s2+$0x0], $0xffff  }
0x479: {  	v1 =	vld.idx.msk [tilespmem:v1+s2+$0x0], $0xffff  }
0x47a: {  	[tilespmem:v4+s18+$0x0] =	vst.idx.msk $0xffff, v2;
	v2 =	vld [tilespmem:$0x1F550]  }
0x47b: {  	[tilespmem:v5+s18+$0x0] =	vst.idx.msk $0xffff, v3;
	v3 =	vld [tilespmem:$0x1F560];
	_ =	sdelay $0x1  }
0x47c: {  	v7 =	vor.u32 s28, v24;
	[tilespmem:v6+s18+$0x0] =	vst.idx.msk $0xffff, v0;
	v0 =	vld [tilespmem:$0x1F570]  }
0x47d: {  	v8 =	vor.u32 v8, v30  }
0x47e: {  	v2 =	vor.u32 v2, v30  }
0x47f: {  	v3 =	vor.u32 v3, v30;
	_ =	sdelay $0x1  }
0x480: {  	[tilespmem:v7+s18+$0x0] =	vst.idx.msk $0xffff, v1;
	v7 =	vld [tilespmem:$0x1F580];
	v0 =	vor.u32 v0, v30  }
0x481: {  	v4 =	vor.u32 s28, v51;
	v1 =	vld.idx.msk [tilespmem:v8+s2+$0x0], $0xffff  }
0x482: {  	v5 =	vor.u32 s28, v20;
	v2 =	vld.idx.msk [tilespmem:v2+s2+$0x0], $0xffff  }
0x483: {  	v6 =	vor.u32 s28, v21;
	v3 =	vld.idx.msk [tilespmem:v3+s2+$0x0], $0xffff  }
0x484: {  	v8 =	vld [tilespmem:$0x1F590]  }
0x485: {  	v0 =	vld.idx.msk [tilespmem:v0+s2+$0x0], $0xffff  }
0x486: {  	[tilespmem:v4+s18+$0x0] =	vst.idx.msk $0xffff, v1;
	v1 =	vld [tilespmem:$0x1F5A0]  }
0x487: {  	[tilespmem:v5+s18+$0x0] =	vst.idx.msk $0xffff, v2;
	v2 =	vld [tilespmem:$0x1F5B0]  }
0x488: {  	v7 =	vor.u32 s28, v7;
	[tilespmem:v6+s18+$0x0] =	vst.idx.msk $0xffff, v3;
	v3 =	vld [tilespmem:$0x1F5C0]  }
0x489: {  	v8 =	vor.u32 v8, v30;
	v4 =	vld [tilespmem:$0x1F5D0];
	_ =	sdelay $0x1  }
0x48a: {  	v1 =	vor.u32 v1, v30  }
0x48b: {  	v2 =	vor.u32 v2, v30  }
0x48c: {  	[tilespmem:v7+s18+$0x0] =	vst.idx.msk $0xffff, v0;
	v3 =	vor.u32 v3, v30  }
0x48d: {  	v4 =	vor.u32 s28, v4;
	v0 =	vld.idx.msk [tilespmem:v8+s2+$0x0], $0xffff  }
0x48e: {  	v8 =	vld [tilespmem:$0x1F5E0]  }
0x48f: {  	v5 =	vor.u32 s28, v55;
	v1 =	vld.idx.msk [tilespmem:v1+s2+$0x0], $0xffff  }
0x490: {  	v6 =	vor.u32 s28, v41;
	v2 =	vld.idx.msk [tilespmem:v2+s2+$0x0], $0xffff  }
0x491: {  	v3 =	vld.idx.msk [tilespmem:v3+s2+$0x0], $0xffff  }
0x492: {  	[tilespmem:v4+s18+$0x0] =	vst.idx.msk $0xffff, v0;
	v0 =	vld [tilespmem:$0x1F5F0];
	_ =	sdelay $0x1  }
0x493: {  	[tilespmem:v5+s18+$0x0] =	vst.idx.msk $0xffff, v1;
	v1 =	vld [tilespmem:$0x1F600]  }
0x494: {  	v7 =	vor.u32 s28, v52;
	[tilespmem:v6+s18+$0x0] =	vst.idx.msk $0xffff, v2;
	v2 =	vld [tilespmem:$0x1F610]  }
0x495: {  	v8 =	vor.u32 v8, v30  }
0x496: {  	v0 =	vor.u32 v0, v30;
	_ =	sdelay $0x1  }
0x497: {  	v1 =	vor.u32 v1, v30  }
0x498: {  	[tilespmem:v7+s18+$0x0] =	vst.idx.msk $0xffff, v3;
	v2 =	vor.u32 v2, v30  }
0x499: {  	v4 =	vor.u32 s28, v53;
	v3 =	vld.idx.msk [tilespmem:v8+s2+$0x0], $0xffff  }
0x49a: {  	v5 =	vor.u32 s28, v54;
	v0 =	vld.idx.msk [tilespmem:v0+s2+$0x0], $0xffff  }
0x49b: {  	v8 =	vld [tilespmem:$0x1F620]  }
0x49c: {  	v6 =	vor.u32 s28, v25;
	v1 =	vld.idx.msk [tilespmem:v1+s2+$0x0], $0xffff  }
0x49d: {  	v2 =	vld.idx.msk [tilespmem:v2+s2+$0x0], $0xffff  }
0x49e: {  	[tilespmem:v4+s18+$0x0] =	vst.idx.msk $0xffff, v3;
	v3 =	vld [tilespmem:$0x1F630]  }
0x49f: {  	[tilespmem:v5+s18+$0x0] =	vst.idx.msk $0xffff, v0;
	v0 =	vld [tilespmem:$0x1F640];
	_ =	sdelay $0x1  }
0x4a0: {  	v7 =	vor.u32 s28, v42;
	[tilespmem:v6+s18+$0x0] =	vst.idx.msk $0xffff, v1;
	v1 =	vld [tilespmem:$0x1F650]  }
0x4a1: {  	v8 =	vor.u32 v8, v30  }
0x4a2: {  	v3 =	vor.u32 v3, v30  }
0x4a3: {  	v0 =	vor.u32 v0, v30;
	_ =	sdelay $0x1  }
0x4a4: {  	[tilespmem:v7+s18+$0x0] =	vst.idx.msk $0xffff, v2;
	v1 =	vor.u32 v1, v30  }
0x4a5: {  	v4 =	vor.u32 s28, v56;
	v2 =	vld.idx.msk [tilespmem:v8+s2+$0x0], $0xffff  }
0x4a6: {  	v5 =	vor.u32 s28, v57;
	v3 =	vld.idx.msk [tilespmem:v3+s2+$0x0], $0xffff  }
0x4a7: {  	v6 =	vor.u32 s28, v31;
	v0 =	vld.idx.msk [tilespmem:v0+s2+$0x0], $0xffff  }
0x4a8: {  	v8 =	vld [tilespmem:$0x1F660]  }
0x4a9: {  	v1 =	vld.idx.msk [tilespmem:v1+s2+$0x0], $0xffff  }
0x4aa: {  	[tilespmem:v4+s18+$0x0] =	vst.idx.msk $0xffff, v2;
	v2 =	vld [tilespmem:$0x1F670]  }
0x4ab: {  	[tilespmem:v5+s18+$0x0] =	vst.idx.msk $0xffff, v3;
	v3 =	vld [tilespmem:$0x1F680]  }
0x4ac: {  	v7 =	vor.u32 s28, v32;
	[tilespmem:v6+s18+$0x0] =	vst.idx.msk $0xffff, v0;
	v0 =	vld [tilespmem:$0x1F690]  }
0x4ad: {  	v8 =	vor.u32 v8, v30;
	_ =	sdelay $0x1  }
0x4ae: {  	v2 =	vor.u32 v2, v30  }
0x4af: {  	v3 =	vor.u32 v3, v30  }
0x4b0: {  	[tilespmem:v7+s18+$0x0] =	vst.idx.msk $0xffff, v1;
	v7 =	vld [tilespmem:$0x1F6A0];
	v0 =	vor.u32 v0, v30  }
0x4b1: {  	v4 =	vor.u32 s28, v33;
	v1 =	vld.idx.msk [tilespmem:v8+s2+$0x0], $0xffff  }
0x4b2: {  	v8 =	vld [tilespmem:$0x1F6B0]  }
0x4b3: {  	v5 =	vor.u32 s28, v34;
	v2 =	vld.idx.msk [tilespmem:v2+s2+$0x0], $0xffff  }
0x4b4: {  	v6 =	vor.u32 s28, v35;
	v3 =	vld.idx.msk [tilespmem:v3+s2+$0x0], $0xffff  }
0x4b5: {  	v0 =	vld.idx.msk [tilespmem:v0+s2+$0x0], $0xffff  }
0x4b6: {  	[tilespmem:v4+s18+$0x0] =	vst.idx.msk $0xffff, v1;
	v1 =	vld [tilespmem:$0x1F6C0];
	_ =	sdelay $0x1  }
0x4b7: {  	[tilespmem:v5+s18+$0x0] =	vst.idx.msk $0xffff, v2;
	v2 =	vld [tilespmem:$0x1F6D0]  }
0x4b8: {  	v7 =	vor.u32 s28, v7;
	[tilespmem:v6+s18+$0x0] =	vst.idx.msk $0xffff, v3;
	v3 =	vld [tilespmem:$0x1F6E0]  }
0x4b9: {  	v8 =	vor.u32 v8, v30;
	v4 =	vld [tilespmem:$0x1F6F0]  }
0x4ba: {  	v1 =	vor.u32 v1, v30;
	_ =	sdelay $0x1  }
0x4bb: {  	v2 =	vor.u32 v2, v30  }
0x4bc: {  	[tilespmem:v7+s18+$0x0] =	vst.idx.msk $0xffff, v0;
	v3 =	vor.u32 v3, v30  }
0x4bd: {  	v4 =	vor.u32 s28, v4;
	v0 =	vld.idx.msk [tilespmem:v8+s2+$0x0], $0xffff  }
0x4be: {  	v5 =	vor.u32 s28, v36;
	v1 =	vld.idx.msk [tilespmem:v1+s2+$0x0], $0xffff  }
0x4bf: {  	v8 =	vld [tilespmem:$0x1F700]  }
0x4c0: {  	v6 =	vor.u32 s28, v37;
	v2 =	vld.idx.msk [tilespmem:v2+s2+$0x0], $0xffff  }
0x4c1: {  	v3 =	vld.idx.msk [tilespmem:v3+s2+$0x0], $0xffff  }
0x4c2: {  	[tilespmem:v4+s18+$0x0] =	vst.idx.msk $0xffff, v0;
	v0 =	vld [tilespmem:$0x1F710]  }
0x4c3: {  	[tilespmem:v5+s18+$0x0] =	vst.idx.msk $0xffff, v1;
	v1 =	vld [tilespmem:$0x1F720];
	_ =	sdelay $0x1  }
0x4c4: {  	v7 =	vor.u32 s28, v17;
	[tilespmem:v6+s18+$0x0] =	vst.idx.msk $0xffff, v2;
	v2 =	vld [tilespmem:$0x1F730]  }
0x4c5: {  	v8 =	vor.u32 v8, v30  }
0x4c6: {  	v0 =	vor.u32 v0, v30  }
0x4c7: {  	v1 =	vor.u32 v1, v30;
	_ =	sdelay $0x1  }
0x4c8: {  	[tilespmem:v7+s18+$0x0] =	vst.idx.msk $0xffff, v3;
	v2 =	vor.u32 v2, v30  }
0x4c9: {  	v4 =	vor.u32 s28, v38;
	v3 =	vld.idx.msk [tilespmem:v8+s2+$0x0], $0xffff  }
0x4ca: {  	v5 =	vor.u32 s28, v47;
	v0 =	vld.idx.msk [tilespmem:v0+s2+$0x0], $0xffff  }
0x4cb: {  	v6 =	vor.u32 s28, v60;
	v1 =	vld.idx.msk [tilespmem:v1+s2+$0x0], $0xffff  }
0x4cc: {  	v8 =	vld [tilespmem:$0x1F780]  }
0x4cd: {  	v2 =	vld.idx.msk [tilespmem:v2+s2+$0x0], $0xffff  }
0x4ce: {  	[tilespmem:v4+s18+$0x0] =	vst.idx.msk $0xffff, v3;
	v3 =	vld [tilespmem:$0x1F7B0]  }
0x4cf: {  	[tilespmem:v5+s18+$0x0] =	vst.idx.msk $0xffff, v0;
	v0 =	vld [tilespmem:$0x1F7C0]  }
0x4d0: {  	[tilespmem:v6+s18+$0x0] =	vst.idx.msk $0xffff, v1;
	v1 =	vld [tilespmem:$0x1F7D0]  }
0x4d1: {  	v7 =	vor.u32 s28, v39  }
0x4d2: {  	v8 =	vor.u32 v8, v30  }
0x4d3: {  	v3 =	vor.u32 v3, v30  }
0x4d4: {  	v0 =	vor.u32 v0, v30  }
0x4d5: {  	v1 =	vor.u32 v1, v30  }
0x4d6: {  	[tilespmem:v7+s18+$0x0] =	vst.idx.msk $0xffff, v2  }
0x4d7: {  	v4 =	vor.u32 s28, v43;
	v2 =	vld.idx.msk [tilespmem:v8+s2+$0x0], $0xffff  }
0x4d8: {  	v5 =	vor.u32 s28, v44;
	v3 =	vld.idx.msk [tilespmem:v3+s2+$0x0], $0xffff  }
0x4d9: {  	v6 =	vor.u32 s28, v45;
	v0 =	vld.idx.msk [tilespmem:v0+s2+$0x0], $0xffff  }
0x4da: {  	v7 =	vor.u32 s28, v26;
	v1 =	vld.idx.msk [tilespmem:v1+s2+$0x0], $0xffff  }
0x4db: {  	v8 =	vor.u32 v62, v30  }
0x4dc: {  	[tilespmem:v4+s18+$0x0] =	vst.idx.msk $0xffff, v2;
	v2 =	vor.u32 v61, v30  }
0x4dd: {  	[tilespmem:v5+s18+$0x0] =	vst.idx.msk $0xffff, v3;
	v3 =	vor.u32 v63, v30  }
0x4de: {  	[tilespmem:v6+s18+$0x0] =	vst.idx.msk $0xffff, v0  }
0x4df: {  	[tilespmem:v7+s18+$0x0] =	vst.idx.msk $0xffff, v1  }
0x4e0: {  	v4 =	vor.u32 s28, v46;
	v0 =	vor.u32 v28, v30;
	v1 =	vld.idx.msk [tilespmem:v8+s2+$0x0], $0xffff  }
0x4e1: {  	v5 =	vor.u32 s28, v58;
	v2 =	vld.idx.msk [tilespmem:v2+s2+$0x0], $0xffff  }
0x4e2: {  	p0 =	sne.s32 s26, $0x70;
	v6 =	vor.u32 s28, v59;
	v3 =	vld.idx.msk [tilespmem:v3+s2+$0x0], $0xffff  }
.Ltmp1:
0x4e3: {  	_ = 	snop;
	(pc) =	sbr.rel @p0 .LBB2_5-.Ltmp1, $4  }
0x4e4: {  	_ = 	snop  }
0x4e5: {  	v30 =	vld.idx.msk [tilespmem:v0+s2+$0x0], $0xffff;
	[tilespmem:v4+s18+$0x0] =	vst.idx.msk $0xffff, v1  }
0x4e6: {  	[tilespmem:v5+s18+$0x0] =	vst.idx.msk $0xffff, v2  }
0x4e7: {  	s26 =	sadd.s32 $0x10, s26;
	v0 =	vor.u32 s28, v29;
	[tilespmem:v6+s18+$0x0] =	vst.idx.msk $0xffff, v3  }
0x4e8: {  	v59 =	vld [tilespmem:$0x1FF40]  }
0x4e9: {  	v46 =	vld [tilespmem:$0x1FF10]  }
0x4ea: {  	v61 =	vld [tilespmem:$0x1FF80]  }
0x4eb: {  	v23 =	vld [tilespmem:$0x1FFA0]  }
0x4ec: {  	v63 =	vld [tilespmem:$0x1FFB0]  }
0x4ed: {  	v8 =	vld [tilespmem:$0x1FAA0]  }
0x4ee: {  	v44 =	vld [tilespmem:$0x1FF50]  }
0x4ef: {  	v52 =	vld [tilespmem:$0x1FF70]  }
0x4f0: {  	v56 =	vld [tilespmem:$0x1FF90]  }
0x4f1: {  	v21 =	vld [tilespmem:$0x1FBA0]  }
0x4f2: {  	v53 =	vld [tilespmem:$0x1FF20]  }
0x4f3: {  	v43 =	vld [tilespmem:$0x1FF30]  }
0x4f4: {  	v54 =	vld [tilespmem:$0x1FF60]  }
0x4f5: {  	v58 =	vld [tilespmem:$0x1FFC0]  }
0x4f6: {  	v18 =	vld [tilespmem:$0x1FB80]  }
0x4f7: {  	v20 =	vld [tilespmem:$0x1FFE0]  }
0x4f8: {  	v22 =	vld [tilespmem:$0x1FFD0]  }
0x4f9: {  	s22 =	sadd.s32 $0x1, s22;
	v7 =	vld [tilespmem:$0x1FE70]  }
0x4fa: {  	v2 =	vld [tilespmem:$0x1FEE0];
	p0 =	sne.s32 s22, $0x20  }
.Ltmp2:
0x4fb: {  	v1 =	vld [tilespmem:$0x1FED0];
	(pc) =	sbr.rel @p0 .LBB2_2-.Ltmp2, $4  }
0x4fc: {  	s23 =	sadd.s32 @!p1 $0x30, s23;
	s25 =	simm.s32 @!p1 $0x0;
	s26 =	simm.s32 @!p1 $0x10080;
	v3 =	vld [tilespmem:$0x1FEB0];
	[tilespmem:v0+s18+$0x0] =	vst.idx.msk $0xffff, v30  }
0x4fd: {  	v4 =	vld [tilespmem:$0x1FEC0];
	[tilespmem:s26], [sflag:$0x2] =	stream.linear.gather @!p1 [hbm4b:s23+s25], $0x80, $0x38  }
0x4fe: {  	s31 =	sadd.s32 s7, s24;
	v5 =	vld [tilespmem:$0x1FF00]  }
0x4ff: {  	v45 =	vmovc v50;
	v39 =	vmovc v51;
	v41 =	vmov v55;
	v15 =	vmov v47;
	v62 =	vlaneseq.u32;
	v6 =	vld [tilespmem:$0x1FEF0];
	[hbm4b:s31+s15] =	stream.strided.scatter [tilespmem:s18], [sflag:$0x4], $0x2000, s16, s15, $0x38  }
0x500: {  	s21 =	sadd.s32 $0x1, s21  }
0x501: {  	_ =	swait.ge [sflag:s19], $0x2000;
	p0 =	sne.s32 s21, s9  }
.Ltmp3:
0x502: {  	[sflag:s19] =	ssyncset.done $0x0;
	(pc) =	sbr.rel @p0 .LBB2_1-.Ltmp3, $4  }
0x503: {  	[sflag:s19] =	ssyncadd.s32 $0xFFFFE000  }
0x504: {  	_ =	swait.ge [sflag:s20], $0x2000  }
0x505: {  	[sflag:s20] =	ssyncset.done $0x0  }
0x506: {  	[sflag:s20] =	ssyncadd.s32 $0xFFFFE000  }
0x507: {  	_ =	sfence.sel $0x180000  }
0x508: {  	[bflag:$0x0] =	sbarrier.arrive $0xFFFF  }
0x509: {  	p0 =	sne.s32 s1, $0x0;
	_ =	strace $0x9000004A  }
0x50a: {  	s0 =	sadd.s32 @!p0 $0x100000, s0;
	[bflag:$0x2] =	sbarrier.arrive $0xFFFF  }
0x50b: {  	[sflag:s0] =	ssyncadd.tile.s32 @!p0 $0x1;
	_ =	shalt  }
.Lfunc_end2:
_tile_overlayer_lowered:
.L_overlay_start_2:
0x50c: {  	(tag) =	ssettag $0x2  }
0x50d: {  	s0 =	rddreg [dreg:$0x0];
	s2 =	stileid.u32  }
0x50e: {  	s1 =	rddreg [dreg:$0x1];
	p0 =	sne.s32 s2, $0x0  }
0x50f: {  	s3 =	rddreg [dreg:$0x2];
	[bflag:$0x3] =	sbarrier.arrive $0xFFFF;
	s2 =	simm.s32 @!p0 $0x1C05  }
0x510: {  	[timem:s3], [sflag:s2] =	dma.local @!p0 [hbm:s0], s1  }
0x511: {  	s0 =	simm.s32 @!p0 $0x5  }
0x512: {  	_ =	swait.ge @!p0 [sflag:s0], s1  }
0x513: {  	s1 =	ssub.s32 @!p0 $0x0, s1;
	[sflag:s0] =	ssyncset.done @!p0 $0x0  }
0x514: {  	[sflag:s0] =	ssyncadd.s32 @!p0 s1  }
0x515: {  	[bflag:$0x3] =	sbarrier.arrive $0xFFFF  }
0x516: {  	_ =	shalt  }

// kernel: kernel.7.cloned.1.call-start
scs
__scs_entry_jumppad:
0x0: {  	(pc) =	sbr.rel $0x88, $3  }
0x1: {  	(tag) =	ssettag $0x0;
	lr =	simm.s32 $0x1  }
0x2: {  	[smem:$0x3F95] =	sst lr;
	_ =	strace $0xD0000000  }
0x3: {  	_ = 	snop  }
0x4: {  	_ = 	snop  }
0x5: {  	_ = 	snop  }
0x6: {  	_ = 	snop  }
0x7: {  	_ = 	snop  }
__scs_overlays_trampoline_lowered:
0x8: {  	[smem:$0x3FA4] =	sst s0  }
0x9: {  	[smem:$0x3FA5] =	sst s1  }
0xa: {  	[smem:$0x3FA6] =	sst s2  }
0xb: {  	[smem:$0x3FA7] =	sst s3  }
0xc: {  	[smem:$0x3FA8] =	sst s4  }
0xd: {  	[smem:$0x3FA9] =	sst s5  }
0xe: {  	[smem:$0x3FAA] =	sst s6  }
0xf: {  	[smem:$0x3FAB] =	sst s7  }
0x10: {  	[smem:$0x3FAC] =	sst s8  }
0x11: {  	[smem:$0x3FAD] =	sst s9;
	s0 =	simm.s32 @!p0 $0x0  }
0x12: {  	s1 =	sld [smem:$0x3F93];
	s0 =	simm.s32 @p0 $0x1  }
0x13: {  	[smem:$0x3FAE] =	sst s0;
	s0 =	simm.s32 @!p1 $0x0  }
0x14: {  	s2 =	sld [smem:$0x3F92];
	s0 =	simm.s32 @p1 $0x1  }
0x15: {  	[smem:$0x3FAF] =	sst s0;
	s0 =	simm.s32 @!p2 $0x0  }
0x16: {  	s3 =	sld [smem:$0x3FDB];
	s0 =	simm.s32 @p2 $0x1  }
0x17: {  	s4 =	simm.s32 $0x1BF5;
	[smem:$0x3FB1] =	sst s0  }
0x18: {  	s0 =	sld [smem:$0x3F94];
	_ =	swait.ge [sflag:s4], $0x0  }
0x19: {  	s7 =	sld [smem:$0x3F95]  }
0x1a: {  	s8 =	sadd.s32 $0xFFFFE003, lr  }
0x1b: {  	s9 =	sadd.s32 $0xFFFFFEF7, lr;
	s5 =	simm.s32 $0xFFFFFFFF;
	p2 =	slt.u32 s8, $0xFFFFF086  }
0x1c: {  	p1 =	slt.u32 s9, $0xF7A;
	s5 =	simm.s32 @!p2 $0x0  }
0x1d: {  	s5 =	simm.s32 @p1 $0x1;
	p0 =	seq.s32 s7, s2  }
0x1e: {  	s7 =	smul.u32 @!p0 $0xF7A, s2;
	p2 =	seq.s32 @!p0 s5, $0x0  }
0x1f: {  	s9 =	smul.u32 $0xF7A, s1;
	s8 =	simm.s32 @!p0 $0x1BF5;
	p2 =	por !p2, p0  }
0x20: {  	[sflag:s8] =	ssyncset.s32 @!p0 $0xFFFFF086;
	s6 =	sadd.s32 @!p0 s3, s7;
	s7 =	simm.s32 @!p0 $0x108  }
0x21: {  	s3 =	sadd.s32 s3, s9;
	s6 =	sadd.s32 @!p0 $0x88, s6;
	s7 =	simm.s32 @p2 $0x1082  }
0x22: {  	[simem:s7], [sflag:s8] =	dma.local @!p0 [hbm:s6], $0xF7A  }
0x23: {  	s9 =	sor.u32 $0xD0000000, s2;
	s6 =	simm.s32 $0x108;
	_ =	swait.ge @!p0 [sflag:s8], $0x0  }
0x24: {  	s3 =	sadd.s32 $0x88, s3;
	s6 =	simm.s32 @!p1 $0x1082;
	[sflag:s4] =	ssyncset.s32 $0xFFFFF086  }
0x25: {  	[simem:s6], [sflag:s4] =	dma.local [hbm:s3], $0xF7A  }
0x26: {  	[smem:$0x3F95] =	sst s1;
	(tag) =	ssettag s2;
	_ =	strace s9  }
0x27: {  	s1 =	sld [smem:$0x3FA5]  }
0x28: {  	s2 =	sld [smem:$0x3FA6]  }
0x29: {  	s4 =	sld [smem:$0x3FA8]  }
0x2a: {  	p0 =	seq.s32 s5, $0x0;
	s5 =	sld [smem:$0x3FA9]  }
0x2b: {  	s6 =	sld [smem:$0x3FAA]  }
0x2c: {  	s7 =	sld [smem:$0x3FAB]  }
0x2d: {  	s3 =	simm.s32 $0x108;
	s8 =	sld [smem:$0x3FAC]  }
0x2e: {  	s3 =	simm.s32 @!p0 $0x1082;
	s9 =	sld [smem:$0x3FAD]  }
0x2f: {  	lr =	sadd.s32 s0, s3;
	s0 =	sld [smem:$0x3FA4]  }
0x30: {  	s3 =	sld [smem:$0x3FA7]  }
0x31: {  	[smem:$0x3FB0] =	sst s10  }
0x32: {  	s10 =	sld [smem:$0x3FAE];
	_ =	sdelay $0x3  }
0x33: {  	p0 =	seq.s32 s10, $0x1;
	s10 =	sld [smem:$0x3FB0];
	_ =	sdelay $0x3  }
0x34: {  	[smem:$0x3FB0] =	sst s10  }
0x35: {  	s10 =	sld [smem:$0x3FAF];
	_ =	sdelay $0x3  }
0x36: {  	p1 =	seq.s32 s10, $0x1;
	s10 =	sld [smem:$0x3FB0];
	_ =	sdelay $0x3  }
0x37: {  	[smem:$0x3FB0] =	sst s10  }
0x38: {  	s10 =	sld [smem:$0x3FB1]  }
0x39: {  	_ = 	snop;
	(pc) =	sbr.ind lr, $3  }
0x3a: {  	_ = 	snop  }
0x3b: {  	_ = 	snop  }
0x3c: {  	p2 =	seq.s32 s10, $0x1;
	s10 =	sld [smem:$0x3FB0]  }
0x3d: {  	_ =	shalt  }
0x3e: {  	_ =	shalt  }
0x3f: {  	_ =	shalt  }
0x40: {  	_ =	shalt  }
0x41: {  	_ =	shalt  }
0x42: {  	_ =	shalt  }
0x43: {  	_ =	shalt  }
0x44: {  	_ =	shalt  }
0x45: {  	_ =	shalt  }
0x46: {  	_ =	shalt  }
0x47: {  	_ =	shalt  }
0x48: {  	_ =	shalt  }
0x49: {  	_ =	shalt  }
0x4a: {  	_ =	shalt  }
0x4b: {  	_ =	shalt  }
0x4c: {  	_ =	shalt  }
0x4d: {  	_ =	shalt  }
0x4e: {  	_ =	shalt  }
0x4f: {  	_ =	shalt  }
0x50: {  	_ =	shalt  }
0x51: {  	_ =	shalt  }
0x52: {  	_ =	shalt  }
0x53: {  	_ =	shalt  }
0x54: {  	_ =	shalt  }
0x55: {  	_ =	shalt  }
0x56: {  	_ =	shalt  }
0x57: {  	_ =	shalt  }
0x58: {  	_ =	shalt  }
0x59: {  	_ =	shalt  }
0x5a: {  	_ =	shalt  }
0x5b: {  	_ =	shalt  }
0x5c: {  	_ =	shalt  }
0x5d: {  	_ =	shalt  }
0x5e: {  	_ =	shalt  }
0x5f: {  	_ =	shalt  }
0x60: {  	_ =	shalt  }
0x61: {  	_ =	shalt  }
0x62: {  	_ =	shalt  }
0x63: {  	_ =	shalt  }
0x64: {  	_ =	shalt  }
0x65: {  	_ =	shalt  }
0x66: {  	_ =	shalt  }
0x67: {  	_ =	shalt  }
0x68: {  	_ =	shalt  }
0x69: {  	_ =	shalt  }
0x6a: {  	_ =	shalt  }
0x6b: {  	_ =	shalt  }
0x6c: {  	_ =	shalt  }
0x6d: {  	_ =	shalt  }
0x6e: {  	_ =	shalt  }
0x6f: {  	_ =	shalt  }
0x70: {  	_ =	shalt  }
0x71: {  	_ =	shalt  }
0x72: {  	_ =	shalt  }
0x73: {  	_ =	shalt  }
0x74: {  	_ =	shalt  }
0x75: {  	_ =	shalt  }
0x76: {  	_ =	shalt  }
0x77: {  	_ =	shalt  }
0x78: {  	_ =	shalt  }
0x79: {  	_ =	shalt  }
0x7a: {  	_ =	shalt  }
0x7b: {  	_ =	shalt  }
0x7c: {  	_ =	shalt  }
0x7d: {  	_ =	shalt  }
0x7e: {  	_ =	shalt  }
0x7f: {  	_ =	shalt  }
0x80: {  	_ =	shalt  }
0x81: {  	_ =	shalt  }
0x82: {  	_ =	shalt  }
0x83: {  	_ =	shalt  }
0x84: {  	_ =	shalt  }
0x85: {  	_ =	shalt  }
0x86: {  	_ =	shalt  }
0x87: {  	_ =	shalt  }
.Lfunc_end0:
.L_simem_size_0:
called_computation_lowered:
.L_overlay_start_0:
0x88: {  	s2 =	sld [smem:$0x3FD9]  }
0x89: {  	s3 =	sld [smem:$0x3FFE];
	_ =	sdelay $0x1  }
0x8a: {  	s1 =	srdreg.scid  }
0x8b: {  	s0 =	sand.u32 $0x1, s1  }
0x8c: {  	s17 =	sshll.u32 s0, $0xA;
	s2 =	sadd.s32 s3, s2  }
0x8d: {  	s2 =	sadd.s32 s2, s17  }
0x8e: {  	[smem:$0x3FBC] =	sst s2  }
0x8f: {  	_ = 	snop  }
0x90: {  	s2 =	sld [smem:$0x3FD0];
	(tm) =	ssettm $0x1  }
0x91: {  	s18 =	sld [smem:$0x3FFB];
	_ =	sdelay $0x3  }
0x92: {  	_ =	strace s18  }
0x93: {  	s3 =	sld [smem:$0x3FFC];
	_ =	sdelay $0x3  }
0x94: {  	_ =	strace s3  }
0x95: {  	s3 =	sld [smem:$0x3FFD];
	_ =	sdelay $0x3  }
0x96: {  	_ =	strace s3  }
0x97: {  	_ =	strace $0x8FFFFFFF  }
0x98: {  	s19 =	sld [smem:$0x3FDB];
	_ =	sdelay $0x1  }
0x99: {  	s4 =	simm.s32 $_scs_section_size  }
0x9a: {  	s5 =	simm.s32 $_size__tile_overlayer_lowered;
	s6 =	simm.s32 $_tile_overlayer_lowered  }
0x9b: {  	s22 =	simm.s32 $0x1BFF;
	s21 =	sshll.u32 s6, $0x1;
	s3 =	sadd.s32 s4, s19  }
0x9c: {  	s7 =	simm.s32 $0x0;
	s20 =	sshll.u32 s5, $0x1;
	s5 =	sadd.s32 s21, s3  }
0x9d: {  	[timem:s7], [sflag:s22] =	dma.local [hbm:s5], s20  }
0x9e: {  	_ =	swait.ge [sflag:s22], s20  }
0x9f: {  	s4 =	ssub.s32 $0x0, s20;
	[sflag:s22] =	ssyncset.done $0x0  }
0xa0: {  	[sflag:s22] =	ssyncadd.s32 s4;
	_ =	sdelay $0x1  }
0xa1: {  	s23 =	simm.s32 $0x1B8B  }
0xa2: {  	_ =	swait.ge [sflag:s23], $0x1  }
0xa3: {  	[sflag:s23] =	ssyncset.done $0x0  }
0xa4: {  	s25 =	simm.s32 $0x1B8E;
	s24 =	sld [smem:$0x3FFE];
	[sflag:s23] =	ssyncadd.s32 $0xFFFFFFFF  }
0xa5: {  	s26 =	simm.s32 $execute0_lowered;
	[smem:$0x3FD2] =	sst s25  }
0xa6: {  	s5 =	sshll.u32 s26, $0x1;
	_ =	strace $0x80000046;
	[dreg:$0x1] =	wrdreg $0xFFFFFFFF  }
0xa7: {  	s28 =	simm.s32 $_size_execute0_lowered;
	s3 =	sadd.s32 s3, s5;
	[dreg:$0x0] =	wrdreg $0x0  }
0xa8: {  	s5 =	sshll.u32 s28, $0x1;
	[dreg:$0x2] =	wrdreg s3  }
0xa9: {  	[dreg:$0x3] =	wrdreg s5  }
0xaa: {  	[dreg:$0x4] =	wrdreg $0xC0  }
0xab: {  	_ =	task [dreg:s7], $0x5FFFF  }
0xac: {  	[dreg:$0x1] =	wrdreg $0xFFFFFFFF  }
0xad: {  	[dreg:$0x0] =	wrdreg $0x60  }
0xae: {  	[dreg:$0x2] =	wrdreg s2  }
0xaf: {  	[dreg:$0x3] =	wrdreg s24  }
0xb0: {  	[dreg:$0x4] =	wrdreg $0x9  }
0xb1: {  	_ =	task.clear_ibuf [dreg:s7], $0x5FFFF;
	_ =	strace $0x90000046  }
0xb2: {  	s29 =	simm.s32 $0x9;
	_ =	strace $0x80000048  }
0xb3: {  	_ =	swait.ge [sflag:s29], $0x1  }
0xb4: {  	[sflag:s29] =	ssyncadd.s32 $0xFFFFFFFF  }
0xb5: {  	_ =	strace $0x90000048  }
0xb6: {  	_ =	sfence  }
0xb7: {  	s30 =	sld [smem:$0x0];
	_ =	sdelay $0x2  }
0xb8: {  	s31 =	sshll.u32 s1, $0xD;
	s1 =	sshrl.u32 s1, $0x2  }
0xb9: {  	s3 =	sand.u32 $0x4000, s31;
	s1 =	sadd.s32 s1, s30  }
0xba: {  	s0 =	sor.u32 s3, s0;
	s1 =	sshll.u32 s1, $0x11  }
0xbb: {  	s0 =	sor.u32 s1, s0  }
0xbc: {  	s0 =	sadd.s32 $0x8F2B, s0  }
0xbd: {  	[sflag:s0] =	ssyncadd.remote.s32 $0x1  }
0xbe: {  	_ =	sfence.sel $0xFFFF  }
0xbf: {  	[dreg:$0x0] =	wrdreg $0xFFFFFFFF;
	(pc) =	sbr.abs _section_cstart, $3  }
0xc0: {  	[dreg:$0x1] =	wrdreg $0xFFFFFFFF  }
0xc1: {  	_ =	task.clear_ibuf [dreg:s7], $0x2FFFF;
	_ =	strace $0x9FFFFFFF  }
0xc2: {  	(tm) =	ssettm $0x7FFFFFFF  }
0xc3: {  	_ =	shalt  }
tec
execute0_lowered:
.L_overlay_start_1:
0x0: {  	(tag) =	ssettag $0x1  }
0x1: {  	v0 =	vimm.s32 $0xEFCDAB89;
	v1 =	vimm.s32 $0x67452301  }
0x2: {  	v2 =	vimm.s32 $0xDCFE98BA;
	v3 =	vimm.s32 $0x54761032;
	vm14 =	vcmask $0x300  }
0x3: {  	vm13 =	vcmask $0x704;
	v7 =	vimm.s32 $0x45670123;
	vm12 =	vcmask $0xB08  }
0x4: {  	vm11 =	vcmask $0xF0C;
	vm10 =	vcmask $0x1310;
	vm9 =	vcmask $0x1714  }
0x5: {  	vm8 =	vcmask $0x1B18;
	vm7 =	vcmask $0x1F1C;
	vm6 =	vcmask $0x2320  }
0x6: {  	vm5 =	vcmask $0x2724;
	vm4 =	vcmask $0x2B28;
	vm3 =	vcmask $0x2F2C  }
0x7: {  	vm2 =	vcmask $0x3330;
	vm1 =	vcmask $0x3734;
	vm0 =	vcmask $0x3B38  }
0x8: {  	v9 =	vimm.s32 $0xAB89EFCD;
	v11 =	vimm.s32 $0x23016745;
	v14 =	vimm.s32 $0x1234567  }
0x9: {  	v17 =	vimm.s32 $0x158F;
	v18 =	vimm.s32 $0x150F;
	v19 =	vimm.s32 $0x148F  }
0xa: {  	v20 =	vimm.s32 $0x140F;
	v21 =	vimm.s32 $0x138F;
	v22 =	vimm.s32 $0x130F  }
0xb: {  	v23 =	vimm.s32 $0x128F;
	v24 =	vimm.s32 $0x120F;
	v25 =	vimm.s32 $0x118F  }
0xc: {  	v26 =	vimm.s32 $0x110F;
	v27 =	vimm.s32 $0x108F;
	v28 =	vimm.s32 $0x1F0F  }
0xd: {  	v29 =	vimm.s32 $0x1E8F;
	v30 =	vimm.s32 $0x1E0F;
	v31 =	vimm.s32 $0x1D8F  }
0xe: {  	v32 =	vimm.s32 $0x1D0F;
	v33 =	vimm.s32 $0x1C8F;
	v34 =	vimm.s32 $0x1C0F  }
0xf: {  	v35 =	vimm.s32 $0x1B8F;
	v36 =	vimm.s32 $0x1B0F;
	v37 =	vimm.s32 $0x1A8F  }
0x10: {  	v38 =	vimm.s32 $0x1A0F;
	v39 =	vimm.s32 $0x198F;
	v40 =	vimm.s32 $0x190F  }
0x11: {  	v41 =	vimm.s32 $0x188F;
	v42 =	vimm.s32 $0x14151617;
	v49 =	vimm.s32 $0x1F1E1D1C  }
0x12: {  	v0 =	vunpack.c.l.s4.s8 v0;
	v1 =	vunpack.c.l.s4.s8 v1;
	v2 =	vunpack.c.l.s4.s8 v2  }
0x13: {  	v4 =	vunpack.c.l.s4.s8 v3;
	v7 =	vunpack.c.l.s4.s8 v7;
	v9 =	vunpack.c.l.s4.s8 v9  }
0x14: {  	v11 =	vunpack.c.l.s4.s8 v11;
	v14 =	vunpack.c.l.s4.s8 v14;
	v17 =	vsel vm14, $0x1200, v17  }
0x15: {  	v18 =	vsel vm14, $0x1280, v18;
	v19 =	vsel vm14, $0x1300, v19;
	v20 =	vsel vm14, $0x1380, v20  }
0x16: {  	v21 =	vsel vm14, $0x1400, v21;
	v22 =	vsel vm14, $0x1480, v22;
	v23 =	vsel vm14, $0x1500, v23  }
0x17: {  	v24 =	vsel vm14, $0x1580, v24;
	v0 =	vunpack.c.0.s8.s32 v0;
	v1 =	vunpack.c.0.s8.s32 v1  }
0x18: {  	v25 =	vsel vm14, $0x1600, v25;
	v26 =	vsel vm14, $0x1680, v26;
	v27 =	vsel vm14, $0x1700, v27  }
0x19: {  	v28 =	vsel vm14, $0x1880, v28;
	v29 =	vsel vm14, $0x1900, v29;
	v5 =	vcombine.low v1, v0  }
0x1a: {  	v30 =	vsel vm14, $0x1980, v30;
	v31 =	vsel vm14, $0x1A00, v31;
	v3 =	vunpack.c.0.s8.s32 v2  }
0x1b: {  	v2 =	vunpack.c.0.s8.s32 v4;
	v4 =	vand.u32 $0xF, v5;
	v5 =	vimm.s32 $0x70F  }
0x1c: {  	v32 =	vsel vm14, $0x1A80, v32;
	[tilespmem:$0x1FAD0] =	vst v4;
	v4 =	vimm.s32 $0xCDEF89AB;
	v5 =	vsel vm14, $0x80, v5  }
0x1d: {  	v33 =	vsel vm14, $0x1B00, v33;
	v4 =	vunpack.c.l.s4.s8 v4;
	v5 =	vsel vm13, $0x1, v5  }
0x1e: {  	v34 =	vsel vm14, $0x1B80, v34;
	v6 =	vcombine.low v2, v3;
	v5 =	vsel vm12, $0x182, v5  }
0x1f: {  	v4 =	vunpack.c.0.s8.s32 v4;
	v8 =	vsel vm11, $0x103, v5;
	v5 =	vunpack.c.0.s8.s32 v7  }
0x20: {  	v35 =	vsel vm14, $0x1C00, v35;
	v6 =	vand.u32 $0xF, v6;
	v7 =	vsel vm10, $0x284, v8  }
0x21: {  	[tilespmem:$0x1FAF0] =	vst v6;
	v8 =	vimm.s32 $0x68F;
	v6 =	vsel vm9, $0x205, v7;
	v7 =	vcombine.low v5, v4  }
0x22: {  	v36 =	vsel vm14, $0x1C80, v36;
	v37 =	vsel vm14, $0x1D00, v37;
	v8 =	vsel vm14, $0x100, v8  }
0x23: {  	v6 =	vsel vm8, $0x386, v6;
	v8 =	vsel vm13, $0x181, v8;
	v7 =	vand.u32 $0xF, v7  }
0x24: {  	v38 =	vsel vm14, $0x1D80, v38;
	v6 =	vsel vm7, $0x307, v6;
	[tilespmem:$0x1FB10] =	vst v7;
	v7 =	vsel vm12, $0x2, v8  }
0x25: {  	v6 =	vsel vm6, $0x488, v6;
	v8 =	vimm.s32 $0x60F;
	v7 =	vsel vm11, $0x83, v7  }
0x26: {  	v6 =	vsel vm5, $0x409, v6;
	v8 =	vsel vm14, $0x180, v8;
	v7 =	vsel vm10, $0x304, v7  }
0x27: {  	v6 =	vsel vm4, $0x58A, v6;
	v8 =	vsel vm13, $0x101, v8;
	v7 =	vsel vm9, $0x385, v7  }
0x28: {  	v6 =	vsel vm3, $0x50B, v6;
	v8 =	vsel vm12, $0x82, v8;
	v7 =	vsel vm8, $0x206, v7  }
0x29: {  	v6 =	vsel vm2, $0x68C, v6;
	v8 =	vsel vm11, $0x3, v8;
	v7 =	vsel vm7, $0x287, v7  }
0x2a: {  	v6 =	vsel vm1, $0x60D, v6;
	v8 =	vsel vm10, $0x384, v8;
	v7 =	vsel vm6, $0x508, v7  }
0x2b: {  	v8 =	vsel vm9, $0x305, v8;
	v6 =	vsel vm0, $0x78E, v6;
	v7 =	vsel vm5, $0x589, v7  }
0x2c: {  	v9 =	vunpack.c.0.s8.s32 v9;
	[tilespmem:$0x1F830] =	vst v6;
	v6 =	vsel vm4, $0x40A, v7;
	v7 =	vsel vm8, $0x286, v8  }
0x2d: {  	v8 =	vimm.s32 $0x32107654;
	v10 =	vsel vm3, $0x48B, v6;
	v6 =	vsel vm7, $0x207, v7  }
0x2e: {  	v7 =	vimm.s32 $0xBA98FEDC;
	v8 =	vunpack.c.l.s4.s8 v8;
	v6 =	vsel vm6, $0x588, v6  }
0x2f: {  	v7 =	vunpack.c.l.s4.s8 v7;
	v10 =	vsel vm2, $0x70C, v10;
	v6 =	vsel vm5, $0x509, v6  }
0x30: {  	v8 =	vunpack.c.0.s8.s32 v8;
	v10 =	vsel vm1, $0x78D, v10;
	v6 =	vsel vm4, $0x48A, v6  }
0x31: {  	v7 =	vunpack.c.0.s8.s32 v7;
	v12 =	vsel vm3, $0x40B, v6;
	v6 =	vunpack.c.0.s8.s32 v11  }
0x32: {  	v39 =	vsel vm14, $0x1E00, v39;
	v10 =	vsel vm0, $0x60E, v10;
	v11 =	vsel vm2, $0x78C, v12  }
0x33: {  	v12 =	vcombine.low v8, v7;
	v11 =	vsel vm1, $0x70D, v11;
	v13 =	vcombine.low v6, v9  }
0x34: {  	v40 =	vsel vm14, $0x1E80, v40;
	[tilespmem:$0x1F840] =	vst v10;
	v10 =	vsel vm0, $0x68E, v11;
	v11 =	vimm.s32 $0x58F  }
0x35: {  	[tilespmem:$0x1F850] =	vst v10;
	v10 =	vand.u32 $0xF, v12;
	v59 =	vand.u32 $0xF, v13;
	v11 =	vsel vm14, $0x200, v11  }
0x36: {  	v12 =	vimm.s32 $0x10325476;
	v13 =	vimm.s32 $0x89ABCDEF;
	v11 =	vsel vm13, $0x281, v11  }
0x37: {  	v12 =	vunpack.c.l.s4.s8 v12;
	v13 =	vunpack.c.l.s4.s8 v13;
	v11 =	vsel vm12, $0x302, v11  }
0x38: {  	v41 =	vsel vm14, $0x1F00, v41;
	v42 =	vunpack.c.0.s8.s32 v42;
	v15 =	vsel vm11, $0x383, v11  }
0x39: {  	v11 =	vunpack.c.0.s8.s32 v12;
	v12 =	vunpack.c.0.s8.s32 v13;
	v13 =	vsel vm10, $0x4, v15  }
0x3a: {  	v14 =	vunpack.c.0.s8.s32 v14;
	v15 =	vimm.s32 $0x50F;
	v13 =	vsel vm9, $0x85, v13  }
0x3b: {  	v45 =	vsel vm13, $0x1F81, v41;
	v15 =	vsel vm14, $0x280, v15;
	v13 =	vsel vm8, $0x106, v13  }
0x3c: {  	v12 =	vcombine.low v14, v12;
	v14 =	vsel vm13, $0x201, v15;
	v13 =	vsel vm7, $0x187, v13  }
0x3d: {  	v0 =	vand.u32 $0xF, v0;
	v14 =	vsel vm12, $0x382, v14;
	v13 =	vsel vm6, $0x608, v13  }
0x3e: {  	v61 =	vand.u32 $0xF, v12;
	v12 =	vsel vm5, $0x689, v13;
	v13 =	vsel vm11, $0x303, v14  }
0x3f: {  	v14 =	vimm.s32 $0x48F;
	v12 =	vsel vm4, $0x70A, v12;
	v13 =	vsel vm10, $0x84, v13  }
0x40: {  	v14 =	vsel vm14, $0x300, v14;
	v12 =	vsel vm3, $0x78B, v12;
	v13 =	vsel vm9, $0x5, v13  }
0x41: {  	v14 =	vsel vm13, $0x381, v14;
	v12 =	vsel vm2, $0x40C, v12;
	v13 =	vsel vm8, $0x186, v13  }
0x42: {  	v14 =	vsel vm12, $0x202, v14;
	v12 =	vsel vm1, $0x48D, v12;
	v13 =	vsel vm7, $0x107, v13  }
0x43: {  	v62 =	vsel vm0, $0x50E, v12;
	v12 =	vsel vm6, $0x688, v13;
	v13 =	vsel vm11, $0x283, v14  }
0x44: {  	v56 =	vcombine.low v0, v1;
	v12 =	vsel vm5, $0x609, v12;
	v13 =	vsel vm10, $0x104, v13  }
0x45: {  	v14 =	vimm.s32 $0x40F;
	v12 =	vsel vm4, $0x78A, v12;
	v13 =	vsel vm9, $0x185, v13  }
0x46: {  	v14 =	vsel vm14, $0x380, v14;
	v12 =	vsel vm3, $0x70B, v12;
	v13 =	vsel vm8, $0x6, v13  }
0x47: {  	v14 =	vsel vm13, $0x301, v14;
	v12 =	vsel vm2, $0x48C, v12;
	v13 =	vsel vm7, $0x87, v13  }
0x48: {  	v14 =	vsel vm12, $0x282, v14;
	v12 =	vsel vm1, $0x40D, v12;
	v13 =	vsel vm6, $0x708, v13  }
0x49: {  	v14 =	vsel vm11, $0x203, v14;
	v63 =	vsel vm0, $0x58E, v12;
	v12 =	vsel vm5, $0x789, v13  }
0x4a: {  	v0 =	vand.u32 $0xF, v3;
	v13 =	vsel vm10, $0x184, v14;
	v12 =	vsel vm4, $0x60A, v12  }
0x4b: {  	v14 =	vimm.s32 $0x38F;
	v13 =	vsel vm9, $0x105, v13;
	v12 =	vsel vm3, $0x68B, v12  }
0x4c: {  	v14 =	vsel vm14, $0x400, v14;
	v13 =	vsel vm8, $0x86, v13;
	v12 =	vsel vm2, $0x50C, v12  }
0x4d: {  	v14 =	vsel vm13, $0x481, v14;
	v13 =	vsel vm7, $0x7, v13;
	v12 =	vsel vm1, $0x58D, v12  }
0x4e: {  	v14 =	vsel vm12, $0x502, v14;
	v13 =	vsel vm6, $0x788, v13;
	v12 =	vsel vm0, $0x40E, v12  }
0x4f: {  	v0 =	vcombine.low v0, v2;
	[tilespmem:$0x1FAA0] =	vst v12;
	v12 =	vsel vm5, $0x709, v13;
	v13 =	vsel vm11, $0x583, v14  }
0x50: {  	v15 =	vimm.s32 $0x76543210;
	v14 =	vimm.s32 $0xFEDCBA98;
	v13 =	vsel vm10, $0x604, v13  }
0x51: {  	v12 =	vsel vm4, $0x68A, v12;
	v14 =	vunpack.c.l.s4.s8 v14;
	v13 =	vsel vm9, $0x685, v13  }
0x52: {  	v15 =	vunpack.c.l.s4.s8 v15;
	v12 =	vsel vm3, $0x60B, v12;
	v13 =	vsel vm8, $0x706, v13  }
0x53: {  	v12 =	vsel vm2, $0x58C, v12;
	v14 =	vunpack.c.0.s8.s32 v14;
	v13 =	vsel vm7, $0x787, v13  }
0x54: {  	v15 =	vunpack.c.0.s8.s32 v15;
	v12 =	vsel vm1, $0x50D, v12;
	v13 =	vsel vm6, $0x8, v13  }
0x55: {  	v44 =	vsel vm0, $0x48E, v12;
	v12 =	vand.u32 $0xF, v14;
	v13 =	vsel vm5, $0x89, v13  }
0x56: {  	v2 =	vimm.s32 $0x20F;
	v52 =	vcombine.low v12, v15;
	v12 =	vsel vm4, $0x10A, v13  }
0x57: {  	[tilespmem:$0x1F8B0] =	vst v42;
	v42 =	vsel vm13, $0x1E01, v40;
	v2 =	vsel vm14, $0x580, v2;
	v1 =	vsel vm3, $0x18B, v12  }
0x58: {  	[tilespmem:$0x1FBA0] =	vst v0;
	v2 =	vsel vm13, $0x501, v2;
	v0 =	vand.u32 $0xF, v4;
	v1 =	vsel vm2, $0x20C, v1  }
0x59: {  	v53 =	vcombine.low v0, v5;
	v0 =	vsel vm1, $0x28D, v1;
	v1 =	vimm.s32 $0x30F  }
0x5a: {  	v43 =	vsel vm0, $0x30E, v0;
	v0 =	vsel vm14, $0x480, v1;
	v1 =	vimm.s32 $0x28F  }
0x5b: {  	v2 =	vsel vm12, $0x482, v2;
	v0 =	vsel vm13, $0x401, v0;
	v1 =	vsel vm14, $0x500, v1  }
0x5c: {  	v2 =	vsel vm11, $0x403, v2;
	v0 =	vsel vm12, $0x582, v0;
	v1 =	vsel vm13, $0x581, v1  }
0x5d: {  	v2 =	vsel vm10, $0x784, v2;
	v0 =	vsel vm11, $0x503, v0;
	v1 =	vsel vm12, $0x402, v1  }
0x5e: {  	v2 =	vsel vm9, $0x705, v2;
	v0 =	vsel vm10, $0x684, v0;
	v1 =	vsel vm11, $0x483, v1  }
0x5f: {  	v2 =	vsel vm8, $0x686, v2;
	v0 =	vsel vm9, $0x605, v0;
	v1 =	vsel vm10, $0x704, v1  }
0x60: {  	v2 =	vsel vm7, $0x607, v2;
	v0 =	vsel vm8, $0x786, v0;
	v1 =	vsel vm9, $0x785, v1  }
0x61: {  	v2 =	vsel vm6, $0x188, v2;
	v0 =	vsel vm7, $0x707, v0;
	v1 =	vsel vm8, $0x606, v1  }
0x62: {  	v2 =	vsel vm5, $0x109, v2;
	v0 =	vsel vm6, $0x88, v0;
	v1 =	vsel vm7, $0x687, v1  }
0x63: {  	v2 =	vsel vm4, $0x8A, v2;
	v0 =	vsel vm5, $0x9, v0;
	v1 =	vsel vm6, $0x108, v1  }
0x64: {  	[tilespmem:$0x1F860] =	vst v10;
	v10 =	vimm.s32 $0x98BADCFE;
	v0 =	vsel vm4, $0x18A, v0;
	v1 =	vsel vm5, $0x189, v1  }
0x65: {  	v10 =	vunpack.c.l.s4.s8 v10;
	v0 =	vsel vm3, $0x10B, v0;
	v1 =	vsel vm4, $0xA, v1  }
0x66: {  	v2 =	vsel vm3, $0xB, v2;
	v0 =	vsel vm2, $0x28C, v0;
	v1 =	vsel vm3, $0x8B, v1  }
0x67: {  	v10 =	vunpack.c.0.s8.s32 v10;
	v0 =	vsel vm1, $0x20D, v0;
	v1 =	vsel vm2, $0x30C, v1  }
0x68: {  	v54 =	vsel vm0, $0x38E, v0;
	v0 =	vsel vm1, $0x38D, v1;
	v1 =	vsel vm2, $0x38C, v2  }
0x69: {  	v58 =	vsel vm0, $0x20E, v0;
	v0 =	vsel vm1, $0x30D, v1;
	v1 =	vand.u32 $0xF, v7  }
0x6a: {  	v3 =	vimm.s32 $0xD8F;
	v2 =	vand.u32 $0xF, v10;
	v1 =	vcombine.low v1, v8  }
0x6b: {  	v4 =	vimm.s32 $0xD0F;
	v51 =	vsel vm0, $0x28E, v0;
	v0 =	vcombine.low v2, v11  }
0x6c: {  	v3 =	vsel vm14, $0xA00, v3;
	v5 =	vimm.s32 $0xC8F;
	v4 =	vsel vm14, $0xA80, v4;
	[tilespmem:$0x1FB80] =	vst v1  }
0x6d: {  	v16 =	vcombine.low v11, v10;
	v1 =	vand.u32 $0xF, v9;
	[tilespmem:$0x1FE70] =	vst v0;
	v0 =	vimm.s32 $0x18F  }
0x6e: {  	v60 =	vcombine.low v1, v6;
	v1 =	vimm.s32 $0x10F;
	v0 =	vsel vm14, $0x600, v0  }
0x6f: {  	v2 =	vimm.s32 $0x8F;
	v1 =	vsel vm14, $0x680, v1;
	v0 =	vsel vm13, $0x681, v0  }
0x70: {  	v2 =	vsel vm14, $0x700, v2;
	v1 =	vsel vm13, $0x601, v1;
	v0 =	vsel vm12, $0x702, v0  }
0x71: {  	v2 =	vsel vm13, $0x781, v2;
	v1 =	vsel vm12, $0x782, v1;
	v0 =	vsel vm11, $0x783, v0  }
0x72: {  	v2 =	vsel vm12, $0x602, v2;
	v1 =	vsel vm11, $0x703, v1;
	v0 =	vsel vm10, $0x404, v0  }
0x73: {  	v2 =	vsel vm11, $0x683, v2;
	v1 =	vsel vm10, $0x484, v1;
	v0 =	vsel vm9, $0x485, v0  }
0x74: {  	v2 =	vsel vm10, $0x504, v2;
	v1 =	vsel vm9, $0x405, v1;
	v0 =	vsel vm8, $0x506, v0  }
0x75: {  	v2 =	vsel vm9, $0x585, v2;
	v1 =	vsel vm8, $0x586, v1;
	v0 =	vsel vm7, $0x587, v0  }
0x76: {  	v2 =	vsel vm8, $0x406, v2;
	v1 =	vsel vm7, $0x507, v1;
	v0 =	vsel vm6, $0x208, v0  }
0x77: {  	v2 =	vsel vm7, $0x487, v2;
	v1 =	vsel vm6, $0x288, v1;
	v0 =	vsel vm5, $0x289, v0  }
0x78: {  	v2 =	vsel vm6, $0x308, v2;
	v1 =	vsel vm5, $0x209, v1;
	v0 =	vsel vm4, $0x30A, v0  }
0x79: {  	v2 =	vsel vm5, $0x389, v2;
	v1 =	vsel vm4, $0x38A, v1;
	v0 =	vsel vm3, $0x38B, v0  }
0x7a: {  	v2 =	vsel vm4, $0x20A, v2;
	v1 =	vsel vm3, $0x30B, v1;
	v0 =	vsel vm2, $0xC, v0  }
0x7b: {  	v2 =	vsel vm3, $0x28B, v2;
	v1 =	vsel vm2, $0x8C, v1;
	v0 =	vsel vm1, $0x8D, v0  }
0x7c: {  	v2 =	vsel vm2, $0x10C, v2;
	v1 =	vsel vm1, $0xD, v1;
	v0 =	vsel vm0, $0x10E, v0  }
0x7d: {  	v5 =	vsel vm14, $0xB00, v5;
	v2 =	vsel vm1, $0x18D, v2;
	[tilespmem:$0x1F870] =	vst v0;
	v0 =	vsel vm0, $0x18E, v1  }
0x7e: {  	v46 =	vand.u32 $0xF, v16;
	v16 =	vimm.s32 $0x160F;
	[tilespmem:$0x1F880] =	vst v0;
	v0 =	vsel vm0, $0xE, v2  }
0x7f: {  	v16 =	vsel vm14, $0x1180, v16;
	v2 =	vimm.s32 $0x12131011;
	[tilespmem:$0x1F890] =	vst v0;
	v0 =	vimm.s32 $0x1A1B1819  }
0x80: {  	v14 =	vimm.s32 $0x170F;
	v47 =	vunpack.c.0.s8.s32 v0;
	v0 =	vunpack.c.0.s8.s32 v2  }
0x81: {  	v14 =	vsel vm14, $0x1080, v14;
	v15 =	vimm.s32 $0x168F;
	v13 =	vimm.s32 $0x88F  }
0x82: {  	v15 =	vsel vm14, $0x1100, v15;
	v12 =	vimm.s32 $0x90F;
	[tilespmem:$0x1FDD0] =	vst v0;
	v0 =	vimm.s32 $0x16171415  }
0x83: {  	v13 =	vsel vm14, $0xF00, v13;
	v1 =	vimm.s32 $0x1E1F1C1D;
	v0 =	vunpack.c.0.s8.s32 v0  }
0x84: {  	v12 =	vsel vm14, $0xE80, v12;
	v55 =	vunpack.c.0.s8.s32 v1;
	v1 =	vimm.s32 $0x19181B1A  }
0x85: {  	v10 =	vimm.s32 $0xA0F;
	v7 =	vimm.s32 $0xB8F;
	[tilespmem:$0x1FDE0] =	vst v0;
	v0 =	vunpack.c.0.s8.s32 v1  }
0x86: {  	v10 =	vsel vm14, $0xD80, v10;
	v8 =	vimm.s32 $0xB0F;
	v2 =	vimm.s32 $0xF0F  }
0x87: {  	v1 =	vimm.s32 $0x1D1C1F1E;
	[tilespmem:$0x1FDF0] =	vst v0;
	v0 =	vsel vm14, $0x880, v2;
	v2 =	vimm.s32 $0x11101312  }
0x88: {  	v7 =	vsel vm14, $0xC00, v7;
	v50 =	vunpack.c.0.s8.s32 v1;
	v1 =	vunpack.c.0.s8.s32 v2  }
0x89: {  	v11 =	vimm.s32 $0x98F;
	v8 =	vsel vm14, $0xC80, v8;
	v0 =	vsel vm13, $0x801, v0  }
0x8a: {  	v2 =	vimm.s32 $0x18191A1B;
	v0 =	vsel vm12, $0x982, v0;
	[tilespmem:$0x1FE10] =	vst v1;
	v1 =	vimm.s32 $0x15141716  }
0x8b: {  	v0 =	vsel vm11, $0x903, v0;
	v57 =	vunpack.c.0.s8.s32 v1;
	v1 =	vunpack.c.0.s8.s32 v2  }
0x8c: {  	v11 =	vsel vm14, $0xE00, v11;
	v9 =	vimm.s32 $0xA8F;
	v0 =	vsel vm10, $0xA84, v0  }
0x8d: {  	v2 =	vimm.s32 $0xE8F;
	v0 =	vsel vm9, $0xA05, v0;
	[tilespmem:$0x1FE80] =	vst v1;
	v1 =	vimm.s32 $0x1C1D1E1F  }
0x8e: {  	v0 =	vsel vm8, $0xB86, v0;
	v48 =	vunpack.c.0.s8.s32 v1;
	v1 =	vsel vm14, $0x900, v2  }
0x8f: {  	v6 =	vimm.s32 $0xC0F;
	v0 =	vsel vm7, $0xB07, v0;
	v1 =	vsel vm13, $0x981, v1  }
0x90: {  	v2 =	vimm.s32 $0x10111213;
	v0 =	vsel vm6, $0xC88, v0;
	v1 =	vsel vm12, $0x802, v1  }
0x91: {  	v2 =	vunpack.c.0.s8.s32 v2;
	v0 =	vsel vm5, $0xC09, v0;
	v1 =	vsel vm11, $0x883, v1  }
0x92: {  	v9 =	vsel vm14, $0xD00, v9;
	v0 =	vsel vm4, $0xD8A, v0;
	v1 =	vsel vm10, $0xB04, v1  }
0x93: {  	[tilespmem:$0x1F8A0] =	vst v2;
	v2 =	vimm.s32 $0xE0F;
	v0 =	vsel vm3, $0xD0B, v0;
	v1 =	vsel vm9, $0xB85, v1  }
0x94: {  	v2 =	vsel vm14, $0x980, v2;
	v0 =	vsel vm2, $0xE8C, v0;
	v1 =	vsel vm8, $0xA06, v1  }
0x95: {  	v2 =	vsel vm13, $0x901, v2;
	v0 =	vsel vm1, $0xE0D, v0;
	v1 =	vsel vm7, $0xA87, v1  }
0x96: {  	v2 =	vsel vm12, $0x882, v2;
	v0 =	vsel vm0, $0xF8E, v0;
	v1 =	vsel vm6, $0xD08, v1  }
0x97: {  	v6 =	vsel vm14, $0xB80, v6;
	v2 =	vsel vm11, $0x803, v2;
	[tilespmem:$0x1F8C0] =	vst v0;
	v0 =	vsel vm5, $0xD89, v1  }
0x98: {  	v1 =	vsel vm10, $0xB84, v2;
	v2 =	vsel vm13, $0xA81, v3;
	v3 =	vsel vm13, $0xB01, v6  }
0x99: {  	v6 =	vsel vm13, $0xD81, v9;
	v9 =	vsel vm13, $0xE01, v12;
	v12 =	vsel vm13, $0x1181, v15  }
0x9a: {  	v15 =	vsel vm13, $0x1201, v18;
	v18 =	vsel vm13, $0x1481, v21;
	v21 =	vsel vm13, $0x1501, v24  }
0x9b: {  	v24 =	vsel vm13, $0x1781, v27;
	v27 =	vsel vm13, $0x1901, v30;
	v30 =	vsel vm13, $0x1B81, v33  }
0x9c: {  	v33 =	vsel vm13, $0x1C01, v36;
	v36 =	vsel vm13, $0x1E81, v39;
	v39 =	vunpack.c.0.s8.s32 v49  }
0x9d: {  	v49 =	vimm.s32 $0x13121110;
	v0 =	vsel vm4, $0xC0A, v0;
	v1 =	vsel vm9, $0xB05, v1  }
0x9e: {  	v2 =	vsel vm12, $0xB02, v2;
	v3 =	vsel vm12, $0xA82, v3;
	v6 =	vsel vm12, $0xC02, v6  }
0x9f: {  	v9 =	vsel vm12, $0xF82, v9;
	v12 =	vsel vm12, $0x1002, v12;
	v15 =	vsel vm12, $0x1382, v15  }
0xa0: {  	v18 =	vsel vm12, $0x1502, v18;
	v21 =	vsel vm12, $0x1482, v21;
	v24 =	vsel vm12, $0x1602, v24  }
0xa1: {  	v27 =	vsel vm12, $0x1882, v27;
	v33 =	vsel vm12, $0x1D82, v33;
	v36 =	vsel vm12, $0x1F02, v36  }
0xa2: {  	v0 =	vsel vm3, $0xC8B, v0;
	v1 =	vsel vm8, $0xA86, v1;
	v2 =	vsel vm11, $0xB83, v2  }
0xa3: {  	v3 =	vsel vm11, $0xA03, v3;
	v6 =	vsel vm11, $0xC83, v6;
	v9 =	vsel vm11, $0xF03, v9  }
0xa4: {  	v12 =	vsel vm11, $0x1083, v12;
	v15 =	vsel vm11, $0x1303, v15;
	v18 =	vsel vm11, $0x1583, v18  }
0xa5: {  	v21 =	vsel vm11, $0x1403, v21;
	v24 =	vsel vm11, $0x1683, v24;
	v27 =	vsel vm11, $0x1803, v27  }
0xa6: {  	v33 =	vsel vm11, $0x1D03, v33;
	v36 =	vsel vm11, $0x1F83, v36;
	v0 =	vsel vm2, $0xF0C, v0  }
0xa7: {  	v1 =	vsel vm7, $0xA07, v1;
	v2 =	vsel vm10, $0x804, v2;
	v3 =	vsel vm10, $0x984, v3  }
0xa8: {  	v6 =	vsel vm10, $0xF04, v6;
	v9 =	vsel vm10, $0xC84, v9;
	v12 =	vsel vm10, $0x1304, v12  }
0xa9: {  	v15 =	vsel vm10, $0x1084, v15;
	v18 =	vsel vm10, $0x1604, v18;
	v21 =	vsel vm10, $0x1784, v21  }
0xaa: {  	v24 =	vsel vm10, $0x1504, v24;
	v27 =	vsel vm10, $0x1B84, v27;
	v33 =	vsel vm10, $0x1E84, v33  }
0xab: {  	v36 =	vsel vm10, $0x1C04, v36;
	v0 =	vsel vm1, $0xF8D, v0;
	v1 =	vsel vm6, $0xD88, v1  }
0xac: {  	v41 =	vsel vm9, $0x1C85, v36;
	v36 =	vimm.s32 $0x26272425;
	v0 =	vsel vm0, $0xE0E, v0  }
0xad: {  	[tilespmem:$0x1F8D0] =	vst v0;
	v0 =	vsel vm5, $0xD09, v1;
	v1 =	vsel vm9, $0x885, v2;
	v2 =	vsel vm13, $0xA01, v4  }
0xae: {  	v4 =	vsel vm13, $0xC81, v7;
	v7 =	vsel vm13, $0xD01, v10;
	v10 =	vsel vm13, $0xF81, v13  }
0xaf: {  	v13 =	vsel vm13, $0x1101, v16;
	v16 =	vsel vm13, $0x1381, v19;
	v19 =	vsel vm13, $0x1401, v22  }
0xb0: {  	v22 =	vsel vm13, $0x1681, v25;
	v25 =	vsel vm13, $0x1801, v28;
	v28 =	vsel vm13, $0x1A81, v31  }
0xb1: {  	v31 =	vsel vm13, $0x1B01, v34;
	v34 =	vsel vm13, $0x1D81, v37;
	v37 =	vsel vm12, $0x1F82, v42  }
0xb2: {  	v42 =	vimm.s32 $0x1B1A1918;
	v0 =	vsel vm4, $0xC8A, v0;
	v1 =	vsel vm8, $0x906, v1  }
0xb3: {  	v2 =	vsel vm12, $0xB82, v2;
	v4 =	vsel vm12, $0xD02, v4;
	v7 =	vsel vm12, $0xC82, v7  }
0xb4: {  	v10 =	vsel vm12, $0xE02, v10;
	v13 =	vsel vm12, $0x1082, v13;
	v16 =	vsel vm12, $0x1202, v16  }
0xb5: {  	v19 =	vsel vm12, $0x1582, v19;
	v22 =	vsel vm12, $0x1702, v22;
	v25 =	vsel vm12, $0x1982, v25  }
0xb6: {  	v28 =	vsel vm12, $0x1B02, v28;
	v31 =	vsel vm12, $0x1A82, v31;
	v34 =	vsel vm12, $0x1C02, v34  }
0xb7: {  	[tilespmem:$0x1F8F0] =	vst v39;
	v39 =	vunpack.c.0.s8.s32 v42;
	v37 =	vsel vm11, $0x1F03, v37;
	v0 =	vsel vm3, $0xC0B, v0  }
0xb8: {  	v1 =	vsel vm7, $0x987, v1;
	v2 =	vsel vm11, $0xB03, v2;
	v4 =	vsel vm11, $0xD83, v4  }
0xb9: {  	v7 =	vsel vm11, $0xC03, v7;
	v10 =	vsel vm11, $0xE83, v10;
	v13 =	vsel vm11, $0x1003, v13  }
0xba: {  	v16 =	vsel vm11, $0x1283, v16;
	v19 =	vsel vm11, $0x1503, v19;
	v22 =	vsel vm11, $0x1783, v22  }
0xbb: {  	v25 =	vsel vm11, $0x1903, v25;
	v28 =	vsel vm11, $0x1B83, v28;
	v31 =	vsel vm11, $0x1A03, v31  }
0xbc: {  	v34 =	vsel vm11, $0x1C83, v34;
	v37 =	vsel vm10, $0x1C84, v37;
	v0 =	vsel vm2, $0xF8C, v0  }
0xbd: {  	v1 =	vsel vm6, $0xE08, v1;
	v2 =	vsel vm10, $0x884, v2;
	v4 =	vsel vm10, $0xE04, v4  }
0xbe: {  	v7 =	vsel vm10, $0xF84, v7;
	v10 =	vsel vm10, $0xD04, v10;
	v13 =	vsel vm10, $0x1384, v13  }
0xbf: {  	v16 =	vsel vm10, $0x1104, v16;
	v19 =	vsel vm10, $0x1684, v19;
	v22 =	vsel vm10, $0x1404, v22  }
0xc0: {  	v25 =	vsel vm10, $0x1A84, v25;
	v28 =	vsel vm10, $0x1804, v28;
	v31 =	vsel vm10, $0x1984, v31  }
0xc1: {  	v34 =	vsel vm10, $0x1F04, v34;
	v42 =	vsel vm9, $0x1C05, v37;
	v0 =	vsel vm1, $0xF0D, v0  }
0xc2: {  	v37 =	vimm.s32 $0x29282B2A;
	v1 =	vsel vm5, $0xE89, v1;
	v0 =	vsel vm0, $0xE8E, v0  }
0xc3: {  	[tilespmem:$0x1F8E0] =	vst v0;
	v0 =	vsel vm4, $0xF0A, v1;
	v1 =	vsel vm9, $0x805, v2;
	v2 =	vsel vm13, $0xB81, v5  }
0xc4: {  	v5 =	vsel vm13, $0xC01, v8;
	v8 =	vsel vm13, $0xE81, v11;
	v11 =	vsel vm13, $0x1001, v14  }
0xc5: {  	v14 =	vsel vm13, $0x1281, v17;
	v17 =	vsel vm13, $0x1301, v20;
	v20 =	vsel vm13, $0x1581, v23  }
0xc6: {  	v23 =	vsel vm13, $0x1601, v26;
	v26 =	vsel vm13, $0x1981, v29;
	v29 =	vsel vm13, $0x1A01, v32  }
0xc7: {  	v32 =	vsel vm13, $0x1C81, v35;
	v35 =	vsel vm13, $0x1D01, v38;
	v38 =	vsel vm12, $0x1E02, v45  }
0xc8: {  	v45 =	vimm.s32 $0x17161514;
	v1 =	vsel vm8, $0x986, v1;
	v0 =	vsel vm3, $0xF8B, v0  }
0xc9: {  	v2 =	vsel vm12, $0xA02, v2;
	v5 =	vsel vm12, $0xD82, v5;
	v8 =	vsel vm12, $0xF02, v8  }
0xca: {  	v11 =	vsel vm12, $0x1182, v11;
	v14 =	vsel vm12, $0x1302, v14;
	v17 =	vsel vm12, $0x1282, v17  }
0xcb: {  	v20 =	vsel vm12, $0x1402, v20;
	v23 =	vsel vm12, $0x1782, v23;
	v26 =	vsel vm12, $0x1802, v26  }
0xcc: {  	v32 =	vsel vm12, $0x1D02, v32;
	v35 =	vsel vm12, $0x1C82, v35;
	v38 =	vsel vm11, $0x1E83, v38  }
0xcd: {  	[tilespmem:$0x1F900] =	vst v39;
	v39 =	vunpack.c.0.s8.s32 v45;
	v1 =	vsel vm7, $0x907, v1;
	v0 =	vsel vm2, $0xC0C, v0  }
0xce: {  	v2 =	vsel vm11, $0xA83, v2;
	v5 =	vsel vm11, $0xD03, v5;
	v8 =	vsel vm11, $0xF83, v8  }
0xcf: {  	v11 =	vsel vm11, $0x1103, v11;
	v14 =	vsel vm11, $0x1383, v14;
	v17 =	vsel vm11, $0x1203, v17  }
0xd0: {  	v20 =	vsel vm11, $0x1483, v20;
	v23 =	vsel vm11, $0x1703, v23;
	v26 =	vsel vm11, $0x1883, v26  }
0xd1: {  	v32 =	vsel vm11, $0x1D83, v32;
	v35 =	vsel vm11, $0x1C03, v35;
	v38 =	vsel vm10, $0x1D04, v38  }
0xd2: {  	v1 =	vsel vm6, $0xE88, v1;
	v0 =	vsel vm1, $0xC8D, v0;
	v2 =	vsel vm10, $0x904, v2  }
0xd3: {  	v5 =	vsel vm10, $0xE84, v5;
	v8 =	vsel vm10, $0xC04, v8;
	v11 =	vsel vm10, $0x1284, v11  }
0xd4: {  	v14 =	vsel vm10, $0x1004, v14;
	v17 =	vsel vm10, $0x1184, v17;
	v20 =	vsel vm10, $0x1704, v20  }
0xd5: {  	v23 =	vsel vm10, $0x1484, v23;
	v26 =	vsel vm10, $0x1B04, v26;
	v1 =	vsel vm5, $0xE09, v1  }
0xd6: {  	v32 =	vsel vm10, $0x1E04, v32;
	v35 =	vsel vm10, $0x1F84, v35;
	v1 =	vsel vm4, $0xF8A, v1  }
0xd7: {  	[tilespmem:$0x1F910] =	vst v39;
	v39 =	vunpack.c.0.s8.s32 v49;
	v0 =	vsel vm0, $0xD0E, v0;
	v1 =	vsel vm3, $0xF0B, v1  }
0xd8: {  	v40 =	vsel vm9, $0x1F05, v35;
	v35 =	vimm.s32 $0x22232021;
	v1 =	vsel vm2, $0xC8C, v1  }
0xd9: {  	[tilespmem:$0x1F930] =	vst v0;
	v0 =	vsel vm1, $0xC0D, v1;
	v1 =	vsel vm9, $0x905, v3;
	v3 =	vsel vm9, $0x1085, v14  }
0xda: {  	v14 =	vsel vm9, $0x1A05, v25;
	v25 =	vsel vm8, $0x1D06, v41;
	v41 =	vimm.s32 $0x25242726  }
0xdb: {  	v0 =	vsel vm0, $0xD8E, v0;
	v1 =	vsel vm8, $0x886, v1;
	v3 =	vsel vm8, $0x1106, v3  }
0xdc: {  	v14 =	vsel vm8, $0x1B86, v14;
	v25 =	vsel vm7, $0x1D87, v25;
	[tilespmem:$0x1F940] =	vst v0;
	v0 =	vsel vm9, $0x985, v2  }
0xdd: {  	v2 =	vsel vm9, $0xE85, v4;
	v1 =	vsel vm7, $0x807, v1;
	v4 =	vsel vm9, $0x1005, v15  }
0xde: {  	v15 =	vsel vm9, $0x1B85, v26;
	v26 =	vsel vm8, $0x1D86, v42;
	v3 =	vsel vm7, $0x1187, v3  }
0xdf: {  	v14 =	vsel vm7, $0x1B07, v14;
	v25 =	vsel vm6, $0x1A08, v25;
	v0 =	vsel vm8, $0x806, v0  }
0xe0: {  	v2 =	vsel vm8, $0xF06, v2;
	v1 =	vsel vm6, $0xF88, v1;
	v4 =	vsel vm8, $0x1186, v4  }
0xe1: {  	v15 =	vsel vm8, $0x1A06, v15;
	v26 =	vsel vm7, $0x1D07, v26;
	v3 =	vsel vm6, $0x1608, v3  }
0xe2: {  	v14 =	vsel vm6, $0x1C88, v14;
	v25 =	vsel vm5, $0x1A89, v25;
	v0 =	vsel vm7, $0x887, v0  }
0xe3: {  	v2 =	vsel vm7, $0xF87, v2;
	v1 =	vsel vm5, $0xF09, v1;
	v4 =	vsel vm7, $0x1107, v4  }
0xe4: {  	v15 =	vsel vm7, $0x1A87, v15;
	v26 =	vsel vm6, $0x1A88, v26;
	v3 =	vsel vm5, $0x1689, v3  }
0xe5: {  	v14 =	vsel vm5, $0x1C09, v14;
	v25 =	vsel vm4, $0x1B0A, v25;
	v0 =	vsel vm6, $0xF08, v0  }
0xe6: {  	v2 =	vsel vm6, $0x808, v2;
	v1 =	vsel vm4, $0xE8A, v1;
	v4 =	vsel vm6, $0x1688, v4  }
0xe7: {  	v15 =	vsel vm6, $0x1D08, v15;
	v26 =	vsel vm5, $0x1A09, v26;
	v3 =	vsel vm4, $0x170A, v3  }
0xe8: {  	v14 =	vsel vm4, $0x1D8A, v14;
	v25 =	vsel vm3, $0x1B8B, v25;
	v0 =	vsel vm5, $0xF89, v0  }
0xe9: {  	v2 =	vsel vm5, $0x889, v2;
	v1 =	vsel vm3, $0xE0B, v1;
	v4 =	vsel vm5, $0x1609, v4  }
0xea: {  	v15 =	vsel vm5, $0x1D89, v15;
	v26 =	vsel vm4, $0x1B8A, v26;
	v3 =	vsel vm3, $0x178B, v3  }
0xeb: {  	v14 =	vsel vm3, $0x1D0B, v14;
	v25 =	vsel vm2, $0x180C, v25;
	v0 =	vsel vm4, $0xE0A, v0  }
0xec: {  	v2 =	vsel vm4, $0x90A, v2;
	v1 =	vsel vm2, $0xD8C, v1;
	v4 =	vsel vm4, $0x178A, v4  }
0xed: {  	v15 =	vsel vm4, $0x1C0A, v15;
	v26 =	vsel vm3, $0x1B0B, v26;
	v3 =	vsel vm2, $0x140C, v3  }
0xee: {  	v14 =	vsel vm2, $0x1E8C, v14;
	v25 =	vsel vm1, $0x188D, v25;
	v0 =	vsel vm3, $0xE8B, v0  }
0xef: {  	v2 =	vsel vm3, $0x98B, v2;
	v1 =	vsel vm1, $0xD0D, v1;
	v4 =	vsel vm3, $0x170B, v4  }
0xf0: {  	v15 =	vsel vm3, $0x1C8B, v15;
	v26 =	vsel vm2, $0x188C, v26;
	v3 =	vsel vm1, $0x148D, v3  }
0xf1: {  	v14 =	vsel vm1, $0x1E0D, v14;
	v0 =	vsel vm2, $0xD0C, v0;
	v2 =	vsel vm2, $0xA0C, v2  }
0xf2: {  	v4 =	vsel vm2, $0x148C, v4;
	v15 =	vsel vm2, $0x1F0C, v15;
	v0 =	vsel vm1, $0xD8D, v0  }
0xf3: {  	v4 =	vsel vm1, $0x140D, v4;
	v15 =	vsel vm1, $0x1F8D, v15;
	v0 =	vsel vm0, $0xC0E, v0  }
0xf4: {  	[tilespmem:$0x1F950] =	vst v0;
	v0 =	vsel vm0, $0xC8E, v1;
	v1 =	vsel vm9, $0xF85, v6;
	v6 =	vsel vm9, $0x1105, v17  }
0xf5: {  	v17 =	vsel vm9, $0x1885, v28;
	[tilespmem:$0x1F960] =	vst v0;
	v0 =	vsel vm1, $0xA8D, v2;
	v1 =	vsel vm8, $0xE06, v1  }
0xf6: {  	v2 =	vsel vm9, $0xF05, v7;
	v7 =	vsel vm9, $0x1685, v18;
	v17 =	vsel vm8, $0x1906, v17  }
0xf7: {  	v49 =	vsel vm0, $0xB0E, v0;
	v0 =	vsel vm9, $0xE05, v5;
	v1 =	vsel vm7, $0xE87, v1  }
0xf8: {  	v2 =	vsel vm8, $0xE86, v2;
	v5 =	vsel vm9, $0x1185, v16;
	v16 =	vsel vm9, $0x1B05, v27  }
0xf9: {  	v7 =	vsel vm8, $0x1706, v7;
	v17 =	vsel vm7, $0x1987, v17;
	v0 =	vsel vm8, $0xF86, v0  }
0xfa: {  	v1 =	vsel vm6, $0x908, v1;
	v2 =	vsel vm7, $0xE07, v2;
	v5 =	vsel vm8, $0x1006, v5  }
0xfb: {  	v16 =	vsel vm8, $0x1A86, v16;
	v7 =	vsel vm7, $0x1787, v7;
	v17 =	vsel vm6, $0x1E08, v17  }
0xfc: {  	v0 =	vsel vm7, $0xF07, v0;
	v1 =	vsel vm5, $0x989, v1;
	v2 =	vsel vm6, $0x988, v2  }
0xfd: {  	v5 =	vsel vm7, $0x1087, v5;
	v16 =	vsel vm7, $0x1A07, v16;
	v7 =	vsel vm6, $0x1008, v7  }
0xfe: {  	v17 =	vsel vm5, $0x1E89, v17;
	v0 =	vsel vm6, $0x888, v0;
	v1 =	vsel vm4, $0x80A, v1  }
0xff: {  	v2 =	vsel vm5, $0x909, v2;
	v5 =	vsel vm6, $0x1708, v5;
	v16 =	vsel vm6, $0x1D88, v16  }
0x100: {  	v7 =	vsel vm5, $0x1089, v7;
	v17 =	vsel vm4, $0x1F0A, v17;
	v0 =	vsel vm5, $0x809, v0  }
0x101: {  	v1 =	vsel vm3, $0x88B, v1;
	v2 =	vsel vm4, $0x88A, v2;
	v5 =	vsel vm5, $0x1789, v5  }
0x102: {  	v16 =	vsel vm5, $0x1D09, v16;
	v7 =	vsel vm4, $0x110A, v7;
	v17 =	vsel vm3, $0x1F8B, v17  }
0x103: {  	v0 =	vsel vm4, $0x98A, v0;
	v1 =	vsel vm2, $0xB0C, v1;
	v2 =	vsel vm3, $0x80B, v2  }
0x104: {  	v5 =	vsel vm4, $0x160A, v5;
	v16 =	vsel vm4, $0x1C8A, v16;
	v7 =	vsel vm3, $0x118B, v7  }
0x105: {  	v17 =	vsel vm2, $0x1C0C, v17;
	v0 =	vsel vm3, $0x90B, v0;
	v1 =	vsel vm1, $0xB8D, v1  }
0x106: {  	v2 =	vsel vm2, $0xB8C, v2;
	v5 =	vsel vm3, $0x168B, v5;
	v16 =	vsel vm3, $0x1C0B, v16  }
0x107: {  	v7 =	vsel vm2, $0x120C, v7;
	v17 =	vsel vm1, $0x1C8D, v17;
	v0 =	vsel vm2, $0xA8C, v0  }
0x108: {  	v5 =	vsel vm2, $0x150C, v5;
	v16 =	vsel vm2, $0x1F8C, v16;
	v7 =	vsel vm1, $0x128D, v7  }
0x109: {  	v0 =	vsel vm1, $0xA0D, v0;
	v5 =	vsel vm1, $0x158D, v5;
	v16 =	vsel vm1, $0x1F0D, v16  }
0x10a: {  	v45 =	vsel vm0, $0xB8E, v0;
	v0 =	vsel vm0, $0xA0E, v1;
	v1 =	vsel vm9, $0xC05, v9  }
0x10b: {  	v9 =	vsel vm9, $0x1785, v20;
	v20 =	vsel vm9, $0x1905, v31;
	[tilespmem:$0x1F970] =	vst v0;
	v0 =	vsel vm1, $0xB0D, v2  }
0x10c: {  	v1 =	vsel vm8, $0xD86, v1;
	v2 =	vsel vm9, $0xD85, v10;
	v10 =	vsel vm9, $0x1705, v21  }
0x10d: {  	v21 =	vsel vm9, $0x1E85, v32;
	v32 =	vsel vm9, $0x1D85, v38;
	v9 =	vsel vm8, $0x1606, v9  }
0x10e: {  	v20 =	vsel vm8, $0x1886, v20;
	v38 =	vimm.s32 $0x2D2C2F2E;
	v0 =	vsel vm0, $0xA8E, v0  }
0x10f: {  	v1 =	vsel vm7, $0xD07, v1;
	v2 =	vsel vm8, $0xC06, v2;
	v10 =	vsel vm8, $0x1686, v10  }
0x110: {  	v21 =	vsel vm8, $0x1F06, v21;
	v27 =	vsel vm8, $0x1C06, v32;
	v9 =	vsel vm7, $0x1687, v9  }
0x111: {  	v20 =	vsel vm7, $0x1807, v20;
	[tilespmem:$0x1F980] =	vst v0;
	v0 =	vsel vm9, $0xC85, v8;
	v1 =	vsel vm6, $0xA88, v1  }
0x112: {  	v2 =	vsel vm7, $0xC87, v2;
	v8 =	vsel vm9, $0x1605, v19;
	v10 =	vsel vm7, $0x1607, v10  }
0x113: {  	v21 =	vsel vm7, $0x1F87, v21;
	v27 =	vsel vm7, $0x1C87, v27;
	v9 =	vsel vm6, $0x1108, v9  }
0x114: {  	v20 =	vsel vm6, $0x1F88, v20;
	v0 =	vsel vm8, $0xD06, v0;
	v1 =	vsel vm5, $0xA09, v1  }
0x115: {  	v2 =	vsel vm6, $0xB08, v2;
	v8 =	vsel vm8, $0x1786, v8;
	v10 =	vsel vm6, $0x1188, v10  }
0x116: {  	v21 =	vsel vm6, $0x1808, v21;
	v27 =	vsel vm6, $0x1B08, v27;
	v9 =	vsel vm5, $0x1189, v9  }
0x117: {  	v20 =	vsel vm5, $0x1F09, v20;
	v0 =	vsel vm7, $0xD87, v0;
	v1 =	vsel vm4, $0xB8A, v1  }
0x118: {  	v2 =	vsel vm5, $0xB89, v2;
	v8 =	vsel vm7, $0x1707, v8;
	v10 =	vsel vm5, $0x1109, v10  }
0x119: {  	v21 =	vsel vm5, $0x1889, v21;
	v27 =	vsel vm5, $0x1B89, v27;
	v9 =	vsel vm4, $0x100A, v9  }
0x11a: {  	v20 =	vsel vm4, $0x1E8A, v20;
	v0 =	vsel vm6, $0xA08, v0;
	v1 =	vsel vm3, $0xB0B, v1  }
0x11b: {  	v2 =	vsel vm4, $0xA0A, v2;
	v8 =	vsel vm6, $0x1088, v8;
	v10 =	vsel vm4, $0x108A, v10  }
0x11c: {  	v21 =	vsel vm4, $0x190A, v21;
	v9 =	vsel vm3, $0x108B, v9;
	v20 =	vsel vm3, $0x1E0B, v20  }
0x11d: {  	v0 =	vsel vm5, $0xA89, v0;
	v1 =	vsel vm2, $0x88C, v1;
	v2 =	vsel vm3, $0xA8B, v2  }
0x11e: {  	v8 =	vsel vm5, $0x1009, v8;
	v10 =	vsel vm3, $0x100B, v10;
	v21 =	vsel vm3, $0x198B, v21  }
0x11f: {  	v9 =	vsel vm2, $0x130C, v9;
	v20 =	vsel vm2, $0x1D8C, v20;
	v0 =	vsel vm4, $0xB0A, v0  }
0x120: {  	v1 =	vsel vm1, $0x80D, v1;
	v2 =	vsel vm2, $0x90C, v2;
	v8 =	vsel vm4, $0x118A, v8  }
0x121: {  	v10 =	vsel vm2, $0x138C, v10;
	v21 =	vsel vm2, $0x1A0C, v21;
	v9 =	vsel vm1, $0x138D, v9  }
0x122: {  	v20 =	vsel vm1, $0x1D0D, v20;
	v0 =	vsel vm3, $0xB8B, v0;
	v8 =	vsel vm3, $0x110B, v8  }
0x123: {  	v10 =	vsel vm1, $0x130D, v10;
	v0 =	vsel vm2, $0x80C, v0;
	v8 =	vsel vm2, $0x128C, v8  }
0x124: {  	v21 =	vsel vm1, $0x1A8D, v21;
	v0 =	vsel vm1, $0x88D, v0;
	v8 =	vsel vm1, $0x120D, v8  }
0x125: {  	[tilespmem:$0x1F920] =	vst v39;
	v39 =	vsel vm0, $0x90E, v0;
	v0 =	vsel vm0, $0x98E, v1;
	v1 =	vsel vm9, $0x1385, v12  }
0x126: {  	v12 =	vsel vm9, $0x1405, v23;
	v23 =	vsel vm9, $0x1F85, v34;
	[tilespmem:$0x1F990] =	vst v0;
	v0 =	vsel vm1, $0x98D, v2  }
0x127: {  	v34 =	vimm.s32 $0x2E2F2C2D;
	v2 =	vsel vm9, $0x1305, v13;
	v0 =	vsel vm0, $0x80E, v0  }
0x128: {  	v13 =	vsel vm9, $0x1585, v24;
	v1 =	vsel vm8, $0x1206, v1;
	[tilespmem:$0x1F9A0] =	vst v0;
	v0 =	vsel vm9, $0x1205, v11  }
0x129: {  	v11 =	vsel vm9, $0x1485, v22;
	v22 =	vsel vm9, $0x1E05, v33;
	v33 =	vimm.s32 $0x2A2B2829  }
0x12a: {  	v12 =	vsel vm8, $0x1586, v12;
	v23 =	vsel vm8, $0x1E06, v23;
	v28 =	vunpack.c.0.s8.s32 v33  }
0x12b: {  	v24 =	vsel vm8, $0x1E86, v40;
	v40 =	vimm.s32 $0x21202322;
	v2 =	vsel vm8, $0x1286, v2  }
0x12c: {  	v13 =	vsel vm8, $0x1406, v13;
	v1 =	vsel vm7, $0x1287, v1;
	[tilespmem:$0x1F9B0] =	vst v28;
	v28 =	vunpack.c.0.s8.s32 v34  }
0x12d: {  	v12 =	vsel vm7, $0x1507, v12;
	v23 =	vsel vm7, $0x1E87, v23;
	v24 =	vsel vm7, $0x1E07, v24  }
0x12e: {  	v2 =	vsel vm7, $0x1207, v2;
	v13 =	vsel vm7, $0x1487, v13;
	[tilespmem:$0x1F9C0] =	vst v28;
	v28 =	vunpack.c.0.s8.s32 v35  }
0x12f: {  	v1 =	vsel vm6, $0x1508, v1;
	v12 =	vsel vm6, $0x1288, v12;
	v23 =	vsel vm6, $0x1908, v23  }
0x130: {  	v24 =	vsel vm6, $0x1988, v24;
	v0 =	vsel vm8, $0x1386, v0;
	[tilespmem:$0x1F9D0] =	vst v28;
	v28 =	vunpack.c.0.s8.s32 v36  }
0x131: {  	v2 =	vsel vm6, $0x1588, v2;
	v1 =	vsel vm5, $0x1589, v1;
	v0 =	vsel vm7, $0x1307, v0  }
0x132: {  	v2 =	vsel vm5, $0x1509, v2;
	v0 =	vsel vm6, $0x1488, v0;
	[tilespmem:$0x1F9E0] =	vst v28;
	v28 =	vunpack.c.0.s8.s32 v37  }
0x133: {  	v1 =	vsel vm4, $0x140A, v1;
	v2 =	vsel vm4, $0x148A, v2;
	v0 =	vsel vm5, $0x1409, v0  }
0x134: {  	v1 =	vsel vm3, $0x148B, v1;
	v0 =	vsel vm4, $0x158A, v0;
	[tilespmem:$0x1F9F0] =	vst v28;
	v28 =	vunpack.c.0.s8.s32 v38  }
0x135: {  	v2 =	vsel vm3, $0x140B, v2;
	v1 =	vsel vm2, $0x170C, v1;
	v0 =	vsel vm3, $0x150B, v0  }
0x136: {  	v2 =	vsel vm2, $0x178C, v2;
	v0 =	vsel vm2, $0x168C, v0;
	[tilespmem:$0x1FA00] =	vst v28;
	v28 =	vunpack.c.0.s8.s32 v40  }
0x137: {  	v1 =	vsel vm1, $0x178D, v1;
	v2 =	vsel vm1, $0x170D, v2;
	v0 =	vsel vm1, $0x160D, v0  }
0x138: {  	[tilespmem:$0x1FA10] =	vst v28;
	v28 =	vunpack.c.0.s8.s32 v41;
	v41 =	vsel vm0, $0x178E, v0;
	v0 =	vsel vm0, $0x160E, v1  }
0x139: {  	v11 =	vsel vm8, $0x1506, v11;
	v13 =	vsel vm6, $0x1308, v13;
	[tilespmem:$0x1FA40] =	vst v0;
	v0 =	vsel vm0, $0x168E, v2  }
0x13a: {  	v12 =	vsel vm5, $0x1209, v12;
	v11 =	vsel vm7, $0x1587, v11;
	[tilespmem:$0x1FA50] =	vst v0;
	v0 =	vsel vm0, $0x150E, v3  }
0x13b: {  	v13 =	vsel vm5, $0x1389, v13;
	v11 =	vsel vm6, $0x1208, v11;
	[tilespmem:$0x1FA60] =	vst v0;
	v0 =	vsel vm0, $0x158E, v4  }
0x13c: {  	v12 =	vsel vm4, $0x138A, v12;
	v11 =	vsel vm5, $0x1289, v11;
	[tilespmem:$0x1FA70] =	vst v0;
	v0 =	vsel vm0, $0x140E, v5  }
0x13d: {  	v13 =	vsel vm4, $0x120A, v13;
	v11 =	vsel vm4, $0x130A, v11;
	[tilespmem:$0x1FA80] =	vst v0;
	v0 =	vsel vm0, $0x130E, v7  }
0x13e: {  	v12 =	vsel vm3, $0x130B, v12;
	v11 =	vsel vm3, $0x138B, v11;
	[tilespmem:$0x1FA90] =	vst v0;
	v0 =	vsel vm0, $0x138E, v8  }
0x13f: {  	v13 =	vsel vm3, $0x128B, v13;
	v11 =	vsel vm2, $0x100C, v11;
	[tilespmem:$0x1FAB0] =	vst v0;
	v0 =	vsel vm0, $0x120E, v9  }
0x140: {  	v12 =	vsel vm2, $0x108C, v12;
	v11 =	vsel vm1, $0x108D, v11;
	[tilespmem:$0x1FAC0] =	vst v0;
	v0 =	vsel vm0, $0x128E, v10  }
0x141: {  	v13 =	vsel vm2, $0x110C, v13;
	v12 =	vsel vm1, $0x100D, v12;
	[tilespmem:$0x1FAE0] =	vst v0;
	v0 =	vsel vm0, $0x110E, v11  }
0x142: {  	v22 =	vsel vm8, $0x1F86, v22;
	v13 =	vsel vm1, $0x118D, v13;
	[tilespmem:$0x1FB00] =	vst v0;
	v0 =	vsel vm0, $0x118E, v12  }
0x143: {  	v23 =	vsel vm5, $0x1989, v23;
	v22 =	vsel vm7, $0x1F07, v22;
	[tilespmem:$0x1FB20] =	vst v0;
	v0 =	vsel vm0, $0x100E, v13  }
0x144: {  	v24 =	vsel vm5, $0x1909, v24;
	v22 =	vsel vm6, $0x1888, v22;
	[tilespmem:$0x1FB30] =	vst v0;
	v0 =	vsel vm0, $0x1F8E, v14  }
0x145: {  	v23 =	vsel vm4, $0x180A, v23;
	v22 =	vsel vm5, $0x1809, v22;
	[tilespmem:$0x1FB40] =	vst v0;
	v0 =	vsel vm0, $0x1E0E, v15  }
0x146: {  	v24 =	vsel vm4, $0x188A, v24;
	v22 =	vsel vm4, $0x198A, v22;
	[tilespmem:$0x1FB50] =	vst v0;
	v0 =	vsel vm0, $0x1E8E, v16  }
0x147: {  	v23 =	vsel vm3, $0x188B, v23;
	v22 =	vsel vm3, $0x190B, v22;
	[tilespmem:$0x1FB60] =	vst v0;
	v0 =	vsel vm0, $0x1D0E, v17  }
0x148: {  	v24 =	vsel vm3, $0x180B, v24;
	v22 =	vsel vm2, $0x1A8C, v22;
	[tilespmem:$0x1FB70] =	vst v0;
	v0 =	vsel vm0, $0x1C8E, v20  }
0x149: {  	v23 =	vsel vm2, $0x1B0C, v23;
	v22 =	vsel vm1, $0x1A0D, v22;
	[tilespmem:$0x1FB90] =	vst v0;
	v0 =	vsel vm0, $0x1B0E, v21  }
0x14a: {  	v24 =	vsel vm2, $0x1B8C, v24;
	v23 =	vsel vm1, $0x1B8D, v23;
	[tilespmem:$0x1FBB0] =	vst v0;
	v0 =	vsel vm0, $0x1B8E, v22  }
0x14b: {  	v27 =	vsel vm4, $0x1A0A, v27;
	v24 =	vsel vm1, $0x1B0D, v24;
	[tilespmem:$0x1FBC0] =	vst v0;
	v0 =	vsel vm0, $0x1A0E, v23  }
0x14c: {  	v26 =	vsel vm1, $0x180D, v26;
	v27 =	vsel vm3, $0x1A8B, v27;
	[tilespmem:$0x1FBD0] =	vst v0;
	v0 =	vsel vm0, $0x1A8E, v24  }
0x14d: {  	v6 =	vsel vm8, $0x1086, v6;
	v27 =	vsel vm2, $0x190C, v27;
	[tilespmem:$0x1FBE0] =	vst v0;
	v0 =	vsel vm0, $0x190E, v25  }
0x14e: {  	v6 =	vsel vm7, $0x1007, v6;
	v27 =	vsel vm1, $0x198D, v27;
	[tilespmem:$0x1FBF0] =	vst v0;
	v0 =	vsel vm0, $0x198E, v26  }
0x14f: {  	v6 =	vsel vm6, $0x1788, v6;
	[tilespmem:$0x1FC00] =	vst v0;
	v0 =	vsel vm0, $0x180E, v27  }
0x150: {  	v6 =	vsel vm5, $0x1709, v6;
	[tilespmem:$0x1FC10] =	vst v0;
	v0 =	vimm.s32 $0x2C2D2E2F  }
0x151: {  	v6 =	vsel vm4, $0x168A, v6;
	v0 =	vunpack.c.0.s8.s32 v0  }
0x152: {  	v6 =	vsel vm3, $0x160B, v6  }
0x153: {  	v6 =	vsel vm2, $0x158C, v6;
	[tilespmem:$0x1FC20] =	vst v0;
	v0 =	vimm.s32 $0x20212223  }
0x154: {  	v42 =	vimm.s32 $0x28292A2B;
	v6 =	vsel vm1, $0x150D, v6;
	v0 =	vunpack.c.0.s8.s32 v0  }
0x155: {  	[tilespmem:$0x1FA20] =	vst v28;
	v28 =	vunpack.c.0.s8.s32 v42;
	v42 =	vsel vm0, $0x148E, v6;
	v6 =	vimm.s32 $0x24252627  }
0x156: {  	[tilespmem:$0x1FC30] =	vst v0;
	v0 =	vunpack.c.0.s8.s32 v6;
	_ =	sdelay $0x1  }
0x157: {  	[tilespmem:$0x1FC40] =	vst v0;
	v0 =	vimm.s32 $0x2F2E2D2C  }
0x158: {  	v0 =	vunpack.c.0.s8.s32 v0;
	_ =	sdelay $0x1  }
0x159: {  	[tilespmem:$0x1FC50] =	vst v0;
	v0 =	vimm.s32 $0x2B2A2928  }
0x15a: {  	v0 =	vunpack.c.0.s8.s32 v0  }
0x15b: {  	v6 =	vimm.s32 $0x27262524  }
0x15c: {  	[tilespmem:$0x1FC60] =	vst v0;
	v0 =	vunpack.c.0.s8.s32 v6;
	_ =	sdelay $0x1  }
0x15d: {  	[tilespmem:$0x1FC70] =	vst v0;
	v0 =	vimm.s32 $0x23222120  }
0x15e: {  	v0 =	vunpack.c.0.s8.s32 v0;
	_ =	sdelay $0x1  }
0x15f: {  	[tilespmem:$0x1FC80] =	vst v0;
	v0 =	vimm.s32 $0x3A3B3839  }
0x160: {  	v0 =	vunpack.c.0.s8.s32 v0  }
0x161: {  	v6 =	vimm.s32 $0x3E3F3C3D  }
0x162: {  	[tilespmem:$0x1FC90] =	vst v0;
	v0 =	vunpack.c.0.s8.s32 v6;
	_ =	sdelay $0x1  }
0x163: {  	[tilespmem:$0x1FCA0] =	vst v0;
	v0 =	vimm.s32 $0x32333031  }
0x164: {  	v0 =	vunpack.c.0.s8.s32 v0;
	_ =	sdelay $0x1  }
0x165: {  	[tilespmem:$0x1FCB0] =	vst v0;
	v0 =	vimm.s32 $0x36373435  }
0x166: {  	v0 =	vunpack.c.0.s8.s32 v0  }
0x167: {  	v6 =	vimm.s32 $0x39383B3A  }
0x168: {  	[tilespmem:$0x1FCC0] =	vst v0;
	v0 =	vunpack.c.0.s8.s32 v6;
	_ =	sdelay $0x1  }
0x169: {  	[tilespmem:$0x1FCD0] =	vst v0;
	v0 =	vimm.s32 $0x3D3C3F3E  }
0x16a: {  	v0 =	vunpack.c.0.s8.s32 v0;
	_ =	sdelay $0x1  }
0x16b: {  	[tilespmem:$0x1FCE0] =	vst v0;
	v0 =	vimm.s32 $0x31303332  }
0x16c: {  	v0 =	vunpack.c.0.s8.s32 v0  }
0x16d: {  	v6 =	vimm.s32 $0x35343736  }
0x16e: {  	[tilespmem:$0x1FCF0] =	vst v0;
	v0 =	vunpack.c.0.s8.s32 v6  }
0x16f: {  	v29 =	vsel vm12, $0x1B82, v29  }
0x170: {  	v29 =	vsel vm11, $0x1B03, v29;
	[tilespmem:$0x1FD00] =	vst v0;
	v0 =	vimm.s32 $0x38393A3B  }
0x171: {  	v29 =	vsel vm10, $0x1884, v29;
	v0 =	vunpack.c.0.s8.s32 v0  }
0x172: {  	v18 =	vsel vm9, $0x1805, v29  }
0x173: {  	v18 =	vsel vm8, $0x1986, v18;
	[tilespmem:$0x1FD10] =	vst v0;
	v0 =	vimm.s32 $0x3C3D3E3F  }
0x174: {  	v18 =	vsel vm7, $0x1907, v18;
	v0 =	vunpack.c.0.s8.s32 v0  }
0x175: {  	v18 =	vsel vm6, $0x1E88, v18;
	v6 =	vimm.s32 $0x30313233  }
0x176: {  	v18 =	vsel vm5, $0x1E09, v18;
	[tilespmem:$0x1FD20] =	vst v0;
	v0 =	vunpack.c.0.s8.s32 v6  }
0x177: {  	v18 =	vsel vm4, $0x1F8A, v18;
	v8 =	vld [tilespmem:$0x1FAA0]  }
0x178: {  	v18 =	vsel vm3, $0x1F0B, v18;
	v9 =	vld [tilespmem:$0x1FAD0];
	[tilespmem:$0x1FD30] =	vst v0;
	v0 =	vimm.s32 $0x34353637  }
0x179: {  	s0 =	rddreg [dreg:$0x0];
	s3 =	srdreg.scid;
	v18 =	vsel vm2, $0x1C8C, v18;
	v4 =	vlaneseq.u32;
	v10 =	vld [tilespmem:$0x1FAF0];
	v0 =	vunpack.c.0.s8.s32 v0  }
0x17a: {  	s7 =	rddreg [dreg:$0x1];
	s4 =	sand.u32 $0x1, s3;
	s3 =	simm.s32 $0x0;
	v18 =	vsel vm1, $0x1C0D, v18;
	[tilespmem:$0x1FA30] =	vst v28;
	v1 =	vmul.u32 $0xFFFFFFFF, v4;
	v11 =	vld [tilespmem:$0x1FB10]  }
0x17b: {  	[smem:$0x7FF] =	sst s3;
	v15 =	vsel vm0, $0x1D8E, v18;
	v18 =	vld [tilespmem:$0x1FB80];
	[tilespmem:$0x1FD40] =	vst v0  }
0x17c: {  	s1 =	rddreg [dreg:$0x2];
	v21 =	vld [tilespmem:$0x1FBA0];
	_ =	strace $0x80000047;
	[tilespmem:$0x1FD90] =	vst v1  }
0x17d: {  	[tilespmem:$0x1FDB0] =	vst v47  }
0x17e: {  	[tilespmem:$0x1FDC0] =	vst v55  }
0x17f: {  	[tilespmem:$0x1FE00] =	vst v50  }
0x180: {  	v2 =	vmul.u32 $0x81, v4;
	[tilespmem:$0x1FE20] =	vst v57  }
0x181: {  	[tilespmem:$0x1FE90] =	vst v48  }
0x182: {  	[tilespmem:$0x1FEE0] =	vst v2  }
0x183: {  	[tilespmem:$0x1FF10] =	vst v46  }
0x184: {  	[tilespmem:$0x1FF20] =	vst v53  }
0x185: {  	[tilespmem:$0x1FF30] =	vst v43  }
0x186: {  	[tilespmem:$0x1FF40] =	vst v59  }
0x187: {  	v30 =	vsel vm12, $0x1A02, v30;
	[tilespmem:$0x1FF50] =	vst v44  }
0x188: {  	v30 =	vsel vm11, $0x1A83, v30;
	v0 =	vimm.s32 $0x3F3E3D3C;
	[tilespmem:$0x1FF60] =	vst v54  }
0x189: {  	v30 =	vsel vm10, $0x1904, v30;
	v0 =	vunpack.c.0.s8.s32 v0;
	[tilespmem:$0x1FF70] =	vst v52  }
0x18a: {  	v19 =	vsel vm9, $0x1985, v30;
	v6 =	vimm.s32 $0x3B3A3938;
	[tilespmem:$0x1FF80] =	vst v61  }
0x18b: {  	v19 =	vsel vm8, $0x1806, v19;
	[tilespmem:$0x1FD50] =	vst v0;
	v0 =	vunpack.c.0.s8.s32 v6  }
0x18c: {  	v19 =	vsel vm7, $0x1887, v19;
	[tilespmem:$0x1FF90] =	vst v56  }
0x18d: {  	v19 =	vsel vm6, $0x1F08, v19;
	v23 =	vmov v62;
	[tilespmem:$0x1FD60] =	vst v0;
	v0 =	vimm.s32 $0x37363534  }
0x18e: {  	v19 =	vsel vm5, $0x1F89, v19;
	[tilespmem:$0x1FFA0] =	vst v23;
	v0 =	vunpack.c.0.s8.s32 v0  }
0x18f: {  	v19 =	vsel vm4, $0x1E0A, v19;
	[tilespmem:$0x1FFB0] =	vst v63;
	v6 =	vimm.s32 $0x33323130  }
0x190: {  	v19 =	vsel vm3, $0x1E8B, v19;
	[tilespmem:$0x1FD70] =	vst v0;
	v0 =	vunpack.c.0.s8.s32 v6  }
0x191: {  	v19 =	vsel vm2, $0x1D0C, v19;
	[tilespmem:$0x1FFC0] =	vst v58  }
0x192: {  	v19 =	vsel vm1, $0x1D8D, v19;
	v7 =	vld [tilespmem:$0x1FE10];
	[tilespmem:$0x1FD80] =	vst v0;
	v0 =	vmul.u32 $0xFFFFFF81, v4  }
0x193: {  	v12 =	vsel vm0, $0x1C0E, v19;
	vm0 =	vcmask $0x1F10;
	[tilespmem:$0x1FFD0] =	vst v60;
	v5 =	vld [tilespmem:$0x1FDE0]  }
0x194: {  	[tilespmem:$0x1FDA0] =	vst v0;
	v3 =	vadd.s32 $0x780, v0;
	v0 =	vsel vm0, v55, v47;
	v55 =	vld [tilespmem:$0x1FDD0]  }
0x195: {  	[tilespmem:$0x1FFE0] =	vst v51  }
0x196: {  	v1 =	vadd.s32 $0xF, v1;
	[tilespmem:$0x1FFF0] =	vst v12;
	v6 =	vld [tilespmem:$0x1FDF0]  }
0x197: {  	[tilespmem:$0x1FED0] =	vst v1;
	v7 =	vsel vm0, v57, v7  }
0x198: {  	s2 =	stileid.u32;
	[tilespmem:$0x1FE60] =	vst v7  }
0x199: {  	s11 =	simm.s32 $0x10000;
	s12 =	simm.s32 $0x10080;
	s13 =	simm.s32 $0x1;
	[tilespmem:$0x1FE30] =	vst v0;
	v5 =	vsel vm0, v5, v55  }
0x19a: {  	s14 =	simm.s32 $0x10100;
	s15 =	simm.s32 $0x400;
	s16 =	simm.s32 $0x200000;
	v4 =	vor.u32 $0x10, v4;
	[tilespmem:$0x1FE40] =	vst v5;
	v5 =	vcombine.low v5, v0;
	v0 =	vld [tilespmem:$0x1FE80]  }
0x19b: {  	s17 =	simm.s32 $0x2;
	s18 =	simm.s32 $0x12100;
	s19 =	simm.s32 $0x3;
	[tilespmem:$0x1FEC0] =	vst v4;
	v6 =	vsel vm0, v50, v6  }
0x19c: {  	s20 =	simm.s32 $0x4;
	s5 =	sshll.u32 s2, $0xE;
	s6 =	sshll.u32 s4, $0xD;
	[tilespmem:$0x1FE50] =	vst v6;
	v6 =	vcombine.low v7, v6  }
0x19d: {  	s21 =	simm.s32 $0x0;
	s8 =	ssub.s32 $0x2, s4;
	s4 =	sor.u32 s6, s5;
	[tilespmem:$0x1FEB0] =	vst v3  }
0x19e: {  	s31 =	sshrl.u32 s8, $0x1;
	s5 =	sadd.s32 $0xA600, s7;
	s9 =	sshrl.u32 s4, $0x3;
	[tilespmem:$0x1FEF0] =	vst v6  }
0x19f: {  	s7 =	sadd.s32 $0xCA00, s7;
	s10 =	ssub.s32 s8, s31;
	s6 =	sadd.s32 s0, s9;
	[tilespmem:$0x1FF00] =	vst v5;
	v0 =	vsel vm0, v48, v0  }
0x1a0: {  	s9 =	smax.u32 s10, $0x1;
	s10 =	simm.s32 $0x5;
	s8 =	sadd.s32 $0x10, s6;
	v20 =	vmov v51;
	v22 =	vmov v60;
	v62 =	vlaneseq.u32;
	v7 =	vld [tilespmem:$0x1FE70];
	[tilespmem:$0x1FEA0] =	vst v0  }
.LBB2_1:
0x1a1: {  	[tilespmem:s3], [sflag:$0x5] =	stream.linear.gather [hbm4b:s5+s3], $0x10000, $0x38;
	[tilespmem:$0x14100] =	vst v63  }
0x1a2: {  	_ =	swait.ge [sflag:s10], $0x10000  }
0x1a3: {  	[sflag:s10] =	ssyncset.done $0x0  }
0x1a4: {  	[sflag:s10] =	ssyncadd.s32 $0xFFFF0000  }
0x1a5: {  	[tilespmem:s11], [sflag:$0x1] =	stream.linear.gather [hbm4b:s6+s3], $0x80, $0x38;
	[tilespmem:$0x14100] =	vst v63  }
0x1a6: {  	s22 =	simm.s32 $0x0  }
0x1a7: {  	[tilespmem:s12], [sflag:$0x2] =	stream.linear.gather [hbm4b:s8+s3], $0x80, $0x38;
	[tilespmem:$0x14100] =	vst v63  }
.LBB2_2:
0x1a8: {  	_ =	swait.ge [sflag:s13], $0x80  }
0x1a9: {  	p0 =	seq.s32 s22, $0x0;
	[sflag:s13] =	ssyncset.done $0x0  }
0x1aa: {  	s23 =	simm.s32 @!p0 $0x3;
	[sflag:s13] =	ssyncadd.s32 $0xFFFFFF80  }
0x1ab: {  	_ =	swait.ge @!p0 [sflag:s23], $0x2000  }
0x1ac: {  	[sflag:s23] =	ssyncset.done @!p0 $0x0  }
0x1ad: {  	[sflag:s23] =	ssyncadd.s32 @!p0 $0xFFFFE000;
	s23 =	simm.s32 $0x10000  }
0x1ae: {  	v0 =	vld [tilespmem:s23+$0x0];
	_ =	sdelay $0x3  }
0x1af: {  	v16 =	vld [tilespmem:$0x1F830]  }
0x1b0: {  	v29 =	vshll.u32 v0, $0x6  }
0x1b1: {  	v0 =	vor.u32 v62, v29  }
0x1b2: {  	v12 =	vor.u32 v9, v29  }
0x1b3: {  	s26 =	simm.s32 $0x0;
	v17 =	vld [tilespmem:$0x1F840];
	v13 =	vor.u32 v10, v29  }
0x1b4: {  	v48 =	vmov v16;
	v24 =	vor.u32 s26, v16;
	v16 =	vld [tilespmem:$0x1F850];
	v14 =	vor.u32 v11, v29  }
0x1b5: {  	v19 =	vld [tilespmem:$0x1F860]  }
0x1b6: {  	v47 =	vmov v15;
	v15 =	vor.u32 s26, v2;
	v0 =	vld.idx.msk [tilespmem:v0+s3+$0x0], $0xffff  }
0x1b7: {  	v12 =	vld.idx.msk [tilespmem:v12+s3+$0x0], $0xffff  }
0x1b8: {  	v17 =	vor.u32 s26, v17;
	v13 =	vld.idx.msk [tilespmem:v13+s3+$0x0], $0xffff  }
0x1b9: {  	v16 =	vor.u32 s26, v16;
	v14 =	vld.idx.msk [tilespmem:v14+s3+$0x0], $0xffff  }
0x1ba: {  	v19 =	vor.u32 v19, v29  }
0x1bb: {  	[tilespmem:v15+s14+$0x0] =	vst.idx.msk $0xffff, v0;
	v0 =	vor.u32 v59, v29  }
0x1bc: {  	[tilespmem:v24+s14+$0x0] =	vst.idx.msk $0xffff, v12;
	v12 =	vor.u32 v46, v29  }
0x1bd: {  	[tilespmem:v17+s14+$0x0] =	vst.idx.msk $0xffff, v13;
	v13 =	vor.u32 v61, v29  }
0x1be: {  	[tilespmem:v16+s14+$0x0] =	vst.idx.msk $0xffff, v14  }
0x1bf: {  	v15 =	vor.u32 s26, v23;
	v14 =	vld.idx.msk [tilespmem:v19+s3+$0x0], $0xffff  }
0x1c0: {  	v24 =	vor.u32 s26, v63;
	v0 =	vld.idx.msk [tilespmem:v0+s3+$0x0], $0xffff  }
0x1c1: {  	v17 =	vor.u32 s26, v8;
	v12 =	vld.idx.msk [tilespmem:v12+s3+$0x0], $0xffff  }
0x1c2: {  	v16 =	vor.u32 s26, v44;
	v13 =	vld.idx.msk [tilespmem:v13+s3+$0x0], $0xffff  }
0x1c3: {  	v8 =	vor.u32 v52, v29  }
0x1c4: {  	[tilespmem:v15+s14+$0x0] =	vst.idx.msk $0xffff, v14;
	v14 =	vor.u32 v56, v29  }
0x1c5: {  	[tilespmem:v24+s14+$0x0] =	vst.idx.msk $0xffff, v0;
	v0 =	vor.u32 v21, v29  }
0x1c6: {  	[tilespmem:v17+s14+$0x0] =	vst.idx.msk $0xffff, v12  }
0x1c7: {  	[tilespmem:v16+s14+$0x0] =	vst.idx.msk $0xffff, v13  }
0x1c8: {  	v15 =	vor.u32 s26, v43;
	v12 =	vor.u32 v53, v29;
	v13 =	vld.idx.msk [tilespmem:v8+s3+$0x0], $0xffff  }
0x1c9: {  	v8 =	vor.u32 s26, v54;
	v14 =	vld.idx.msk [tilespmem:v14+s3+$0x0], $0xffff  }
0x1ca: {  	v17 =	vor.u32 s26, v58;
	v0 =	vld.idx.msk [tilespmem:v0+s3+$0x0], $0xffff;
	_ =	sdelay $0x2  }
0x1cb: {  	v12 =	vld.idx.msk [tilespmem:v12+s3+$0x0], $0xffff;
	[tilespmem:v15+s14+$0x0] =	vst.idx.msk $0xffff, v13  }
0x1cc: {  	[tilespmem:v8+s14+$0x0] =	vst.idx.msk $0xffff, v14  }
0x1cd: {  	[tilespmem:v17+s14+$0x0] =	vst.idx.msk $0xffff, v0;
	v0 =	vor.u32 v1, v29;
	v1 =	vld [tilespmem:$0x1F870];
	_ =	sdelay $0x4  }
0x1ce: {  	v15 =	vor.u32 s26, v1;
	v1 =	vld [tilespmem:$0x1F880]  }
0x1cf: {  	v16 =	vor.u32 s26, v20  }
0x1d0: {  	v18 =	vor.u32 v18, v29  }
0x1d1: {  	v50 =	vld [tilespmem:$0x1F8B0];
	v13 =	vor.u32 v22, v29  }
0x1d2: {  	v37 =	vld [tilespmem:$0x1FEA0]  }
0x1d3: {  	v14 =	vor.u32 v7, v29;
	v46 =	vor.u32 s26, v1;
	v1 =	vld [tilespmem:$0x1F890]  }
0x1d4: {  	[tilespmem:v16+s14+$0x0] =	vst.idx.msk $0xffff, v12;
	v16 =	vor.u32 s26, v3;
	v3 =	vld [tilespmem:$0x1F8A0]  }
0x1d5: {  	v12 =	vld.idx.msk [tilespmem:v18+s3+$0x0], $0xffff  }
0x1d6: {  	v13 =	vld.idx.msk [tilespmem:v13+s3+$0x0], $0xffff;
	_ =	sdelay $0x1  }
0x1d7: {  	v14 =	vld.idx.msk [tilespmem:v14+s3+$0x0], $0xffff;
	v17 =	vor.u32 s26, v1  }
0x1d8: {  	v0 =	vld.idx.msk [tilespmem:v0+s3+$0x0], $0xffff;
	v21 =	vsel vm0, v50, v3  }
0x1d9: {  	[tilespmem:v15+s14+$0x0] =	vst.idx.msk $0xffff, v12;
	v1 =	vcombine.low v21, v37  }
0x1da: {  	[tilespmem:v46+s14+$0x0] =	vst.idx.msk $0xffff, v13  }
0x1db: {  	[tilespmem:$0x1F4A0] =	vst v1  }
0x1dc: {  	[tilespmem:v17+s14+$0x0] =	vst.idx.msk $0xffff, v14;
	v17 =	vor.u32 v1, v29;
	v1 =	vld [tilespmem:$0x1FE20]  }
0x1dd: {  	[tilespmem:v16+s14+$0x0] =	vst.idx.msk $0xffff, v0;
	v0 =	vld [tilespmem:$0x1FE10];
	_ =	sdelay $0x3  }
0x1de: {  	v51 =	vor.u32 $0x800, v2;
	v40 =	vmov v2;
	v2 =	vld [tilespmem:$0x1FE90]  }
0x1df: {  	v0 =	vsel vm0, v0, v1;
	v1 =	vld [tilespmem:$0x1FE80];
	_ =	sdelay $0x4  }
0x1e0: {  	v25 =	vsel vm0, v1, v2;
	v1 =	vld [tilespmem:$0x1FDD0]  }
0x1e1: {  	v2 =	vld [tilespmem:$0x1FDE0];
	_ =	sdelay $0x4  }
0x1e2: {  	v38 =	vsel vm0, v1, v2;
	v1 =	vld [tilespmem:$0x1F8D0]  }
0x1e3: {  	v52 =	vld [tilespmem:$0x1F8F0]  }
0x1e4: {  	v53 =	vld [tilespmem:$0x1F900]  }
0x1e5: {  	v8 =	vor.u32 v4, v29;
	v12 =	vld [tilespmem:$0x1F8C0]  }
0x1e6: {  	v2 =	vld [tilespmem:$0x1FDC0]  }
0x1e7: {  	v16 =	vmov v1;
	v28 =	vor.u32 s26, v1;
	v1 =	vld [tilespmem:$0x1FDB0]  }
0x1e8: {  	v15 =	vor.u32 v5, v29;
	v5 =	vld [tilespmem:$0x1F8E0]  }
0x1e9: {  	v13 =	vld [tilespmem:$0x1F920]  }
0x1ea: {  	v36 =	vld.idx.msk [tilespmem:v8+s3+$0x0], $0xffff  }
0x1eb: {  	v20 =	vor.u32 v6, v29;
	v8 =	vld [tilespmem:$0x1F910]  }
0x1ec: {  	v30 =	vsel vm0, v1, v2;
	v1 =	vld [tilespmem:$0x1FDF0]  }
0x1ed: {  	v18 =	vor.u32 s26, v51;
	v2 =	vld [tilespmem:$0x1FE00]  }
0x1ee: {  	v24 =	vor.u32 s26, v12;
	v31 =	vld.idx.msk [tilespmem:v15+s3+$0x0], $0xffff  }
0x1ef: {  	v32 =	vld [tilespmem:$0x1FE30]  }
0x1f0: {  	v22 =	vld.idx.msk [tilespmem:v20+s3+$0x0], $0xffff  }
0x1f1: {  	v19 =	vsel vm0, v53, v52;
	v20 =	vld.idx.msk [tilespmem:v17+s3+$0x0], $0xffff;
	v17 =	vsel vm0, v3, v50;
	v26 =	vsel vm0, v13, v8  }
0x1f2: {  	v33 =	vld [tilespmem:$0x1FE40];
	v56 =	vmov v42;
	[tilespmem:v18+s14+$0x0] =	vst.idx.msk $0xffff, v36;
	v15 =	vcombine.low v38, v30;
	v27 =	vsel vm0, v1, v2  }
0x1f3: {  	v42 =	vld [tilespmem:$0x1FE50];
	v23 =	vor.u32 s26, v5;
	v14 =	vcombine.low v26, v19;
	[tilespmem:v24+s14+$0x0] =	vst.idx.msk $0xffff, v31;
	v1 =	vcombine.low v0, v27  }
0x1f4: {  	v43 =	vld [tilespmem:$0x1FE60];
	[tilespmem:$0x1F4D0] =	vst v15;
	v2 =	vcombine.low v17, v25  }
0x1f5: {  	v34 =	vor.u32 v14, v29;
	[tilespmem:$0x1F4E0] =	vst v1;
	v3 =	vor.u32 v1, v29;
	v1 =	vld [tilespmem:$0x1F930]  }
0x1f6: {  	v60 =	vor.u32 v15, v29;
	[tilespmem:$0x1F4F0] =	vst v2;
	v15 =	vor.u32 v2, v29;
	v2 =	vld [tilespmem:$0x1F940]  }
0x1f7: {  	v18 =	vld [tilespmem:$0x1F950];
	[tilespmem:v28+s14+$0x0] =	vst.idx.msk $0xffff, v22  }
0x1f8: {  	[tilespmem:v23+s14+$0x0] =	vst.idx.msk $0xffff, v20;
	v23 =	vld [tilespmem:$0x1F960]  }
0x1f9: {  	v57 =	vld [tilespmem:$0x1FA00]  }
0x1fa: {  	v6 =	vsel vm0, v52, v53;
	[tilespmem:$0x1F4C0] =	vst v14;
	v17 =	vld.idx.msk [tilespmem:v34+s3+$0x0], $0xffff;
	v14 =	vor.u32 s26, v1  }
0x1fb: {  	v4 =	vcombine.low v42, v43;
	v61 =	vsel vm0, v8, v13;
	v20 =	vld.idx.msk [tilespmem:v60+s3+$0x0], $0xffff;
	v28 =	vor.u32 s26, v2  }
0x1fc: {  	v8 =	vcombine.low v32, v33;
	v7 =	vcombine.low v6, v61;
	v63 =	vor.u32 s26, v18;
	v22 =	vld.idx.msk [tilespmem:v3+s3+$0x0], $0xffff  }
0x1fd: {  	[tilespmem:$0x1F520] =	vst v4;
	v13 =	vld.idx.msk [tilespmem:v15+s3+$0x0], $0xffff;
	v15 =	vor.u32 s26, v23  }
0x1fe: {  	v52 =	vld [tilespmem:$0x1F970];
	[tilespmem:$0x1F510] =	vst v8;
	v35 =	vor.u32 v7, v29  }
0x1ff: {  	v42 =	vld [tilespmem:$0x1FC40];
	[tilespmem:v14+s14+$0x0] =	vst.idx.msk $0xffff, v17  }
0x200: {  	v44 =	vcombine.low v37, v21;
	v6 =	vld [tilespmem:$0x1F9F0];
	v46 =	vor.u32 v8, v29;
	[tilespmem:v28+s14+$0x0] =	vst.idx.msk $0xffff, v20  }
0x201: {  	v4 =	vor.u32 v4, v29;
	v34 =	vld [tilespmem:$0x1FD90];
	[tilespmem:v63+s14+$0x0] =	vst.idx.msk $0xffff, v22  }
0x202: {  	v8 =	vor.u32 v44, v29;
	v3 =	vld [tilespmem:$0x1F980];
	[tilespmem:v15+s14+$0x0] =	vst.idx.msk $0xffff, v13  }
0x203: {  	v50 =	vor.u32 s26, v49;
	v22 =	vmov v1;
	v1 =	vcombine.low v19, v26;
	v28 =	vld.idx.msk [tilespmem:v35+s3+$0x0], $0xffff  }
0x204: {  	[tilespmem:$0x1F4B0] =	vst v51;
	v17 =	vld [tilespmem:$0x1FC30]  }
0x205: {  	v51 =	vor.u32 s26, v45;
	v13 =	vld.idx.msk [tilespmem:v46+s3+$0x0], $0xffff;
	[tilespmem:$0x1F540] =	vst v1;
	v55 =	vor.u32 v1, v29;
	v1 =	vcombine.low v27, v0  }
0x206: {  	v53 =	vor.u32 s26, v52;
	v26 =	vld.idx.msk [tilespmem:v4+s3+$0x0], $0xffff  }
0x207: {  	v54 =	vcombine.low v30, v38;
	v30 =	vor.u32 s26, v3;
	v8 =	vld.idx.msk [tilespmem:v8+s3+$0x0], $0xffff;
	[tilespmem:$0x1F560] =	vst v1  }
0x208: {  	v24 =	vmov v3;
	v3 =	vld [tilespmem:$0x1F9D0];
	[tilespmem:v50+s14+$0x0] =	vst.idx.msk $0xffff, v28;
	v28 =	vor.u32 v1, v29;
	v1 =	vadd.s32 $0x1F, v34  }
0x209: {  	[tilespmem:$0x1F570] =	vst v1;
	v15 =	vor.u32 v1, v29;
	v1 =	vld [tilespmem:$0x1F990]  }
0x20a: {  	v4 =	vld [tilespmem:$0x1F9E0];
	[tilespmem:v51+s14+$0x0] =	vst.idx.msk $0xffff, v13  }
0x20b: {  	v27 =	vmov v2;
	v2 =	vld [tilespmem:$0x1F9C0];
	[tilespmem:v53+s14+$0x0] =	vst.idx.msk $0xffff, v26  }
0x20c: {  	v0 =	vor.u32 v54, v29;
	v13 =	vld [tilespmem:$0x1FA20];
	[tilespmem:v30+s14+$0x0] =	vst.idx.msk $0xffff, v8  }
0x20d: {  	v30 =	vld.idx.msk [tilespmem:v55+s3+$0x0], $0xffff  }
0x20e: {  	v20 =	vmov v1;
	v25 =	vor.u32 s26, v1;
	v1 =	vld [tilespmem:$0x1F9A0]  }
0x20f: {  	v55 =	vld [tilespmem:$0x1FDA0]  }
0x210: {  	v8 =	vld [tilespmem:$0x1FA10]  }
0x211: {  	v0 =	vld.idx.msk [tilespmem:v0+s3+$0x0], $0xffff  }
0x212: {  	v28 =	vld.idx.msk [tilespmem:v28+s3+$0x0], $0xffff  }
0x213: {  	v35 =	vor.u32 s26, v39;
	v33 =	vmov v1;
	v58 =	vor.u32 s26, v1;
	v1 =	vld [tilespmem:$0x1F9B0]  }
0x214: {  	v31 =	vld.idx.msk [tilespmem:v15+s3+$0x0], $0xffff;
	v14 =	vadd.s32 $0xF80, v55  }
0x215: {  	v15 =	vld [tilespmem:$0x1FC20];
	[tilespmem:$0x1F580] =	vst v14;
	v59 =	vor.u32 s26, v14;
	v14 =	vor.u32 $0x20, v62  }
0x216: {  	[tilespmem:$0x1F590] =	vst v14;
	v60 =	vor.u32 v14, v29;
	v14 =	vld [tilespmem:$0x1FA30]  }
0x217: {  	v37 =	vsel vm0, v57, v6;
	v36 =	vsel vm0, v4, v3;
	v32 =	vsel vm0, v13, v8  }
0x218: {  	v51 =	vmov v39;
	v61 =	vcombine.low v32, v37;
	[tilespmem:v35+s14+$0x0] =	vst.idx.msk $0xffff, v30;
	v39 =	vsel vm0, v2, v1  }
0x219: {  	[tilespmem:v25+s14+$0x0] =	vst.idx.msk $0xffff, v0;
	v26 =	vcombine.low v36, v39  }
0x21a: {  	v63 =	vsel vm0, v42, v17;
	v42 =	vsel vm0, v17, v42;
	[tilespmem:$0x1F5B0] =	vst v61  }
0x21b: {  	v21 =	vmov v45;
	v17 =	vld [tilespmem:$0x1FC80];
	v45 =	vsel vm0, v15, v14;
	[tilespmem:v58+s14+$0x0] =	vst.idx.msk $0xffff, v28;
	v30 =	vor.u32 v26, v29  }
0x21c: {  	v38 =	vsel vm0, v3, v4;
	v3 =	vld [tilespmem:$0x1FA40];
	v0 =	vor.u32 v61, v29;
	[tilespmem:$0x1F5A0] =	vst v26;
	v26 =	vcombine.low v63, v45  }
0x21d: {  	v4 =	vld [tilespmem:$0x1FC50];
	v43 =	vsel vm0, v8, v13;
	[tilespmem:v59+s14+$0x0] =	vst.idx.msk $0xffff, v31  }
0x21e: {  	v8 =	vld [tilespmem:$0x1FC60];
	v61 =	vsel vm0, v1, v2;
	[tilespmem:$0x1F5C0] =	vst v26;
	v28 =	vor.u32 v26, v29;
	v26 =	vor.u32 $0x1000, v40  }
0x21f: {  	v2 =	vcombine.low v38, v61;
	v50 =	vld.idx.msk [tilespmem:v60+s3+$0x0], $0xffff;
	v25 =	vor.u32 s26, v26  }
0x220: {  	[tilespmem:$0x1F530] =	vst v44;
	v44 =	vor.u32 s26, v41;
	v59 =	vsel vm0, v14, v15;
	v30 =	vld.idx.msk [tilespmem:v30+s3+$0x0], $0xffff  }
0x221: {  	v31 =	vor.u32 s26, v3;
	v0 =	vld.idx.msk [tilespmem:v0+s3+$0x0], $0xffff;
	[tilespmem:$0x1F5F0] =	vst v2;
	v14 =	vor.u32 v2, v29;
	v2 =	vcombine.low v42, v59  }
0x222: {  	v13 =	vld [tilespmem:$0x1FC70]  }
0x223: {  	v19 =	vmov v52;
	v52 =	vld [tilespmem:$0x1FA50];
	[tilespmem:$0x1F610] =	vst v2  }
0x224: {  	v28 =	vld.idx.msk [tilespmem:v28+s3+$0x0], $0xffff;
	[tilespmem:v25+s14+$0x0] =	vst.idx.msk $0xffff, v50  }
0x225: {  	[tilespmem:v44+s14+$0x0] =	vst.idx.msk $0xffff, v30  }
0x226: {  	[tilespmem:v31+s14+$0x0] =	vst.idx.msk $0xffff, v0;
	v0 =	vor.u32 v2, v29;
	v2 =	vld [tilespmem:$0x1FA60]  }
0x227: {  	v46 =	vsel vm0, v8, v4;
	v60 =	vsel vm0, v17, v13  }
0x228: {  	v40 =	vcombine.low v60, v46  }
0x229: {  	[tilespmem:$0x1F5D0] =	vst v26;
	v26 =	vor.u32 s26, v52  }
0x22a: {  	[tilespmem:$0x1F550] =	vst v54;
	v54 =	vor.u32 v40, v29  }
0x22b: {  	v35 =	vmov v5;
	v53 =	vmov v2;
	v5 =	vor.u32 s26, v2;
	v2 =	vld [tilespmem:$0x1FA70];
	_ =	sdelay $0x1  }
0x22c: {  	v58 =	vsel vm0, v6, v57  }
0x22d: {  	v57 =	vcombine.low v43, v58;
	[tilespmem:v26+s14+$0x0] =	vst.idx.msk $0xffff, v28  }
0x22e: {  	v28 =	vld.idx.msk [tilespmem:v54+s3+$0x0], $0xffff  }
0x22f: {  	v30 =	vor.u32 v57, v29;
	v54 =	vmov v2;
	v6 =	vor.u32 s26, v2;
	v2 =	vld [tilespmem:$0x1FA80];
	_ =	sdelay $0x1  }
0x230: {  	[tilespmem:$0x1F500] =	vst v7;
	v1 =	vcombine.low v39, v36;
	v36 =	vld [tilespmem:$0x1FB00]  }
0x231: {  	[tilespmem:$0x1F600] =	vst v57;
	v7 =	vld.idx.msk [tilespmem:v14+s3+$0x0], $0xffff  }
0x232: {  	v15 =	vld [tilespmem:$0x1FD30];
	[tilespmem:$0x1F630] =	vst v1  }
0x233: {  	[tilespmem:$0x1F5E0] =	vst v40;
	v30 =	vld.idx.msk [tilespmem:v30+s3+$0x0], $0xffff;
	v59 =	vor.u32 s26, v2  }
0x234: {  	v40 =	vsel vm0, v13, v17;
	v50 =	vmovc v3;
	v3 =	vsel vm0, v4, v8;
	v57 =	vor.u32 s26, v56;
	v0 =	vld.idx.msk [tilespmem:v0+s3+$0x0], $0xffff  }
0x235: {  	v17 =	vld [tilespmem:$0x1FD40];
	[tilespmem:v5+s14+$0x0] =	vst.idx.msk $0xffff, v28;
	v25 =	vmov v2;
	v2 =	vcombine.low v3, v40  }
0x236: {  	v4 =	vld [tilespmem:$0x1FCC0];
	[tilespmem:v6+s14+$0x0] =	vst.idx.msk $0xffff, v7  }
0x237: {  	v42 =	vmov v56;
	v56 =	vld [tilespmem:$0x1FA90];
	[tilespmem:$0x1F620] =	vst v2  }
0x238: {  	v5 =	vld [tilespmem:$0x1FCD0];
	v3 =	vcombine.low v37, v32;
	v8 =	vor.u32 v2, v29;
	[tilespmem:v59+s14+$0x0] =	vst.idx.msk $0xffff, v30  }
0x239: {  	v40 =	vor.u32 v1, v29;
	v2 =	vcombine.low v45, v63;
	[tilespmem:v57+s14+$0x0] =	vst.idx.msk $0xffff, v0;
	v57 =	vld [tilespmem:$0x1FAB0]  }
0x23a: {  	v1 =	vld [tilespmem:$0x1FAC0];
	[tilespmem:$0x1F640] =	vst v3;
	v28 =	vor.u32 v3, v29;
	v3 =	vcombine.low v46, v60  }
0x23b: {  	v32 =	vld [tilespmem:$0x1FAE0];
	v30 =	vor.u32 v2, v29  }
0x23c: {  	[tilespmem:$0x1F660] =	vst v3;
	v59 =	vcombine.low v61, v38;
	v61 =	vor.u32 v3, v29;
	v3 =	vld [tilespmem:$0x1FB20]  }
0x23d: {  	v44 =	vor.u32 s26, v56;
	v0 =	vld.idx.msk [tilespmem:v8+s3+$0x0], $0xffff  }
0x23e: {  	v8 =	vld.idx.msk [tilespmem:v40+s3+$0x0], $0xffff;
	v45 =	vor.u32 s26, v57  }
0x23f: {  	[tilespmem:$0x1F650] =	vst v2;
	v31 =	vmovc v1;
	v46 =	vor.u32 s26, v1;
	v2 =	vcombine.low v58, v43;
	v1 =	vadd.s32 $0x2F, v34;
	v28 =	vld.idx.msk [tilespmem:v28+s3+$0x0], $0xffff  }
0x240: {  	v60 =	vor.u32 s26, v32;
	[tilespmem:$0x1F690] =	vst v1;
	v30 =	vld.idx.msk [tilespmem:v30+s3+$0x0], $0xffff  }
0x241: {  	v7 =	vld [tilespmem:$0x1FCF0];
	[tilespmem:$0x1F680] =	vst v2  }
0x242: {  	v6 =	vld [tilespmem:$0x1FCE0];
	[tilespmem:v44+s14+$0x0] =	vst.idx.msk $0xffff, v0;
	v0 =	vor.u32 v59, v29  }
0x243: {  	v2 =	vor.u32 v2, v29;
	v34 =	vmov v3;
	v38 =	vor.u32 s26, v3;
	v3 =	vld [tilespmem:$0x1FCB0];
	[tilespmem:v45+s14+$0x0] =	vst.idx.msk $0xffff, v8  }
0x244: {  	v8 =	vld [tilespmem:$0x1FD00];
	[tilespmem:v46+s14+$0x0] =	vst.idx.msk $0xffff, v28  }
0x245: {  	v28 =	vor.u32 v1, v29;
	v1 =	vld [tilespmem:$0x1FB30];
	[tilespmem:v60+s14+$0x0] =	vst.idx.msk $0xffff, v30  }
0x246: {  	v30 =	vld.idx.msk [tilespmem:v61+s3+$0x0], $0xffff  }
0x247: {  	v0 =	vld.idx.msk [tilespmem:v0+s3+$0x0], $0xffff  }
0x248: {  	v39 =	vld.idx.msk [tilespmem:v2+s3+$0x0], $0xffff  }
0x249: {  	v13 =	vadd.s32 $0x1780, v55;
	v37 =	vor.u32 s26, v36;
	v2 =	vld [tilespmem:$0x1FCA0]  }
0x24a: {  	[tilespmem:$0x1F6A0] =	vst v13;
	v60 =	vor.u32 s26, v13;
	v13 =	vor.u32 $0x30, v62;
	v40 =	vmovc v1;
	v43 =	vor.u32 s26, v1;
	v1 =	vld [tilespmem:$0x1FC90]  }
0x24b: {  	v63 =	vsel vm0, v6, v5;
	[tilespmem:$0x1F6B0] =	vst v13;
	v61 =	vor.u32 v13, v29;
	v13 =	vld [tilespmem:$0x1FD10];
	v14 =	vsel vm0, v8, v7  }
0x24c: {  	[tilespmem:$0x1F760] =	vst v14;
	v62 =	vcombine.low v14, v63;
	v14 =	vld [tilespmem:$0x1FD20];
	_ =	sdelay $0x1  }
0x24d: {  	[tilespmem:$0x1F770] =	vst v63;
	v26 =	vsel vm0, v4, v3  }
0x24e: {  	[tilespmem:$0x1F740] =	vst v26;
	v55 =	vsel vm0, v2, v1  }
0x24f: {  	v28 =	vld.idx.msk [tilespmem:v28+s3+$0x0], $0xffff;
	[tilespmem:v37+s14+$0x0] =	vst.idx.msk $0xffff, v30;
	v26 =	vcombine.low v26, v55  }
0x250: {  	v58 =	vsel vm0, v17, v15;
	[tilespmem:v38+s14+$0x0] =	vst.idx.msk $0xffff, v0;
	v63 =	vsel vm0, v14, v13  }
0x251: {  	[tilespmem:$0x1F6C0] =	vst v26;
	v30 =	vor.u32 v26, v29;
	v26 =	vcombine.low v58, v63  }
0x252: {  	[tilespmem:v43+s14+$0x0] =	vst.idx.msk $0xffff, v39  }
0x253: {  	[tilespmem:$0x1F6E0] =	vst v26;
	v43 =	vor.u32 v26, v29;
	v26 =	vld [tilespmem:$0x1FEE0];
	_ =	sdelay $0x3  }
0x254: {  	[tilespmem:v60+s14+$0x0] =	vst.idx.msk $0xffff, v28;
	v28 =	vsel vm0, v3, v4;
	v3 =	vld [tilespmem:$0x1FD50]  }
0x255: {  	v4 =	vld [tilespmem:$0x1FD60];
	v26 =	vor.u32 $0x1800, v26  }
0x256: {  	v0 =	vor.u32 v62, v29;
	[tilespmem:$0x1F6F0] =	vst v26;
	v45 =	vor.u32 s26, v26;
	v26 =	vsel vm0, v7, v8;
	v7 =	vld [tilespmem:$0x1FD70]  }
0x257: {  	v8 =	vld [tilespmem:$0x1FD80]  }
0x258: {  	[tilespmem:$0x1F750] =	vst v55;
	v55 =	vld [tilespmem:$0x1FB40]  }
0x259: {  	[tilespmem:$0x1F790] =	vst v58;
	v37 =	vld [tilespmem:$0x1FB50]  }
0x25a: {  	[tilespmem:$0x1F6D0] =	vst v62;
	v62 =	vld.idx.msk [tilespmem:v61+s3+$0x0], $0xffff  }
0x25b: {  	[tilespmem:$0x1F670] =	vst v59;
	v38 =	vsel vm0, v15, v17;
	v1 =	vsel vm0, v1, v2;
	v59 =	vld.idx.msk [tilespmem:v0+s3+$0x0], $0xffff  }
0x25c: {  	[tilespmem:$0x1F810] =	vst v1;
	v17 =	vsel vm0, v4, v3;
	v61 =	vld.idx.msk [tilespmem:v30+s3+$0x0], $0xffff;
	v30 =	vsel vm0, v8, v7  }
0x25d: {  	v1 =	vcombine.low v28, v1;
	v60 =	vor.u32 s26, v55;
	[tilespmem:$0x1F7E0] =	vst v17;
	v0 =	vcombine.low v30, v17;
	v17 =	vld [tilespmem:$0x1FB60]  }
0x25e: {  	[tilespmem:$0x1F800] =	vst v28  }
0x25f: {  	[tilespmem:$0x1F710] =	vst v1  }
0x260: {  	v6 =	vsel vm0, v5, v6;
	v58 =	vor.u32 s26, v37;
	v43 =	vld.idx.msk [tilespmem:v43+s3+$0x0], $0xffff;
	[tilespmem:v45+s14+$0x0] =	vst.idx.msk $0xffff, v62  }
0x261: {  	v2 =	vcombine.low v26, v6;
	[tilespmem:$0x1F7F0] =	vst v30  }
0x262: {  	[tilespmem:v60+s14+$0x0] =	vst.idx.msk $0xffff, v61;
	v30 =	vor.u32 s26, v17  }
0x263: {  	v60 =	vor.u32 v2, v29;
	[tilespmem:$0x1F700] =	vst v0;
	v28 =	vor.u32 v0, v29;
	v0 =	vsel vm0, v13, v14  }
0x264: {  	[tilespmem:$0x1F720] =	vst v2;
	v39 =	vcombine.low v38, v0;
	v0 =	vor.u32 v1, v29;
	v1 =	vld [tilespmem:$0x1FFF0]  }
0x265: {  	[tilespmem:v58+s14+$0x0] =	vst.idx.msk $0xffff, v59;
	v38 =	vld [tilespmem:$0x1FB70]  }
0x266: {  	v2 =	vld [tilespmem:$0x1F750];
	[tilespmem:$0x1F730] =	vst v39  }
0x267: {  	v59 =	vor.u32 v39, v29;
	v39 =	vld [tilespmem:$0x1FB90];
	[tilespmem:v30+s14+$0x0] =	vst.idx.msk $0xffff, v43  }
0x268: {  	v43 =	vsel vm0, v7, v8;
	v7 =	vld.idx.msk [tilespmem:v60+s3+$0x0], $0xffff  }
0x269: {  	v58 =	vor.u32 s26, v1;
	v60 =	vmov v1;
	v1 =	vld [tilespmem:$0x1F740]  }
0x26a: {  	[tilespmem:$0x1F7A0] =	vst v63;
	v63 =	vor.u32 s26, v38;
	v5 =	vld.idx.msk [tilespmem:v28+s3+$0x0], $0xffff  }
0x26b: {  	v45 =	vsel vm0, v3, v4;
	v14 =	vor.u32 s26, v47;
	v13 =	vld.idx.msk [tilespmem:v0+s3+$0x0], $0xffff  }
0x26c: {  	v3 =	vld [tilespmem:$0x1F760];
	v0 =	vcombine.low v45, v43  }
0x26d: {  	v43 =	vld [tilespmem:$0x1F770]  }
0x26e: {  	v30 =	vor.u32 s26, v39;
	[tilespmem:$0x1F780] =	vst v0;
	v1 =	vcombine.low v2, v1;
	v2 =	vld.idx.msk [tilespmem:v59+s3+$0x0], $0xffff  }
0x26f: {  	v0 =	vor.u32 v0, v29;
	[tilespmem:v63+s14+$0x0] =	vst.idx.msk $0xffff, v5  }
0x270: {  	[tilespmem:v14+s14+$0x0] =	vst.idx.msk $0xffff, v13  }
0x271: {  	[tilespmem:$0x1F7B0] =	vst v1  }
0x272: {  	v3 =	vcombine.low v43, v3;
	[tilespmem:v58+s14+$0x0] =	vst.idx.msk $0xffff, v7  }
0x273: {  	v46 =	vor.u32 v1, v29;
	v1 =	vld [tilespmem:$0x1F7F0];
	[tilespmem:v30+s14+$0x0] =	vst.idx.msk $0xffff, v2  }
0x274: {  	[tilespmem:$0x1F7C0] =	vst v3;
	v28 =	vor.u32 v3, v29;
	v3 =	vld.idx.msk [tilespmem:v0+s3+$0x0], $0xffff  }
0x275: {  	v0 =	vld [tilespmem:$0x1F7E0]  }
0x276: {  	v44 =	vld [tilespmem:$0x1F790]  }
0x277: {  	v45 =	vld [tilespmem:$0x1F7A0];
	_ =	sdelay $0x1  }
0x278: {  	v2 =	vld [tilespmem:$0x1F810]  }
0x279: {  	v0 =	vcombine.low v0, v1;
	v1 =	vld [tilespmem:$0x1F800]  }
0x27a: {  	[tilespmem:$0x1F820] =	vst v26;
	v26 =	vld [tilespmem:$0x1FBE0]  }
0x27b: {  	v4 =	vcombine.low v45, v44;
	v43 =	vld [tilespmem:$0x1FBB0]  }
0x27c: {  	v44 =	vld [tilespmem:$0x1FBC0]  }
0x27d: {  	v45 =	vld [tilespmem:$0x1FBD0];
	v13 =	vor.u32 v4, v29  }
0x27e: {  	v1 =	vcombine.low v2, v1;
	v2 =	vld [tilespmem:$0x1F820];
	_ =	sdelay $0x1  }
0x27f: {  	v58 =	vor.u32 s26, v43;
	v59 =	vld.idx.msk [tilespmem:v46+s3+$0x0], $0xffff  }
0x280: {  	v8 =	vor.u32 s26, v44;
	v7 =	vld.idx.msk [tilespmem:v28+s3+$0x0], $0xffff  }
0x281: {  	v28 =	vor.u32 s26, v45;
	v13 =	vld.idx.msk [tilespmem:v13+s3+$0x0], $0xffff  }
0x282: {  	v14 =	vor.u32 s26, v26;
	v61 =	vmovc v1;
	v63 =	vcombine.low v6, v2;
	v2 =	vor.u32 v1, v29;
	v1 =	vld [tilespmem:$0x1FD90]  }
0x283: {  	v46 =	vld [tilespmem:$0x1FBF0];
	v62 =	vmov v0;
	v0 =	vor.u32 v0, v29  }
0x284: {  	[tilespmem:v58+s14+$0x0] =	vst.idx.msk $0xffff, v3;
	v58 =	vld [tilespmem:$0x1FC00]  }
0x285: {  	[tilespmem:v8+s14+$0x0] =	vst.idx.msk $0xffff, v59  }
0x286: {  	[tilespmem:v28+s14+$0x0] =	vst.idx.msk $0xffff, v7  }
0x287: {  	[tilespmem:v14+s14+$0x0] =	vst.idx.msk $0xffff, v13;
	v3 =	vor.u32 v63, v29;
	v28 =	vadd.s32 $0x3F, v1  }
0x288: {  	[tilespmem:$0x1F7D0] =	vst v4;
	v4 =	vor.u32 s26, v46;
	v1 =	vld.idx.msk [tilespmem:v0+s3+$0x0], $0xffff;
	v30 =	vor.u32 v28, v29  }
0x289: {  	v0 =	vor.u32 s26, v58;
	v29 =	vld.idx.msk [tilespmem:v2+s3+$0x0], $0xffff  }
0x28a: {  	v59 =	vld [tilespmem:$0x1FC10];
	_ =	sdelay $0x1  }
0x28b: {  	v2 =	vld.idx.msk [tilespmem:v3+s3+$0x0], $0xffff  }
0x28c: {  	v30 =	vld.idx.msk [tilespmem:v30+s3+$0x0], $0xffff;
	[tilespmem:v4+s14+$0x0] =	vst.idx.msk $0xffff, v1  }
0x28d: {  	[tilespmem:v0+s14+$0x0] =	vst.idx.msk $0xffff, v29;
	v0 =	vld [tilespmem:$0x1FDA0]  }
0x28e: {  	v3 =	vor.u32 s26, v59;
	_ =	sdelay $0x3  }
0x28f: {  	s24 =	sshll.u32 s22, $0x8;
	v29 =	vadd.s32 $0x1F80, v0  }
0x290: {  	s25 =	simm.s32 $0x10;
	s24 =	sor.u32 s4, s24;
	v15 =	vmov v47;
	[tilespmem:v3+s14+$0x0] =	vst.idx.msk $0xffff, v2;
	v0 =	vor.u32 s26, v29  }
.LBB2_3:
0x291: {  	_ =	sdelay $0x3  }
0x292: {  	s23 =	sadd.s32 $0x10, s23;
	[tilespmem:v0+s14+$0x0] =	vst.idx.msk $0xffff, v30  }
0x293: {  	v0 =	vld [tilespmem:s23+$0x0];
	_ =	sdelay $0x4  }
0x294: {  	v6 =	vld [tilespmem:$0x1F840];
	v30 =	vshll.u32 v0, $0x6;
	v0 =	vlaneseq.u32  }
0x295: {  	v4 =	vld [tilespmem:$0x1FEE0];
	v0 =	vor.u32 v0, v30  }
0x296: {  	v1 =	vor.u32 v9, v30;
	_ =	sdelay $0x1  }
0x297: {  	s26 =	smov.u32 s25;
	v2 =	vor.u32 v10, v30  }
0x298: {  	v7 =	vor.u32 s26, v6;
	v6 =	vld [tilespmem:$0x1F850];
	v3 =	vor.u32 v11, v30  }
0x299: {  	v4 =	vor.u32 s26, v4;
	v0 =	vld.idx.msk [tilespmem:v0+s3+$0x0], $0xffff  }
0x29a: {  	v5 =	vor.u32 s26, v48;
	v1 =	vld.idx.msk [tilespmem:v1+s3+$0x0], $0xffff  }
0x29b: {  	v8 =	vld [tilespmem:$0x1F860]  }
0x29c: {  	v2 =	vld.idx.msk [tilespmem:v2+s3+$0x0], $0xffff  }
0x29d: {  	v3 =	vld.idx.msk [tilespmem:v3+s3+$0x0], $0xffff  }
0x29e: {  	[tilespmem:v4+s14+$0x0] =	vst.idx.msk $0xffff, v0;
	v0 =	vld [tilespmem:$0x1FF40]  }
0x29f: {  	v6 =	vor.u32 s26, v6;
	[tilespmem:v5+s14+$0x0] =	vst.idx.msk $0xffff, v1;
	v1 =	vld [tilespmem:$0x1FF10];
	_ =	sdelay $0x1  }
0x2a0: {  	[tilespmem:v7+s14+$0x0] =	vst.idx.msk $0xffff, v2;
	v2 =	vld [tilespmem:$0x1FF80]  }
0x2a1: {  	v8 =	vor.u32 v8, v30;
	v4 =	vld [tilespmem:$0x1FFA0]  }
0x2a2: {  	v5 =	vld [tilespmem:$0x1FFB0];
	v0 =	vor.u32 v0, v30  }
0x2a3: {  	[tilespmem:v6+s14+$0x0] =	vst.idx.msk $0xffff, v3;
	v6 =	vld [tilespmem:$0x1FAA0];
	v1 =	vor.u32 v1, v30;
	_ =	sdelay $0x1  }
0x2a4: {  	v7 =	vld [tilespmem:$0x1FF50];
	v2 =	vor.u32 v2, v30  }
0x2a5: {  	v3 =	vld.idx.msk [tilespmem:v8+s3+$0x0], $0xffff;
	v4 =	vor.u32 s26, v4  }
0x2a6: {  	v5 =	vor.u32 s26, v5;
	v0 =	vld.idx.msk [tilespmem:v0+s3+$0x0], $0xffff  }
0x2a7: {  	v6 =	vor.u32 s26, v6;
	v1 =	vld.idx.msk [tilespmem:v1+s3+$0x0], $0xffff  }
0x2a8: {  	v8 =	vld [tilespmem:$0x1FF70]  }
0x2a9: {  	v2 =	vld.idx.msk [tilespmem:v2+s3+$0x0], $0xffff  }
0x2aa: {  	[tilespmem:v4+s14+$0x0] =	vst.idx.msk $0xffff, v3;
	v3 =	vld [tilespmem:$0x1FF90]  }
0x2ab: {  	[tilespmem:v5+s14+$0x0] =	vst.idx.msk $0xffff, v0;
	v0 =	vld [tilespmem:$0x1FBA0]  }
0x2ac: {  	v7 =	vor.u32 s26, v7;
	[tilespmem:v6+s14+$0x0] =	vst.idx.msk $0xffff, v1;
	v1 =	vld [tilespmem:$0x1FF20]  }
0x2ad: {  	v8 =	vor.u32 v8, v30;
	v4 =	vld [tilespmem:$0x1FF30];
	_ =	sdelay $0x1  }
0x2ae: {  	v5 =	vld [tilespmem:$0x1FF60];
	v3 =	vor.u32 v3, v30  }
0x2af: {  	v6 =	vld [tilespmem:$0x1FFC0];
	v0 =	vor.u32 v0, v30  }
0x2b0: {  	[tilespmem:v7+s14+$0x0] =	vst.idx.msk $0xffff, v2;
	v7 =	vld [tilespmem:$0x1FFE0];
	v1 =	vor.u32 v1, v30  }
0x2b1: {  	v4 =	vor.u32 s26, v4;
	v2 =	vld.idx.msk [tilespmem:v8+s3+$0x0], $0xffff  }
0x2b2: {  	v8 =	vld [tilespmem:$0x1FB80]  }
0x2b3: {  	v5 =	vor.u32 s26, v5;
	v3 =	vld.idx.msk [tilespmem:v3+s3+$0x0], $0xffff  }
0x2b4: {  	v6 =	vor.u32 s26, v6;
	v0 =	vld.idx.msk [tilespmem:v0+s3+$0x0], $0xffff  }
0x2b5: {  	v1 =	vld.idx.msk [tilespmem:v1+s3+$0x0], $0xffff  }
0x2b6: {  	[tilespmem:v4+s14+$0x0] =	vst.idx.msk $0xffff, v2;
	v2 =	vld [tilespmem:$0x1FFD0];
	_ =	sdelay $0x1  }
0x2b7: {  	[tilespmem:v5+s14+$0x0] =	vst.idx.msk $0xffff, v3;
	v3 =	vld [tilespmem:$0x1FE70]  }
0x2b8: {  	v7 =	vor.u32 s26, v7;
	[tilespmem:v6+s14+$0x0] =	vst.idx.msk $0xffff, v0;
	v0 =	vld [tilespmem:$0x1FED0]  }
0x2b9: {  	v8 =	vor.u32 v8, v30;
	v4 =	vld [tilespmem:$0x1F870]  }
0x2ba: {  	v5 =	vld [tilespmem:$0x1F880];
	v2 =	vor.u32 v2, v30;
	_ =	sdelay $0x1  }
0x2bb: {  	v6 =	vld [tilespmem:$0x1F890];
	v3 =	vor.u32 v3, v30  }
0x2bc: {  	[tilespmem:v7+s14+$0x0] =	vst.idx.msk $0xffff, v1;
	v7 =	vld [tilespmem:$0x1FEB0];
	v0 =	vor.u32 v0, v30  }
0x2bd: {  	v4 =	vor.u32 s26, v4;
	v1 =	vld.idx.msk [tilespmem:v8+s3+$0x0], $0xffff  }
0x2be: {  	v5 =	vor.u32 s26, v5;
	v2 =	vld.idx.msk [tilespmem:v2+s3+$0x0], $0xffff  }
0x2bf: {  	v8 =	vld [tilespmem:$0x1FEC0]  }
0x2c0: {  	v6 =	vor.u32 s26, v6;
	v3 =	vld.idx.msk [tilespmem:v3+s3+$0x0], $0xffff  }
0x2c1: {  	v0 =	vld.idx.msk [tilespmem:v0+s3+$0x0], $0xffff  }
0x2c2: {  	[tilespmem:v4+s14+$0x0] =	vst.idx.msk $0xffff, v1;
	v1 =	vld [tilespmem:$0x1FF00]  }
0x2c3: {  	[tilespmem:v5+s14+$0x0] =	vst.idx.msk $0xffff, v2;
	v2 =	vld [tilespmem:$0x1FEF0];
	_ =	sdelay $0x1  }
0x2c4: {  	v7 =	vor.u32 s26, v7;
	[tilespmem:v6+s14+$0x0] =	vst.idx.msk $0xffff, v3;
	v3 =	vld [tilespmem:$0x1F4A0]  }
0x2c5: {  	v8 =	vor.u32 v8, v30;
	v5 =	vld [tilespmem:$0x1F4B0]  }
0x2c6: {  	v1 =	vor.u32 v1, v30  }
0x2c7: {  	v2 =	vor.u32 v2, v30;
	_ =	sdelay $0x1  }
0x2c8: {  	[tilespmem:v7+s14+$0x0] =	vst.idx.msk $0xffff, v0;
	v3 =	vor.u32 v3, v30  }
0x2c9: {  	v4 =	vld.idx.msk [tilespmem:v8+s3+$0x0], $0xffff;
	v5 =	vor.u32 s26, v5  }
0x2ca: {  	v6 =	vor.u32 s26, v12;
	v1 =	vld.idx.msk [tilespmem:v1+s3+$0x0], $0xffff  }
0x2cb: {  	v7 =	vor.u32 s26, v16;
	v2 =	vld.idx.msk [tilespmem:v2+s3+$0x0], $0xffff  }
0x2cc: {  	v13 =	vmov v9;
	v9 =	vld [tilespmem:$0x1F4C0]  }
0x2cd: {  	v3 =	vld.idx.msk [tilespmem:v3+s3+$0x0], $0xffff  }
0x2ce: {  	[tilespmem:v5+s14+$0x0] =	vst.idx.msk $0xffff, v4;
	v4 =	vld [tilespmem:$0x1F4D0]  }
0x2cf: {  	[tilespmem:v6+s14+$0x0] =	vst.idx.msk $0xffff, v1;
	v1 =	vld [tilespmem:$0x1F4E0]  }
0x2d0: {  	v8 =	vor.u32 s26, v35;
	[tilespmem:v7+s14+$0x0] =	vst.idx.msk $0xffff, v2;
	v2 =	vld [tilespmem:$0x1F4F0]  }
0x2d1: {  	v9 =	vor.u32 v9, v30;
	_ =	sdelay $0x1  }
0x2d2: {  	v4 =	vor.u32 v4, v30  }
0x2d3: {  	v1 =	vor.u32 v1, v30  }
0x2d4: {  	[tilespmem:v8+s14+$0x0] =	vst.idx.msk $0xffff, v3;
	v2 =	vor.u32 v2, v30  }
0x2d5: {  	v5 =	vor.u32 s26, v22;
	v3 =	vld.idx.msk [tilespmem:v9+s3+$0x0], $0xffff  }
0x2d6: {  	v9 =	vld [tilespmem:$0x1F500]  }
0x2d7: {  	v4 =	vld.idx.msk [tilespmem:v4+s3+$0x0], $0xffff  }
0x2d8: {  	v1 =	vld.idx.msk [tilespmem:v1+s3+$0x0], $0xffff  }
0x2d9: {  	v6 =	vor.u32 s26, v27;
	v2 =	vld.idx.msk [tilespmem:v2+s3+$0x0], $0xffff  }
0x2da: {  	[tilespmem:v5+s14+$0x0] =	vst.idx.msk $0xffff, v3;
	v3 =	vld [tilespmem:$0x1F510];
	_ =	sdelay $0x1  }
0x2db: {  	v7 =	vor.u32 s26, v18  }
0x2dc: {  	v0 =	vld [tilespmem:$0x1F530];
	v8 =	vor.u32 s26, v23  }
0x2dd: {  	v9 =	vor.u32 v9, v30;
	[tilespmem:v6+s14+$0x0] =	vst.idx.msk $0xffff, v4;
	v4 =	vld [tilespmem:$0x1F520]  }
0x2de: {  	v3 =	vor.u32 v3, v30;
	_ =	sdelay $0x1  }
0x2df: {  	[tilespmem:v7+s14+$0x0] =	vst.idx.msk $0xffff, v1  }
0x2e0: {  	v0 =	vor.u32 v0, v30;
	[tilespmem:v8+s14+$0x0] =	vst.idx.msk $0xffff, v2  }
0x2e1: {  	v4 =	vor.u32 v4, v30;
	v1 =	vld.idx.msk [tilespmem:v9+s3+$0x0], $0xffff  }
0x2e2: {  	v2 =	vld.idx.msk [tilespmem:v3+s3+$0x0], $0xffff;
	v3 =	vor.u32 s26, v49  }
0x2e3: {  	v5 =	vor.u32 s26, v21  }
0x2e4: {  	v8 =	vld [tilespmem:$0x1F540]  }
0x2e5: {  	v0 =	vld.idx.msk [tilespmem:v0+s3+$0x0], $0xffff  }
0x2e6: {  	v4 =	vld.idx.msk [tilespmem:v4+s3+$0x0], $0xffff  }
0x2e7: {  	[tilespmem:v3+s14+$0x0] =	vst.idx.msk $0xffff, v1;
	v1 =	vld [tilespmem:$0x1F550]  }
0x2e8: {  	v6 =	vor.u32 s26, v19;
	[tilespmem:v5+s14+$0x0] =	vst.idx.msk $0xffff, v2;
	v2 =	vld [tilespmem:$0x1F560]  }
0x2e9: {  	v7 =	vor.u32 s26, v24;
	v3 =	vld [tilespmem:$0x1F570]  }
0x2ea: {  	v8 =	vor.u32 v8, v30;
	_ =	sdelay $0x1  }
0x2eb: {  	v1 =	vor.u32 v1, v30  }
0x2ec: {  	[tilespmem:v6+s14+$0x0] =	vst.idx.msk $0xffff, v4;
	v2 =	vor.u32 v2, v30  }
0x2ed: {  	[tilespmem:v7+s14+$0x0] =	vst.idx.msk $0xffff, v0;
	v7 =	vld [tilespmem:$0x1F580];
	v3 =	vor.u32 v3, v30  }
0x2ee: {  	v4 =	vor.u32 s26, v51;
	v0 =	vld.idx.msk [tilespmem:v8+s3+$0x0], $0xffff  }
0x2ef: {  	v8 =	vld [tilespmem:$0x1F590]  }
0x2f0: {  	v5 =	vor.u32 s26, v20;
	v1 =	vld.idx.msk [tilespmem:v1+s3+$0x0], $0xffff  }
0x2f1: {  	v6 =	vor.u32 s26, v33;
	v2 =	vld.idx.msk [tilespmem:v2+s3+$0x0], $0xffff  }
0x2f2: {  	v3 =	vld.idx.msk [tilespmem:v3+s3+$0x0], $0xffff  }
0x2f3: {  	[tilespmem:v4+s14+$0x0] =	vst.idx.msk $0xffff, v0;
	v0 =	vld [tilespmem:$0x1F5A0];
	_ =	sdelay $0x1  }
0x2f4: {  	[tilespmem:v5+s14+$0x0] =	vst.idx.msk $0xffff, v1;
	v1 =	vld [tilespmem:$0x1F5B0]  }
0x2f5: {  	v7 =	vor.u32 s26, v7;
	[tilespmem:v6+s14+$0x0] =	vst.idx.msk $0xffff, v2;
	v2 =	vld [tilespmem:$0x1F5C0]  }
0x2f6: {  	v8 =	vor.u32 v8, v30;
	v5 =	vld [tilespmem:$0x1F5D0]  }
0x2f7: {  	v0 =	vor.u32 v0, v30;
	_ =	sdelay $0x1  }
0x2f8: {  	v1 =	vor.u32 v1, v30  }
0x2f9: {  	[tilespmem:v7+s14+$0x0] =	vst.idx.msk $0xffff, v3;
	v2 =	vor.u32 v2, v30  }
0x2fa: {  	v3 =	vld.idx.msk [tilespmem:v8+s3+$0x0], $0xffff;
	v5 =	vor.u32 s26, v5  }
0x2fb: {  	v6 =	vor.u32 s26, v41;
	v0 =	vld.idx.msk [tilespmem:v0+s3+$0x0], $0xffff  }
0x2fc: {  	v9 =	vld [tilespmem:$0x1F5E0]  }
0x2fd: {  	v1 =	vld.idx.msk [tilespmem:v1+s3+$0x0], $0xffff  }
0x2fe: {  	v7 =	vor.u32 s26, v50;
	v2 =	vld.idx.msk [tilespmem:v2+s3+$0x0], $0xffff  }
0x2ff: {  	[tilespmem:v5+s14+$0x0] =	vst.idx.msk $0xffff, v3;
	v3 =	vld [tilespmem:$0x1F5F0]  }
0x300: {  	[tilespmem:v6+s14+$0x0] =	vst.idx.msk $0xffff, v0;
	v0 =	vld [tilespmem:$0x1F600]  }
0x301: {  	v8 =	vor.u32 s26, v52  }
0x302: {  	v9 =	vor.u32 v9, v30  }
0x303: {  	[tilespmem:v7+s14+$0x0] =	vst.idx.msk $0xffff, v1;
	v1 =	vld [tilespmem:$0x1F610]  }
0x304: {  	v3 =	vor.u32 v3, v30  }
0x305: {  	v0 =	vor.u32 v0, v30  }
0x306: {  	[tilespmem:v8+s14+$0x0] =	vst.idx.msk $0xffff, v2  }
0x307: {  	v2 =	vld.idx.msk [tilespmem:v9+s3+$0x0], $0xffff  }
0x308: {  	v5 =	vor.u32 s26, v53;
	v9 =	vld [tilespmem:$0x1F620];
	v1 =	vor.u32 v1, v30  }
0x309: {  	v6 =	vor.u32 s26, v54;
	v3 =	vld.idx.msk [tilespmem:v3+s3+$0x0], $0xffff  }
0x30a: {  	v7 =	vor.u32 s26, v25;
	v0 =	vld.idx.msk [tilespmem:v0+s3+$0x0], $0xffff  }
0x30b: {  	v4 =	vld [tilespmem:$0x1F630];
	_ =	sdelay $0x1  }
0x30c: {  	v1 =	vld.idx.msk [tilespmem:v1+s3+$0x0], $0xffff;
	[tilespmem:v5+s14+$0x0] =	vst.idx.msk $0xffff, v2  }
0x30d: {  	v8 =	vor.u32 s26, v42;
	v2 =	vld [tilespmem:$0x1F640];
	[tilespmem:v6+s14+$0x0] =	vst.idx.msk $0xffff, v3  }
0x30e: {  	v9 =	vor.u32 v9, v30;
	[tilespmem:v7+s14+$0x0] =	vst.idx.msk $0xffff, v0;
	v0 =	vld [tilespmem:$0x1F650]  }
0x30f: {  	v4 =	vor.u32 v4, v30;
	_ =	sdelay $0x2  }
0x310: {  	v2 =	vor.u32 v2, v30;
	[tilespmem:v8+s14+$0x0] =	vst.idx.msk $0xffff, v1  }
0x311: {  	v1 =	vld.idx.msk [tilespmem:v9+s3+$0x0], $0xffff;
	v0 =	vor.u32 v0, v30  }
0x312: {  	v3 =	vld.idx.msk [tilespmem:v4+s3+$0x0], $0xffff;
	v4 =	vor.u32 s26, v56;
	_ =	sdelay $0x1  }
0x313: {  	v5 =	vor.u32 s26, v57;
	v8 =	vld [tilespmem:$0x1F660]  }
0x314: {  	v6 =	vor.u32 s26, v31;
	v2 =	vld.idx.msk [tilespmem:v2+s3+$0x0], $0xffff  }
0x315: {  	v0 =	vld.idx.msk [tilespmem:v0+s3+$0x0], $0xffff  }
0x316: {  	[tilespmem:v4+s14+$0x0] =	vst.idx.msk $0xffff, v1;
	v1 =	vld [tilespmem:$0x1F670];
	_ =	sdelay $0x1  }
0x317: {  	[tilespmem:v5+s14+$0x0] =	vst.idx.msk $0xffff, v3;
	v3 =	vld [tilespmem:$0x1F680]  }
0x318: {  	v7 =	vor.u32 s26, v32;
	[tilespmem:v6+s14+$0x0] =	vst.idx.msk $0xffff, v2;
	v2 =	vld [tilespmem:$0x1F690]  }
0x319: {  	v8 =	vor.u32 v8, v30  }
0x31a: {  	v1 =	vor.u32 v1, v30;
	_ =	sdelay $0x1  }
0x31b: {  	v3 =	vor.u32 v3, v30  }
0x31c: {  	[tilespmem:v7+s14+$0x0] =	vst.idx.msk $0xffff, v0;
	v7 =	vld [tilespmem:$0x1F6A0];
	v2 =	vor.u32 v2, v30  }
0x31d: {  	v4 =	vor.u32 s26, v36;
	v0 =	vld.idx.msk [tilespmem:v8+s3+$0x0], $0xffff  }
0x31e: {  	v5 =	vor.u32 s26, v34;
	v1 =	vld.idx.msk [tilespmem:v1+s3+$0x0], $0xffff  }
0x31f: {  	v8 =	vld [tilespmem:$0x1F6B0]  }
0x320: {  	v6 =	vor.u32 s26, v40;
	v3 =	vld.idx.msk [tilespmem:v3+s3+$0x0], $0xffff  }
0x321: {  	v2 =	vld.idx.msk [tilespmem:v2+s3+$0x0], $0xffff  }
0x322: {  	[tilespmem:v4+s14+$0x0] =	vst.idx.msk $0xffff, v0;
	v0 =	vld [tilespmem:$0x1F6C0]  }
0x323: {  	[tilespmem:v5+s14+$0x0] =	vst.idx.msk $0xffff, v1;
	v1 =	vld [tilespmem:$0x1F6D0];
	_ =	sdelay $0x1  }
0x324: {  	v7 =	vor.u32 s26, v7;
	[tilespmem:v6+s14+$0x0] =	vst.idx.msk $0xffff, v3;
	v3 =	vld [tilespmem:$0x1F6E0]  }
0x325: {  	v8 =	vor.u32 v8, v30;
	v6 =	vld [tilespmem:$0x1F6F0]  }
0x326: {  	v0 =	vor.u32 v0, v30  }
0x327: {  	v1 =	vor.u32 v1, v30;
	_ =	sdelay $0x1  }
0x328: {  	[tilespmem:v7+s14+$0x0] =	vst.idx.msk $0xffff, v2;
	v3 =	vor.u32 v3, v30  }
0x329: {  	v4 =	vld.idx.msk [tilespmem:v8+s3+$0x0], $0xffff;
	v6 =	vor.u32 s26, v6  }
0x32a: {  	v7 =	vor.u32 s26, v55;
	v0 =	vld.idx.msk [tilespmem:v0+s3+$0x0], $0xffff  }
0x32b: {  	v8 =	vor.u32 s26, v37;
	v1 =	vld.idx.msk [tilespmem:v1+s3+$0x0], $0xffff  }
0x32c: {  	v14 =	vmov v10;
	v10 =	vld [tilespmem:$0x1F700]  }
0x32d: {  	v3 =	vld.idx.msk [tilespmem:v3+s3+$0x0], $0xffff  }
0x32e: {  	[tilespmem:v6+s14+$0x0] =	vst.idx.msk $0xffff, v4;
	v4 =	vld [tilespmem:$0x1F710]  }
0x32f: {  	[tilespmem:v7+s14+$0x0] =	vst.idx.msk $0xffff, v0;
	v0 =	vld [tilespmem:$0x1F720]  }
0x330: {  	v9 =	vor.u32 s26, v17;
	[tilespmem:v8+s14+$0x0] =	vst.idx.msk $0xffff, v1;
	v1 =	vld [tilespmem:$0x1F730]  }
0x331: {  	v10 =	vor.u32 v10, v30;
	_ =	sdelay $0x1  }
0x332: {  	v4 =	vor.u32 v4, v30  }
0x333: {  	v0 =	vor.u32 v0, v30  }
0x334: {  	[tilespmem:v9+s14+$0x0] =	vst.idx.msk $0xffff, v3;
	v1 =	vor.u32 v1, v30  }
0x335: {  	v8 =	vor.u32 s26, v38;
	v6 =	vld.idx.msk [tilespmem:v10+s3+$0x0], $0xffff  }
0x336: {  	v12 =	vld [tilespmem:$0x1F780]  }
0x337: {  	v4 =	vld.idx.msk [tilespmem:v4+s3+$0x0], $0xffff  }
0x338: {  	v0 =	vld.idx.msk [tilespmem:v0+s3+$0x0], $0xffff  }
0x339: {  	v1 =	vld.idx.msk [tilespmem:v1+s3+$0x0], $0xffff  }
0x33a: {  	[tilespmem:v8+s14+$0x0] =	vst.idx.msk $0xffff, v6;
	v6 =	vld [tilespmem:$0x1F7B0]  }
0x33b: {  	v2 =	vld [tilespmem:$0x1F7C0];
	v9 =	vor.u32 s26, v15  }
0x33c: {  	v5 =	vld [tilespmem:$0x1F7D0];
	v10 =	vor.u32 s26, v60  }
0x33d: {  	v15 =	vmov v11;
	v11 =	vor.u32 s26, v39  }
0x33e: {  	v12 =	vor.u32 v12, v30  }
0x33f: {  	v6 =	vor.u32 v6, v30  }
0x340: {  	v2 =	vor.u32 v2, v30;
	[tilespmem:v9+s14+$0x0] =	vst.idx.msk $0xffff, v4  }
0x341: {  	v5 =	vor.u32 v5, v30;
	[tilespmem:v10+s14+$0x0] =	vst.idx.msk $0xffff, v0  }
0x342: {  	[tilespmem:v11+s14+$0x0] =	vst.idx.msk $0xffff, v1  }
0x343: {  	v4 =	vor.u32 s26, v43;
	v0 =	vld.idx.msk [tilespmem:v12+s3+$0x0], $0xffff  }
0x344: {  	v1 =	vld.idx.msk [tilespmem:v6+s3+$0x0], $0xffff;
	v6 =	vor.u32 s26, v44  }
0x345: {  	v8 =	vor.u32 s26, v45;
	v2 =	vld.idx.msk [tilespmem:v2+s3+$0x0], $0xffff  }
0x346: {  	v9 =	vor.u32 s26, v26;
	v5 =	vld.idx.msk [tilespmem:v5+s3+$0x0], $0xffff  }
0x347: {  	v10 =	vor.u32 v62, v30  }
0x348: {  	v3 =	vor.u32 v61, v30;
	[tilespmem:v4+s14+$0x0] =	vst.idx.msk $0xffff, v0  }
0x349: {  	[tilespmem:v6+s14+$0x0] =	vst.idx.msk $0xffff, v1  }
0x34a: {  	v7 =	vor.u32 v63, v30;
	[tilespmem:v8+s14+$0x0] =	vst.idx.msk $0xffff, v2  }
0x34b: {  	[tilespmem:v9+s14+$0x0] =	vst.idx.msk $0xffff, v5  }
0x34c: {  	v1 =	vld.idx.msk [tilespmem:v10+s3+$0x0], $0xffff  }
0x34d: {  	v0 =	vor.u32 v28, v30;
	v2 =	vld.idx.msk [tilespmem:v3+s3+$0x0], $0xffff;
	v3 =	vor.u32 s26, v46  }
0x34e: {  	v5 =	vor.u32 s26, v58  }
0x34f: {  	p1 =	sne.s32 s25, $0x70;
	v6 =	vor.u32 s26, v59;
	v4 =	vld.idx.msk [tilespmem:v7+s3+$0x0], $0xffff  }
.Ltmp0:
0x350: {  	_ = 	snop;
	(pc) =	sbr.rel @p1 .LBB2_3-.Ltmp0, $4  }
0x351: {  	_ = 	snop  }
0x352: {  	v30 =	vld.idx.msk [tilespmem:v0+s3+$0x0], $0xffff;
	[tilespmem:v3+s14+$0x0] =	vst.idx.msk $0xffff, v1  }
0x353: {  	[tilespmem:v5+s14+$0x0] =	vst.idx.msk $0xffff, v2  }
0x354: {  	s25 =	sadd.s32 $0x10, s25;
	v11 =	vmovc v15;
	v15 =	vmovc v47;
	v12 =	vld [tilespmem:$0x1F8C0];
	v9 =	vmov v13;
	v10 =	vmov v14;
	v0 =	vor.u32 s26, v29;
	[tilespmem:v6+s14+$0x0] =	vst.idx.msk $0xffff, v4  }
0x355: {  	_ = 	snop  }
0x356: {  	p1 =	seq.s32 s22, $0x1F  }
0x357: {  	s23 =	sshrl.u32 @!p1 s24, $0x3  }
0x358: {  	s23 =	sadd.s32 @!p1 s0, s23  }
0x359: {  	s26 =	simm.s32 @!p1 $0x0;
	s28 =	simm.s32 @!p1 $0x10000;
	[tilespmem:v0+s14+$0x0] =	vst.idx.msk $0xffff, v30;
	s25 =	sadd.s32 @!p1 $0x20, s23  }
0x35a: {  	[tilespmem:s28], [sflag:$0x1] =	stream.linear.gather @!p1 [hbm4b:s25+s26], $0x80, $0x38;
	[tilespmem:$0x14100] =	vst v63  }
0x35b: {  	s30 =	sadd.s32 s7, s24  }
0x35c: {  	[hbm4b:s30+s15] =	stream.strided.scatter [tilespmem:s14], [sflag:$0x3], $0x2000, s16, s15, $0x38;
	[tilespmem:$0x14100] =	vst v63  }
0x35d: {  	_ =	swait.ge [sflag:s17], $0x80  }
0x35e: {  	[sflag:s17] =	ssyncset.done $0x0  }
0x35f: {  	s25 =	simm.s32 @!p0 $0x4;
	[sflag:s17] =	ssyncadd.s32 $0xFFFFFF80  }
0x360: {  	_ =	swait.ge @!p0 [sflag:s25], $0x2000  }
0x361: {  	[sflag:s25] =	ssyncset.done @!p0 $0x0  }
0x362: {  	[sflag:s25] =	ssyncadd.s32 @!p0 $0xFFFFE000;
	s25 =	simm.s32 $0x10080  }
0x363: {  	v0 =	vld [tilespmem:s25+$0x0];
	_ =	sdelay $0x4  }
0x364: {  	v30 =	vshll.u32 v0, $0x6;
	v0 =	vlaneseq.u32  }
0x365: {  	v4 =	vld [tilespmem:$0x1FEE0];
	v0 =	vor.u32 v0, v30  }
0x366: {  	v6 =	vld [tilespmem:$0x1F840];
	v1 =	vor.u32 v9, v30  }
0x367: {  	v7 =	vld [tilespmem:$0x1F850];
	v2 =	vor.u32 v10, v30  }
0x368: {  	s31 =	simm.s32 $0x0;
	v8 =	vld [tilespmem:$0x1F860]  }
0x369: {  	v5 =	vor.u32 s31, v48;
	v48 =	vld [tilespmem:$0x1FFA0];
	v3 =	vor.u32 v11, v30  }
0x36a: {  	v4 =	vor.u32 s31, v4;
	v0 =	vld.idx.msk [tilespmem:v0+s3+$0x0], $0xffff  }
0x36b: {  	v1 =	vld.idx.msk [tilespmem:v1+s3+$0x0], $0xffff  }
0x36c: {  	v6 =	vor.u32 s31, v6;
	v2 =	vld.idx.msk [tilespmem:v2+s3+$0x0], $0xffff  }
0x36d: {  	v47 =	vld [tilespmem:$0x1FFB0]  }
0x36e: {  	v3 =	vld.idx.msk [tilespmem:v3+s3+$0x0], $0xffff  }
0x36f: {  	v7 =	vor.u32 s31, v7;
	[tilespmem:v4+s18+$0x0] =	vst.idx.msk $0xffff, v0;
	v0 =	vld [tilespmem:$0x1FF40]  }
0x370: {  	v8 =	vor.u32 v8, v30;
	[tilespmem:v5+s18+$0x0] =	vst.idx.msk $0xffff, v1;
	v1 =	vld [tilespmem:$0x1FF10]  }
0x371: {  	[tilespmem:v6+s18+$0x0] =	vst.idx.msk $0xffff, v2;
	v2 =	vld [tilespmem:$0x1FF80]  }
0x372: {  	v4 =	vor.u32 s31, v48;
	v48 =	vld [tilespmem:$0x1FAA0]  }
0x373: {  	v5 =	vor.u32 s31, v47;
	v47 =	vld [tilespmem:$0x1FF50]  }
0x374: {  	[tilespmem:v7+s18+$0x0] =	vst.idx.msk $0xffff, v3;
	v0 =	vor.u32 v0, v30  }
0x375: {  	v3 =	vld.idx.msk [tilespmem:v8+s3+$0x0], $0xffff;
	v1 =	vor.u32 v1, v30  }
0x376: {  	v8 =	vld [tilespmem:$0x1FF70];
	v2 =	vor.u32 v2, v30  }
0x377: {  	v6 =	vor.u32 s31, v48;
	v48 =	vld [tilespmem:$0x1FF30]  }
0x378: {  	v7 =	vor.u32 s31, v47;
	v47 =	vld [tilespmem:$0x1FF60]  }
0x379: {  	v0 =	vld.idx.msk [tilespmem:v0+s3+$0x0], $0xffff  }
0x37a: {  	v1 =	vld.idx.msk [tilespmem:v1+s3+$0x0], $0xffff  }
0x37b: {  	v2 =	vld.idx.msk [tilespmem:v2+s3+$0x0], $0xffff  }
0x37c: {  	[tilespmem:v4+s18+$0x0] =	vst.idx.msk $0xffff, v3;
	v3 =	vld [tilespmem:$0x1FF90]  }
0x37d: {  	v4 =	vor.u32 s31, v48;
	v48 =	vld [tilespmem:$0x1FFC0]  }
0x37e: {  	[tilespmem:v5+s18+$0x0] =	vst.idx.msk $0xffff, v0;
	v0 =	vld [tilespmem:$0x1FBA0]  }
0x37f: {  	[tilespmem:v6+s18+$0x0] =	vst.idx.msk $0xffff, v1;
	v1 =	vld [tilespmem:$0x1FF20]  }
0x380: {  	v8 =	vor.u32 v8, v30;
	_ =	sdelay $0x1  }
0x381: {  	v3 =	vor.u32 v3, v30  }
0x382: {  	v5 =	vor.u32 s31, v47;
	v47 =	vld [tilespmem:$0x1FFE0];
	v0 =	vor.u32 v0, v30  }
0x383: {  	[tilespmem:v7+s18+$0x0] =	vst.idx.msk $0xffff, v2;
	v6 =	vor.u32 s31, v48;
	v48 =	vld [tilespmem:$0x1F870];
	v1 =	vor.u32 v1, v30  }
0x384: {  	v2 =	vld.idx.msk [tilespmem:v8+s3+$0x0], $0xffff  }
0x385: {  	v8 =	vld [tilespmem:$0x1FB80]  }
0x386: {  	v3 =	vld.idx.msk [tilespmem:v3+s3+$0x0], $0xffff  }
0x387: {  	v0 =	vld.idx.msk [tilespmem:v0+s3+$0x0], $0xffff  }
0x388: {  	v1 =	vld.idx.msk [tilespmem:v1+s3+$0x0], $0xffff  }
0x389: {  	[tilespmem:v4+s18+$0x0] =	vst.idx.msk $0xffff, v2;
	v2 =	vld [tilespmem:$0x1FFD0]  }
0x38a: {  	v7 =	vor.u32 s31, v47;
	v47 =	vld [tilespmem:$0x1F880]  }
0x38b: {  	[tilespmem:v5+s18+$0x0] =	vst.idx.msk $0xffff, v3;
	v3 =	vld [tilespmem:$0x1FE70]  }
0x38c: {  	[tilespmem:v6+s18+$0x0] =	vst.idx.msk $0xffff, v0;
	v0 =	vld [tilespmem:$0x1FED0]  }
0x38d: {  	v8 =	vor.u32 v8, v30  }
0x38e: {  	v2 =	vor.u32 v2, v30;
	_ =	sdelay $0x1  }
0x38f: {  	v4 =	vor.u32 s31, v48;
	v48 =	vld [tilespmem:$0x1F890];
	v3 =	vor.u32 v3, v30  }
0x390: {  	v5 =	vor.u32 s31, v47;
	v47 =	vld [tilespmem:$0x1FEB0];
	[tilespmem:v7+s18+$0x0] =	vst.idx.msk $0xffff, v1;
	v0 =	vor.u32 v0, v30  }
0x391: {  	v1 =	vld.idx.msk [tilespmem:v8+s3+$0x0], $0xffff  }
0x392: {  	v2 =	vld.idx.msk [tilespmem:v2+s3+$0x0], $0xffff  }
0x393: {  	v8 =	vld [tilespmem:$0x1FEC0]  }
0x394: {  	v6 =	vor.u32 s31, v48;
	v3 =	vld.idx.msk [tilespmem:v3+s3+$0x0], $0xffff  }
0x395: {  	v0 =	vld.idx.msk [tilespmem:v0+s3+$0x0], $0xffff  }
0x396: {  	[tilespmem:v4+s18+$0x0] =	vst.idx.msk $0xffff, v1;
	v1 =	vld [tilespmem:$0x1FF00]  }
0x397: {  	[tilespmem:v5+s18+$0x0] =	vst.idx.msk $0xffff, v2;
	v2 =	vld [tilespmem:$0x1FEF0];
	_ =	sdelay $0x1  }
0x398: {  	v7 =	vor.u32 s31, v47;
	[tilespmem:v6+s18+$0x0] =	vst.idx.msk $0xffff, v3;
	v3 =	vld [tilespmem:$0x1F4A0]  }
0x399: {  	v48 =	vld [tilespmem:$0x1F4B0];
	v8 =	vor.u32 v8, v30  }
0x39a: {  	v1 =	vor.u32 v1, v30  }
0x39b: {  	v2 =	vor.u32 v2, v30;
	_ =	sdelay $0x1  }
0x39c: {  	[tilespmem:v7+s18+$0x0] =	vst.idx.msk $0xffff, v0;
	v3 =	vor.u32 v3, v30  }
0x39d: {  	v4 =	vor.u32 s31, v48;
	v0 =	vld.idx.msk [tilespmem:v8+s3+$0x0], $0xffff  }
0x39e: {  	v5 =	vor.u32 s31, v12;
	v1 =	vld.idx.msk [tilespmem:v1+s3+$0x0], $0xffff  }
0x39f: {  	v6 =	vor.u32 s31, v16;
	v2 =	vld.idx.msk [tilespmem:v2+s3+$0x0], $0xffff  }
0x3a0: {  	v8 =	vld [tilespmem:$0x1F4C0]  }
0x3a1: {  	v3 =	vld.idx.msk [tilespmem:v3+s3+$0x0], $0xffff  }
0x3a2: {  	[tilespmem:v4+s18+$0x0] =	vst.idx.msk $0xffff, v0;
	v0 =	vld [tilespmem:$0x1F4D0]  }
0x3a3: {  	[tilespmem:v5+s18+$0x0] =	vst.idx.msk $0xffff, v1;
	v1 =	vld [tilespmem:$0x1F4E0]  }
0x3a4: {  	v47 =	vor.u32 s31, v35;
	[tilespmem:v6+s18+$0x0] =	vst.idx.msk $0xffff, v2;
	v2 =	vld [tilespmem:$0x1F4F0]  }
0x3a5: {  	v8 =	vor.u32 v8, v30;
	_ =	sdelay $0x1  }
0x3a6: {  	v0 =	vor.u32 v0, v30  }
0x3a7: {  	v1 =	vor.u32 v1, v30  }
0x3a8: {  	[tilespmem:v47+s18+$0x0] =	vst.idx.msk $0xffff, v3;
	v2 =	vor.u32 v2, v30  }
0x3a9: {  	v4 =	vor.u32 s31, v22;
	v3 =	vld.idx.msk [tilespmem:v8+s3+$0x0], $0xffff  }
0x3aa: {  	v8 =	vld [tilespmem:$0x1F500]  }
0x3ab: {  	v5 =	vor.u32 s31, v27;
	v0 =	vld.idx.msk [tilespmem:v0+s3+$0x0], $0xffff  }
0x3ac: {  	v48 =	vmov v35;
	v35 =	vor.u32 s31, v18;
	v1 =	vld.idx.msk [tilespmem:v1+s3+$0x0], $0xffff  }
0x3ad: {  	v2 =	vld.idx.msk [tilespmem:v2+s3+$0x0], $0xffff  }
0x3ae: {  	[tilespmem:v4+s18+$0x0] =	vst.idx.msk $0xffff, v3;
	v3 =	vld [tilespmem:$0x1F510];
	_ =	sdelay $0x1  }
0x3af: {  	[tilespmem:v5+s18+$0x0] =	vst.idx.msk $0xffff, v0;
	v0 =	vld [tilespmem:$0x1F520]  }
0x3b0: {  	v47 =	vor.u32 s31, v23;
	[tilespmem:v35+s18+$0x0] =	vst.idx.msk $0xffff, v1;
	v1 =	vld [tilespmem:$0x1F530]  }
0x3b1: {  	v8 =	vor.u32 v8, v30  }
0x3b2: {  	v3 =	vor.u32 v3, v30;
	_ =	sdelay $0x1  }
0x3b3: {  	v0 =	vor.u32 v0, v30  }
0x3b4: {  	[tilespmem:v47+s18+$0x0] =	vst.idx.msk $0xffff, v2;
	v1 =	vor.u32 v1, v30  }
0x3b5: {  	v4 =	vor.u32 s31, v49;
	v2 =	vld.idx.msk [tilespmem:v8+s3+$0x0], $0xffff  }
0x3b6: {  	v5 =	vor.u32 s31, v21;
	v3 =	vld.idx.msk [tilespmem:v3+s3+$0x0], $0xffff  }
0x3b7: {  	v8 =	vld [tilespmem:$0x1F540]  }
0x3b8: {  	v35 =	vor.u32 s31, v19;
	v0 =	vld.idx.msk [tilespmem:v0+s3+$0x0], $0xffff  }
0x3b9: {  	v1 =	vld.idx.msk [tilespmem:v1+s3+$0x0], $0xffff  }
0x3ba: {  	[tilespmem:v4+s18+$0x0] =	vst.idx.msk $0xffff, v2;
	v2 =	vld [tilespmem:$0x1F550]  }
0x3bb: {  	[tilespmem:v5+s18+$0x0] =	vst.idx.msk $0xffff, v3;
	v3 =	vld [tilespmem:$0x1F560];
	_ =	sdelay $0x1  }
0x3bc: {  	v47 =	vor.u32 s31, v24;
	[tilespmem:v35+s18+$0x0] =	vst.idx.msk $0xffff, v0;
	v0 =	vld [tilespmem:$0x1F570]  }
0x3bd: {  	v8 =	vor.u32 v8, v30  }
0x3be: {  	v2 =	vor.u32 v2, v30  }
0x3bf: {  	v3 =	vor.u32 v3, v30;
	_ =	sdelay $0x1  }
0x3c0: {  	v14 =	vmovc v21;
	v21 =	vmov v33;
	[tilespmem:v47+s18+$0x0] =	vst.idx.msk $0xffff, v1;
	v47 =	vor.u32 s31, v33;
	v33 =	vld [tilespmem:$0x1F580];
	v0 =	vor.u32 v0, v30  }
0x3c1: {  	v4 =	vor.u32 s31, v51;
	v1 =	vld.idx.msk [tilespmem:v8+s3+$0x0], $0xffff  }
0x3c2: {  	v35 =	vor.u32 s31, v20;
	v2 =	vld.idx.msk [tilespmem:v2+s3+$0x0], $0xffff  }
0x3c3: {  	v3 =	vld.idx.msk [tilespmem:v3+s3+$0x0], $0xffff  }
0x3c4: {  	v8 =	vld [tilespmem:$0x1F590]  }
0x3c5: {  	v0 =	vld.idx.msk [tilespmem:v0+s3+$0x0], $0xffff  }
0x3c6: {  	[tilespmem:v4+s18+$0x0] =	vst.idx.msk $0xffff, v1;
	v1 =	vld [tilespmem:$0x1F5A0]  }
0x3c7: {  	[tilespmem:v35+s18+$0x0] =	vst.idx.msk $0xffff, v2;
	v2 =	vld [tilespmem:$0x1F5B0]  }
0x3c8: {  	v7 =	vor.u32 s31, v33;
	[tilespmem:v47+s18+$0x0] =	vst.idx.msk $0xffff, v3;
	v3 =	vld [tilespmem:$0x1F5C0]  }
0x3c9: {  	v8 =	vor.u32 v8, v30;
	v35 =	vld [tilespmem:$0x1F5D0];
	_ =	sdelay $0x1  }
0x3ca: {  	v1 =	vor.u32 v1, v30  }
0x3cb: {  	v2 =	vor.u32 v2, v30  }
0x3cc: {  	[tilespmem:v7+s18+$0x0] =	vst.idx.msk $0xffff, v0;
	v3 =	vor.u32 v3, v30  }
0x3cd: {  	v0 =	vld.idx.msk [tilespmem:v8+s3+$0x0], $0xffff;
	v4 =	vor.u32 s31, v35  }
0x3ce: {  	v8 =	vld [tilespmem:$0x1F5E0]  }
0x3cf: {  	v13 =	vmov v41;
	v41 =	vor.u32 s31, v41;
	v1 =	vld.idx.msk [tilespmem:v1+s3+$0x0], $0xffff  }
0x3d0: {  	v47 =	vor.u32 s31, v50;
	v2 =	vld.idx.msk [tilespmem:v2+s3+$0x0], $0xffff  }
0x3d1: {  	v3 =	vld.idx.msk [tilespmem:v3+s3+$0x0], $0xffff  }
0x3d2: {  	[tilespmem:v4+s18+$0x0] =	vst.idx.msk $0xffff, v0;
	v0 =	vld [tilespmem:$0x1F5F0];
	_ =	sdelay $0x1  }
0x3d3: {  	[tilespmem:v41+s18+$0x0] =	vst.idx.msk $0xffff, v1;
	v1 =	vld [tilespmem:$0x1F600]  }
0x3d4: {  	v33 =	vor.u32 s31, v52;
	[tilespmem:v47+s18+$0x0] =	vst.idx.msk $0xffff, v2;
	v2 =	vld [tilespmem:$0x1F610]  }
0x3d5: {  	v8 =	vor.u32 v8, v30  }
0x3d6: {  	v0 =	vor.u32 v0, v30;
	_ =	sdelay $0x1  }
0x3d7: {  	v1 =	vor.u32 v1, v30  }
0x3d8: {  	[tilespmem:v33+s18+$0x0] =	vst.idx.msk $0xffff, v3;
	v2 =	vor.u32 v2, v30  }
0x3d9: {  	v35 =	vor.u32 s31, v53;
	v3 =	vld.idx.msk [tilespmem:v8+s3+$0x0], $0xffff  }
0x3da: {  	v41 =	vor.u32 s31, v54;
	v0 =	vld.idx.msk [tilespmem:v0+s3+$0x0], $0xffff  }
0x3db: {  	v8 =	vld [tilespmem:$0x1F620]  }
0x3dc: {  	v47 =	vor.u32 s31, v25;
	v1 =	vld.idx.msk [tilespmem:v1+s3+$0x0], $0xffff  }
0x3dd: {  	v2 =	vld.idx.msk [tilespmem:v2+s3+$0x0], $0xffff  }
0x3de: {  	[tilespmem:v35+s18+$0x0] =	vst.idx.msk $0xffff, v3;
	v3 =	vld [tilespmem:$0x1F630]  }
0x3df: {  	[tilespmem:v41+s18+$0x0] =	vst.idx.msk $0xffff, v0;
	v0 =	vld [tilespmem:$0x1F640];
	_ =	sdelay $0x1  }
0x3e0: {  	v33 =	vor.u32 s31, v42;
	[tilespmem:v47+s18+$0x0] =	vst.idx.msk $0xffff, v1;
	v1 =	vld [tilespmem:$0x1F650]  }
0x3e1: {  	v8 =	vor.u32 v8, v30  }
0x3e2: {  	v3 =	vor.u32 v3, v30  }
0x3e3: {  	v0 =	vor.u32 v0, v30;
	_ =	sdelay $0x1  }
0x3e4: {  	[tilespmem:v33+s18+$0x0] =	vst.idx.msk $0xffff, v2;
	v1 =	vor.u32 v1, v30  }
0x3e5: {  	v35 =	vor.u32 s31, v56;
	v2 =	vld.idx.msk [tilespmem:v8+s3+$0x0], $0xffff  }
0x3e6: {  	v41 =	vor.u32 s31, v57;
	v3 =	vld.idx.msk [tilespmem:v3+s3+$0x0], $0xffff  }
0x3e7: {  	v47 =	vor.u32 s31, v31;
	v0 =	vld.idx.msk [tilespmem:v0+s3+$0x0], $0xffff  }
0x3e8: {  	v8 =	vld [tilespmem:$0x1F660]  }
0x3e9: {  	v1 =	vld.idx.msk [tilespmem:v1+s3+$0x0], $0xffff  }
0x3ea: {  	[tilespmem:v35+s18+$0x0] =	vst.idx.msk $0xffff, v2;
	v2 =	vld [tilespmem:$0x1F670]  }
0x3eb: {  	[tilespmem:v41+s18+$0x0] =	vst.idx.msk $0xffff, v3;
	v3 =	vld [tilespmem:$0x1F680]  }
0x3ec: {  	v33 =	vor.u32 s31, v32;
	[tilespmem:v47+s18+$0x0] =	vst.idx.msk $0xffff, v0;
	v0 =	vld [tilespmem:$0x1F690]  }
0x3ed: {  	v8 =	vor.u32 v8, v30;
	_ =	sdelay $0x1  }
0x3ee: {  	v2 =	vor.u32 v2, v30  }
0x3ef: {  	v3 =	vor.u32 v3, v30  }
0x3f0: {  	[tilespmem:v33+s18+$0x0] =	vst.idx.msk $0xffff, v1;
	v33 =	vld [tilespmem:$0x1F6A0];
	v0 =	vor.u32 v0, v30  }
0x3f1: {  	v35 =	vor.u32 s31, v36;
	v1 =	vld.idx.msk [tilespmem:v8+s3+$0x0], $0xffff  }
0x3f2: {  	v8 =	vld [tilespmem:$0x1F6B0]  }
0x3f3: {  	v41 =	vor.u32 s31, v34;
	v2 =	vld.idx.msk [tilespmem:v2+s3+$0x0], $0xffff  }
0x3f4: {  	v47 =	vor.u32 s31, v40;
	v3 =	vld.idx.msk [tilespmem:v3+s3+$0x0], $0xffff  }
0x3f5: {  	v0 =	vld.idx.msk [tilespmem:v0+s3+$0x0], $0xffff  }
0x3f6: {  	[tilespmem:v35+s18+$0x0] =	vst.idx.msk $0xffff, v1;
	v1 =	vld [tilespmem:$0x1F6C0];
	_ =	sdelay $0x1  }
0x3f7: {  	[tilespmem:v41+s18+$0x0] =	vst.idx.msk $0xffff, v2;
	v2 =	vld [tilespmem:$0x1F6D0]  }
0x3f8: {  	v7 =	vor.u32 s31, v33;
	[tilespmem:v47+s18+$0x0] =	vst.idx.msk $0xffff, v3;
	v3 =	vld [tilespmem:$0x1F6E0]  }
0x3f9: {  	v8 =	vor.u32 v8, v30;
	v35 =	vld [tilespmem:$0x1F6F0]  }
0x3fa: {  	v1 =	vor.u32 v1, v30;
	_ =	sdelay $0x1  }
0x3fb: {  	v2 =	vor.u32 v2, v30  }
0x3fc: {  	[tilespmem:v7+s18+$0x0] =	vst.idx.msk $0xffff, v0;
	v3 =	vor.u32 v3, v30  }
0x3fd: {  	v4 =	vor.u32 s31, v35;
	v0 =	vld.idx.msk [tilespmem:v8+s3+$0x0], $0xffff  }
0x3fe: {  	v41 =	vor.u32 s31, v55;
	v1 =	vld.idx.msk [tilespmem:v1+s3+$0x0], $0xffff  }
0x3ff: {  	v8 =	vld [tilespmem:$0x1F700]  }
0x400: {  	v47 =	vor.u32 s31, v37;
	v2 =	vld.idx.msk [tilespmem:v2+s3+$0x0], $0xffff  }
0x401: {  	v3 =	vld.idx.msk [tilespmem:v3+s3+$0x0], $0xffff  }
0x402: {  	[tilespmem:v4+s18+$0x0] =	vst.idx.msk $0xffff, v0;
	v0 =	vld [tilespmem:$0x1F710]  }
0x403: {  	[tilespmem:v41+s18+$0x0] =	vst.idx.msk $0xffff, v1;
	v1 =	vld [tilespmem:$0x1F720];
	_ =	sdelay $0x1  }
0x404: {  	v33 =	vor.u32 s31, v17;
	[tilespmem:v47+s18+$0x0] =	vst.idx.msk $0xffff, v2;
	v2 =	vld [tilespmem:$0x1F730]  }
0x405: {  	v8 =	vor.u32 v8, v30  }
0x406: {  	v0 =	vor.u32 v0, v30  }
0x407: {  	v1 =	vor.u32 v1, v30;
	_ =	sdelay $0x1  }
0x408: {  	[tilespmem:v33+s18+$0x0] =	vst.idx.msk $0xffff, v3;
	v2 =	vor.u32 v2, v30  }
0x409: {  	v35 =	vor.u32 s31, v38;
	v3 =	vld.idx.msk [tilespmem:v8+s3+$0x0], $0xffff  }
0x40a: {  	v41 =	vor.u32 s31, v15;
	v0 =	vld.idx.msk [tilespmem:v0+s3+$0x0], $0xffff  }
0x40b: {  	v47 =	vor.u32 s31, v60;
	v1 =	vld.idx.msk [tilespmem:v1+s3+$0x0], $0xffff  }
0x40c: {  	v8 =	vld [tilespmem:$0x1F780]  }
0x40d: {  	v2 =	vld.idx.msk [tilespmem:v2+s3+$0x0], $0xffff  }
0x40e: {  	[tilespmem:v35+s18+$0x0] =	vst.idx.msk $0xffff, v3;
	v3 =	vld [tilespmem:$0x1F7B0]  }
0x40f: {  	[tilespmem:v41+s18+$0x0] =	vst.idx.msk $0xffff, v0;
	v0 =	vld [tilespmem:$0x1F7C0]  }
0x410: {  	[tilespmem:v47+s18+$0x0] =	vst.idx.msk $0xffff, v1;
	v1 =	vld [tilespmem:$0x1F7D0]  }
0x411: {  	v33 =	vor.u32 s31, v39  }
0x412: {  	v8 =	vor.u32 v8, v30  }
0x413: {  	v3 =	vor.u32 v3, v30  }
0x414: {  	v0 =	vor.u32 v0, v30  }
0x415: {  	v1 =	vor.u32 v1, v30  }
0x416: {  	[tilespmem:v33+s18+$0x0] =	vst.idx.msk $0xffff, v2  }
0x417: {  	v35 =	vor.u32 s31, v43;
	v2 =	vld.idx.msk [tilespmem:v8+s3+$0x0], $0xffff  }
0x418: {  	v41 =	vor.u32 s31, v44;
	v3 =	vld.idx.msk [tilespmem:v3+s3+$0x0], $0xffff  }
0x419: {  	v47 =	vor.u32 s31, v45;
	v0 =	vld.idx.msk [tilespmem:v0+s3+$0x0], $0xffff  }
0x41a: {  	v33 =	vor.u32 s31, v26;
	v1 =	vld.idx.msk [tilespmem:v1+s3+$0x0], $0xffff  }
0x41b: {  	v8 =	vor.u32 v62, v30  }
0x41c: {  	[tilespmem:v35+s18+$0x0] =	vst.idx.msk $0xffff, v2;
	v2 =	vor.u32 v61, v30  }
0x41d: {  	[tilespmem:v41+s18+$0x0] =	vst.idx.msk $0xffff, v3;
	v3 =	vor.u32 v63, v30  }
0x41e: {  	[tilespmem:v47+s18+$0x0] =	vst.idx.msk $0xffff, v0  }
0x41f: {  	v0 =	vor.u32 v28, v30;
	[tilespmem:v33+s18+$0x0] =	vst.idx.msk $0xffff, v1  }
0x420: {  	v35 =	vor.u32 s31, v46;
	v1 =	vld.idx.msk [tilespmem:v8+s3+$0x0], $0xffff  }
0x421: {  	v41 =	vor.u32 s31, v58;
	v2 =	vld.idx.msk [tilespmem:v2+s3+$0x0], $0xffff  }
0x422: {  	v47 =	vor.u32 s31, v59;
	v3 =	vld.idx.msk [tilespmem:v3+s3+$0x0], $0xffff  }
0x423: {  	v33 =	vmov v36;
	v36 =	vmov v55;
	v55 =	vmov v13;
	v13 =	vld [tilespmem:$0x1F840]  }
0x424: {  	v30 =	vld.idx.msk [tilespmem:v0+s3+$0x0], $0xffff  }
0x425: {  	[tilespmem:v35+s18+$0x0] =	vst.idx.msk $0xffff, v1;
	v35 =	vmov v40;
	v40 =	vmov v12;
	v12 =	vld [tilespmem:$0x1F830]  }
0x426: {  	[tilespmem:v41+s18+$0x0] =	vst.idx.msk $0xffff, v2;
	v41 =	vmov v50;
	v50 =	vmov v14;
	v14 =	vld [tilespmem:$0x1F850]  }
0x427: {  	s24 =	sor.u32 $0x80, s24;
	s26 =	simm.s32 $0x10;
	v0 =	vor.u32 s31, v29;
	[tilespmem:v47+s18+$0x0] =	vst.idx.msk $0xffff, v3;
	v47 =	vmov v15;
	v15 =	vld [tilespmem:$0x1F860]  }
.LBB2_5:
0x428: {  	_ =	sdelay $0x3  }
0x429: {  	s25 =	sadd.s32 $0x10, s25;
	[tilespmem:v0+s18+$0x0] =	vst.idx.msk $0xffff, v30  }
0x42a: {  	v0 =	vld [tilespmem:s25+$0x0];
	_ =	sdelay $0x4  }
0x42b: {  	v30 =	vshll.u32 v0, $0x6;
	v0 =	vlaneseq.u32  }
0x42c: {  	v4 =	vld [tilespmem:$0x1FEE0];
	v0 =	vor.u32 v0, v30  }
0x42d: {  	v1 =	vor.u32 v9, v30;
	_ =	sdelay $0x1  }
0x42e: {  	v2 =	vor.u32 v10, v30  }
0x42f: {  	s28 =	smov.u32 s26;
	v3 =	vor.u32 v11, v30  }
0x430: {  	v4 =	vor.u32 s28, v4;
	v0 =	vld.idx.msk [tilespmem:v0+s3+$0x0], $0xffff  }
0x431: {  	v5 =	vor.u32 s28, v12;
	v1 =	vld.idx.msk [tilespmem:v1+s3+$0x0], $0xffff;
	_ =	sdelay $0x1  }
0x432: {  	v6 =	vor.u32 s28, v13;
	v2 =	vld.idx.msk [tilespmem:v2+s3+$0x0], $0xffff  }
0x433: {  	v3 =	vld.idx.msk [tilespmem:v3+s3+$0x0], $0xffff  }
0x434: {  	[tilespmem:v4+s18+$0x0] =	vst.idx.msk $0xffff, v0;
	v0 =	vld [tilespmem:$0x1FF40]  }
0x435: {  	[tilespmem:v5+s18+$0x0] =	vst.idx.msk $0xffff, v1;
	v1 =	vld [tilespmem:$0x1FF10];
	_ =	sdelay $0x1  }
0x436: {  	v7 =	vor.u32 s28, v14;
	[tilespmem:v6+s18+$0x0] =	vst.idx.msk $0xffff, v2;
	v2 =	vld [tilespmem:$0x1FF80]  }
0x437: {  	v8 =	vor.u32 v15, v30;
	v4 =	vld [tilespmem:$0x1FFA0]  }
0x438: {  	v5 =	vld [tilespmem:$0x1FFB0];
	v0 =	vor.u32 v0, v30  }
0x439: {  	v6 =	vld [tilespmem:$0x1FAA0];
	v1 =	vor.u32 v1, v30;
	_ =	sdelay $0x1  }
0x43a: {  	[tilespmem:v7+s18+$0x0] =	vst.idx.msk $0xffff, v3;
	v7 =	vld [tilespmem:$0x1FF50];
	v2 =	vor.u32 v2, v30  }
0x43b: {  	v3 =	vld.idx.msk [tilespmem:v8+s3+$0x0], $0xffff;
	v4 =	vor.u32 s28, v4  }
0x43c: {  	v5 =	vor.u32 s28, v5;
	v0 =	vld.idx.msk [tilespmem:v0+s3+$0x0], $0xffff  }
0x43d: {  	v6 =	vor.u32 s28, v6;
	v1 =	vld.idx.msk [tilespmem:v1+s3+$0x0], $0xffff  }
0x43e: {  	v8 =	vld [tilespmem:$0x1FF70]  }
0x43f: {  	v2 =	vld.idx.msk [tilespmem:v2+s3+$0x0], $0xffff  }
0x440: {  	[tilespmem:v4+s18+$0x0] =	vst.idx.msk $0xffff, v3;
	v3 =	vld [tilespmem:$0x1FF90]  }
0x441: {  	[tilespmem:v5+s18+$0x0] =	vst.idx.msk $0xffff, v0;
	v0 =	vld [tilespmem:$0x1FBA0]  }
0x442: {  	v7 =	vor.u32 s28, v7;
	[tilespmem:v6+s18+$0x0] =	vst.idx.msk $0xffff, v1;
	v1 =	vld [tilespmem:$0x1FF20]  }
0x443: {  	v8 =	vor.u32 v8, v30;
	v4 =	vld [tilespmem:$0x1FF30];
	_ =	sdelay $0x1  }
0x444: {  	v5 =	vld [tilespmem:$0x1FF60];
	v3 =	vor.u32 v3, v30  }
0x445: {  	v6 =	vld [tilespmem:$0x1FFC0];
	v0 =	vor.u32 v0, v30  }
0x446: {  	[tilespmem:v7+s18+$0x0] =	vst.idx.msk $0xffff, v2;
	v7 =	vld [tilespmem:$0x1FFE0];
	v1 =	vor.u32 v1, v30  }
0x447: {  	v4 =	vor.u32 s28, v4;
	v2 =	vld.idx.msk [tilespmem:v8+s3+$0x0], $0xffff  }
0x448: {  	v8 =	vld [tilespmem:$0x1FB80]  }
0x449: {  	v5 =	vor.u32 s28, v5;
	v3 =	vld.idx.msk [tilespmem:v3+s3+$0x0], $0xffff  }
0x44a: {  	v6 =	vor.u32 s28, v6;
	v0 =	vld.idx.msk [tilespmem:v0+s3+$0x0], $0xffff  }
0x44b: {  	v1 =	vld.idx.msk [tilespmem:v1+s3+$0x0], $0xffff  }
0x44c: {  	[tilespmem:v4+s18+$0x0] =	vst.idx.msk $0xffff, v2;
	v2 =	vld [tilespmem:$0x1FFD0];
	_ =	sdelay $0x1  }
0x44d: {  	[tilespmem:v5+s18+$0x0] =	vst.idx.msk $0xffff, v3;
	v3 =	vld [tilespmem:$0x1FE70]  }
0x44e: {  	v7 =	vor.u32 s28, v7;
	[tilespmem:v6+s18+$0x0] =	vst.idx.msk $0xffff, v0;
	v0 =	vld [tilespmem:$0x1FED0]  }
0x44f: {  	v8 =	vor.u32 v8, v30;
	v4 =	vld [tilespmem:$0x1F870]  }
0x450: {  	v5 =	vld [tilespmem:$0x1F880];
	v2 =	vor.u32 v2, v30;
	_ =	sdelay $0x1  }
0x451: {  	v6 =	vld [tilespmem:$0x1F890];
	v3 =	vor.u32 v3, v30  }
0x452: {  	[tilespmem:v7+s18+$0x0] =	vst.idx.msk $0xffff, v1;
	v7 =	vld [tilespmem:$0x1FEB0];
	v0 =	vor.u32 v0, v30  }
0x453: {  	v4 =	vor.u32 s28, v4;
	v1 =	vld.idx.msk [tilespmem:v8+s3+$0x0], $0xffff  }
0x454: {  	v5 =	vor.u32 s28, v5;
	v2 =	vld.idx.msk [tilespmem:v2+s3+$0x0], $0xffff  }
0x455: {  	v8 =	vld [tilespmem:$0x1FEC0]  }
0x456: {  	v6 =	vor.u32 s28, v6;
	v3 =	vld.idx.msk [tilespmem:v3+s3+$0x0], $0xffff  }
0x457: {  	v0 =	vld.idx.msk [tilespmem:v0+s3+$0x0], $0xffff  }
0x458: {  	[tilespmem:v4+s18+$0x0] =	vst.idx.msk $0xffff, v1;
	v1 =	vld [tilespmem:$0x1FF00]  }
0x459: {  	[tilespmem:v5+s18+$0x0] =	vst.idx.msk $0xffff, v2;
	v2 =	vld [tilespmem:$0x1FEF0];
	_ =	sdelay $0x1  }
0x45a: {  	v7 =	vor.u32 s28, v7;
	[tilespmem:v6+s18+$0x0] =	vst.idx.msk $0xffff, v3;
	v3 =	vld [tilespmem:$0x1F4A0]  }
0x45b: {  	v8 =	vor.u32 v8, v30;
	v4 =	vld [tilespmem:$0x1F4B0]  }
0x45c: {  	v1 =	vor.u32 v1, v30  }
0x45d: {  	v2 =	vor.u32 v2, v30;
	_ =	sdelay $0x1  }
0x45e: {  	[tilespmem:v7+s18+$0x0] =	vst.idx.msk $0xffff, v0;
	v3 =	vor.u32 v3, v30  }
0x45f: {  	v4 =	vor.u32 s28, v4;
	v0 =	vld.idx.msk [tilespmem:v8+s3+$0x0], $0xffff  }
0x460: {  	v5 =	vor.u32 s28, v40;
	v1 =	vld.idx.msk [tilespmem:v1+s3+$0x0], $0xffff  }
0x461: {  	v6 =	vor.u32 s28, v16;
	v2 =	vld.idx.msk [tilespmem:v2+s3+$0x0], $0xffff  }
0x462: {  	v8 =	vld [tilespmem:$0x1F4C0]  }
0x463: {  	v3 =	vld.idx.msk [tilespmem:v3+s3+$0x0], $0xffff  }
0x464: {  	[tilespmem:v4+s18+$0x0] =	vst.idx.msk $0xffff, v0;
	v0 =	vld [tilespmem:$0x1F4D0]  }
0x465: {  	[tilespmem:v5+s18+$0x0] =	vst.idx.msk $0xffff, v1;
	v1 =	vld [tilespmem:$0x1F4E0]  }
0x466: {  	v7 =	vor.u32 s28, v48;
	[tilespmem:v6+s18+$0x0] =	vst.idx.msk $0xffff, v2;
	v2 =	vld [tilespmem:$0x1F4F0]  }
0x467: {  	v8 =	vor.u32 v8, v30;
	_ =	sdelay $0x1  }
0x468: {  	v0 =	vor.u32 v0, v30  }
0x469: {  	v1 =	vor.u32 v1, v30  }
0x46a: {  	[tilespmem:v7+s18+$0x0] =	vst.idx.msk $0xffff, v3;
	v2 =	vor.u32 v2, v30  }
0x46b: {  	v4 =	vor.u32 s28, v22;
	v3 =	vld.idx.msk [tilespmem:v8+s3+$0x0], $0xffff  }
0x46c: {  	v8 =	vld [tilespmem:$0x1F500]  }
0x46d: {  	v5 =	vor.u32 s28, v27;
	v0 =	vld.idx.msk [tilespmem:v0+s3+$0x0], $0xffff  }
0x46e: {  	v6 =	vor.u32 s28, v18;
	v1 =	vld.idx.msk [tilespmem:v1+s3+$0x0], $0xffff  }
0x46f: {  	v2 =	vld.idx.msk [tilespmem:v2+s3+$0x0], $0xffff  }
0x470: {  	[tilespmem:v4+s18+$0x0] =	vst.idx.msk $0xffff, v3;
	v3 =	vld [tilespmem:$0x1F510];
	_ =	sdelay $0x1  }
0x471: {  	[tilespmem:v5+s18+$0x0] =	vst.idx.msk $0xffff, v0;
	v0 =	vld [tilespmem:$0x1F520]  }
0x472: {  	v7 =	vor.u32 s28, v23;
	[tilespmem:v6+s18+$0x0] =	vst.idx.msk $0xffff, v1;
	v1 =	vld [tilespmem:$0x1F530]  }
0x473: {  	v8 =	vor.u32 v8, v30  }
0x474: {  	v3 =	vor.u32 v3, v30;
	_ =	sdelay $0x1  }
0x475: {  	v0 =	vor.u32 v0, v30  }
0x476: {  	[tilespmem:v7+s18+$0x0] =	vst.idx.msk $0xffff, v2;
	v1 =	vor.u32 v1, v30  }
0x477: {  	v4 =	vor.u32 s28, v49;
	v2 =	vld.idx.msk [tilespmem:v8+s3+$0x0], $0xffff  }
0x478: {  	v5 =	vor.u32 s28, v50;
	v3 =	vld.idx.msk [tilespmem:v3+s3+$0x0], $0xffff  }
0x479: {  	v8 =	vld [tilespmem:$0x1F540]  }
0x47a: {  	v6 =	vor.u32 s28, v19;
	v0 =	vld.idx.msk [tilespmem:v0+s3+$0x0], $0xffff  }
0x47b: {  	v1 =	vld.idx.msk [tilespmem:v1+s3+$0x0], $0xffff  }
0x47c: {  	[tilespmem:v4+s18+$0x0] =	vst.idx.msk $0xffff, v2;
	v2 =	vld [tilespmem:$0x1F550]  }
0x47d: {  	[tilespmem:v5+s18+$0x0] =	vst.idx.msk $0xffff, v3;
	v3 =	vld [tilespmem:$0x1F560];
	_ =	sdelay $0x1  }
0x47e: {  	v7 =	vor.u32 s28, v24;
	[tilespmem:v6+s18+$0x0] =	vst.idx.msk $0xffff, v0;
	v0 =	vld [tilespmem:$0x1F570]  }
0x47f: {  	v8 =	vor.u32 v8, v30  }
0x480: {  	v2 =	vor.u32 v2, v30  }
0x481: {  	v3 =	vor.u32 v3, v30;
	_ =	sdelay $0x1  }
0x482: {  	[tilespmem:v7+s18+$0x0] =	vst.idx.msk $0xffff, v1;
	v7 =	vld [tilespmem:$0x1F580];
	v0 =	vor.u32 v0, v30  }
0x483: {  	v4 =	vor.u32 s28, v51;
	v1 =	vld.idx.msk [tilespmem:v8+s3+$0x0], $0xffff  }
0x484: {  	v5 =	vor.u32 s28, v20;
	v2 =	vld.idx.msk [tilespmem:v2+s3+$0x0], $0xffff  }
0x485: {  	v6 =	vor.u32 s28, v21;
	v3 =	vld.idx.msk [tilespmem:v3+s3+$0x0], $0xffff  }
0x486: {  	v8 =	vld [tilespmem:$0x1F590]  }
0x487: {  	v0 =	vld.idx.msk [tilespmem:v0+s3+$0x0], $0xffff  }
0x488: {  	[tilespmem:v4+s18+$0x0] =	vst.idx.msk $0xffff, v1;
	v1 =	vld [tilespmem:$0x1F5A0]  }
0x489: {  	[tilespmem:v5+s18+$0x0] =	vst.idx.msk $0xffff, v2;
	v2 =	vld [tilespmem:$0x1F5B0]  }
0x48a: {  	v7 =	vor.u32 s28, v7;
	[tilespmem:v6+s18+$0x0] =	vst.idx.msk $0xffff, v3;
	v3 =	vld [tilespmem:$0x1F5C0]  }
0x48b: {  	v8 =	vor.u32 v8, v30;
	v4 =	vld [tilespmem:$0x1F5D0];
	_ =	sdelay $0x1  }
0x48c: {  	v1 =	vor.u32 v1, v30  }
0x48d: {  	v2 =	vor.u32 v2, v30  }
0x48e: {  	[tilespmem:v7+s18+$0x0] =	vst.idx.msk $0xffff, v0;
	v3 =	vor.u32 v3, v30  }
0x48f: {  	v4 =	vor.u32 s28, v4;
	v0 =	vld.idx.msk [tilespmem:v8+s3+$0x0], $0xffff  }
0x490: {  	v8 =	vld [tilespmem:$0x1F5E0]  }
0x491: {  	v5 =	vor.u32 s28, v55;
	v1 =	vld.idx.msk [tilespmem:v1+s3+$0x0], $0xffff  }
0x492: {  	v6 =	vor.u32 s28, v41;
	v2 =	vld.idx.msk [tilespmem:v2+s3+$0x0], $0xffff  }
0x493: {  	v3 =	vld.idx.msk [tilespmem:v3+s3+$0x0], $0xffff  }
0x494: {  	[tilespmem:v4+s18+$0x0] =	vst.idx.msk $0xffff, v0;
	v0 =	vld [tilespmem:$0x1F5F0];
	_ =	sdelay $0x1  }
0x495: {  	[tilespmem:v5+s18+$0x0] =	vst.idx.msk $0xffff, v1;
	v1 =	vld [tilespmem:$0x1F600]  }
0x496: {  	v7 =	vor.u32 s28, v52;
	[tilespmem:v6+s18+$0x0] =	vst.idx.msk $0xffff, v2;
	v2 =	vld [tilespmem:$0x1F610]  }
0x497: {  	v8 =	vor.u32 v8, v30  }
0x498: {  	v0 =	vor.u32 v0, v30;
	_ =	sdelay $0x1  }
0x499: {  	v1 =	vor.u32 v1, v30  }
0x49a: {  	[tilespmem:v7+s18+$0x0] =	vst.idx.msk $0xffff, v3;
	v2 =	vor.u32 v2, v30  }
0x49b: {  	v4 =	vor.u32 s28, v53;
	v3 =	vld.idx.msk [tilespmem:v8+s3+$0x0], $0xffff  }
0x49c: {  	v5 =	vor.u32 s28, v54;
	v0 =	vld.idx.msk [tilespmem:v0+s3+$0x0], $0xffff  }
0x49d: {  	v8 =	vld [tilespmem:$0x1F620]  }
0x49e: {  	v6 =	vor.u32 s28, v25;
	v1 =	vld.idx.msk [tilespmem:v1+s3+$0x0], $0xffff  }
0x49f: {  	v2 =	vld.idx.msk [tilespmem:v2+s3+$0x0], $0xffff  }
0x4a0: {  	[tilespmem:v4+s18+$0x0] =	vst.idx.msk $0xffff, v3;
	v3 =	vld [tilespmem:$0x1F630]  }
0x4a1: {  	[tilespmem:v5+s18+$0x0] =	vst.idx.msk $0xffff, v0;
	v0 =	vld [tilespmem:$0x1F640];
	_ =	sdelay $0x1  }
0x4a2: {  	v7 =	vor.u32 s28, v42;
	[tilespmem:v6+s18+$0x0] =	vst.idx.msk $0xffff, v1;
	v1 =	vld [tilespmem:$0x1F650]  }
0x4a3: {  	v8 =	vor.u32 v8, v30  }
0x4a4: {  	v3 =	vor.u32 v3, v30  }
0x4a5: {  	v0 =	vor.u32 v0, v30;
	_ =	sdelay $0x1  }
0x4a6: {  	[tilespmem:v7+s18+$0x0] =	vst.idx.msk $0xffff, v2;
	v1 =	vor.u32 v1, v30  }
0x4a7: {  	v4 =	vor.u32 s28, v56;
	v2 =	vld.idx.msk [tilespmem:v8+s3+$0x0], $0xffff  }
0x4a8: {  	v5 =	vor.u32 s28, v57;
	v3 =	vld.idx.msk [tilespmem:v3+s3+$0x0], $0xffff  }
0x4a9: {  	v6 =	vor.u32 s28, v31;
	v0 =	vld.idx.msk [tilespmem:v0+s3+$0x0], $0xffff  }
0x4aa: {  	v8 =	vld [tilespmem:$0x1F660]  }
0x4ab: {  	v1 =	vld.idx.msk [tilespmem:v1+s3+$0x0], $0xffff  }
0x4ac: {  	[tilespmem:v4+s18+$0x0] =	vst.idx.msk $0xffff, v2;
	v2 =	vld [tilespmem:$0x1F670]  }
0x4ad: {  	[tilespmem:v5+s18+$0x0] =	vst.idx.msk $0xffff, v3;
	v3 =	vld [tilespmem:$0x1F680]  }
0x4ae: {  	v7 =	vor.u32 s28, v32;
	[tilespmem:v6+s18+$0x0] =	vst.idx.msk $0xffff, v0;
	v0 =	vld [tilespmem:$0x1F690]  }
0x4af: {  	v8 =	vor.u32 v8, v30;
	_ =	sdelay $0x1  }
0x4b0: {  	v2 =	vor.u32 v2, v30  }
0x4b1: {  	v3 =	vor.u32 v3, v30  }
0x4b2: {  	[tilespmem:v7+s18+$0x0] =	vst.idx.msk $0xffff, v1;
	v7 =	vld [tilespmem:$0x1F6A0];
	v0 =	vor.u32 v0, v30  }
0x4b3: {  	v4 =	vor.u32 s28, v33;
	v1 =	vld.idx.msk [tilespmem:v8+s3+$0x0], $0xffff  }
0x4b4: {  	v8 =	vld [tilespmem:$0x1F6B0]  }
0x4b5: {  	v5 =	vor.u32 s28, v34;
	v2 =	vld.idx.msk [tilespmem:v2+s3+$0x0], $0xffff  }
0x4b6: {  	v6 =	vor.u32 s28, v35;
	v3 =	vld.idx.msk [tilespmem:v3+s3+$0x0], $0xffff  }
0x4b7: {  	v0 =	vld.idx.msk [tilespmem:v0+s3+$0x0], $0xffff  }
0x4b8: {  	[tilespmem:v4+s18+$0x0] =	vst.idx.msk $0xffff, v1;
	v1 =	vld [tilespmem:$0x1F6C0];
	_ =	sdelay $0x1  }
0x4b9: {  	[tilespmem:v5+s18+$0x0] =	vst.idx.msk $0xffff, v2;
	v2 =	vld [tilespmem:$0x1F6D0]  }
0x4ba: {  	v7 =	vor.u32 s28, v7;
	[tilespmem:v6+s18+$0x0] =	vst.idx.msk $0xffff, v3;
	v3 =	vld [tilespmem:$0x1F6E0]  }
0x4bb: {  	v8 =	vor.u32 v8, v30;
	v4 =	vld [tilespmem:$0x1F6F0]  }
0x4bc: {  	v1 =	vor.u32 v1, v30;
	_ =	sdelay $0x1  }
0x4bd: {  	v2 =	vor.u32 v2, v30  }
0x4be: {  	[tilespmem:v7+s18+$0x0] =	vst.idx.msk $0xffff, v0;
	v3 =	vor.u32 v3, v30  }
0x4bf: {  	v4 =	vor.u32 s28, v4;
	v0 =	vld.idx.msk [tilespmem:v8+s3+$0x0], $0xffff  }
0x4c0: {  	v5 =	vor.u32 s28, v36;
	v1 =	vld.idx.msk [tilespmem:v1+s3+$0x0], $0xffff  }
0x4c1: {  	v8 =	vld [tilespmem:$0x1F700]  }
0x4c2: {  	v6 =	vor.u32 s28, v37;
	v2 =	vld.idx.msk [tilespmem:v2+s3+$0x0], $0xffff  }
0x4c3: {  	v3 =	vld.idx.msk [tilespmem:v3+s3+$0x0], $0xffff  }
0x4c4: {  	[tilespmem:v4+s18+$0x0] =	vst.idx.msk $0xffff, v0;
	v0 =	vld [tilespmem:$0x1F710]  }
0x4c5: {  	[tilespmem:v5+s18+$0x0] =	vst.idx.msk $0xffff, v1;
	v1 =	vld [tilespmem:$0x1F720];
	_ =	sdelay $0x1  }
0x4c6: {  	v7 =	vor.u32 s28, v17;
	[tilespmem:v6+s18+$0x0] =	vst.idx.msk $0xffff, v2;
	v2 =	vld [tilespmem:$0x1F730]  }
0x4c7: {  	v8 =	vor.u32 v8, v30  }
0x4c8: {  	v0 =	vor.u32 v0, v30  }
0x4c9: {  	v1 =	vor.u32 v1, v30;
	_ =	sdelay $0x1  }
0x4ca: {  	[tilespmem:v7+s18+$0x0] =	vst.idx.msk $0xffff, v3;
	v2 =	vor.u32 v2, v30  }
0x4cb: {  	v4 =	vor.u32 s28, v38;
	v3 =	vld.idx.msk [tilespmem:v8+s3+$0x0], $0xffff  }
0x4cc: {  	v5 =	vor.u32 s28, v47;
	v0 =	vld.idx.msk [tilespmem:v0+s3+$0x0], $0xffff  }
0x4cd: {  	v6 =	vor.u32 s28, v60;
	v1 =	vld.idx.msk [tilespmem:v1+s3+$0x0], $0xffff  }
0x4ce: {  	v8 =	vld [tilespmem:$0x1F780]  }
0x4cf: {  	v2 =	vld.idx.msk [tilespmem:v2+s3+$0x0], $0xffff  }
0x4d0: {  	[tilespmem:v4+s18+$0x0] =	vst.idx.msk $0xffff, v3;
	v3 =	vld [tilespmem:$0x1F7B0]  }
0x4d1: {  	[tilespmem:v5+s18+$0x0] =	vst.idx.msk $0xffff, v0;
	v0 =	vld [tilespmem:$0x1F7C0]  }
0x4d2: {  	[tilespmem:v6+s18+$0x0] =	vst.idx.msk $0xffff, v1;
	v1 =	vld [tilespmem:$0x1F7D0]  }
0x4d3: {  	v7 =	vor.u32 s28, v39  }
0x4d4: {  	v8 =	vor.u32 v8, v30  }
0x4d5: {  	v3 =	vor.u32 v3, v30  }
0x4d6: {  	v0 =	vor.u32 v0, v30  }
0x4d7: {  	v1 =	vor.u32 v1, v30  }
0x4d8: {  	[tilespmem:v7+s18+$0x0] =	vst.idx.msk $0xffff, v2  }
0x4d9: {  	v4 =	vor.u32 s28, v43;
	v2 =	vld.idx.msk [tilespmem:v8+s3+$0x0], $0xffff  }
0x4da: {  	v5 =	vor.u32 s28, v44;
	v3 =	vld.idx.msk [tilespmem:v3+s3+$0x0], $0xffff  }
0x4db: {  	v6 =	vor.u32 s28, v45;
	v0 =	vld.idx.msk [tilespmem:v0+s3+$0x0], $0xffff  }
0x4dc: {  	v7 =	vor.u32 s28, v26;
	v1 =	vld.idx.msk [tilespmem:v1+s3+$0x0], $0xffff  }
0x4dd: {  	v8 =	vor.u32 v62, v30  }
0x4de: {  	[tilespmem:v4+s18+$0x0] =	vst.idx.msk $0xffff, v2;
	v2 =	vor.u32 v61, v30  }
0x4df: {  	[tilespmem:v5+s18+$0x0] =	vst.idx.msk $0xffff, v3;
	v3 =	vor.u32 v63, v30  }
0x4e0: {  	[tilespmem:v6+s18+$0x0] =	vst.idx.msk $0xffff, v0  }
0x4e1: {  	[tilespmem:v7+s18+$0x0] =	vst.idx.msk $0xffff, v1  }
0x4e2: {  	v4 =	vor.u32 s28, v46;
	v0 =	vor.u32 v28, v30;
	v1 =	vld.idx.msk [tilespmem:v8+s3+$0x0], $0xffff  }
0x4e3: {  	v5 =	vor.u32 s28, v58;
	v2 =	vld.idx.msk [tilespmem:v2+s3+$0x0], $0xffff  }
0x4e4: {  	p0 =	sne.s32 s26, $0x70;
	v6 =	vor.u32 s28, v59;
	v3 =	vld.idx.msk [tilespmem:v3+s3+$0x0], $0xffff  }
.Ltmp1:
0x4e5: {  	_ = 	snop;
	(pc) =	sbr.rel @p0 .LBB2_5-.Ltmp1, $4  }
0x4e6: {  	_ = 	snop  }
0x4e7: {  	v30 =	vld.idx.msk [tilespmem:v0+s3+$0x0], $0xffff;
	[tilespmem:v4+s18+$0x0] =	vst.idx.msk $0xffff, v1  }
0x4e8: {  	[tilespmem:v5+s18+$0x0] =	vst.idx.msk $0xffff, v2  }
0x4e9: {  	s26 =	sadd.s32 $0x10, s26;
	v0 =	vor.u32 s28, v29;
	[tilespmem:v6+s18+$0x0] =	vst.idx.msk $0xffff, v3  }
0x4ea: {  	v59 =	vld [tilespmem:$0x1FF40]  }
0x4eb: {  	v46 =	vld [tilespmem:$0x1FF10]  }
0x4ec: {  	v61 =	vld [tilespmem:$0x1FF80]  }
0x4ed: {  	v23 =	vld [tilespmem:$0x1FFA0]  }
0x4ee: {  	v63 =	vld [tilespmem:$0x1FFB0]  }
0x4ef: {  	v8 =	vld [tilespmem:$0x1FAA0]  }
0x4f0: {  	v44 =	vld [tilespmem:$0x1FF50]  }
0x4f1: {  	v52 =	vld [tilespmem:$0x1FF70]  }
0x4f2: {  	v56 =	vld [tilespmem:$0x1FF90]  }
0x4f3: {  	v21 =	vld [tilespmem:$0x1FBA0]  }
0x4f4: {  	v53 =	vld [tilespmem:$0x1FF20]  }
0x4f5: {  	v43 =	vld [tilespmem:$0x1FF30]  }
0x4f6: {  	v54 =	vld [tilespmem:$0x1FF60]  }
0x4f7: {  	v58 =	vld [tilespmem:$0x1FFC0]  }
0x4f8: {  	v18 =	vld [tilespmem:$0x1FB80]  }
0x4f9: {  	v20 =	vld [tilespmem:$0x1FFE0]  }
0x4fa: {  	v22 =	vld [tilespmem:$0x1FFD0]  }
0x4fb: {  	s22 =	sadd.s32 $0x1, s22;
	v7 =	vld [tilespmem:$0x1FE70]  }
0x4fc: {  	v2 =	vld [tilespmem:$0x1FEE0];
	p0 =	sne.s32 s22, $0x20  }
.Ltmp2:
0x4fd: {  	v1 =	vld [tilespmem:$0x1FED0];
	(pc) =	sbr.rel @p0 .LBB2_2-.Ltmp2, $4  }
0x4fe: {  	s23 =	sadd.s32 @!p1 $0x30, s23;
	s25 =	simm.s32 @!p1 $0x0;
	s26 =	simm.s32 @!p1 $0x10080;
	v3 =	vld [tilespmem:$0x1FEB0];
	[tilespmem:v0+s18+$0x0] =	vst.idx.msk $0xffff, v30  }
0x4ff: {  	v4 =	vld [tilespmem:$0x1FEC0];
	[tilespmem:s26], [sflag:$0x2] =	stream.linear.gather @!p1 [hbm4b:s23+s25], $0x80, $0x38  }
0x500: {  	s31 =	sadd.s32 s7, s24;
	v5 =	vld [tilespmem:$0x1FF00]  }
0x501: {  	v45 =	vmovc v50;
	v39 =	vmovc v51;
	v41 =	vmov v55;
	v15 =	vmov v47;
	v62 =	vlaneseq.u32;
	v6 =	vld [tilespmem:$0x1FEF0];
	[hbm4b:s31+s15] =	stream.strided.scatter [tilespmem:s18], [sflag:$0x4], $0x2000, s16, s15, $0x38  }
0x502: {  	s21 =	sadd.s32 $0x1, s21  }
0x503: {  	_ =	swait.ge [sflag:s19], $0x2000;
	p0 =	sne.s32 s21, s9  }
.Ltmp3:
0x504: {  	[sflag:s19] =	ssyncset.done $0x0;
	(pc) =	sbr.rel @p0 .LBB2_1-.Ltmp3, $4  }
0x505: {  	[sflag:s19] =	ssyncadd.s32 $0xFFFFE000  }
0x506: {  	_ =	swait.ge [sflag:s20], $0x2000  }
0x507: {  	[sflag:s20] =	ssyncset.done $0x0  }
0x508: {  	[sflag:s20] =	ssyncadd.s32 $0xFFFFE000  }
0x509: {  	_ =	sfence.sel $0x180000  }
0x50a: {  	[bflag:$0x0] =	sbarrier.arrive $0xFFFF  }
0x50b: {  	p0 =	sne.s32 s2, $0x0;
	_ =	strace $0x90000047  }
0x50c: {  	s0 =	sadd.s32 @!p0 $0x100000, s1;
	[bflag:$0x2] =	sbarrier.arrive $0xFFFF  }
0x50d: {  	[sflag:s0] =	ssyncadd.tile.s32 @!p0 $0x1;
	_ =	shalt  }
.Lfunc_end2:
_tile_overlayer_lowered:
.L_overlay_start_2:
0x50e: {  	(tag) =	ssettag $0x2  }
0x50f: {  	s0 =	rddreg [dreg:$0x0];
	s2 =	stileid.u32  }
0x510: {  	s1 =	rddreg [dreg:$0x1];
	p0 =	sne.s32 s2, $0x0  }
0x511: {  	s3 =	rddreg [dreg:$0x2];
	[bflag:$0x3] =	sbarrier.arrive $0xFFFF;
	s2 =	simm.s32 @!p0 $0x1C05  }
0x512: {  	[timem:s3], [sflag:s2] =	dma.local @!p0 [hbm:s0], s1  }
0x513: {  	s0 =	simm.s32 @!p0 $0x5  }
0x514: {  	_ =	swait.ge @!p0 [sflag:s0], s1  }
0x515: {  	s1 =	ssub.s32 @!p0 $0x0, s1;
	[sflag:s0] =	ssyncset.done @!p0 $0x0  }
0x516: {  	[sflag:s0] =	ssyncadd.s32 @!p0 s1  }
0x517: {  	[bflag:$0x3] =	sbarrier.arrive $0xFFFF  }
0x518: {  	_ =	shalt  }

</sc_bundles>
